<compile_context>
chip_gen: v7x
topology: tpu7x:2x2x1
jax: 0.10.2.dev20260603
libtpu: 0.0.44.dev20260713+nightly
codegen_flags: <defaults>
</compile_context>

<pallas_src>
import functools

import jax
import jax.numpy as jnp
from jax import lax
from jax.experimental import pallas as pl
from jax.experimental.pallas import tpu as pltpu
from jax.experimental.pallas import tpu_sc as plsc

NC = 2
NS = 16
LANES = 16
CH = 128
SUP = 4


def _mesh():
    return plsc.VectorSubcoreMesh(
        core_axis_name="c", subcore_axis_name="s", num_cores=NC, num_subcores=NS
    )


def _p1_linear(x, W, b):
    N, C = x.shape
    BLK = 2000

    def body(x_ref, w_ref, b_ref, h_ref):
        h_ref[...] = jnp.dot(x_ref[...], w_ref[...],
                             preferred_element_type=jnp.float32) + b_ref[...]

    return pl.pallas_call(
        body,
        grid=(N // BLK,),
        in_specs=[
            pl.BlockSpec((BLK, C), lambda i: (i, 0)),
            pl.BlockSpec((C, C), lambda i: (0, 0)),
            pl.BlockSpec((1, C), lambda i: (0, 0)),
        ],
        out_specs=pl.BlockSpec((BLK, C), lambda i: (i, 0)),
        out_shape=jax.ShapeDtypeStruct((N, C), jnp.float32),
    )(x, W, b)


def _padd(p0, p1, n_out, out_dtype=jnp.float32):
    rows, C = p0.shape
    BLK = next(b for b in (2528, 2000, 1264, 1000, 632, 200, 8)
               if n_out % b == 0)

    def body(a_ref, b_ref, o_ref):
        o_ref[...] = (a_ref[...] + b_ref[...]).astype(out_dtype)

    return pl.pallas_call(
        body,
        grid=(n_out // BLK,),
        in_specs=[
            pl.BlockSpec((BLK, C), lambda i: (i, 0)),
            pl.BlockSpec((BLK, C), lambda i: (i, 0)),
        ],
        out_specs=pl.BlockSpec((BLK, C), lambda i: (i, 0)),
        out_shape=jax.ShapeDtypeStruct((n_out, C), out_dtype),
    )(p0, p1)


def _p2_scatter(h, src3, dst3, zrows, n_sup, n_acc, rows_t, k0, k1, e_pad):
    N, C = h.shape

    @functools.partial(
        pl.kernel,
        out_type=[
            jax.ShapeDtypeStruct((n_acc, C), jnp.float32),
            jax.ShapeDtypeStruct((n_acc, C), jnp.float32),
            jax.ShapeDtypeStruct((e_pad, C), jnp.float32),
        ],
        mesh=_mesh(),
        scratch_types=[
            pltpu.VMEM((SUP, CH), jnp.int32),
            pltpu.VMEM((SUP, CH), jnp.int32),
            pltpu.VMEM((CH, C), jnp.float32),
            pltpu.VMEM((CH, C), jnp.float32),
            pltpu.VMEM_SHARED((n_acc, C), jnp.float32),
            pltpu.SemaphoreType.DMA,
            pltpu.SemaphoreType.DMA,
            pltpu.SemaphoreType.DMA,
            pltpu.SemaphoreType.DMA,
            pltpu.SemaphoreType.DMA,
            pltpu.SemaphoreType.DMA,
        ],
    )
    def k(h_hbm, src_hbm, dst_hbm, z_hbm, p0_hbm, p1_hbm, hs_hbm,
          sidx, didx, rows0, rows1, acc, semg0, semg1, semw0, semw1,
          semh0, semh1):
        rowsv = (rows0, rows1)
        semgv = (semg0, semg1)
        semwv = (semw0, semw1)
        semhv = (semh0, semh1)
        c = lax.axis_index("c")
        s = lax.axis_index("s")
        dummy = h_hbm.at[pl.ds(0, CH)]
        pltpu.sync_copy(z_hbm, acc.at[pl.ds(s * rows_t, rows_t)])
        plsc.subcore_barrier()
        n_mine = jnp.where(c == 0, k0, k1)
        start = jnp.where(c == 0, s * k0, NS * k0 + s * k1)

        def sup_body(g, _):
            gsc = start + g
            pltpu.sync_copy(src_hbm.at[gsc], sidx)
            pltpu.sync_copy(dst_hbm.at[gsc], didx)

            @pl.when(g > 0)
            def _():
                for b in range(2):
                    pltpu.make_async_copy(dummy, rowsv[b], semwv[b]).wait()
                    pltpu.make_async_copy(dummy, rowsv[b], semhv[b]).wait()

            for b in range(2):
                pltpu.async_copy(h_hbm.at[sidx.at[b]], rowsv[b], semgv[b])
            for j in range(SUP):
                b = j % 2
                if j >= 2:
                    pltpu.make_async_copy(dummy, rowsv[b], semwv[b]).wait()
                    pltpu.make_async_copy(dummy, rowsv[b], semhv[b]).wait()
                    pltpu.async_copy(h_hbm.at[sidx.at[j]], rowsv[b],
                                     semgv[b])
                pltpu.make_async_copy(dummy, rowsv[b], semgv[b]).wait()
                pltpu.async_copy(rowsv[b], acc.at[didx.at[j]], semwv[b],
                                 add=True)
                off = (gsc * SUP + j) * CH
                pltpu.async_copy(rowsv[b], hs_hbm.at[pl.ds(off, CH)],
                                 semhv[b])
            return 0

        lax.fori_loop(0, n_mine, sup_body, 0)
        for b in range(2):
            pltpu.make_async_copy(dummy, rowsv[b], semwv[b]).wait()
            pltpu.make_async_copy(dummy, rowsv[b], semhv[b]).wait()
        plsc.subcore_barrier()

        @pl.when(c == 0)
        def _():
            pltpu.sync_copy(acc.at[pl.ds(s * rows_t, rows_t)],
                            p0_hbm.at[pl.ds(s * rows_t, rows_t)])

        @pl.when(c == 1)
        def _():
            pltpu.sync_copy(acc.at[pl.ds(s * rows_t, rows_t)],
                            p1_hbm.at[pl.ds(s * rows_t, rows_t)])

    return k(h, src3, dst3, zrows)


def _p3_gather(emb, src3, dst3, n_sup, e_pad, rows_t):
    N, C = emb.shape
    dt = emb.dtype

    @functools.partial(
        pl.kernel,
        out_type=[
            jax.ShapeDtypeStruct((e_pad, C), dt),
            jax.ShapeDtypeStruct((e_pad, C), dt),
        ],
        mesh=_mesh(),
        scratch_types=[
            pltpu.VMEM((SUP, CH), jnp.int32),
            pltpu.VMEM((SUP, CH), jnp.int32),
            pltpu.VMEM((CH, C), dt),
            pltpu.VMEM((CH, C), dt),
            pltpu.VMEM_SHARED((NS * rows_t, C), jnp.float32),
            pltpu.SemaphoreType.DMA,
            pltpu.SemaphoreType.DMA,
        ],
    )
    def k(e_hbm, src_hbm, dst_hbm, f1_hbm, f2_hbm,
          sidx, didx, rows1, rows2, etab, semg, semg2):
        c = lax.axis_index("c")
        s = lax.axis_index("s")
        pltpu.sync_copy(e_hbm.at[pl.ds(s * rows_t, rows_t)],
                        etab.at[pl.ds(s * rows_t, rows_t)])
        plsc.subcore_barrier()

        def sup_body(g, _):
            gsc = (c * NS + s) * n_sup + g
            pltpu.sync_copy(src_hbm.at[gsc], sidx)
            pltpu.sync_copy(dst_hbm.at[gsc], didx)

            def chunk(j, _):
                off = (gsc * SUP + j) * CH
                g1 = pltpu.async_copy(etab.at[sidx.at[j]], rows1, semg)
                g2 = pltpu.async_copy(etab.at[didx.at[j]], rows2, semg2)
                g1.wait()
                pltpu.sync_copy(rows1, f1_hbm.at[pl.ds(off, CH)])
                g2.wait()
                pltpu.sync_copy(rows2, f2_hbm.at[pl.ds(off, CH)])
                return 0

            lax.fori_loop(0, SUP, chunk, 0)
            return 0

        lax.fori_loop(0, n_sup, sup_body, 0)

    return k(emb, src3, dst3)


def _p4_mlp(f1, f2, Wp, b1r, w2r, b2r):
    e_pad, C = f1.shape
    H = Wp.shape[2]
    BLK = 4096

    def body(f1_ref, f2_ref, w_ref, b1_ref, w2_ref, b2_ref, out_ref):
        f1b = f1_ref[...].astype(jnp.bfloat16)
        f2b = f2_ref[...].astype(jnp.bfloat16)
        dn = (((0,), (1,)), ((), ()))
        acc = lax.dot_general(w_ref[0], f1b, dn,
                              preferred_element_type=jnp.float32)
        acc += lax.dot_general(w_ref[1], f2b, dn,
                               preferred_element_type=jnp.float32)
        hbT = jnp.maximum(acc + b1_ref[...], 0.0)
        ewT = lax.dot_general(w2_ref[...], hbT, (((1,), (0,)), ((), ())),
                              preferred_element_type=jnp.float32)
        ew = jnp.maximum(ewT + b2_ref[0], 0.0)
        out_ref[...] = jnp.reshape(ew, (1, 1, BLK))

    return pl.pallas_call(
        body,
        grid=(e_pad // BLK,),
        in_specs=[
            pl.BlockSpec((BLK, C), lambda i: (i, 0)),
            pl.BlockSpec((BLK, C), lambda i: (i, 0)),
            pl.BlockSpec((2, C, H), lambda i: (0, 0, 0)),
            pl.BlockSpec((H, 1), lambda i: (0, 0)),
            pl.BlockSpec((1, H), lambda i: (0, 0)),
            pl.BlockSpec(memory_space=pltpu.MemorySpace.SMEM),
        ],
        out_specs=pl.BlockSpec((1, 1, BLK), lambda i: (i, 0, 0)),
        out_shape=jax.ShapeDtypeStruct((e_pad // BLK, 1, BLK), jnp.float32),
    )(f1, f2, Wp, b1r, w2r, b2r)


def _p5_weighted_scatter(hs, dst3, ew3, zrows, n_sup, n_acc, rows_t,
                         k0, k1):
    e_pad, C = hs.shape

    @functools.partial(
        pl.kernel,
        out_type=[
            jax.ShapeDtypeStruct((n_acc, C), jnp.float32),
            jax.ShapeDtypeStruct((n_acc, C), jnp.float32),
        ],
        mesh=_mesh(),
        scratch_types=[
            pltpu.VMEM((SUP, CH), jnp.int32),
            pltpu.VMEM((SUP, CH), jnp.float32),
            pltpu.VMEM((CH, C), jnp.float32),
            pltpu.VMEM((CH, C), jnp.float32),
            pltpu.VMEM_SHARED((n_acc, C), jnp.float32),
            pltpu.SemaphoreType.DMA,
            pltpu.SemaphoreType.DMA,
            pltpu.SemaphoreType.DMA,
            pltpu.SemaphoreType.DMA,
        ],
        compiler_params=pltpu.CompilerParams(needs_layout_passes=False),
    )
    def k(hs_hbm, dst_hbm, ew_hbm, z_hbm, p0_hbm, p1_hbm,
          didx, ewb, rows0, rows1, acc,
          semg0, semg1, semw0, semw1):
        rowsv = (rows0, rows1)
        semgv = (semg0, semg1)
        semwv = (semw0, semw1)
        c = lax.axis_index("c")
        s = lax.axis_index("s")
        dummy = hs_hbm.at[pl.ds(0, CH)]
        pltpu.sync_copy(z_hbm, acc.at[pl.ds(s * rows_t, rows_t)])
        plsc.subcore_barrier()
        n_mine = jnp.where(c == 0, k0, k1)
        start = jnp.where(c == 0, s * k0, NS * k0 + s * k1)

        def sup_body(g, _):
            gsc = start + g
            pltpu.sync_copy(dst_hbm.at[gsc], didx)
            pltpu.sync_copy(ew_hbm.at[gsc], ewb)

            @pl.when(g > 0)
            def _():
                for b in range(2):
                    pltpu.make_async_copy(dummy, rowsv[b], semwv[b]).wait()

            for b in range(2):
                pltpu.async_copy(hs_hbm.at[pl.ds((gsc * SUP + b) * CH, CH)],
                                 rowsv[b], semgv[b])
            for j in range(SUP):
                b = j % 2
                rows = rowsv[b]
                if j >= 2:
                    pltpu.make_async_copy(dummy, rows, semwv[b]).wait()
                    pltpu.async_copy(
                        hs_hbm.at[pl.ds((gsc * SUP + j) * CH, CH)], rows,
                        semgv[b])
                pltpu.make_async_copy(dummy, rows, semgv[b]).wait()
                jv = jnp.full((LANES,), j, jnp.int32)

                @plsc.parallel_loop(0, CH, unroll=4)
                def row(r):
                    sv = plsc.load_gather(
                        ewb, [jv, jnp.full((LANES,), r, jnp.int32)])
                    for q in range(C // LANES):
                        sl = pl.ds(q * LANES, LANES)
                        rows[r, sl] = rows[r, sl] * sv

                pltpu.async_copy(rows, acc.at[didx.at[j]], semwv[b],
                                 add=True)
            return 0

        lax.fori_loop(0, n_mine, sup_body, 0)
        for b in range(2):
            pltpu.make_async_copy(dummy, rowsv[b], semwv[b]).wait()
        plsc.subcore_barrier()

        @pl.when(c == 0)
        def _():
            pltpu.sync_copy(acc.at[pl.ds(s * rows_t, rows_t)],
                            p0_hbm.at[pl.ds(s * rows_t, rows_t)])

        @pl.when(c == 1)
        def _():
            pltpu.sync_copy(acc.at[pl.ds(s * rows_t, rows_t)],
                            p1_hbm.at[pl.ds(s * rows_t, rows_t)])

    return k(hs, dst3, ew3, zrows)


def kernel(x, edge_index, W_base, b_base, W1, b1, W2, b2):
    N, C = x.shape
    E = edge_index.shape[1]
    H = W1.shape[1]

    n_sup = -(-E // (NC * NS * CH * SUP))
    n_chunks = n_sup * SUP
    e_pad = NC * NS * n_chunks * CH
    rows_t = 8 * (-(-(N + 1) // (NS * 8)))
    n_acc = NS * rows_t

    src = edge_index[0].astype(jnp.int32)
    dst = edge_index[1].astype(jnp.int32)
    pad = e_pad - E
    srcp = jnp.concatenate([src, jnp.zeros((pad,), jnp.int32)])
    dstp = jnp.concatenate([dst, jnp.full((pad,), N, jnp.int32)])
    src3 = srcp.reshape(-1, SUP, CH)
    dst3 = dstp.reshape(-1, SUP, CH)
    zrows = jnp.zeros((rows_t, C), jnp.float32)

    total_sup = NC * n_sup
    k0 = (7 * total_sup) // 10
    k1 = total_sup - k0

    h = _p1_linear(x, W_base, b_base.reshape(1, C))
    ep0, ep1, hs = _p2_scatter(h, src3, dst3, zrows, n_sup, n_acc, rows_t,
                               k0, k1, e_pad)
    emb = _padd(ep0, ep1, n_acc)
    f1, f2 = _p3_gather(emb, src3, dst3, n_sup, e_pad, rows_t)

    Wp = jnp.stack([W1[:C], W1[C:]]).astype(jnp.bfloat16)
    ew_mat = _p4_mlp(f1, f2, Wp, b1.reshape(H, 1), W2.reshape(1, H),
                     b2.reshape(1))
    ew3 = ew_mat.reshape(-1, SUP, CH)

    ksym = total_sup // 2
    lp0, lp1 = _p5_weighted_scatter(hs, dst3, ew3, zrows,
                                    n_sup, n_acc, rows_t, ksym,
                                    total_sup - ksym)
    return _padd(lp0, lp1, N)

# --- scband reference (transcript-rebuilt; emitter-appended) ---
"""Pipeline reference for scband-edge-weight-26714696581622 (READ-ONLY COPY).

The authoritative reference and input builder live on the scoring server;
editing this copy changes nothing except your own understanding.
"""

import jax, jax.numpy as jnp
import numpy as np

N = 10000
E = 320000
C = 128


def setup_inputs(seed: int = 0) -> dict:
    key = jax.random.key(seed)
    ks = jax.random.split(key, 6)
    x = jax.random.normal(ks[0], (N, C), dtype=jnp.float32)
    edge_index = jax.random.randint(ks[1], (2, E), 0, N)
    # base_model: a simple frozen 1-layer GCN-style conv (linear + weighted scatter-add)
    W_base = jax.random.normal(ks[2], (C, C), dtype=jnp.float32) * 0.05
    b_base = jnp.zeros((C,), dtype=jnp.float32)
    # extractor MLP: [2C -> 4C -> 1]
    W1 = jax.random.normal(ks[3], (2 * C, 4 * C), dtype=jnp.float32) * 0.05
    b1 = jnp.zeros((4 * C,), dtype=jnp.float32)
    W2 = jax.random.normal(ks[4], (4 * C, 1), dtype=jnp.float32) * 0.05
    b2 = jnp.zeros((1,), dtype=jnp.float32)
    return {"x": x, "edge_index": edge_index, "W_base": W_base, "b_base": b_base,
            "W1": W1, "b1": b1, "W2": W2, "b2": b2}


def _base_model(x, edge_index, edge_weight, W_base, b_base):
    # linear transform, gather by source node, weight per-edge, scatter-add to dest node
    h = x @ W_base + b_base
    src = edge_index[0]
    dst = edge_index[1]
    msg = h[src] * edge_weight  # [E, C] * [E, 1]
    out = jax.ops.segment_sum(msg, dst, num_segments=N)
    return out


def reference(x, edge_index, W_base, b_base, W1, b1, W2, b2):
    # edge_weight is None -> get_weight path
    ones_w = jnp.ones((edge_index.shape[1], 1), dtype=x.dtype)
    emb = _base_model(x, edge_index, ones_w, W_base, b_base)
    col = edge_index[0]
    row = edge_index[1]
    f1 = emb[col]
    f2 = emb[row]
    f12 = jnp.concatenate([f1, f2], axis=-1)  # [E, 2C]
    h = jax.nn.relu(f12 @ W1 + b1)
    edge_weight = jax.nn.relu(h @ W2 + b2)  # [E, 1]
    logits = _base_model(x, edge_index, edge_weight, W_base, b_base)
    return logits

if __name__ == "__main__":
    import jax
    _d = setup_inputs()
    print(jax.jit(kernel)(*tuple(_d.values())))

</pallas_src>

<mosaic_0001>
#map = affine_map<(d0, d1) -> (0, 0)>
#map1 = affine_map<(d0, d1) -> (0, 0, 0)>
module attributes {stable_mosaic.version = 14 : i64} {
  func.func @k(%arg0: i32, %arg1: i32, %arg2: memref<327680x128xf32, #tpu.memory_space<hbm>>, %arg3: memref<640x4x128xi32, #tpu.memory_space<hbm>>, %arg4: memref<640x4x128xf32, #tpu.memory_space<hbm>>, %arg5: memref<632x128xf32, #tpu.memory_space<hbm>>, %arg6: memref<10112x128xf32, #tpu.memory_space<hbm>>, %arg7: memref<10112x128xf32, #tpu.memory_space<hbm>>, %arg8: memref<4x128xi32, #tpu.memory_space<vmem>>, %arg9: memref<4x128xf32, #tpu.memory_space<vmem>>, %arg10: memref<128x128xf32, #tpu.memory_space<vmem>>, %arg11: memref<128x128xf32, #tpu.memory_space<vmem>>, %arg12: memref<10112x128xf32, #tpu.memory_space<vmem_shared>>, %arg13: memref<!tpu.dma_semaphore, #tpu.memory_space<semaphore_mem>>, %arg14: memref<!tpu.dma_semaphore, #tpu.memory_space<semaphore_mem>>, %arg15: memref<!tpu.dma_semaphore, #tpu.memory_space<semaphore_mem>>, %arg16: memref<!tpu.dma_semaphore, #tpu.memory_space<semaphore_mem>>) attributes {dimension_semantics = [#tpu.dimension_semantics<core_parallel>, #tpu.dimension_semantics<subcore_parallel>], iteration_bounds = array<i64: 2, 16>, scalar_prefetch = 0 : i64, scratch_operands = 9 : i64, tpu.core_type = #tpu.core_type<sc_vector_subcore>, window_params = [{transform_indices = #map}, {transform_indices = #map1}, {transform_indices = #map1}, {transform_indices = #map}, {transform_indices = #map}, {transform_indices = #map}]} {
    %mul3A = arith.constant 632 : i32
    %mul3A_0 = arith.muli %arg1, %mul3A : i32
    "tpu.region"() ({
      %run_scoped3A = tpu.sem_alloc : memref<!tpu.dma_semaphore, #tpu.memory_space<semaphore_mem>>
      %dma_start3A = arith.constant 0 : i32
      %dma_start3A_42 = tpu.memref_slice %arg12[%mul3A_0, %dma_start3A] : memref<10112x128xf32, #tpu.memory_space<vmem_shared>> -> memref<632x128xf32, #tpu.memory_space<vmem_shared>>
      tpu.enqueue_dma source(%arg5 : memref<632x128xf32, #tpu.memory_space<hbm>>) target(%dma_start3A_42 : memref<632x128xf32, #tpu.memory_space<vmem_shared>>) target_semaphore(%run_scoped3A : memref<!tpu.dma_semaphore, #tpu.memory_space<semaphore_mem>>)
      %dma_wait3A_43 = arith.constant 0 : i32
      %dma_wait3A_44 = tpu.memref_slice %arg12[%mul3A_0, %dma_wait3A_43] : memref<10112x128xf32, #tpu.memory_space<vmem_shared>> -> memref<632x128xf32, #tpu.memory_space<vmem_shared>>
      tpu.wait_dma2 semaphore(%run_scoped3A : memref<!tpu.dma_semaphore, #tpu.memory_space<semaphore_mem>>) src(%arg5 : memref<632x128xf32, #tpu.memory_space<hbm>>) dst(%dma_wait3A_44 : memref<632x128xf32, #tpu.memory_space<vmem_shared>>)
      tpu.yield
    }) : () -> ()
    %barrier3A = arith.constant 0 : index
    tpu.barrier barrier_id(%barrier3A)
    %eq3A = arith.constant 0 : i32
    %eq3A_1 = arith.cmpi eq, %arg0, %eq3A : i32
    %jit3A = arith.constant 20 : i32
    %jit3A_2 = arith.constant 20 : i32
    %select_n3A = arith.select %eq3A_1, %jit3A, %jit3A_2 : i32
    %eq3A_3 = arith.constant 0 : i32
    %eq3A_4 = arith.cmpi eq, %arg0, %eq3A_3 : i32
    %mul3A_5 = arith.constant 20 : i32
    %mul3A_6 = arith.muli %arg1, %mul3A_5 : i32
    %mul3A_7 = arith.constant 20 : i32
    %mul3A_8 = arith.muli %arg1, %mul3A_7 : i32
    %add3A = arith.constant 320 : i32
    %add3A_9 = arith.addi %add3A, %mul3A_8 : i32
    %select_n3A_10 = arith.select %eq3A_4, %mul3A_6, %add3A_9 : i32
    %while3A = arith.constant 0 : i32
    %while3A_11 = arith.constant 0 : i32
    %while3A_12 = arith.subi %select_n3A, %while3A : i32
    %while3A_13 = arith.addi %while3A, %while3A_12 : i32
    %while3A_14 = arith.constant 1 : i32
    %while3A_15 = arith.divsi %while3A_12, %while3A_14 : i32
    %while3A_16 = arith.muli %while3A_15, %while3A_14 : i32
    %while3A_17 = arith.addi %while3A, %while3A_16 : i32
    %while3A_18 = arith.constant 1 : i32
    %while3A_19 = scf.for %while3A_42 = %while3A to %while3A_17 step %while3A_18 iter_args(%while3A_43 = %while3A_11) -> (i32)  : i32 {
      %add3A_44 = arith.addi %select_n3A_10, %while3A_42 : i32
      "tpu.region"() ({
        %run_scoped3A = tpu.sem_alloc : memref<!tpu.dma_semaphore, #tpu.memory_space<semaphore_mem>>
        %dma_start3A_171 = arith.constant 0 : i32
        %dma_start3A_172 = arith.constant 0 : i32
        %dma_start3A_173 = tpu.memref_slice %arg3[%add3A_44, %dma_start3A_171, %dma_start3A_172] : memref<640x4x128xi32, #tpu.memory_space<hbm>> -> memref<1x4x128xi32, #tpu.memory_space<hbm>>
        %dma_start3A_174 = tpu.memref_squeeze %dma_start3A_173 : memref<1x4x128xi32, #tpu.memory_space<hbm>> -> memref<4x128xi32, #tpu.memory_space<hbm>>
        %dma_start3A_175 = arith.constant 0 : i32
        %dma_start3A_176 = arith.constant 0 : i32
        %dma_start3A_177 = tpu.memref_slice %arg3[%add3A_44, %dma_start3A_175, %dma_start3A_176] : memref<640x4x128xi32, #tpu.memory_space<hbm>> -> memref<1x4x128xi32, #tpu.memory_space<hbm>>
        %dma_start3A_178 = tpu.memref_squeeze %dma_start3A_177 : memref<1x4x128xi32, #tpu.memory_space<hbm>> -> memref<4x128xi32, #tpu.memory_space<hbm>>
        tpu.enqueue_dma source(%dma_start3A_178 : memref<4x128xi32, #tpu.memory_space<hbm>>) target(%arg8 : memref<4x128xi32, #tpu.memory_space<vmem>>) target_semaphore(%run_scoped3A : memref<!tpu.dma_semaphore, #tpu.memory_space<semaphore_mem>>)
        %dma_wait3A_179 = arith.constant 0 : i32
        %dma_wait3A_180 = arith.constant 0 : i32
        %dma_wait3A_181 = tpu.memref_slice %arg3[%add3A_44, %dma_wait3A_179, %dma_wait3A_180] : memref<640x4x128xi32, #tpu.memory_space<hbm>> -> memref<1x4x128xi32, #tpu.memory_space<hbm>>
        %dma_wait3A_182 = tpu.memref_squeeze %dma_wait3A_181 : memref<1x4x128xi32, #tpu.memory_space<hbm>> -> memref<4x128xi32, #tpu.memory_space<hbm>>
        %dma_wait3A_183 = arith.constant 0 : i32
        %dma_wait3A_184 = arith.constant 0 : i32
        %dma_wait3A_185 = tpu.memref_slice %arg3[%add3A_44, %dma_wait3A_183, %dma_wait3A_184] : memref<640x4x128xi32, #tpu.memory_space<hbm>> -> memref<1x4x128xi32, #tpu.memory_space<hbm>>
        %dma_wait3A_186 = tpu.memref_squeeze %dma_wait3A_185 : memref<1x4x128xi32, #tpu.memory_space<hbm>> -> memref<4x128xi32, #tpu.memory_space<hbm>>
        tpu.wait_dma2 semaphore(%run_scoped3A : memref<!tpu.dma_semaphore, #tpu.memory_space<semaphore_mem>>) src(%dma_wait3A_186 : memref<4x128xi32, #tpu.memory_space<hbm>>) dst(%arg8 : memref<4x128xi32, #tpu.memory_space<vmem>>)
        tpu.yield
      }) : () -> ()
      "tpu.region"() ({
        %run_scoped3A = tpu.sem_alloc : memref<!tpu.dma_semaphore, #tpu.memory_space<semaphore_mem>>
        %dma_start3A_171 = arith.constant 0 : i32
        %dma_start3A_172 = arith.constant 0 : i32
        %dma_start3A_173 = tpu.memref_slice %arg4[%add3A_44, %dma_start3A_171, %dma_start3A_172] : memref<640x4x128xf32, #tpu.memory_space<hbm>> -> memref<1x4x128xf32, #tpu.memory_space<hbm>>
        %dma_start3A_174 = tpu.memref_squeeze %dma_start3A_173 : memref<1x4x128xf32, #tpu.memory_space<hbm>> -> memref<4x128xf32, #tpu.memory_space<hbm>>
        %dma_start3A_175 = arith.constant 0 : i32
        %dma_start3A_176 = arith.constant 0 : i32
        %dma_start3A_177 = tpu.memref_slice %arg4[%add3A_44, %dma_start3A_175, %dma_start3A_176] : memref<640x4x128xf32, #tpu.memory_space<hbm>> -> memref<1x4x128xf32, #tpu.memory_space<hbm>>
        %dma_start3A_178 = tpu.memref_squeeze %dma_start3A_177 : memref<1x4x128xf32, #tpu.memory_space<hbm>> -> memref<4x128xf32, #tpu.memory_space<hbm>>
        tpu.enqueue_dma source(%dma_start3A_178 : memref<4x128xf32, #tpu.memory_space<hbm>>) target(%arg9 : memref<4x128xf32, #tpu.memory_space<vmem>>) target_semaphore(%run_scoped3A : memref<!tpu.dma_semaphore, #tpu.memory_space<semaphore_mem>>)
        %dma_wait3A_179 = arith.constant 0 : i32
        %dma_wait3A_180 = arith.constant 0 : i32
        %dma_wait3A_181 = tpu.memref_slice %arg4[%add3A_44, %dma_wait3A_179, %dma_wait3A_180] : memref<640x4x128xf32, #tpu.memory_space<hbm>> -> memref<1x4x128xf32, #tpu.memory_space<hbm>>
        %dma_wait3A_182 = tpu.memref_squeeze %dma_wait3A_181 : memref<1x4x128xf32, #tpu.memory_space<hbm>> -> memref<4x128xf32, #tpu.memory_space<hbm>>
        %dma_wait3A_183 = arith.constant 0 : i32
        %dma_wait3A_184 = arith.constant 0 : i32
        %dma_wait3A_185 = tpu.memref_slice %arg4[%add3A_44, %dma_wait3A_183, %dma_wait3A_184] : memref<640x4x128xf32, #tpu.memory_space<hbm>> -> memref<1x4x128xf32, #tpu.memory_space<hbm>>
        %dma_wait3A_186 = tpu.memref_squeeze %dma_wait3A_185 : memref<1x4x128xf32, #tpu.memory_space<hbm>> -> memref<4x128xf32, #tpu.memory_space<hbm>>
        tpu.wait_dma2 semaphore(%run_scoped3A : memref<!tpu.dma_semaphore, #tpu.memory_space<semaphore_mem>>) src(%dma_wait3A_186 : memref<4x128xf32, #tpu.memory_space<hbm>>) dst(%arg9 : memref<4x128xf32, #tpu.memory_space<vmem>>)
        tpu.yield
      }) : () -> ()
      %gt3A = arith.constant 0 : i32
      %gt3A_45 = arith.cmpi sgt, %while3A_42, %gt3A : i32
      %convert_element_type3A_46 = arith.extui %gt3A_45 : i1 to i32
      %cond3A_47 = arith.constant 0 : i32
      %cond3A_48 = arith.cmpi ne, %convert_element_type3A_46, %cond3A_47 : i32
      scf.if %cond3A_48 {
        %dma_wait3A_171 = arith.constant 0 : i32
        %dma_wait3A_172 = arith.constant 0 : i32
        %dma_wait3A_173 = tpu.memref_slice %arg2[%dma_wait3A_171, %dma_wait3A_172] : memref<327680x128xf32, #tpu.memory_space<hbm>> -> memref<128x128xf32, #tpu.memory_space<hbm>>
        %dma_wait3A_174 = arith.constant 0 : i32
        %dma_wait3A_175 = arith.constant 0 : i32
        %dma_wait3A_176 = tpu.memref_slice %arg2[%dma_wait3A_174, %dma_wait3A_175] : memref<327680x128xf32, #tpu.memory_space<hbm>> -> memref<128x128xf32, #tpu.memory_space<hbm>>
        tpu.wait_dma2 semaphore(%arg15 : memref<!tpu.dma_semaphore, #tpu.memory_space<semaphore_mem>>) src(%dma_wait3A_176 : memref<128x128xf32, #tpu.memory_space<hbm>>) dst(%arg10 : memref<128x128xf32, #tpu.memory_space<vmem>>)
        %dma_wait3A_177 = arith.constant 0 : i32
        %dma_wait3A_178 = arith.constant 0 : i32
        %dma_wait3A_179 = tpu.memref_slice %arg2[%dma_wait3A_177, %dma_wait3A_178] : memref<327680x128xf32, #tpu.memory_space<hbm>> -> memref<128x128xf32, #tpu.memory_space<hbm>>
        %dma_wait3A_180 = arith.constant 0 : i32
        %dma_wait3A_181 = arith.constant 0 : i32
        %dma_wait3A_182 = tpu.memref_slice %arg2[%dma_wait3A_180, %dma_wait3A_181] : memref<327680x128xf32, #tpu.memory_space<hbm>> -> memref<128x128xf32, #tpu.memory_space<hbm>>
        tpu.wait_dma2 semaphore(%arg16 : memref<!tpu.dma_semaphore, #tpu.memory_space<semaphore_mem>>) src(%dma_wait3A_182 : memref<128x128xf32, #tpu.memory_space<hbm>>) dst(%arg11 : memref<128x128xf32, #tpu.memory_space<vmem>>)
      } else {
      }
      %mul3A_49 = arith.constant 4 : i32
      %mul3A_50 = arith.muli %add3A_44, %mul3A_49 : i32
      %add3A_51 = arith.constant 0 : i32
      %add3A_52 = arith.addi %mul3A_50, %add3A_51 : i32
      %mul3A_53 = arith.constant 128 : i32
      %mul3A_54 = arith.muli %add3A_52, %mul3A_53 : i32
      %dma_start3A = arith.constant 0 : i32
      %dma_start3A_55 = tpu.memref_slice %arg2[%mul3A_54, %dma_start3A] : memref<327680x128xf32, #tpu.memory_space<hbm>> -> memref<128x128xf32, #tpu.memory_space<hbm>>
      %dma_start3A_56 = arith.constant 0 : i32
      %dma_start3A_57 = tpu.memref_slice %arg2[%mul3A_54, %dma_start3A_56] : memref<327680x128xf32, #tpu.memory_space<hbm>> -> memref<128x128xf32, #tpu.memory_space<hbm>>
      tpu.enqueue_dma source(%dma_start3A_57 : memref<128x128xf32, #tpu.memory_space<hbm>>) target(%arg10 : memref<128x128xf32, #tpu.memory_space<vmem>>) target_semaphore(%arg13 : memref<!tpu.dma_semaphore, #tpu.memory_space<semaphore_mem>>)
      %mul3A_58 = arith.constant 4 : i32
      %mul3A_59 = arith.muli %add3A_44, %mul3A_58 : i32
      %add3A_60 = arith.constant 1 : i32
      %add3A_61 = arith.addi %mul3A_59, %add3A_60 : i32
      %mul3A_62 = arith.constant 128 : i32
      %mul3A_63 = arith.muli %add3A_61, %mul3A_62 : i32
      %dma_start3A_64 = arith.constant 0 : i32
      %dma_start3A_65 = tpu.memref_slice %arg2[%mul3A_63, %dma_start3A_64] : memref<327680x128xf32, #tpu.memory_space<hbm>> -> memref<128x128xf32, #tpu.memory_space<hbm>>
      %dma_start3A_66 = arith.constant 0 : i32
      %dma_start3A_67 = tpu.memref_slice %arg2[%mul3A_63, %dma_start3A_66] : memref<327680x128xf32, #tpu.memory_space<hbm>> -> memref<128x128xf32, #tpu.memory_space<hbm>>
      tpu.enqueue_dma source(%dma_start3A_67 : memref<128x128xf32, #tpu.memory_space<hbm>>) target(%arg11 : memref<128x128xf32, #tpu.memory_space<vmem>>) target_semaphore(%arg14 : memref<!tpu.dma_semaphore, #tpu.memory_space<semaphore_mem>>)
      %dma_wait3A_68 = arith.constant 0 : i32
      %dma_wait3A_69 = arith.constant 0 : i32
      %dma_wait3A_70 = tpu.memref_slice %arg2[%dma_wait3A_68, %dma_wait3A_69] : memref<327680x128xf32, #tpu.memory_space<hbm>> -> memref<128x128xf32, #tpu.memory_space<hbm>>
      %dma_wait3A_71 = arith.constant 0 : i32
      %dma_wait3A_72 = arith.constant 0 : i32
      %dma_wait3A_73 = tpu.memref_slice %arg2[%dma_wait3A_71, %dma_wait3A_72] : memref<327680x128xf32, #tpu.memory_space<hbm>> -> memref<128x128xf32, #tpu.memory_space<hbm>>
      tpu.wait_dma2 semaphore(%arg13 : memref<!tpu.dma_semaphore, #tpu.memory_space<semaphore_mem>>) src(%dma_wait3A_73 : memref<128x128xf32, #tpu.memory_space<hbm>>) dst(%arg10 : memref<128x128xf32, #tpu.memory_space<vmem>>)
      %broadcast_in_dim3A = arith.constant 0 : i32
      %broadcast_in_dim3A_74 = vector.broadcast %broadcast_in_dim3A : i32 to vector<16xi32>
      %parallel_loop3A = arith.constant 0 : i32
      %parallel_loop3A_75 = arith.constant 128 : i32
      %parallel_loop3A_76 = arith.constant 1 : i32
      scf.for %parallel_loop3A_171 = %parallel_loop3A to %parallel_loop3A_75 step %parallel_loop3A_76  : i32 {
        %parallel_loop3A_172 = vector.broadcast %parallel_loop3A_171 : i32 to vector<16xi32>
        %parallel_loop3A_173 = tpu.vector_load_idx %arg9[%broadcast_in_dim3A_74, %parallel_loop3A_172] : memref<4x128xf32, #tpu.memory_space<vmem>>[vector<16xi32>, vector<16xi32>], vector<16xf32>,
        %parallel_loop3A_174 = arith.index_cast %parallel_loop3A_171 : i32 to index
        %parallel_loop3A_175 = arith.constant 0 : index
        %parallel_loop3A_176 = tpu.vector_load %arg10[%parallel_loop3A_174, %parallel_loop3A_175] {strides = array<i32>} : memref<128x128xf32, #tpu.memory_space<vmem>>, vector<16xf32>,
        %parallel_loop3A_177 = arith.mulf %parallel_loop3A_176, %parallel_loop3A_173 : vector<16xf32>
        %parallel_loop3A_178 = arith.index_cast %parallel_loop3A_171 : i32 to index
        %parallel_loop3A_179 = arith.constant 0 : index
        %parallel_loop3A_180 = tpu.vector_load %arg10[%parallel_loop3A_178, %parallel_loop3A_179] {strides = array<i32>} : memref<128x128xf32, #tpu.memory_space<vmem>>, vector<16xf32>,
        tpu.vector_store %arg10[%parallel_loop3A_178, %parallel_loop3A_179], %parallel_loop3A_177 {strides = array<i32>} : memref<128x128xf32, #tpu.memory_space<vmem>>, vector<16xf32>,
        %parallel_loop3A_181 = arith.index_cast %parallel_loop3A_171 : i32 to index
        %parallel_loop3A_182 = arith.constant 16 : index
        %parallel_loop3A_183 = tpu.vector_load %arg10[%parallel_loop3A_181, %parallel_loop3A_182] {strides = array<i32>} : memref<128x128xf32, #tpu.memory_space<vmem>>, vector<16xf32>,
        %parallel_loop3A_184 = arith.mulf %parallel_loop3A_183, %parallel_loop3A_173 : vector<16xf32>
        %parallel_loop3A_185 = arith.index_cast %parallel_loop3A_171 : i32 to index
        %parallel_loop3A_186 = arith.constant 16 : index
        %parallel_loop3A_187 = tpu.vector_load %arg10[%parallel_loop3A_185, %parallel_loop3A_186] {strides = array<i32>} : memref<128x128xf32, #tpu.memory_space<vmem>>, vector<16xf32>,
        tpu.vector_store %arg10[%parallel_loop3A_185, %parallel_loop3A_186], %parallel_loop3A_184 {strides = array<i32>} : memref<128x128xf32, #tpu.memory_space<vmem>>, vector<16xf32>,
        %parallel_loop3A_188 = arith.index_cast %parallel_loop3A_171 : i32 to index
        %parallel_loop3A_189 = arith.constant 32 : index
        %parallel_loop3A_190 = tpu.vector_load %arg10[%parallel_loop3A_188, %parallel_loop3A_189] {strides = array<i32>} : memref<128x128xf32, #tpu.memory_space<vmem>>, vector<16xf32>,
        %parallel_loop3A_191 = arith.mulf %parallel_loop3A_190, %parallel_loop3A_173 : vector<16xf32>
        %parallel_loop3A_192 = arith.index_cast %parallel_loop3A_171 : i32 to index
        %parallel_loop3A_193 = arith.constant 32 : index
        %parallel_loop3A_194 = tpu.vector_load %arg10[%parallel_loop3A_192, %parallel_loop3A_193] {strides = array<i32>} : memref<128x128xf32, #tpu.memory_space<vmem>>, vector<16xf32>,
        tpu.vector_store %arg10[%parallel_loop3A_192, %parallel_loop3A_193], %parallel_loop3A_191 {strides = array<i32>} : memref<128x128xf32, #tpu.memory_space<vmem>>, vector<16xf32>,
        %parallel_loop3A_195 = arith.index_cast %parallel_loop3A_171 : i32 to index
        %parallel_loop3A_196 = arith.constant 48 : index
        %parallel_loop3A_197 = tpu.vector_load %arg10[%parallel_loop3A_195, %parallel_loop3A_196] {strides = array<i32>} : memref<128x128xf32, #tpu.memory_space<vmem>>, vector<16xf32>,
        %parallel_loop3A_198 = arith.mulf %parallel_loop3A_197, %parallel_loop3A_173 : vector<16xf32>
        %parallel_loop3A_199 = arith.index_cast %parallel_loop3A_171 : i32 to index
        %parallel_loop3A_200 = arith.constant 48 : index
        %parallel_loop3A_201 = tpu.vector_load %arg10[%parallel_loop3A_199, %parallel_loop3A_200] {strides = array<i32>} : memref<128x128xf32, #tpu.memory_space<vmem>>, vector<16xf32>,
        tpu.vector_store %arg10[%parallel_loop3A_199, %parallel_loop3A_200], %parallel_loop3A_198 {strides = array<i32>} : memref<128x128xf32, #tpu.memory_space<vmem>>, vector<16xf32>,
        %parallel_loop3A_202 = arith.index_cast %parallel_loop3A_171 : i32 to index
        %parallel_loop3A_203 = arith.constant 64 : index
        %parallel_loop3A_204 = tpu.vector_load %arg10[%parallel_loop3A_202, %parallel_loop3A_203] {strides = array<i32>} : memref<128x128xf32, #tpu.memory_space<vmem>>, vector<16xf32>,
        %parallel_loop3A_205 = arith.mulf %parallel_loop3A_204, %parallel_loop3A_173 : vector<16xf32>
        %parallel_loop3A_206 = arith.index_cast %parallel_loop3A_171 : i32 to index
        %parallel_loop3A_207 = arith.constant 64 : index
        %parallel_loop3A_208 = tpu.vector_load %arg10[%parallel_loop3A_206, %parallel_loop3A_207] {strides = array<i32>} : memref<128x128xf32, #tpu.memory_space<vmem>>, vector<16xf32>,
        tpu.vector_store %arg10[%parallel_loop3A_206, %parallel_loop3A_207], %parallel_loop3A_205 {strides = array<i32>} : memref<128x128xf32, #tpu.memory_space<vmem>>, vector<16xf32>,
        %parallel_loop3A_209 = arith.index_cast %parallel_loop3A_171 : i32 to index
        %parallel_loop3A_210 = arith.constant 80 : index
        %parallel_loop3A_211 = tpu.vector_load %arg10[%parallel_loop3A_209, %parallel_loop3A_210] {strides = array<i32>} : memref<128x128xf32, #tpu.memory_space<vmem>>, vector<16xf32>,
        %parallel_loop3A_212 = arith.mulf %parallel_loop3A_211, %parallel_loop3A_173 : vector<16xf32>
        %parallel_loop3A_213 = arith.index_cast %parallel_loop3A_171 : i32 to index
        %parallel_loop3A_214 = arith.constant 80 : index
        %parallel_loop3A_215 = tpu.vector_load %arg10[%parallel_loop3A_213, %parallel_loop3A_214] {strides = array<i32>} : memref<128x128xf32, #tpu.memory_space<vmem>>, vector<16xf32>,
        tpu.vector_store %arg10[%parallel_loop3A_213, %parallel_loop3A_214], %parallel_loop3A_212 {strides = array<i32>} : memref<128x128xf32, #tpu.memory_space<vmem>>, vector<16xf32>,
        %parallel_loop3A_216 = arith.index_cast %parallel_loop3A_171 : i32 to index
        %parallel_loop3A_217 = arith.constant 96 : index
        %parallel_loop3A_218 = tpu.vector_load %arg10[%parallel_loop3A_216, %parallel_loop3A_217] {strides = array<i32>} : memref<128x128xf32, #tpu.memory_space<vmem>>, vector<16xf32>,
        %parallel_loop3A_219 = arith.mulf %parallel_loop3A_218, %parallel_loop3A_173 : vector<16xf32>
        %parallel_loop3A_220 = arith.index_cast %parallel_loop3A_171 : i32 to index
        %parallel_loop3A_221 = arith.constant 96 : index
        %parallel_loop3A_222 = tpu.vector_load %arg10[%parallel_loop3A_220, %parallel_loop3A_221] {strides = array<i32>} : memref<128x128xf32, #tpu.memory_space<vmem>>, vector<16xf32>,
        tpu.vector_store %arg10[%parallel_loop3A_220, %parallel_loop3A_221], %parallel_loop3A_219 {strides = array<i32>} : memref<128x128xf32, #tpu.memory_space<vmem>>, vector<16xf32>,
        %parallel_loop3A_223 = arith.index_cast %parallel_loop3A_171 : i32 to index
        %parallel_loop3A_224 = arith.constant 112 : index
        %parallel_loop3A_225 = tpu.vector_load %arg10[%parallel_loop3A_223, %parallel_loop3A_224] {strides = array<i32>} : memref<128x128xf32, #tpu.memory_space<vmem>>, vector<16xf32>,
        %parallel_loop3A_226 = arith.mulf %parallel_loop3A_225, %parallel_loop3A_173 : vector<16xf32>
        %parallel_loop3A_227 = arith.index_cast %parallel_loop3A_171 : i32 to index
        %parallel_loop3A_228 = arith.constant 112 : index
        %parallel_loop3A_229 = tpu.vector_load %arg10[%parallel_loop3A_227, %parallel_loop3A_228] {strides = array<i32>} : memref<128x128xf32, #tpu.memory_space<vmem>>, vector<16xf32>,
        tpu.vector_store %arg10[%parallel_loop3A_227, %parallel_loop3A_228], %parallel_loop3A_226 {strides = array<i32>} : memref<128x128xf32, #tpu.memory_space<vmem>>, vector<16xf32>,
      } {sc.loop_unroll_factor = 4 : i64, sc.parallel_access}
      %dma_start3A_77 = arith.constant 0 : i32
      %dma_start3A_78 = arith.constant 0 : i32
      %dma_start3A_79 = tpu.memref_slice %arg8[%dma_start3A_77, %dma_start3A_78] : memref<4x128xi32, #tpu.memory_space<vmem>> -> memref<1x128xi32, #tpu.memory_space<vmem>>
      %dma_start3A_80 = tpu.memref_squeeze %dma_start3A_79 : memref<1x128xi32, #tpu.memory_space<vmem>> -> memref<128xi32, #tpu.memory_space<vmem>>
      %dma_start3A_81 = arith.constant 0 : i32
      %dma_start3A_82 = arith.constant 0 : i32
      %dma_start3A_83 = tpu.memref_slice %arg12[%dma_start3A_81, %dma_start3A_82] : memref<10112x128xf32, #tpu.memory_space<vmem_shared>> -> memref<10112x128xf32, #tpu.memory_space<vmem_shared>>
      tpu.enqueue_indirect_dma source(%arg10 : memref<128x128xf32, #tpu.memory_space<vmem>>) target(%dma_start3A_83 : memref<10112x128xf32, #tpu.memory_space<vmem_shared>>) offsets(%dma_start3A_80 : memref<128xi32, #tpu.memory_space<vmem>>) semaphore(%arg15 : memref<!tpu.dma_semaphore, #tpu.memory_space<semaphore_mem>>) {add = true}
      %dma_wait3A_84 = arith.constant 0 : i32
      %dma_wait3A_85 = arith.constant 0 : i32
      %dma_wait3A_86 = tpu.memref_slice %arg2[%dma_wait3A_84, %dma_wait3A_85] : memref<327680x128xf32, #tpu.memory_space<hbm>> -> memref<128x128xf32, #tpu.memory_space<hbm>>
      %dma_wait3A_87 = arith.constant 0 : i32
      %dma_wait3A_88 = arith.constant 0 : i32
      %dma_wait3A_89 = tpu.memref_slice %arg2[%dma_wait3A_87, %dma_wait3A_88] : memref<327680x128xf32, #tpu.memory_space<hbm>> -> memref<128x128xf32, #tpu.memory_space<hbm>>
      tpu.wait_dma2 semaphore(%arg14 : memref<!tpu.dma_semaphore, #tpu.memory_space<semaphore_mem>>) src(%dma_wait3A_89 : memref<128x128xf32, #tpu.memory_space<hbm>>) dst(%arg11 : memref<128x128xf32, #tpu.memory_space<vmem>>)
      %broadcast_in_dim3A_90 = arith.constant 1 : i32
      %broadcast_in_dim3A_91 = vector.broadcast %broadcast_in_dim3A_90 : i32 to vector<16xi32>
      %parallel_loop3A_92 = arith.constant 0 : i32
      %parallel_loop3A_93 = arith.constant 128 : i32
      %parallel_loop3A_94 = arith.constant 1 : i32
      scf.for %parallel_loop3A_171 = %parallel_loop3A_92 to %parallel_loop3A_93 step %parallel_loop3A_94  : i32 {
        %parallel_loop3A_172 = vector.broadcast %parallel_loop3A_171 : i32 to vector<16xi32>
        %parallel_loop3A_173 = tpu.vector_load_idx %arg9[%broadcast_in_dim3A_91, %parallel_loop3A_172] : memref<4x128xf32, #tpu.memory_space<vmem>>[vector<16xi32>, vector<16xi32>], vector<16xf32>,
        %parallel_loop3A_174 = arith.index_cast %parallel_loop3A_171 : i32 to index
        %parallel_loop3A_175 = arith.constant 0 : index
        %parallel_loop3A_176 = tpu.vector_load %arg11[%parallel_loop3A_174, %parallel_loop3A_175] {strides = array<i32>} : memref<128x128xf32, #tpu.memory_space<vmem>>, vector<16xf32>,
        %parallel_loop3A_177 = arith.mulf %parallel_loop3A_176, %parallel_loop3A_173 : vector<16xf32>
        %parallel_loop3A_178 = arith.index_cast %parallel_loop3A_171 : i32 to index
        %parallel_loop3A_179 = arith.constant 0 : index
        %parallel_loop3A_180 = tpu.vector_load %arg11[%parallel_loop3A_178, %parallel_loop3A_179] {strides = array<i32>} : memref<128x128xf32, #tpu.memory_space<vmem>>, vector<16xf32>,
        tpu.vector_store %arg11[%parallel_loop3A_178, %parallel_loop3A_179], %parallel_loop3A_177 {strides = array<i32>} : memref<128x128xf32, #tpu.memory_space<vmem>>, vector<16xf32>,
        %parallel_loop3A_181 = arith.index_cast %parallel_loop3A_171 : i32 to index
        %parallel_loop3A_182 = arith.constant 16 : index
        %parallel_loop3A_183 = tpu.vector_load %arg11[%parallel_loop3A_181, %parallel_loop3A_182] {strides = array<i32>} : memref<128x128xf32, #tpu.memory_space<vmem>>, vector<16xf32>,
        %parallel_loop3A_184 = arith.mulf %parallel_loop3A_183, %parallel_loop3A_173 : vector<16xf32>
        %parallel_loop3A_185 = arith.index_cast %parallel_loop3A_171 : i32 to index
        %parallel_loop3A_186 = arith.constant 16 : index
        %parallel_loop3A_187 = tpu.vector_load %arg11[%parallel_loop3A_185, %parallel_loop3A_186] {strides = array<i32>} : memref<128x128xf32, #tpu.memory_space<vmem>>, vector<16xf32>,
        tpu.vector_store %arg11[%parallel_loop3A_185, %parallel_loop3A_186], %parallel_loop3A_184 {strides = array<i32>} : memref<128x128xf32, #tpu.memory_space<vmem>>, vector<16xf32>,
        %parallel_loop3A_188 = arith.index_cast %parallel_loop3A_171 : i32 to index
        %parallel_loop3A_189 = arith.constant 32 : index
        %parallel_loop3A_190 = tpu.vector_load %arg11[%parallel_loop3A_188, %parallel_loop3A_189] {strides = array<i32>} : memref<128x128xf32, #tpu.memory_space<vmem>>, vector<16xf32>,
        %parallel_loop3A_191 = arith.mulf %parallel_loop3A_190, %parallel_loop3A_173 : vector<16xf32>
        %parallel_loop3A_192 = arith.index_cast %parallel_loop3A_171 : i32 to index
        %parallel_loop3A_193 = arith.constant 32 : index
        %parallel_loop3A_194 = tpu.vector_load %arg11[%parallel_loop3A_192, %parallel_loop3A_193] {strides = array<i32>} : memref<128x128xf32, #tpu.memory_space<vmem>>, vector<16xf32>,
        tpu.vector_store %arg11[%parallel_loop3A_192, %parallel_loop3A_193], %parallel_loop3A_191 {strides = array<i32>} : memref<128x128xf32, #tpu.memory_space<vmem>>, vector<16xf32>,
        %parallel_loop3A_195 = arith.index_cast %parallel_loop3A_171 : i32 to index
        %parallel_loop3A_196 = arith.constant 48 : index
        %parallel_loop3A_197 = tpu.vector_load %arg11[%parallel_loop3A_195, %parallel_loop3A_196] {strides = array<i32>} : memref<128x128xf32, #tpu.memory_space<vmem>>, vector<16xf32>,
        %parallel_loop3A_198 = arith.mulf %parallel_loop3A_197, %parallel_loop3A_173 : vector<16xf32>
        %parallel_loop3A_199 = arith.index_cast %parallel_loop3A_171 : i32 to index
        %parallel_loop3A_200 = arith.constant 48 : index
        %parallel_loop3A_201 = tpu.vector_load %arg11[%parallel_loop3A_199, %parallel_loop3A_200] {strides = array<i32>} : memref<128x128xf32, #tpu.memory_space<vmem>>, vector<16xf32>,
        tpu.vector_store %arg11[%parallel_loop3A_199, %parallel_loop3A_200], %parallel_loop3A_198 {strides = array<i32>} : memref<128x128xf32, #tpu.memory_space<vmem>>, vector<16xf32>,
        %parallel_loop3A_202 = arith.index_cast %parallel_loop3A_171 : i32 to index
        %parallel_loop3A_203 = arith.constant 64 : index
        %parallel_loop3A_204 = tpu.vector_load %arg11[%parallel_loop3A_202, %parallel_loop3A_203] {strides = array<i32>} : memref<128x128xf32, #tpu.memory_space<vmem>>, vector<16xf32>,
        %parallel_loop3A_205 = arith.mulf %parallel_loop3A_204, %parallel_loop3A_173 : vector<16xf32>
        %parallel_loop3A_206 = arith.index_cast %parallel_loop3A_171 : i32 to index
        %parallel_loop3A_207 = arith.constant 64 : index
        %parallel_loop3A_208 = tpu.vector_load %arg11[%parallel_loop3A_206, %parallel_loop3A_207] {strides = array<i32>} : memref<128x128xf32, #tpu.memory_space<vmem>>, vector<16xf32>,
        tpu.vector_store %arg11[%parallel_loop3A_206, %parallel_loop3A_207], %parallel_loop3A_205 {strides = array<i32>} : memref<128x128xf32, #tpu.memory_space<vmem>>, vector<16xf32>,
        %parallel_loop3A_209 = arith.index_cast %parallel_loop3A_171 : i32 to index
        %parallel_loop3A_210 = arith.constant 80 : index
        %parallel_loop3A_211 = tpu.vector_load %arg11[%parallel_loop3A_209, %parallel_loop3A_210] {strides = array<i32>} : memref<128x128xf32, #tpu.memory_space<vmem>>, vector<16xf32>,
        %parallel_loop3A_212 = arith.mulf %parallel_loop3A_211, %parallel_loop3A_173 : vector<16xf32>
        %parallel_loop3A_213 = arith.index_cast %parallel_loop3A_171 : i32 to index
        %parallel_loop3A_214 = arith.constant 80 : index
        %parallel_loop3A_215 = tpu.vector_load %arg11[%parallel_loop3A_213, %parallel_loop3A_214] {strides = array<i32>} : memref<128x128xf32, #tpu.memory_space<vmem>>, vector<16xf32>,
        tpu.vector_store %arg11[%parallel_loop3A_213, %parallel_loop3A_214], %parallel_loop3A_212 {strides = array<i32>} : memref<128x128xf32, #tpu.memory_space<vmem>>, vector<16xf32>,
        %parallel_loop3A_216 = arith.index_cast %parallel_loop3A_171 : i32 to index
        %parallel_loop3A_217 = arith.constant 96 : index
        %parallel_loop3A_218 = tpu.vector_load %arg11[%parallel_loop3A_216, %parallel_loop3A_217] {strides = array<i32>} : memref<128x128xf32, #tpu.memory_space<vmem>>, vector<16xf32>,
        %parallel_loop3A_219 = arith.mulf %parallel_loop3A_218, %parallel_loop3A_173 : vector<16xf32>
        %parallel_loop3A_220 = arith.index_cast %parallel_loop3A_171 : i32 to index
        %parallel_loop3A_221 = arith.constant 96 : index
        %parallel_loop3A_222 = tpu.vector_load %arg11[%parallel_loop3A_220, %parallel_loop3A_221] {strides = array<i32>} : memref<128x128xf32, #tpu.memory_space<vmem>>, vector<16xf32>,
        tpu.vector_store %arg11[%parallel_loop3A_220, %parallel_loop3A_221], %parallel_loop3A_219 {strides = array<i32>} : memref<128x128xf32, #tpu.memory_space<vmem>>, vector<16xf32>,
        %parallel_loop3A_223 = arith.index_cast %parallel_loop3A_171 : i32 to index
        %parallel_loop3A_224 = arith.constant 112 : index
        %parallel_loop3A_225 = tpu.vector_load %arg11[%parallel_loop3A_223, %parallel_loop3A_224] {strides = array<i32>} : memref<128x128xf32, #tpu.memory_space<vmem>>, vector<16xf32>,
        %parallel_loop3A_226 = arith.mulf %parallel_loop3A_225, %parallel_loop3A_173 : vector<16xf32>
        %parallel_loop3A_227 = arith.index_cast %parallel_loop3A_171 : i32 to index
        %parallel_loop3A_228 = arith.constant 112 : index
        %parallel_loop3A_229 = tpu.vector_load %arg11[%parallel_loop3A_227, %parallel_loop3A_228] {strides = array<i32>} : memref<128x128xf32, #tpu.memory_space<vmem>>, vector<16xf32>,
        tpu.vector_store %arg11[%parallel_loop3A_227, %parallel_loop3A_228], %parallel_loop3A_226 {strides = array<i32>} : memref<128x128xf32, #tpu.memory_space<vmem>>, vector<16xf32>,
      } {sc.loop_unroll_factor = 4 : i64, sc.parallel_access}
      %dma_start3A_95 = arith.constant 1 : i32
      %dma_start3A_96 = arith.constant 0 : i32
      %dma_start3A_97 = tpu.memref_slice %arg8[%dma_start3A_95, %dma_start3A_96] : memref<4x128xi32, #tpu.memory_space<vmem>> -> memref<1x128xi32, #tpu.memory_space<vmem>>
      %dma_start3A_98 = tpu.memref_squeeze %dma_start3A_97 : memref<1x128xi32, #tpu.memory_space<vmem>> -> memref<128xi32, #tpu.memory_space<vmem>>
      %dma_start3A_99 = arith.constant 0 : i32
      %dma_start3A_100 = arith.constant 0 : i32
      %dma_start3A_101 = tpu.memref_slice %arg12[%dma_start3A_99, %dma_start3A_100] : memref<10112x128xf32, #tpu.memory_space<vmem_shared>> -> memref<10112x128xf32, #tpu.memory_space<vmem_shared>>
      tpu.enqueue_indirect_dma source(%arg11 : memref<128x128xf32, #tpu.memory_space<vmem>>) target(%dma_start3A_101 : memref<10112x128xf32, #tpu.memory_space<vmem_shared>>) offsets(%dma_start3A_98 : memref<128xi32, #tpu.memory_space<vmem>>) semaphore(%arg16 : memref<!tpu.dma_semaphore, #tpu.memory_space<semaphore_mem>>) {add = true}
      %dma_wait3A_102 = arith.constant 0 : i32
      %dma_wait3A_103 = arith.constant 0 : i32
      %dma_wait3A_104 = tpu.memref_slice %arg2[%dma_wait3A_102, %dma_wait3A_103] : memref<327680x128xf32, #tpu.memory_space<hbm>> -> memref<128x128xf32, #tpu.memory_space<hbm>>
      %dma_wait3A_105 = arith.constant 0 : i32
      %dma_wait3A_106 = arith.constant 0 : i32
      %dma_wait3A_107 = tpu.memref_slice %arg2[%dma_wait3A_105, %dma_wait3A_106] : memref<327680x128xf32, #tpu.memory_space<hbm>> -> memref<128x128xf32, #tpu.memory_space<hbm>>
      tpu.wait_dma2 semaphore(%arg15 : memref<!tpu.dma_semaphore, #tpu.memory_space<semaphore_mem>>) src(%dma_wait3A_107 : memref<128x128xf32, #tpu.memory_space<hbm>>) dst(%arg10 : memref<128x128xf32, #tpu.memory_space<vmem>>)
      %mul3A_108 = arith.constant 4 : i32
      %mul3A_109 = arith.muli %add3A_44, %mul3A_108 : i32
      %add3A_110 = arith.constant 2 : i32
      %add3A_111 = arith.addi %mul3A_109, %add3A_110 : i32
      %mul3A_112 = arith.constant 128 : i32
      %mul3A_113 = arith.muli %add3A_111, %mul3A_112 : i32
      %dma_start3A_114 = arith.constant 0 : i32
      %dma_start3A_115 = tpu.memref_slice %arg2[%mul3A_113, %dma_start3A_114] : memref<327680x128xf32, #tpu.memory_space<hbm>> -> memref<128x128xf32, #tpu.memory_space<hbm>>
      %dma_start3A_116 = arith.constant 0 : i32
      %dma_start3A_117 = tpu.memref_slice %arg2[%mul3A_113, %dma_start3A_116] : memref<327680x128xf32, #tpu.memory_space<hbm>> -> memref<128x128xf32, #tpu.memory_space<hbm>>
      tpu.enqueue_dma source(%dma_start3A_117 : memref<128x128xf32, #tpu.memory_space<hbm>>) target(%arg10 : memref<128x128xf32, #tpu.memory_space<vmem>>) target_semaphore(%arg13 : memref<!tpu.dma_semaphore, #tpu.memory_space<semaphore_mem>>)
      %dma_wait3A_118 = arith.constant 0 : i32
      %dma_wait3A_119 = arith.constant 0 : i32
      %dma_wait3A_120 = tpu.memref_slice %arg2[%dma_wait3A_118, %dma_wait3A_119] : memref<327680x128xf32, #tpu.memory_space<hbm>> -> memref<128x128xf32, #tpu.memory_space<hbm>>
      %dma_wait3A_121 = arith.constant 0 : i32
      %dma_wait3A_122 = arith.constant 0 : i32
      %dma_wait3A_123 = tpu.memref_slice %arg2[%dma_wait3A_121, %dma_wait3A_122] : memref<327680x128xf32, #tpu.memory_space<hbm>> -> memref<128x128xf32, #tpu.memory_space<hbm>>
      tpu.wait_dma2 semaphore(%arg13 : memref<!tpu.dma_semaphore, #tpu.memory_space<semaphore_mem>>) src(%dma_wait3A_123 : memref<128x128xf32, #tpu.memory_space<hbm>>) dst(%arg10 : memref<128x128xf32, #tpu.memory_space<vmem>>)
      %broadcast_in_dim3A_124 = arith.constant 2 : i32
      %broadcast_in_dim3A_125 = vector.broadcast %broadcast_in_dim3A_124 : i32 to vector<16xi32>
      %parallel_loop3A_126 = arith.constant 0 : i32
      %parallel_loop3A_127 = arith.constant 128 : i32
      %parallel_loop3A_128 = arith.constant 1 : i32
      scf.for %parallel_loop3A_171 = %parallel_loop3A_126 to %parallel_loop3A_127 step %parallel_loop3A_128  : i32 {
        %parallel_loop3A_172 = vector.broadcast %parallel_loop3A_171 : i32 to vector<16xi32>
        %parallel_loop3A_173 = tpu.vector_load_idx %arg9[%broadcast_in_dim3A_125, %parallel_loop3A_172] : memref<4x128xf32, #tpu.memory_space<vmem>>[vector<16xi32>, vector<16xi32>], vector<16xf32>,
        %parallel_loop3A_174 = arith.index_cast %parallel_loop3A_171 : i32 to index
        %parallel_loop3A_175 = arith.constant 0 : index
        %parallel_loop3A_176 = tpu.vector_load %arg10[%parallel_loop3A_174, %parallel_loop3A_175] {strides = array<i32>} : memref<128x128xf32, #tpu.memory_space<vmem>>, vector<16xf32>,
        %parallel_loop3A_177 = arith.mulf %parallel_loop3A_176, %parallel_loop3A_173 : vector<16xf32>
        %parallel_loop3A_178 = arith.index_cast %parallel_loop3A_171 : i32 to index
        %parallel_loop3A_179 = arith.constant 0 : index
        %parallel_loop3A_180 = tpu.vector_load %arg10[%parallel_loop3A_178, %parallel_loop3A_179] {strides = array<i32>} : memref<128x128xf32, #tpu.memory_space<vmem>>, vector<16xf32>,
        tpu.vector_store %arg10[%parallel_loop3A_178, %parallel_loop3A_179], %parallel_loop3A_177 {strides = array<i32>} : memref<128x128xf32, #tpu.memory_space<vmem>>, vector<16xf32>,
        %parallel_loop3A_181 = arith.index_cast %parallel_loop3A_171 : i32 to index
        %parallel_loop3A_182 = arith.constant 16 : index
        %parallel_loop3A_183 = tpu.vector_load %arg10[%parallel_loop3A_181, %parallel_loop3A_182] {strides = array<i32>} : memref<128x128xf32, #tpu.memory_space<vmem>>, vector<16xf32>,
        %parallel_loop3A_184 = arith.mulf %parallel_loop3A_183, %parallel_loop3A_173 : vector<16xf32>
        %parallel_loop3A_185 = arith.index_cast %parallel_loop3A_171 : i32 to index
        %parallel_loop3A_186 = arith.constant 16 : index
        %parallel_loop3A_187 = tpu.vector_load %arg10[%parallel_loop3A_185, %parallel_loop3A_186] {strides = array<i32>} : memref<128x128xf32, #tpu.memory_space<vmem>>, vector<16xf32>,
        tpu.vector_store %arg10[%parallel_loop3A_185, %parallel_loop3A_186], %parallel_loop3A_184 {strides = array<i32>} : memref<128x128xf32, #tpu.memory_space<vmem>>, vector<16xf32>,
        %parallel_loop3A_188 = arith.index_cast %parallel_loop3A_171 : i32 to index
        %parallel_loop3A_189 = arith.constant 32 : index
        %parallel_loop3A_190 = tpu.vector_load %arg10[%parallel_loop3A_188, %parallel_loop3A_189] {strides = array<i32>} : memref<128x128xf32, #tpu.memory_space<vmem>>, vector<16xf32>,
        %parallel_loop3A_191 = arith.mulf %parallel_loop3A_190, %parallel_loop3A_173 : vector<16xf32>
        %parallel_loop3A_192 = arith.index_cast %parallel_loop3A_171 : i32 to index
        %parallel_loop3A_193 = arith.constant 32 : index
        %parallel_loop3A_194 = tpu.vector_load %arg10[%parallel_loop3A_192, %parallel_loop3A_193] {strides = array<i32>} : memref<128x128xf32, #tpu.memory_space<vmem>>, vector<16xf32>,
        tpu.vector_store %arg10[%parallel_loop3A_192, %parallel_loop3A_193], %parallel_loop3A_191 {strides = array<i32>} : memref<128x128xf32, #tpu.memory_space<vmem>>, vector<16xf32>,
        %parallel_loop3A_195 = arith.index_cast %parallel_loop3A_171 : i32 to index
        %parallel_loop3A_196 = arith.constant 48 : index
        %parallel_loop3A_197 = tpu.vector_load %arg10[%parallel_loop3A_195, %parallel_loop3A_196] {strides = array<i32>} : memref<128x128xf32, #tpu.memory_space<vmem>>, vector<16xf32>,
        %parallel_loop3A_198 = arith.mulf %parallel_loop3A_197, %parallel_loop3A_173 : vector<16xf32>
        %parallel_loop3A_199 = arith.index_cast %parallel_loop3A_171 : i32 to index
        %parallel_loop3A_200 = arith.constant 48 : index
        %parallel_loop3A_201 = tpu.vector_load %arg10[%parallel_loop3A_199, %parallel_loop3A_200] {strides = array<i32>} : memref<128x128xf32, #tpu.memory_space<vmem>>, vector<16xf32>,
        tpu.vector_store %arg10[%parallel_loop3A_199, %parallel_loop3A_200], %parallel_loop3A_198 {strides = array<i32>} : memref<128x128xf32, #tpu.memory_space<vmem>>, vector<16xf32>,
        %parallel_loop3A_202 = arith.index_cast %parallel_loop3A_171 : i32 to index
        %parallel_loop3A_203 = arith.constant 64 : index
        %parallel_loop3A_204 = tpu.vector_load %arg10[%parallel_loop3A_202, %parallel_loop3A_203] {strides = array<i32>} : memref<128x128xf32, #tpu.memory_space<vmem>>, vector<16xf32>,
        %parallel_loop3A_205 = arith.mulf %parallel_loop3A_204, %parallel_loop3A_173 : vector<16xf32>
        %parallel_loop3A_206 = arith.index_cast %parallel_loop3A_171 : i32 to index
        %parallel_loop3A_207 = arith.constant 64 : index
        %parallel_loop3A_208 = tpu.vector_load %arg10[%parallel_loop3A_206, %parallel_loop3A_207] {strides = array<i32>} : memref<128x128xf32, #tpu.memory_space<vmem>>, vector<16xf32>,
        tpu.vector_store %arg10[%parallel_loop3A_206, %parallel_loop3A_207], %parallel_loop3A_205 {strides = array<i32>} : memref<128x128xf32, #tpu.memory_space<vmem>>, vector<16xf32>,
        %parallel_loop3A_209 = arith.index_cast %parallel_loop3A_171 : i32 to index
        %parallel_loop3A_210 = arith.constant 80 : index
        %parallel_loop3A_211 = tpu.vector_load %arg10[%parallel_loop3A_209, %parallel_loop3A_210] {strides = array<i32>} : memref<128x128xf32, #tpu.memory_space<vmem>>, vector<16xf32>,
        %parallel_loop3A_212 = arith.mulf %parallel_loop3A_211, %parallel_loop3A_173 : vector<16xf32>
        %parallel_loop3A_213 = arith.index_cast %parallel_loop3A_171 : i32 to index
        %parallel_loop3A_214 = arith.constant 80 : index
        %parallel_loop3A_215 = tpu.vector_load %arg10[%parallel_loop3A_213, %parallel_loop3A_214] {strides = array<i32>} : memref<128x128xf32, #tpu.memory_space<vmem>>, vector<16xf32>,
        tpu.vector_store %arg10[%parallel_loop3A_213, %parallel_loop3A_214], %parallel_loop3A_212 {strides = array<i32>} : memref<128x128xf32, #tpu.memory_space<vmem>>, vector<16xf32>,
        %parallel_loop3A_216 = arith.index_cast %parallel_loop3A_171 : i32 to index
        %parallel_loop3A_217 = arith.constant 96 : index
        %parallel_loop3A_218 = tpu.vector_load %arg10[%parallel_loop3A_216, %parallel_loop3A_217] {strides = array<i32>} : memref<128x128xf32, #tpu.memory_space<vmem>>, vector<16xf32>,
        %parallel_loop3A_219 = arith.mulf %parallel_loop3A_218, %parallel_loop3A_173 : vector<16xf32>
        %parallel_loop3A_220 = arith.index_cast %parallel_loop3A_171 : i32 to index
        %parallel_loop3A_221 = arith.constant 96 : index
        %parallel_loop3A_222 = tpu.vector_load %arg10[%parallel_loop3A_220, %parallel_loop3A_221] {strides = array<i32>} : memref<128x128xf32, #tpu.memory_space<vmem>>, vector<16xf32>,
        tpu.vector_store %arg10[%parallel_loop3A_220, %parallel_loop3A_221], %parallel_loop3A_219 {strides = array<i32>} : memref<128x128xf32, #tpu.memory_space<vmem>>, vector<16xf32>,
        %parallel_loop3A_223 = arith.index_cast %parallel_loop3A_171 : i32 to index
        %parallel_loop3A_224 = arith.constant 112 : index
        %parallel_loop3A_225 = tpu.vector_load %arg10[%parallel_loop3A_223, %parallel_loop3A_224] {strides = array<i32>} : memref<128x128xf32, #tpu.memory_space<vmem>>, vector<16xf32>,
        %parallel_loop3A_226 = arith.mulf %parallel_loop3A_225, %parallel_loop3A_173 : vector<16xf32>
        %parallel_loop3A_227 = arith.index_cast %parallel_loop3A_171 : i32 to index
        %parallel_loop3A_228 = arith.constant 112 : index
        %parallel_loop3A_229 = tpu.vector_load %arg10[%parallel_loop3A_227, %parallel_loop3A_228] {strides = array<i32>} : memref<128x128xf32, #tpu.memory_space<vmem>>, vector<16xf32>,
        tpu.vector_store %arg10[%parallel_loop3A_227, %parallel_loop3A_228], %parallel_loop3A_226 {strides = array<i32>} : memref<128x128xf32, #tpu.memory_space<vmem>>, vector<16xf32>,
      } {sc.loop_unroll_factor = 4 : i64, sc.parallel_access}
      %dma_start3A_129 = arith.constant 2 : i32
      %dma_start3A_130 = arith.constant 0 : i32
      %dma_start3A_131 = tpu.memref_slice %arg8[%dma_start3A_129, %dma_start3A_130] : memref<4x128xi32, #tpu.memory_space<vmem>> -> memref<1x128xi32, #tpu.memory_space<vmem>>
      %dma_start3A_132 = tpu.memref_squeeze %dma_start3A_131 : memref<1x128xi32, #tpu.memory_space<vmem>> -> memref<128xi32, #tpu.memory_space<vmem>>
      %dma_start3A_133 = arith.constant 0 : i32
      %dma_start3A_134 = arith.constant 0 : i32
      %dma_start3A_135 = tpu.memref_slice %arg12[%dma_start3A_133, %dma_start3A_134] : memref<10112x128xf32, #tpu.memory_space<vmem_shared>> -> memref<10112x128xf32, #tpu.memory_space<vmem_shared>>
      tpu.enqueue_indirect_dma source(%arg10 : memref<128x128xf32, #tpu.memory_space<vmem>>) target(%dma_start3A_135 : memref<10112x128xf32, #tpu.memory_space<vmem_shared>>) offsets(%dma_start3A_132 : memref<128xi32, #tpu.memory_space<vmem>>) semaphore(%arg15 : memref<!tpu.dma_semaphore, #tpu.memory_space<semaphore_mem>>) {add = true}
      %dma_wait3A_136 = arith.constant 0 : i32
      %dma_wait3A_137 = arith.constant 0 : i32
      %dma_wait3A_138 = tpu.memref_slice %arg2[%dma_wait3A_136, %dma_wait3A_137] : memref<327680x128xf32, #tpu.memory_space<hbm>> -> memref<128x128xf32, #tpu.memory_space<hbm>>
      %dma_wait3A_139 = arith.constant 0 : i32
      %dma_wait3A_140 = arith.constant 0 : i32
      %dma_wait3A_141 = tpu.memref_slice %arg2[%dma_wait3A_139, %dma_wait3A_140] : memref<327680x128xf32, #tpu.memory_space<hbm>> -> memref<128x128xf32, #tpu.memory_space<hbm>>
      tpu.wait_dma2 semaphore(%arg16 : memref<!tpu.dma_semaphore, #tpu.memory_space<semaphore_mem>>) src(%dma_wait3A_141 : memref<128x128xf32, #tpu.memory_space<hbm>>) dst(%arg11 : memref<128x128xf32, #tpu.memory_space<vmem>>)
      %mul3A_142 = arith.constant 4 : i32
      %mul3A_143 = arith.muli %add3A_44, %mul3A_142 : i32
      %add3A_144 = arith.constant 3 : i32
      %add3A_145 = arith.addi %mul3A_143, %add3A_144 : i32
      %mul3A_146 = arith.constant 128 : i32
      %mul3A_147 = arith.muli %add3A_145, %mul3A_146 : i32
      %dma_start3A_148 = arith.constant 0 : i32
      %dma_start3A_149 = tpu.memref_slice %arg2[%mul3A_147, %dma_start3A_148] : memref<327680x128xf32, #tpu.memory_space<hbm>> -> memref<128x128xf32, #tpu.memory_space<hbm>>
      %dma_start3A_150 = arith.constant 0 : i32
      %dma_start3A_151 = tpu.memref_slice %arg2[%mul3A_147, %dma_start3A_150] : memref<327680x128xf32, #tpu.memory_space<hbm>> -> memref<128x128xf32, #tpu.memory_space<hbm>>
      tpu.enqueue_dma source(%dma_start3A_151 : memref<128x128xf32, #tpu.memory_space<hbm>>) target(%arg11 : memref<128x128xf32, #tpu.memory_space<vmem>>) target_semaphore(%arg14 : memref<!tpu.dma_semaphore, #tpu.memory_space<semaphore_mem>>)
      %dma_wait3A_152 = arith.constant 0 : i32
      %dma_wait3A_153 = arith.constant 0 : i32
      %dma_wait3A_154 = tpu.memref_slice %arg2[%dma_wait3A_152, %dma_wait3A_153] : memref<327680x128xf32, #tpu.memory_space<hbm>> -> memref<128x128xf32, #tpu.memory_space<hbm>>
      %dma_wait3A_155 = arith.constant 0 : i32
      %dma_wait3A_156 = arith.constant 0 : i32
      %dma_wait3A_157 = tpu.memref_slice %arg2[%dma_wait3A_155, %dma_wait3A_156] : memref<327680x128xf32, #tpu.memory_space<hbm>> -> memref<128x128xf32, #tpu.memory_space<hbm>>
      tpu.wait_dma2 semaphore(%arg14 : memref<!tpu.dma_semaphore, #tpu.memory_space<semaphore_mem>>) src(%dma_wait3A_157 : memref<128x128xf32, #tpu.memory_space<hbm>>) dst(%arg11 : memref<128x128xf32, #tpu.memory_space<vmem>>)
      %broadcast_in_dim3A_158 = arith.constant 3 : i32
      %broadcast_in_dim3A_159 = vector.broadcast %broadcast_in_dim3A_158 : i32 to vector<16xi32>
      %parallel_loop3A_160 = arith.constant 0 : i32
      %parallel_loop3A_161 = arith.constant 128 : i32
      %parallel_loop3A_162 = arith.constant 1 : i32
      scf.for %parallel_loop3A_171 = %parallel_loop3A_160 to %parallel_loop3A_161 step %parallel_loop3A_162  : i32 {
        %parallel_loop3A_172 = vector.broadcast %parallel_loop3A_171 : i32 to vector<16xi32>
        %parallel_loop3A_173 = tpu.vector_load_idx %arg9[%broadcast_in_dim3A_159, %parallel_loop3A_172] : memref<4x128xf32, #tpu.memory_space<vmem>>[vector<16xi32>, vector<16xi32>], vector<16xf32>,
        %parallel_loop3A_174 = arith.index_cast %parallel_loop3A_171 : i32 to index
        %parallel_loop3A_175 = arith.constant 0 : index
        %parallel_loop3A_176 = tpu.vector_load %arg11[%parallel_loop3A_174, %parallel_loop3A_175] {strides = array<i32>} : memref<128x128xf32, #tpu.memory_space<vmem>>, vector<16xf32>,
        %parallel_loop3A_177 = arith.mulf %parallel_loop3A_176, %parallel_loop3A_173 : vector<16xf32>
        %parallel_loop3A_178 = arith.index_cast %parallel_loop3A_171 : i32 to index
        %parallel_loop3A_179 = arith.constant 0 : index
        %parallel_loop3A_180 = tpu.vector_load %arg11[%parallel_loop3A_178, %parallel_loop3A_179] {strides = array<i32>} : memref<128x128xf32, #tpu.memory_space<vmem>>, vector<16xf32>,
        tpu.vector_store %arg11[%parallel_loop3A_178, %parallel_loop3A_179], %parallel_loop3A_177 {strides = array<i32>} : memref<128x128xf32, #tpu.memory_space<vmem>>, vector<16xf32>,
        %parallel_loop3A_181 = arith.index_cast %parallel_loop3A_171 : i32 to index
        %parallel_loop3A_182 = arith.constant 16 : index
        %parallel_loop3A_183 = tpu.vector_load %arg11[%parallel_loop3A_181, %parallel_loop3A_182] {strides = array<i32>} : memref<128x128xf32, #tpu.memory_space<vmem>>, vector<16xf32>,
        %parallel_loop3A_184 = arith.mulf %parallel_loop3A_183, %parallel_loop3A_173 : vector<16xf32>
        %parallel_loop3A_185 = arith.index_cast %parallel_loop3A_171 : i32 to index
        %parallel_loop3A_186 = arith.constant 16 : index
        %parallel_loop3A_187 = tpu.vector_load %arg11[%parallel_loop3A_185, %parallel_loop3A_186] {strides = array<i32>} : memref<128x128xf32, #tpu.memory_space<vmem>>, vector<16xf32>,
        tpu.vector_store %arg11[%parallel_loop3A_185, %parallel_loop3A_186], %parallel_loop3A_184 {strides = array<i32>} : memref<128x128xf32, #tpu.memory_space<vmem>>, vector<16xf32>,
        %parallel_loop3A_188 = arith.index_cast %parallel_loop3A_171 : i32 to index
        %parallel_loop3A_189 = arith.constant 32 : index
        %parallel_loop3A_190 = tpu.vector_load %arg11[%parallel_loop3A_188, %parallel_loop3A_189] {strides = array<i32>} : memref<128x128xf32, #tpu.memory_space<vmem>>, vector<16xf32>,
        %parallel_loop3A_191 = arith.mulf %parallel_loop3A_190, %parallel_loop3A_173 : vector<16xf32>
        %parallel_loop3A_192 = arith.index_cast %parallel_loop3A_171 : i32 to index
        %parallel_loop3A_193 = arith.constant 32 : index
        %parallel_loop3A_194 = tpu.vector_load %arg11[%parallel_loop3A_192, %parallel_loop3A_193] {strides = array<i32>} : memref<128x128xf32, #tpu.memory_space<vmem>>, vector<16xf32>,
        tpu.vector_store %arg11[%parallel_loop3A_192, %parallel_loop3A_193], %parallel_loop3A_191 {strides = array<i32>} : memref<128x128xf32, #tpu.memory_space<vmem>>, vector<16xf32>,
        %parallel_loop3A_195 = arith.index_cast %parallel_loop3A_171 : i32 to index
        %parallel_loop3A_196 = arith.constant 48 : index
        %parallel_loop3A_197 = tpu.vector_load %arg11[%parallel_loop3A_195, %parallel_loop3A_196] {strides = array<i32>} : memref<128x128xf32, #tpu.memory_space<vmem>>, vector<16xf32>,
        %parallel_loop3A_198 = arith.mulf %parallel_loop3A_197, %parallel_loop3A_173 : vector<16xf32>
        %parallel_loop3A_199 = arith.index_cast %parallel_loop3A_171 : i32 to index
        %parallel_loop3A_200 = arith.constant 48 : index
        %parallel_loop3A_201 = tpu.vector_load %arg11[%parallel_loop3A_199, %parallel_loop3A_200] {strides = array<i32>} : memref<128x128xf32, #tpu.memory_space<vmem>>, vector<16xf32>,
        tpu.vector_store %arg11[%parallel_loop3A_199, %parallel_loop3A_200], %parallel_loop3A_198 {strides = array<i32>} : memref<128x128xf32, #tpu.memory_space<vmem>>, vector<16xf32>,
        %parallel_loop3A_202 = arith.index_cast %parallel_loop3A_171 : i32 to index
        %parallel_loop3A_203 = arith.constant 64 : index
        %parallel_loop3A_204 = tpu.vector_load %arg11[%parallel_loop3A_202, %parallel_loop3A_203] {strides = array<i32>} : memref<128x128xf32, #tpu.memory_space<vmem>>, vector<16xf32>,
        %parallel_loop3A_205 = arith.mulf %parallel_loop3A_204, %parallel_loop3A_173 : vector<16xf32>
        %parallel_loop3A_206 = arith.index_cast %parallel_loop3A_171 : i32 to index
        %parallel_loop3A_207 = arith.constant 64 : index
        %parallel_loop3A_208 = tpu.vector_load %arg11[%parallel_loop3A_206, %parallel_loop3A_207] {strides = array<i32>} : memref<128x128xf32, #tpu.memory_space<vmem>>, vector<16xf32>,
        tpu.vector_store %arg11[%parallel_loop3A_206, %parallel_loop3A_207], %parallel_loop3A_205 {strides = array<i32>} : memref<128x128xf32, #tpu.memory_space<vmem>>, vector<16xf32>,
        %parallel_loop3A_209 = arith.index_cast %parallel_loop3A_171 : i32 to index
        %parallel_loop3A_210 = arith.constant 80 : index
        %parallel_loop3A_211 = tpu.vector_load %arg11[%parallel_loop3A_209, %parallel_loop3A_210] {strides = array<i32>} : memref<128x128xf32, #tpu.memory_space<vmem>>, vector<16xf32>,
        %parallel_loop3A_212 = arith.mulf %parallel_loop3A_211, %parallel_loop3A_173 : vector<16xf32>
        %parallel_loop3A_213 = arith.index_cast %parallel_loop3A_171 : i32 to index
        %parallel_loop3A_214 = arith.constant 80 : index
        %parallel_loop3A_215 = tpu.vector_load %arg11[%parallel_loop3A_213, %parallel_loop3A_214] {strides = array<i32>} : memref<128x128xf32, #tpu.memory_space<vmem>>, vector<16xf32>,
        tpu.vector_store %arg11[%parallel_loop3A_213, %parallel_loop3A_214], %parallel_loop3A_212 {strides = array<i32>} : memref<128x128xf32, #tpu.memory_space<vmem>>, vector<16xf32>,
        %parallel_loop3A_216 = arith.index_cast %parallel_loop3A_171 : i32 to index
        %parallel_loop3A_217 = arith.constant 96 : index
        %parallel_loop3A_218 = tpu.vector_load %arg11[%parallel_loop3A_216, %parallel_loop3A_217] {strides = array<i32>} : memref<128x128xf32, #tpu.memory_space<vmem>>, vector<16xf32>,
        %parallel_loop3A_219 = arith.mulf %parallel_loop3A_218, %parallel_loop3A_173 : vector<16xf32>
        %parallel_loop3A_220 = arith.index_cast %parallel_loop3A_171 : i32 to index
        %parallel_loop3A_221 = arith.constant 96 : index
        %parallel_loop3A_222 = tpu.vector_load %arg11[%parallel_loop3A_220, %parallel_loop3A_221] {strides = array<i32>} : memref<128x128xf32, #tpu.memory_space<vmem>>, vector<16xf32>,
        tpu.vector_store %arg11[%parallel_loop3A_220, %parallel_loop3A_221], %parallel_loop3A_219 {strides = array<i32>} : memref<128x128xf32, #tpu.memory_space<vmem>>, vector<16xf32>,
        %parallel_loop3A_223 = arith.index_cast %parallel_loop3A_171 : i32 to index
        %parallel_loop3A_224 = arith.constant 112 : index
        %parallel_loop3A_225 = tpu.vector_load %arg11[%parallel_loop3A_223, %parallel_loop3A_224] {strides = array<i32>} : memref<128x128xf32, #tpu.memory_space<vmem>>, vector<16xf32>,
        %parallel_loop3A_226 = arith.mulf %parallel_loop3A_225, %parallel_loop3A_173 : vector<16xf32>
        %parallel_loop3A_227 = arith.index_cast %parallel_loop3A_171 : i32 to index
        %parallel_loop3A_228 = arith.constant 112 : index
        %parallel_loop3A_229 = tpu.vector_load %arg11[%parallel_loop3A_227, %parallel_loop3A_228] {strides = array<i32>} : memref<128x128xf32, #tpu.memory_space<vmem>>, vector<16xf32>,
        tpu.vector_store %arg11[%parallel_loop3A_227, %parallel_loop3A_228], %parallel_loop3A_226 {strides = array<i32>} : memref<128x128xf32, #tpu.memory_space<vmem>>, vector<16xf32>,
      } {sc.loop_unroll_factor = 4 : i64, sc.parallel_access}
      %dma_start3A_163 = arith.constant 3 : i32
      %dma_start3A_164 = arith.constant 0 : i32
      %dma_start3A_165 = tpu.memref_slice %arg8[%dma_start3A_163, %dma_start3A_164] : memref<4x128xi32, #tpu.memory_space<vmem>> -> memref<1x128xi32, #tpu.memory_space<vmem>>
      %dma_start3A_166 = tpu.memref_squeeze %dma_start3A_165 : memref<1x128xi32, #tpu.memory_space<vmem>> -> memref<128xi32, #tpu.memory_space<vmem>>
      %dma_start3A_167 = arith.constant 0 : i32
      %dma_start3A_168 = arith.constant 0 : i32
      %dma_start3A_169 = tpu.memref_slice %arg12[%dma_start3A_167, %dma_start3A_168] : memref<10112x128xf32, #tpu.memory_space<vmem_shared>> -> memref<10112x128xf32, #tpu.memory_space<vmem_shared>>
      tpu.enqueue_indirect_dma source(%arg11 : memref<128x128xf32, #tpu.memory_space<vmem>>) target(%dma_start3A_169 : memref<10112x128xf32, #tpu.memory_space<vmem_shared>>) offsets(%dma_start3A_166 : memref<128xi32, #tpu.memory_space<vmem>>) semaphore(%arg16 : memref<!tpu.dma_semaphore, #tpu.memory_space<semaphore_mem>>) {add = true}
      %while3A_170 = arith.constant 0 : i32
      scf.yield %while3A_170 : i32
    }
    %while3A_20 = arith.constant 1 : i32
    %while3A_21 = scf.for %while3A_42 = %while3A_17 to %while3A_13 step %while3A_20 iter_args(%while3A_43 = %while3A_19) -> (i32)  : i32 {
      %add3A_44 = arith.addi %select_n3A_10, %while3A_42 : i32
      "tpu.region"() ({
        %run_scoped3A = tpu.sem_alloc : memref<!tpu.dma_semaphore, #tpu.memory_space<semaphore_mem>>
        %dma_start3A_171 = arith.constant 0 : i32
        %dma_start3A_172 = arith.constant 0 : i32
        %dma_start3A_173 = tpu.memref_slice %arg3[%add3A_44, %dma_start3A_171, %dma_start3A_172] : memref<640x4x128xi32, #tpu.memory_space<hbm>> -> memref<1x4x128xi32, #tpu.memory_space<hbm>>
        %dma_start3A_174 = tpu.memref_squeeze %dma_start3A_173 : memref<1x4x128xi32, #tpu.memory_space<hbm>> -> memref<4x128xi32, #tpu.memory_space<hbm>>
        %dma_start3A_175 = arith.constant 0 : i32
        %dma_start3A_176 = arith.constant 0 : i32
        %dma_start3A_177 = tpu.memref_slice %arg3[%add3A_44, %dma_start3A_175, %dma_start3A_176] : memref<640x4x128xi32, #tpu.memory_space<hbm>> -> memref<1x4x128xi32, #tpu.memory_space<hbm>>
        %dma_start3A_178 = tpu.memref_squeeze %dma_start3A_177 : memref<1x4x128xi32, #tpu.memory_space<hbm>> -> memref<4x128xi32, #tpu.memory_space<hbm>>
        tpu.enqueue_dma source(%dma_start3A_178 : memref<4x128xi32, #tpu.memory_space<hbm>>) target(%arg8 : memref<4x128xi32, #tpu.memory_space<vmem>>) target_semaphore(%run_scoped3A : memref<!tpu.dma_semaphore, #tpu.memory_space<semaphore_mem>>)
        %dma_wait3A_179 = arith.constant 0 : i32
        %dma_wait3A_180 = arith.constant 0 : i32
        %dma_wait3A_181 = tpu.memref_slice %arg3[%add3A_44, %dma_wait3A_179, %dma_wait3A_180] : memref<640x4x128xi32, #tpu.memory_space<hbm>> -> memref<1x4x128xi32, #tpu.memory_space<hbm>>
        %dma_wait3A_182 = tpu.memref_squeeze %dma_wait3A_181 : memref<1x4x128xi32, #tpu.memory_space<hbm>> -> memref<4x128xi32, #tpu.memory_space<hbm>>
        %dma_wait3A_183 = arith.constant 0 : i32
        %dma_wait3A_184 = arith.constant 0 : i32
        %dma_wait3A_185 = tpu.memref_slice %arg3[%add3A_44, %dma_wait3A_183, %dma_wait3A_184] : memref<640x4x128xi32, #tpu.memory_space<hbm>> -> memref<1x4x128xi32, #tpu.memory_space<hbm>>
        %dma_wait3A_186 = tpu.memref_squeeze %dma_wait3A_185 : memref<1x4x128xi32, #tpu.memory_space<hbm>> -> memref<4x128xi32, #tpu.memory_space<hbm>>
        tpu.wait_dma2 semaphore(%run_scoped3A : memref<!tpu.dma_semaphore, #tpu.memory_space<semaphore_mem>>) src(%dma_wait3A_186 : memref<4x128xi32, #tpu.memory_space<hbm>>) dst(%arg8 : memref<4x128xi32, #tpu.memory_space<vmem>>)
        tpu.yield
      }) : () -> ()
      "tpu.region"() ({
        %run_scoped3A = tpu.sem_alloc : memref<!tpu.dma_semaphore, #tpu.memory_space<semaphore_mem>>
        %dma_start3A_171 = arith.constant 0 : i32
        %dma_start3A_172 = arith.constant 0 : i32
        %dma_start3A_173 = tpu.memref_slice %arg4[%add3A_44, %dma_start3A_171, %dma_start3A_172] : memref<640x4x128xf32, #tpu.memory_space<hbm>> -> memref<1x4x128xf32, #tpu.memory_space<hbm>>
        %dma_start3A_174 = tpu.memref_squeeze %dma_start3A_173 : memref<1x4x128xf32, #tpu.memory_space<hbm>> -> memref<4x128xf32, #tpu.memory_space<hbm>>
        %dma_start3A_175 = arith.constant 0 : i32
        %dma_start3A_176 = arith.constant 0 : i32
        %dma_start3A_177 = tpu.memref_slice %arg4[%add3A_44, %dma_start3A_175, %dma_start3A_176] : memref<640x4x128xf32, #tpu.memory_space<hbm>> -> memref<1x4x128xf32, #tpu.memory_space<hbm>>
        %dma_start3A_178 = tpu.memref_squeeze %dma_start3A_177 : memref<1x4x128xf32, #tpu.memory_space<hbm>> -> memref<4x128xf32, #tpu.memory_space<hbm>>
        tpu.enqueue_dma source(%dma_start3A_178 : memref<4x128xf32, #tpu.memory_space<hbm>>) target(%arg9 : memref<4x128xf32, #tpu.memory_space<vmem>>) target_semaphore(%run_scoped3A : memref<!tpu.dma_semaphore, #tpu.memory_space<semaphore_mem>>)
        %dma_wait3A_179 = arith.constant 0 : i32
        %dma_wait3A_180 = arith.constant 0 : i32
        %dma_wait3A_181 = tpu.memref_slice %arg4[%add3A_44, %dma_wait3A_179, %dma_wait3A_180] : memref<640x4x128xf32, #tpu.memory_space<hbm>> -> memref<1x4x128xf32, #tpu.memory_space<hbm>>
        %dma_wait3A_182 = tpu.memref_squeeze %dma_wait3A_181 : memref<1x4x128xf32, #tpu.memory_space<hbm>> -> memref<4x128xf32, #tpu.memory_space<hbm>>
        %dma_wait3A_183 = arith.constant 0 : i32
        %dma_wait3A_184 = arith.constant 0 : i32
        %dma_wait3A_185 = tpu.memref_slice %arg4[%add3A_44, %dma_wait3A_183, %dma_wait3A_184] : memref<640x4x128xf32, #tpu.memory_space<hbm>> -> memref<1x4x128xf32, #tpu.memory_space<hbm>>
        %dma_wait3A_186 = tpu.memref_squeeze %dma_wait3A_185 : memref<1x4x128xf32, #tpu.memory_space<hbm>> -> memref<4x128xf32, #tpu.memory_space<hbm>>
        tpu.wait_dma2 semaphore(%run_scoped3A : memref<!tpu.dma_semaphore, #tpu.memory_space<semaphore_mem>>) src(%dma_wait3A_186 : memref<4x128xf32, #tpu.memory_space<hbm>>) dst(%arg9 : memref<4x128xf32, #tpu.memory_space<vmem>>)
        tpu.yield
      }) : () -> ()
      %gt3A = arith.constant 0 : i32
      %gt3A_45 = arith.cmpi sgt, %while3A_42, %gt3A : i32
      %convert_element_type3A_46 = arith.extui %gt3A_45 : i1 to i32
      %cond3A_47 = arith.constant 0 : i32
      %cond3A_48 = arith.cmpi ne, %convert_element_type3A_46, %cond3A_47 : i32
      scf.if %cond3A_48 {
        %dma_wait3A_171 = arith.constant 0 : i32
        %dma_wait3A_172 = arith.constant 0 : i32
        %dma_wait3A_173 = tpu.memref_slice %arg2[%dma_wait3A_171, %dma_wait3A_172] : memref<327680x128xf32, #tpu.memory_space<hbm>> -> memref<128x128xf32, #tpu.memory_space<hbm>>
        %dma_wait3A_174 = arith.constant 0 : i32
        %dma_wait3A_175 = arith.constant 0 : i32
        %dma_wait3A_176 = tpu.memref_slice %arg2[%dma_wait3A_174, %dma_wait3A_175] : memref<327680x128xf32, #tpu.memory_space<hbm>> -> memref<128x128xf32, #tpu.memory_space<hbm>>
        tpu.wait_dma2 semaphore(%arg15 : memref<!tpu.dma_semaphore, #tpu.memory_space<semaphore_mem>>) src(%dma_wait3A_176 : memref<128x128xf32, #tpu.memory_space<hbm>>) dst(%arg10 : memref<128x128xf32, #tpu.memory_space<vmem>>)
        %dma_wait3A_177 = arith.constant 0 : i32
        %dma_wait3A_178 = arith.constant 0 : i32
        %dma_wait3A_179 = tpu.memref_slice %arg2[%dma_wait3A_177, %dma_wait3A_178] : memref<327680x128xf32, #tpu.memory_space<hbm>> -> memref<128x128xf32, #tpu.memory_space<hbm>>
        %dma_wait3A_180 = arith.constant 0 : i32
        %dma_wait3A_181 = arith.constant 0 : i32
        %dma_wait3A_182 = tpu.memref_slice %arg2[%dma_wait3A_180, %dma_wait3A_181] : memref<327680x128xf32, #tpu.memory_space<hbm>> -> memref<128x128xf32, #tpu.memory_space<hbm>>
        tpu.wait_dma2 semaphore(%arg16 : memref<!tpu.dma_semaphore, #tpu.memory_space<semaphore_mem>>) src(%dma_wait3A_182 : memref<128x128xf32, #tpu.memory_space<hbm>>) dst(%arg11 : memref<128x128xf32, #tpu.memory_space<vmem>>)
      } else {
      }
      %mul3A_49 = arith.constant 4 : i32
      %mul3A_50 = arith.muli %add3A_44, %mul3A_49 : i32
      %add3A_51 = arith.constant 0 : i32
      %add3A_52 = arith.addi %mul3A_50, %add3A_51 : i32
      %mul3A_53 = arith.constant 128 : i32
      %mul3A_54 = arith.muli %add3A_52, %mul3A_53 : i32
      %dma_start3A = arith.constant 0 : i32
      %dma_start3A_55 = tpu.memref_slice %arg2[%mul3A_54, %dma_start3A] : memref<327680x128xf32, #tpu.memory_space<hbm>> -> memref<128x128xf32, #tpu.memory_space<hbm>>
      %dma_start3A_56 = arith.constant 0 : i32
      %dma_start3A_57 = tpu.memref_slice %arg2[%mul3A_54, %dma_start3A_56] : memref<327680x128xf32, #tpu.memory_space<hbm>> -> memref<128x128xf32, #tpu.memory_space<hbm>>
      tpu.enqueue_dma source(%dma_start3A_57 : memref<128x128xf32, #tpu.memory_space<hbm>>) target(%arg10 : memref<128x128xf32, #tpu.memory_space<vmem>>) target_semaphore(%arg13 : memref<!tpu.dma_semaphore, #tpu.memory_space<semaphore_mem>>)
      %mul3A_58 = arith.constant 4 : i32
      %mul3A_59 = arith.muli %add3A_44, %mul3A_58 : i32
      %add3A_60 = arith.constant 1 : i32
      %add3A_61 = arith.addi %mul3A_59, %add3A_60 : i32
      %mul3A_62 = arith.constant 128 : i32
      %mul3A_63 = arith.muli %add3A_61, %mul3A_62 : i32
      %dma_start3A_64 = arith.constant 0 : i32
      %dma_start3A_65 = tpu.memref_slice %arg2[%mul3A_63, %dma_start3A_64] : memref<327680x128xf32, #tpu.memory_space<hbm>> -> memref<128x128xf32, #tpu.memory_space<hbm>>
      %dma_start3A_66 = arith.constant 0 : i32
      %dma_start3A_67 = tpu.memref_slice %arg2[%mul3A_63, %dma_start3A_66] : memref<327680x128xf32, #tpu.memory_space<hbm>> -> memref<128x128xf32, #tpu.memory_space<hbm>>
      tpu.enqueue_dma source(%dma_start3A_67 : memref<128x128xf32, #tpu.memory_space<hbm>>) target(%arg11 : memref<128x128xf32, #tpu.memory_space<vmem>>) target_semaphore(%arg14 : memref<!tpu.dma_semaphore, #tpu.memory_space<semaphore_mem>>)
      %dma_wait3A_68 = arith.constant 0 : i32
      %dma_wait3A_69 = arith.constant 0 : i32
      %dma_wait3A_70 = tpu.memref_slice %arg2[%dma_wait3A_68, %dma_wait3A_69] : memref<327680x128xf32, #tpu.memory_space<hbm>> -> memref<128x128xf32, #tpu.memory_space<hbm>>
      %dma_wait3A_71 = arith.constant 0 : i32
      %dma_wait3A_72 = arith.constant 0 : i32
      %dma_wait3A_73 = tpu.memref_slice %arg2[%dma_wait3A_71, %dma_wait3A_72] : memref<327680x128xf32, #tpu.memory_space<hbm>> -> memref<128x128xf32, #tpu.memory_space<hbm>>
      tpu.wait_dma2 semaphore(%arg13 : memref<!tpu.dma_semaphore, #tpu.memory_space<semaphore_mem>>) src(%dma_wait3A_73 : memref<128x128xf32, #tpu.memory_space<hbm>>) dst(%arg10 : memref<128x128xf32, #tpu.memory_space<vmem>>)
      %broadcast_in_dim3A = arith.constant 0 : i32
      %broadcast_in_dim3A_74 = vector.broadcast %broadcast_in_dim3A : i32 to vector<16xi32>
      %parallel_loop3A = arith.constant 0 : i32
      %parallel_loop3A_75 = arith.constant 128 : i32
      %parallel_loop3A_76 = arith.constant 1 : i32
      scf.for %parallel_loop3A_171 = %parallel_loop3A to %parallel_loop3A_75 step %parallel_loop3A_76  : i32 {
        %parallel_loop3A_172 = vector.broadcast %parallel_loop3A_171 : i32 to vector<16xi32>
        %parallel_loop3A_173 = tpu.vector_load_idx %arg9[%broadcast_in_dim3A_74, %parallel_loop3A_172] : memref<4x128xf32, #tpu.memory_space<vmem>>[vector<16xi32>, vector<16xi32>], vector<16xf32>,
        %parallel_loop3A_174 = arith.index_cast %parallel_loop3A_171 : i32 to index
        %parallel_loop3A_175 = arith.constant 0 : index
        %parallel_loop3A_176 = tpu.vector_load %arg10[%parallel_loop3A_174, %parallel_loop3A_175] {strides = array<i32>} : memref<128x128xf32, #tpu.memory_space<vmem>>, vector<16xf32>,
        %parallel_loop3A_177 = arith.mulf %parallel_loop3A_176, %parallel_loop3A_173 : vector<16xf32>
        %parallel_loop3A_178 = arith.index_cast %parallel_loop3A_171 : i32 to index
        %parallel_loop3A_179 = arith.constant 0 : index
        %parallel_loop3A_180 = tpu.vector_load %arg10[%parallel_loop3A_178, %parallel_loop3A_179] {strides = array<i32>} : memref<128x128xf32, #tpu.memory_space<vmem>>, vector<16xf32>,
        tpu.vector_store %arg10[%parallel_loop3A_178, %parallel_loop3A_179], %parallel_loop3A_177 {strides = array<i32>} : memref<128x128xf32, #tpu.memory_space<vmem>>, vector<16xf32>,
        %parallel_loop3A_181 = arith.index_cast %parallel_loop3A_171 : i32 to index
        %parallel_loop3A_182 = arith.constant 16 : index
        %parallel_loop3A_183 = tpu.vector_load %arg10[%parallel_loop3A_181, %parallel_loop3A_182] {strides = array<i32>} : memref<128x128xf32, #tpu.memory_space<vmem>>, vector<16xf32>,
        %parallel_loop3A_184 = arith.mulf %parallel_loop3A_183, %parallel_loop3A_173 : vector<16xf32>
        %parallel_loop3A_185 = arith.index_cast %parallel_loop3A_171 : i32 to index
        %parallel_loop3A_186 = arith.constant 16 : index
        %parallel_loop3A_187 = tpu.vector_load %arg10[%parallel_loop3A_185, %parallel_loop3A_186] {strides = array<i32>} : memref<128x128xf32, #tpu.memory_space<vmem>>, vector<16xf32>,
        tpu.vector_store %arg10[%parallel_loop3A_185, %parallel_loop3A_186], %parallel_loop3A_184 {strides = array<i32>} : memref<128x128xf32, #tpu.memory_space<vmem>>, vector<16xf32>,
        %parallel_loop3A_188 = arith.index_cast %parallel_loop3A_171 : i32 to index
        %parallel_loop3A_189 = arith.constant 32 : index
        %parallel_loop3A_190 = tpu.vector_load %arg10[%parallel_loop3A_188, %parallel_loop3A_189] {strides = array<i32>} : memref<128x128xf32, #tpu.memory_space<vmem>>, vector<16xf32>,
        %parallel_loop3A_191 = arith.mulf %parallel_loop3A_190, %parallel_loop3A_173 : vector<16xf32>
        %parallel_loop3A_192 = arith.index_cast %parallel_loop3A_171 : i32 to index
        %parallel_loop3A_193 = arith.constant 32 : index
        %parallel_loop3A_194 = tpu.vector_load %arg10[%parallel_loop3A_192, %parallel_loop3A_193] {strides = array<i32>} : memref<128x128xf32, #tpu.memory_space<vmem>>, vector<16xf32>,
        tpu.vector_store %arg10[%parallel_loop3A_192, %parallel_loop3A_193], %parallel_loop3A_191 {strides = array<i32>} : memref<128x128xf32, #tpu.memory_space<vmem>>, vector<16xf32>,
        %parallel_loop3A_195 = arith.index_cast %parallel_loop3A_171 : i32 to index
        %parallel_loop3A_196 = arith.constant 48 : index
        %parallel_loop3A_197 = tpu.vector_load %arg10[%parallel_loop3A_195, %parallel_loop3A_196] {strides = array<i32>} : memref<128x128xf32, #tpu.memory_space<vmem>>, vector<16xf32>,
        %parallel_loop3A_198 = arith.mulf %parallel_loop3A_197, %parallel_loop3A_173 : vector<16xf32>
        %parallel_loop3A_199 = arith.index_cast %parallel_loop3A_171 : i32 to index
        %parallel_loop3A_200 = arith.constant 48 : index
        %parallel_loop3A_201 = tpu.vector_load %arg10[%parallel_loop3A_199, %parallel_loop3A_200] {strides = array<i32>} : memref<128x128xf32, #tpu.memory_space<vmem>>, vector<16xf32>,
        tpu.vector_store %arg10[%parallel_loop3A_199, %parallel_loop3A_200], %parallel_loop3A_198 {strides = array<i32>} : memref<128x128xf32, #tpu.memory_space<vmem>>, vector<16xf32>,
        %parallel_loop3A_202 = arith.index_cast %parallel_loop3A_171 : i32 to index
        %parallel_loop3A_203 = arith.constant 64 : index
        %parallel_loop3A_204 = tpu.vector_load %arg10[%parallel_loop3A_202, %parallel_loop3A_203] {strides = array<i32>} : memref<128x128xf32, #tpu.memory_space<vmem>>, vector<16xf32>,
        %parallel_loop3A_205 = arith.mulf %parallel_loop3A_204, %parallel_loop3A_173 : vector<16xf32>
        %parallel_loop3A_206 = arith.index_cast %parallel_loop3A_171 : i32 to index
        %parallel_loop3A_207 = arith.constant 64 : index
        %parallel_loop3A_208 = tpu.vector_load %arg10[%parallel_loop3A_206, %parallel_loop3A_207] {strides = array<i32>} : memref<128x128xf32, #tpu.memory_space<vmem>>, vector<16xf32>,
        tpu.vector_store %arg10[%parallel_loop3A_206, %parallel_loop3A_207], %parallel_loop3A_205 {strides = array<i32>} : memref<128x128xf32, #tpu.memory_space<vmem>>, vector<16xf32>,
        %parallel_loop3A_209 = arith.index_cast %parallel_loop3A_171 : i32 to index
        %parallel_loop3A_210 = arith.constant 80 : index
        %parallel_loop3A_211 = tpu.vector_load %arg10[%parallel_loop3A_209, %parallel_loop3A_210] {strides = array<i32>} : memref<128x128xf32, #tpu.memory_space<vmem>>, vector<16xf32>,
        %parallel_loop3A_212 = arith.mulf %parallel_loop3A_211, %parallel_loop3A_173 : vector<16xf32>
        %parallel_loop3A_213 = arith.index_cast %parallel_loop3A_171 : i32 to index
        %parallel_loop3A_214 = arith.constant 80 : index
        %parallel_loop3A_215 = tpu.vector_load %arg10[%parallel_loop3A_213, %parallel_loop3A_214] {strides = array<i32>} : memref<128x128xf32, #tpu.memory_space<vmem>>, vector<16xf32>,
        tpu.vector_store %arg10[%parallel_loop3A_213, %parallel_loop3A_214], %parallel_loop3A_212 {strides = array<i32>} : memref<128x128xf32, #tpu.memory_space<vmem>>, vector<16xf32>,
        %parallel_loop3A_216 = arith.index_cast %parallel_loop3A_171 : i32 to index
        %parallel_loop3A_217 = arith.constant 96 : index
        %parallel_loop3A_218 = tpu.vector_load %arg10[%parallel_loop3A_216, %parallel_loop3A_217] {strides = array<i32>} : memref<128x128xf32, #tpu.memory_space<vmem>>, vector<16xf32>,
        %parallel_loop3A_219 = arith.mulf %parallel_loop3A_218, %parallel_loop3A_173 : vector<16xf32>
        %parallel_loop3A_220 = arith.index_cast %parallel_loop3A_171 : i32 to index
        %parallel_loop3A_221 = arith.constant 96 : index
        %parallel_loop3A_222 = tpu.vector_load %arg10[%parallel_loop3A_220, %parallel_loop3A_221] {strides = array<i32>} : memref<128x128xf32, #tpu.memory_space<vmem>>, vector<16xf32>,
        tpu.vector_store %arg10[%parallel_loop3A_220, %parallel_loop3A_221], %parallel_loop3A_219 {strides = array<i32>} : memref<128x128xf32, #tpu.memory_space<vmem>>, vector<16xf32>,
        %parallel_loop3A_223 = arith.index_cast %parallel_loop3A_171 : i32 to index
        %parallel_loop3A_224 = arith.constant 112 : index
        %parallel_loop3A_225 = tpu.vector_load %arg10[%parallel_loop3A_223, %parallel_loop3A_224] {strides = array<i32>} : memref<128x128xf32, #tpu.memory_space<vmem>>, vector<16xf32>,
        %parallel_loop3A_226 = arith.mulf %parallel_loop3A_225, %parallel_loop3A_173 : vector<16xf32>
        %parallel_loop3A_227 = arith.index_cast %parallel_loop3A_171 : i32 to index
        %parallel_loop3A_228 = arith.constant 112 : index
        %parallel_loop3A_229 = tpu.vector_load %arg10[%parallel_loop3A_227, %parallel_loop3A_228] {strides = array<i32>} : memref<128x128xf32, #tpu.memory_space<vmem>>, vector<16xf32>,
        tpu.vector_store %arg10[%parallel_loop3A_227, %parallel_loop3A_228], %parallel_loop3A_226 {strides = array<i32>} : memref<128x128xf32, #tpu.memory_space<vmem>>, vector<16xf32>,
      } {sc.loop_unroll_factor = 4 : i64, sc.parallel_access}
      %dma_start3A_77 = arith.constant 0 : i32
      %dma_start3A_78 = arith.constant 0 : i32
      %dma_start3A_79 = tpu.memref_slice %arg8[%dma_start3A_77, %dma_start3A_78] : memref<4x128xi32, #tpu.memory_space<vmem>> -> memref<1x128xi32, #tpu.memory_space<vmem>>
      %dma_start3A_80 = tpu.memref_squeeze %dma_start3A_79 : memref<1x128xi32, #tpu.memory_space<vmem>> -> memref<128xi32, #tpu.memory_space<vmem>>
      %dma_start3A_81 = arith.constant 0 : i32
      %dma_start3A_82 = arith.constant 0 : i32
      %dma_start3A_83 = tpu.memref_slice %arg12[%dma_start3A_81, %dma_start3A_82] : memref<10112x128xf32, #tpu.memory_space<vmem_shared>> -> memref<10112x128xf32, #tpu.memory_space<vmem_shared>>
      tpu.enqueue_indirect_dma source(%arg10 : memref<128x128xf32, #tpu.memory_space<vmem>>) target(%dma_start3A_83 : memref<10112x128xf32, #tpu.memory_space<vmem_shared>>) offsets(%dma_start3A_80 : memref<128xi32, #tpu.memory_space<vmem>>) semaphore(%arg15 : memref<!tpu.dma_semaphore, #tpu.memory_space<semaphore_mem>>) {add = true}
      %dma_wait3A_84 = arith.constant 0 : i32
      %dma_wait3A_85 = arith.constant 0 : i32
      %dma_wait3A_86 = tpu.memref_slice %arg2[%dma_wait3A_84, %dma_wait3A_85] : memref<327680x128xf32, #tpu.memory_space<hbm>> -> memref<128x128xf32, #tpu.memory_space<hbm>>
      %dma_wait3A_87 = arith.constant 0 : i32
      %dma_wait3A_88 = arith.constant 0 : i32
      %dma_wait3A_89 = tpu.memref_slice %arg2[%dma_wait3A_87, %dma_wait3A_88] : memref<327680x128xf32, #tpu.memory_space<hbm>> -> memref<128x128xf32, #tpu.memory_space<hbm>>
      tpu.wait_dma2 semaphore(%arg14 : memref<!tpu.dma_semaphore, #tpu.memory_space<semaphore_mem>>) src(%dma_wait3A_89 : memref<128x128xf32, #tpu.memory_space<hbm>>) dst(%arg11 : memref<128x128xf32, #tpu.memory_space<vmem>>)
      %broadcast_in_dim3A_90 = arith.constant 1 : i32
      %broadcast_in_dim3A_91 = vector.broadcast %broadcast_in_dim3A_90 : i32 to vector<16xi32>
      %parallel_loop3A_92 = arith.constant 0 : i32
      %parallel_loop3A_93 = arith.constant 128 : i32
      %parallel_loop3A_94 = arith.constant 1 : i32
      scf.for %parallel_loop3A_171 = %parallel_loop3A_92 to %parallel_loop3A_93 step %parallel_loop3A_94  : i32 {
        %parallel_loop3A_172 = vector.broadcast %parallel_loop3A_171 : i32 to vector<16xi32>
        %parallel_loop3A_173 = tpu.vector_load_idx %arg9[%broadcast_in_dim3A_91, %parallel_loop3A_172] : memref<4x128xf32, #tpu.memory_space<vmem>>[vector<16xi32>, vector<16xi32>], vector<16xf32>,
        %parallel_loop3A_174 = arith.index_cast %parallel_loop3A_171 : i32 to index
        %parallel_loop3A_175 = arith.constant 0 : index
        %parallel_loop3A_176 = tpu.vector_load %arg11[%parallel_loop3A_174, %parallel_loop3A_175] {strides = array<i32>} : memref<128x128xf32, #tpu.memory_space<vmem>>, vector<16xf32>,
        %parallel_loop3A_177 = arith.mulf %parallel_loop3A_176, %parallel_loop3A_173 : vector<16xf32>
        %parallel_loop3A_178 = arith.index_cast %parallel_loop3A_171 : i32 to index
        %parallel_loop3A_179 = arith.constant 0 : index
        %parallel_loop3A_180 = tpu.vector_load %arg11[%parallel_loop3A_178, %parallel_loop3A_179] {strides = array<i32>} : memref<128x128xf32, #tpu.memory_space<vmem>>, vector<16xf32>,
        tpu.vector_store %arg11[%parallel_loop3A_178, %parallel_loop3A_179], %parallel_loop3A_177 {strides = array<i32>} : memref<128x128xf32, #tpu.memory_space<vmem>>, vector<16xf32>,
        %parallel_loop3A_181 = arith.index_cast %parallel_loop3A_171 : i32 to index
        %parallel_loop3A_182 = arith.constant 16 : index
        %parallel_loop3A_183 = tpu.vector_load %arg11[%parallel_loop3A_181, %parallel_loop3A_182] {strides = array<i32>} : memref<128x128xf32, #tpu.memory_space<vmem>>, vector<16xf32>,
        %parallel_loop3A_184 = arith.mulf %parallel_loop3A_183, %parallel_loop3A_173 : vector<16xf32>
        %parallel_loop3A_185 = arith.index_cast %parallel_loop3A_171 : i32 to index
        %parallel_loop3A_186 = arith.constant 16 : index
        %parallel_loop3A_187 = tpu.vector_load %arg11[%parallel_loop3A_185, %parallel_loop3A_186] {strides = array<i32>} : memref<128x128xf32, #tpu.memory_space<vmem>>, vector<16xf32>,
        tpu.vector_store %arg11[%parallel_loop3A_185, %parallel_loop3A_186], %parallel_loop3A_184 {strides = array<i32>} : memref<128x128xf32, #tpu.memory_space<vmem>>, vector<16xf32>,
        %parallel_loop3A_188 = arith.index_cast %parallel_loop3A_171 : i32 to index
        %parallel_loop3A_189 = arith.constant 32 : index
        %parallel_loop3A_190 = tpu.vector_load %arg11[%parallel_loop3A_188, %parallel_loop3A_189] {strides = array<i32>} : memref<128x128xf32, #tpu.memory_space<vmem>>, vector<16xf32>,
        %parallel_loop3A_191 = arith.mulf %parallel_loop3A_190, %parallel_loop3A_173 : vector<16xf32>
        %parallel_loop3A_192 = arith.index_cast %parallel_loop3A_171 : i32 to index
        %parallel_loop3A_193 = arith.constant 32 : index
        %parallel_loop3A_194 = tpu.vector_load %arg11[%parallel_loop3A_192, %parallel_loop3A_193] {strides = array<i32>} : memref<128x128xf32, #tpu.memory_space<vmem>>, vector<16xf32>,
        tpu.vector_store %arg11[%parallel_loop3A_192, %parallel_loop3A_193], %parallel_loop3A_191 {strides = array<i32>} : memref<128x128xf32, #tpu.memory_space<vmem>>, vector<16xf32>,
        %parallel_loop3A_195 = arith.index_cast %parallel_loop3A_171 : i32 to index
        %parallel_loop3A_196 = arith.constant 48 : index
        %parallel_loop3A_197 = tpu.vector_load %arg11[%parallel_loop3A_195, %parallel_loop3A_196] {strides = array<i32>} : memref<128x128xf32, #tpu.memory_space<vmem>>, vector<16xf32>,
        %parallel_loop3A_198 = arith.mulf %parallel_loop3A_197, %parallel_loop3A_173 : vector<16xf32>
        %parallel_loop3A_199 = arith.index_cast %parallel_loop3A_171 : i32 to index
        %parallel_loop3A_200 = arith.constant 48 : index
        %parallel_loop3A_201 = tpu.vector_load %arg11[%parallel_loop3A_199, %parallel_loop3A_200] {strides = array<i32>} : memref<128x128xf32, #tpu.memory_space<vmem>>, vector<16xf32>,
        tpu.vector_store %arg11[%parallel_loop3A_199, %parallel_loop3A_200], %parallel_loop3A_198 {strides = array<i32>} : memref<128x128xf32, #tpu.memory_space<vmem>>, vector<16xf32>,
        %parallel_loop3A_202 = arith.index_cast %parallel_loop3A_171 : i32 to index
        %parallel_loop3A_203 = arith.constant 64 : index
        %parallel_loop3A_204 = tpu.vector_load %arg11[%parallel_loop3A_202, %parallel_loop3A_203] {strides = array<i32>} : memref<128x128xf32, #tpu.memory_space<vmem>>, vector<16xf32>,
        %parallel_loop3A_205 = arith.mulf %parallel_loop3A_204, %parallel_loop3A_173 : vector<16xf32>
        %parallel_loop3A_206 = arith.index_cast %parallel_loop3A_171 : i32 to index
        %parallel_loop3A_207 = arith.constant 64 : index
        %parallel_loop3A_208 = tpu.vector_load %arg11[%parallel_loop3A_206, %parallel_loop3A_207] {strides = array<i32>} : memref<128x128xf32, #tpu.memory_space<vmem>>, vector<16xf32>,
        tpu.vector_store %arg11[%parallel_loop3A_206, %parallel_loop3A_207], %parallel_loop3A_205 {strides = array<i32>} : memref<128x128xf32, #tpu.memory_space<vmem>>, vector<16xf32>,
        %parallel_loop3A_209 = arith.index_cast %parallel_loop3A_171 : i32 to index
        %parallel_loop3A_210 = arith.constant 80 : index
        %parallel_loop3A_211 = tpu.vector_load %arg11[%parallel_loop3A_209, %parallel_loop3A_210] {strides = array<i32>} : memref<128x128xf32, #tpu.memory_space<vmem>>, vector<16xf32>,
        %parallel_loop3A_212 = arith.mulf %parallel_loop3A_211, %parallel_loop3A_173 : vector<16xf32>
        %parallel_loop3A_213 = arith.index_cast %parallel_loop3A_171 : i32 to index
        %parallel_loop3A_214 = arith.constant 80 : index
        %parallel_loop3A_215 = tpu.vector_load %arg11[%parallel_loop3A_213, %parallel_loop3A_214] {strides = array<i32>} : memref<128x128xf32, #tpu.memory_space<vmem>>, vector<16xf32>,
        tpu.vector_store %arg11[%parallel_loop3A_213, %parallel_loop3A_214], %parallel_loop3A_212 {strides = array<i32>} : memref<128x128xf32, #tpu.memory_space<vmem>>, vector<16xf32>,
        %parallel_loop3A_216 = arith.index_cast %parallel_loop3A_171 : i32 to index
        %parallel_loop3A_217 = arith.constant 96 : index
        %parallel_loop3A_218 = tpu.vector_load %arg11[%parallel_loop3A_216, %parallel_loop3A_217] {strides = array<i32>} : memref<128x128xf32, #tpu.memory_space<vmem>>, vector<16xf32>,
        %parallel_loop3A_219 = arith.mulf %parallel_loop3A_218, %parallel_loop3A_173 : vector<16xf32>
        %parallel_loop3A_220 = arith.index_cast %parallel_loop3A_171 : i32 to index
        %parallel_loop3A_221 = arith.constant 96 : index
        %parallel_loop3A_222 = tpu.vector_load %arg11[%parallel_loop3A_220, %parallel_loop3A_221] {strides = array<i32>} : memref<128x128xf32, #tpu.memory_space<vmem>>, vector<16xf32>,
        tpu.vector_store %arg11[%parallel_loop3A_220, %parallel_loop3A_221], %parallel_loop3A_219 {strides = array<i32>} : memref<128x128xf32, #tpu.memory_space<vmem>>, vector<16xf32>,
        %parallel_loop3A_223 = arith.index_cast %parallel_loop3A_171 : i32 to index
        %parallel_loop3A_224 = arith.constant 112 : index
        %parallel_loop3A_225 = tpu.vector_load %arg11[%parallel_loop3A_223, %parallel_loop3A_224] {strides = array<i32>} : memref<128x128xf32, #tpu.memory_space<vmem>>, vector<16xf32>,
        %parallel_loop3A_226 = arith.mulf %parallel_loop3A_225, %parallel_loop3A_173 : vector<16xf32>
        %parallel_loop3A_227 = arith.index_cast %parallel_loop3A_171 : i32 to index
        %parallel_loop3A_228 = arith.constant 112 : index
        %parallel_loop3A_229 = tpu.vector_load %arg11[%parallel_loop3A_227, %parallel_loop3A_228] {strides = array<i32>} : memref<128x128xf32, #tpu.memory_space<vmem>>, vector<16xf32>,
        tpu.vector_store %arg11[%parallel_loop3A_227, %parallel_loop3A_228], %parallel_loop3A_226 {strides = array<i32>} : memref<128x128xf32, #tpu.memory_space<vmem>>, vector<16xf32>,
      } {sc.loop_unroll_factor = 4 : i64, sc.parallel_access}
      %dma_start3A_95 = arith.constant 1 : i32
      %dma_start3A_96 = arith.constant 0 : i32
      %dma_start3A_97 = tpu.memref_slice %arg8[%dma_start3A_95, %dma_start3A_96] : memref<4x128xi32, #tpu.memory_space<vmem>> -> memref<1x128xi32, #tpu.memory_space<vmem>>
      %dma_start3A_98 = tpu.memref_squeeze %dma_start3A_97 : memref<1x128xi32, #tpu.memory_space<vmem>> -> memref<128xi32, #tpu.memory_space<vmem>>
      %dma_start3A_99 = arith.constant 0 : i32
      %dma_start3A_100 = arith.constant 0 : i32
      %dma_start3A_101 = tpu.memref_slice %arg12[%dma_start3A_99, %dma_start3A_100] : memref<10112x128xf32, #tpu.memory_space<vmem_shared>> -> memref<10112x128xf32, #tpu.memory_space<vmem_shared>>
      tpu.enqueue_indirect_dma source(%arg11 : memref<128x128xf32, #tpu.memory_space<vmem>>) target(%dma_start3A_101 : memref<10112x128xf32, #tpu.memory_space<vmem_shared>>) offsets(%dma_start3A_98 : memref<128xi32, #tpu.memory_space<vmem>>) semaphore(%arg16 : memref<!tpu.dma_semaphore, #tpu.memory_space<semaphore_mem>>) {add = true}
      %dma_wait3A_102 = arith.constant 0 : i32
      %dma_wait3A_103 = arith.constant 0 : i32
      %dma_wait3A_104 = tpu.memref_slice %arg2[%dma_wait3A_102, %dma_wait3A_103] : memref<327680x128xf32, #tpu.memory_space<hbm>> -> memref<128x128xf32, #tpu.memory_space<hbm>>
      %dma_wait3A_105 = arith.constant 0 : i32
      %dma_wait3A_106 = arith.constant 0 : i32
      %dma_wait3A_107 = tpu.memref_slice %arg2[%dma_wait3A_105, %dma_wait3A_106] : memref<327680x128xf32, #tpu.memory_space<hbm>> -> memref<128x128xf32, #tpu.memory_space<hbm>>
      tpu.wait_dma2 semaphore(%arg15 : memref<!tpu.dma_semaphore, #tpu.memory_space<semaphore_mem>>) src(%dma_wait3A_107 : memref<128x128xf32, #tpu.memory_space<hbm>>) dst(%arg10 : memref<128x128xf32, #tpu.memory_space<vmem>>)
      %mul3A_108 = arith.constant 4 : i32
      %mul3A_109 = arith.muli %add3A_44, %mul3A_108 : i32
      %add3A_110 = arith.constant 2 : i32
      %add3A_111 = arith.addi %mul3A_109, %add3A_110 : i32
      %mul3A_112 = arith.constant 128 : i32
      %mul3A_113 = arith.muli %add3A_111, %mul3A_112 : i32
      %dma_start3A_114 = arith.constant 0 : i32
      %dma_start3A_115 = tpu.memref_slice %arg2[%mul3A_113, %dma_start3A_114] : memref<327680x128xf32, #tpu.memory_space<hbm>> -> memref<128x128xf32, #tpu.memory_space<hbm>>
      %dma_start3A_116 = arith.constant 0 : i32
      %dma_start3A_117 = tpu.memref_slice %arg2[%mul3A_113, %dma_start3A_116] : memref<327680x128xf32, #tpu.memory_space<hbm>> -> memref<128x128xf32, #tpu.memory_space<hbm>>
      tpu.enqueue_dma source(%dma_start3A_117 : memref<128x128xf32, #tpu.memory_space<hbm>>) target(%arg10 : memref<128x128xf32, #tpu.memory_space<vmem>>) target_semaphore(%arg13 : memref<!tpu.dma_semaphore, #tpu.memory_space<semaphore_mem>>)
      %dma_wait3A_118 = arith.constant 0 : i32
      %dma_wait3A_119 = arith.constant 0 : i32
      %dma_wait3A_120 = tpu.memref_slice %arg2[%dma_wait3A_118, %dma_wait3A_119] : memref<327680x128xf32, #tpu.memory_space<hbm>> -> memref<128x128xf32, #tpu.memory_space<hbm>>
      %dma_wait3A_121 = arith.constant 0 : i32
      %dma_wait3A_122 = arith.constant 0 : i32
      %dma_wait3A_123 = tpu.memref_slice %arg2[%dma_wait3A_121, %dma_wait3A_122] : memref<327680x128xf32, #tpu.memory_space<hbm>> -> memref<128x128xf32, #tpu.memory_space<hbm>>
      tpu.wait_dma2 semaphore(%arg13 : memref<!tpu.dma_semaphore, #tpu.memory_space<semaphore_mem>>) src(%dma_wait3A_123 : memref<128x128xf32, #tpu.memory_space<hbm>>) dst(%arg10 : memref<128x128xf32, #tpu.memory_space<vmem>>)
      %broadcast_in_dim3A_124 = arith.constant 2 : i32
      %broadcast_in_dim3A_125 = vector.broadcast %broadcast_in_dim3A_124 : i32 to vector<16xi32>
      %parallel_loop3A_126 = arith.constant 0 : i32
      %parallel_loop3A_127 = arith.constant 128 : i32
      %parallel_loop3A_128 = arith.constant 1 : i32
      scf.for %parallel_loop3A_171 = %parallel_loop3A_126 to %parallel_loop3A_127 step %parallel_loop3A_128  : i32 {
        %parallel_loop3A_172 = vector.broadcast %parallel_loop3A_171 : i32 to vector<16xi32>
        %parallel_loop3A_173 = tpu.vector_load_idx %arg9[%broadcast_in_dim3A_125, %parallel_loop3A_172] : memref<4x128xf32, #tpu.memory_space<vmem>>[vector<16xi32>, vector<16xi32>], vector<16xf32>,
        %parallel_loop3A_174 = arith.index_cast %parallel_loop3A_171 : i32 to index
        %parallel_loop3A_175 = arith.constant 0 : index
        %parallel_loop3A_176 = tpu.vector_load %arg10[%parallel_loop3A_174, %parallel_loop3A_175] {strides = array<i32>} : memref<128x128xf32, #tpu.memory_space<vmem>>, vector<16xf32>,
        %parallel_loop3A_177 = arith.mulf %parallel_loop3A_176, %parallel_loop3A_173 : vector<16xf32>
        %parallel_loop3A_178 = arith.index_cast %parallel_loop3A_171 : i32 to index
        %parallel_loop3A_179 = arith.constant 0 : index
        %parallel_loop3A_180 = tpu.vector_load %arg10[%parallel_loop3A_178, %parallel_loop3A_179] {strides = array<i32>} : memref<128x128xf32, #tpu.memory_space<vmem>>, vector<16xf32>,
        tpu.vector_store %arg10[%parallel_loop3A_178, %parallel_loop3A_179], %parallel_loop3A_177 {strides = array<i32>} : memref<128x128xf32, #tpu.memory_space<vmem>>, vector<16xf32>,
        %parallel_loop3A_181 = arith.index_cast %parallel_loop3A_171 : i32 to index
        %parallel_loop3A_182 = arith.constant 16 : index
        %parallel_loop3A_183 = tpu.vector_load %arg10[%parallel_loop3A_181, %parallel_loop3A_182] {strides = array<i32>} : memref<128x128xf32, #tpu.memory_space<vmem>>, vector<16xf32>,
        %parallel_loop3A_184 = arith.mulf %parallel_loop3A_183, %parallel_loop3A_173 : vector<16xf32>
        %parallel_loop3A_185 = arith.index_cast %parallel_loop3A_171 : i32 to index
        %parallel_loop3A_186 = arith.constant 16 : index
        %parallel_loop3A_187 = tpu.vector_load %arg10[%parallel_loop3A_185, %parallel_loop3A_186] {strides = array<i32>} : memref<128x128xf32, #tpu.memory_space<vmem>>, vector<16xf32>,
        tpu.vector_store %arg10[%parallel_loop3A_185, %parallel_loop3A_186], %parallel_loop3A_184 {strides = array<i32>} : memref<128x128xf32, #tpu.memory_space<vmem>>, vector<16xf32>,
        %parallel_loop3A_188 = arith.index_cast %parallel_loop3A_171 : i32 to index
        %parallel_loop3A_189 = arith.constant 32 : index
        %parallel_loop3A_190 = tpu.vector_load %arg10[%parallel_loop3A_188, %parallel_loop3A_189] {strides = array<i32>} : memref<128x128xf32, #tpu.memory_space<vmem>>, vector<16xf32>,
        %parallel_loop3A_191 = arith.mulf %parallel_loop3A_190, %parallel_loop3A_173 : vector<16xf32>
        %parallel_loop3A_192 = arith.index_cast %parallel_loop3A_171 : i32 to index
        %parallel_loop3A_193 = arith.constant 32 : index
        %parallel_loop3A_194 = tpu.vector_load %arg10[%parallel_loop3A_192, %parallel_loop3A_193] {strides = array<i32>} : memref<128x128xf32, #tpu.memory_space<vmem>>, vector<16xf32>,
        tpu.vector_store %arg10[%parallel_loop3A_192, %parallel_loop3A_193], %parallel_loop3A_191 {strides = array<i32>} : memref<128x128xf32, #tpu.memory_space<vmem>>, vector<16xf32>,
        %parallel_loop3A_195 = arith.index_cast %parallel_loop3A_171 : i32 to index
        %parallel_loop3A_196 = arith.constant 48 : index
        %parallel_loop3A_197 = tpu.vector_load %arg10[%parallel_loop3A_195, %parallel_loop3A_196] {strides = array<i32>} : memref<128x128xf32, #tpu.memory_space<vmem>>, vector<16xf32>,
        %parallel_loop3A_198 = arith.mulf %parallel_loop3A_197, %parallel_loop3A_173 : vector<16xf32>
        %parallel_loop3A_199 = arith.index_cast %parallel_loop3A_171 : i32 to index
        %parallel_loop3A_200 = arith.constant 48 : index
        %parallel_loop3A_201 = tpu.vector_load %arg10[%parallel_loop3A_199, %parallel_loop3A_200] {strides = array<i32>} : memref<128x128xf32, #tpu.memory_space<vmem>>, vector<16xf32>,
        tpu.vector_store %arg10[%parallel_loop3A_199, %parallel_loop3A_200], %parallel_loop3A_198 {strides = array<i32>} : memref<128x128xf32, #tpu.memory_space<vmem>>, vector<16xf32>,
        %parallel_loop3A_202 = arith.index_cast %parallel_loop3A_171 : i32 to index
        %parallel_loop3A_203 = arith.constant 64 : index
        %parallel_loop3A_204 = tpu.vector_load %arg10[%parallel_loop3A_202, %parallel_loop3A_203] {strides = array<i32>} : memref<128x128xf32, #tpu.memory_space<vmem>>, vector<16xf32>,
        %parallel_loop3A_205 = arith.mulf %parallel_loop3A_204, %parallel_loop3A_173 : vector<16xf32>
        %parallel_loop3A_206 = arith.index_cast %parallel_loop3A_171 : i32 to index
        %parallel_loop3A_207 = arith.constant 64 : index
        %parallel_loop3A_208 = tpu.vector_load %arg10[%parallel_loop3A_206, %parallel_loop3A_207] {strides = array<i32>} : memref<128x128xf32, #tpu.memory_space<vmem>>, vector<16xf32>,
        tpu.vector_store %arg10[%parallel_loop3A_206, %parallel_loop3A_207], %parallel_loop3A_205 {strides = array<i32>} : memref<128x128xf32, #tpu.memory_space<vmem>>, vector<16xf32>,
        %parallel_loop3A_209 = arith.index_cast %parallel_loop3A_171 : i32 to index
        %parallel_loop3A_210 = arith.constant 80 : index
        %parallel_loop3A_211 = tpu.vector_load %arg10[%parallel_loop3A_209, %parallel_loop3A_210] {strides = array<i32>} : memref<128x128xf32, #tpu.memory_space<vmem>>, vector<16xf32>,
        %parallel_loop3A_212 = arith.mulf %parallel_loop3A_211, %parallel_loop3A_173 : vector<16xf32>
        %parallel_loop3A_213 = arith.index_cast %parallel_loop3A_171 : i32 to index
        %parallel_loop3A_214 = arith.constant 80 : index
        %parallel_loop3A_215 = tpu.vector_load %arg10[%parallel_loop3A_213, %parallel_loop3A_214] {strides = array<i32>} : memref<128x128xf32, #tpu.memory_space<vmem>>, vector<16xf32>,
        tpu.vector_store %arg10[%parallel_loop3A_213, %parallel_loop3A_214], %parallel_loop3A_212 {strides = array<i32>} : memref<128x128xf32, #tpu.memory_space<vmem>>, vector<16xf32>,
        %parallel_loop3A_216 = arith.index_cast %parallel_loop3A_171 : i32 to index
        %parallel_loop3A_217 = arith.constant 96 : index
        %parallel_loop3A_218 = tpu.vector_load %arg10[%parallel_loop3A_216, %parallel_loop3A_217] {strides = array<i32>} : memref<128x128xf32, #tpu.memory_space<vmem>>, vector<16xf32>,
        %parallel_loop3A_219 = arith.mulf %parallel_loop3A_218, %parallel_loop3A_173 : vector<16xf32>
        %parallel_loop3A_220 = arith.index_cast %parallel_loop3A_171 : i32 to index
        %parallel_loop3A_221 = arith.constant 96 : index
        %parallel_loop3A_222 = tpu.vector_load %arg10[%parallel_loop3A_220, %parallel_loop3A_221] {strides = array<i32>} : memref<128x128xf32, #tpu.memory_space<vmem>>, vector<16xf32>,
        tpu.vector_store %arg10[%parallel_loop3A_220, %parallel_loop3A_221], %parallel_loop3A_219 {strides = array<i32>} : memref<128x128xf32, #tpu.memory_space<vmem>>, vector<16xf32>,
        %parallel_loop3A_223 = arith.index_cast %parallel_loop3A_171 : i32 to index
        %parallel_loop3A_224 = arith.constant 112 : index
        %parallel_loop3A_225 = tpu.vector_load %arg10[%parallel_loop3A_223, %parallel_loop3A_224] {strides = array<i32>} : memref<128x128xf32, #tpu.memory_space<vmem>>, vector<16xf32>,
        %parallel_loop3A_226 = arith.mulf %parallel_loop3A_225, %parallel_loop3A_173 : vector<16xf32>
        %parallel_loop3A_227 = arith.index_cast %parallel_loop3A_171 : i32 to index
        %parallel_loop3A_228 = arith.constant 112 : index
        %parallel_loop3A_229 = tpu.vector_load %arg10[%parallel_loop3A_227, %parallel_loop3A_228] {strides = array<i32>} : memref<128x128xf32, #tpu.memory_space<vmem>>, vector<16xf32>,
        tpu.vector_store %arg10[%parallel_loop3A_227, %parallel_loop3A_228], %parallel_loop3A_226 {strides = array<i32>} : memref<128x128xf32, #tpu.memory_space<vmem>>, vector<16xf32>,
      } {sc.loop_unroll_factor = 4 : i64, sc.parallel_access}
      %dma_start3A_129 = arith.constant 2 : i32
      %dma_start3A_130 = arith.constant 0 : i32
      %dma_start3A_131 = tpu.memref_slice %arg8[%dma_start3A_129, %dma_start3A_130] : memref<4x128xi32, #tpu.memory_space<vmem>> -> memref<1x128xi32, #tpu.memory_space<vmem>>
      %dma_start3A_132 = tpu.memref_squeeze %dma_start3A_131 : memref<1x128xi32, #tpu.memory_space<vmem>> -> memref<128xi32, #tpu.memory_space<vmem>>
      %dma_start3A_133 = arith.constant 0 : i32
      %dma_start3A_134 = arith.constant 0 : i32
      %dma_start3A_135 = tpu.memref_slice %arg12[%dma_start3A_133, %dma_start3A_134] : memref<10112x128xf32, #tpu.memory_space<vmem_shared>> -> memref<10112x128xf32, #tpu.memory_space<vmem_shared>>
      tpu.enqueue_indirect_dma source(%arg10 : memref<128x128xf32, #tpu.memory_space<vmem>>) target(%dma_start3A_135 : memref<10112x128xf32, #tpu.memory_space<vmem_shared>>) offsets(%dma_start3A_132 : memref<128xi32, #tpu.memory_space<vmem>>) semaphore(%arg15 : memref<!tpu.dma_semaphore, #tpu.memory_space<semaphore_mem>>) {add = true}
      %dma_wait3A_136 = arith.constant 0 : i32
      %dma_wait3A_137 = arith.constant 0 : i32
      %dma_wait3A_138 = tpu.memref_slice %arg2[%dma_wait3A_136, %dma_wait3A_137] : memref<327680x128xf32, #tpu.memory_space<hbm>> -> memref<128x128xf32, #tpu.memory_space<hbm>>
      %dma_wait3A_139 = arith.constant 0 : i32
      %dma_wait3A_140 = arith.constant 0 : i32
      %dma_wait3A_141 = tpu.memref_slice %arg2[%dma_wait3A_139, %dma_wait3A_140] : memref<327680x128xf32, #tpu.memory_space<hbm>> -> memref<128x128xf32, #tpu.memory_space<hbm>>
      tpu.wait_dma2 semaphore(%arg16 : memref<!tpu.dma_semaphore, #tpu.memory_space<semaphore_mem>>) src(%dma_wait3A_141 : memref<128x128xf32, #tpu.memory_space<hbm>>) dst(%arg11 : memref<128x128xf32, #tpu.memory_space<vmem>>)
      %mul3A_142 = arith.constant 4 : i32
      %mul3A_143 = arith.muli %add3A_44, %mul3A_142 : i32
      %add3A_144 = arith.constant 3 : i32
      %add3A_145 = arith.addi %mul3A_143, %add3A_144 : i32
      %mul3A_146 = arith.constant 128 : i32
      %mul3A_147 = arith.muli %add3A_145, %mul3A_146 : i32
      %dma_start3A_148 = arith.constant 0 : i32
      %dma_start3A_149 = tpu.memref_slice %arg2[%mul3A_147, %dma_start3A_148] : memref<327680x128xf32, #tpu.memory_space<hbm>> -> memref<128x128xf32, #tpu.memory_space<hbm>>
      %dma_start3A_150 = arith.constant 0 : i32
      %dma_start3A_151 = tpu.memref_slice %arg2[%mul3A_147, %dma_start3A_150] : memref<327680x128xf32, #tpu.memory_space<hbm>> -> memref<128x128xf32, #tpu.memory_space<hbm>>
      tpu.enqueue_dma source(%dma_start3A_151 : memref<128x128xf32, #tpu.memory_space<hbm>>) target(%arg11 : memref<128x128xf32, #tpu.memory_space<vmem>>) target_semaphore(%arg14 : memref<!tpu.dma_semaphore, #tpu.memory_space<semaphore_mem>>)
      %dma_wait3A_152 = arith.constant 0 : i32
      %dma_wait3A_153 = arith.constant 0 : i32
      %dma_wait3A_154 = tpu.memref_slice %arg2[%dma_wait3A_152, %dma_wait3A_153] : memref<327680x128xf32, #tpu.memory_space<hbm>> -> memref<128x128xf32, #tpu.memory_space<hbm>>
      %dma_wait3A_155 = arith.constant 0 : i32
      %dma_wait3A_156 = arith.constant 0 : i32
      %dma_wait3A_157 = tpu.memref_slice %arg2[%dma_wait3A_155, %dma_wait3A_156] : memref<327680x128xf32, #tpu.memory_space<hbm>> -> memref<128x128xf32, #tpu.memory_space<hbm>>
      tpu.wait_dma2 semaphore(%arg14 : memref<!tpu.dma_semaphore, #tpu.memory_space<semaphore_mem>>) src(%dma_wait3A_157 : memref<128x128xf32, #tpu.memory_space<hbm>>) dst(%arg11 : memref<128x128xf32, #tpu.memory_space<vmem>>)
      %broadcast_in_dim3A_158 = arith.constant 3 : i32
      %broadcast_in_dim3A_159 = vector.broadcast %broadcast_in_dim3A_158 : i32 to vector<16xi32>
      %parallel_loop3A_160 = arith.constant 0 : i32
      %parallel_loop3A_161 = arith.constant 128 : i32
      %parallel_loop3A_162 = arith.constant 1 : i32
      scf.for %parallel_loop3A_171 = %parallel_loop3A_160 to %parallel_loop3A_161 step %parallel_loop3A_162  : i32 {
        %parallel_loop3A_172 = vector.broadcast %parallel_loop3A_171 : i32 to vector<16xi32>
        %parallel_loop3A_173 = tpu.vector_load_idx %arg9[%broadcast_in_dim3A_159, %parallel_loop3A_172] : memref<4x128xf32, #tpu.memory_space<vmem>>[vector<16xi32>, vector<16xi32>], vector<16xf32>,
        %parallel_loop3A_174 = arith.index_cast %parallel_loop3A_171 : i32 to index
        %parallel_loop3A_175 = arith.constant 0 : index
        %parallel_loop3A_176 = tpu.vector_load %arg11[%parallel_loop3A_174, %parallel_loop3A_175] {strides = array<i32>} : memref<128x128xf32, #tpu.memory_space<vmem>>, vector<16xf32>,
        %parallel_loop3A_177 = arith.mulf %parallel_loop3A_176, %parallel_loop3A_173 : vector<16xf32>
        %parallel_loop3A_178 = arith.index_cast %parallel_loop3A_171 : i32 to index
        %parallel_loop3A_179 = arith.constant 0 : index
        %parallel_loop3A_180 = tpu.vector_load %arg11[%parallel_loop3A_178, %parallel_loop3A_179] {strides = array<i32>} : memref<128x128xf32, #tpu.memory_space<vmem>>, vector<16xf32>,
        tpu.vector_store %arg11[%parallel_loop3A_178, %parallel_loop3A_179], %parallel_loop3A_177 {strides = array<i32>} : memref<128x128xf32, #tpu.memory_space<vmem>>, vector<16xf32>,
        %parallel_loop3A_181 = arith.index_cast %parallel_loop3A_171 : i32 to index
        %parallel_loop3A_182 = arith.constant 16 : index
        %parallel_loop3A_183 = tpu.vector_load %arg11[%parallel_loop3A_181, %parallel_loop3A_182] {strides = array<i32>} : memref<128x128xf32, #tpu.memory_space<vmem>>, vector<16xf32>,
        %parallel_loop3A_184 = arith.mulf %parallel_loop3A_183, %parallel_loop3A_173 : vector<16xf32>
        %parallel_loop3A_185 = arith.index_cast %parallel_loop3A_171 : i32 to index
        %parallel_loop3A_186 = arith.constant 16 : index
        %parallel_loop3A_187 = tpu.vector_load %arg11[%parallel_loop3A_185, %parallel_loop3A_186] {strides = array<i32>} : memref<128x128xf32, #tpu.memory_space<vmem>>, vector<16xf32>,
        tpu.vector_store %arg11[%parallel_loop3A_185, %parallel_loop3A_186], %parallel_loop3A_184 {strides = array<i32>} : memref<128x128xf32, #tpu.memory_space<vmem>>, vector<16xf32>,
        %parallel_loop3A_188 = arith.index_cast %parallel_loop3A_171 : i32 to index
        %parallel_loop3A_189 = arith.constant 32 : index
        %parallel_loop3A_190 = tpu.vector_load %arg11[%parallel_loop3A_188, %parallel_loop3A_189] {strides = array<i32>} : memref<128x128xf32, #tpu.memory_space<vmem>>, vector<16xf32>,
        %parallel_loop3A_191 = arith.mulf %parallel_loop3A_190, %parallel_loop3A_173 : vector<16xf32>
        %parallel_loop3A_192 = arith.index_cast %parallel_loop3A_171 : i32 to index
        %parallel_loop3A_193 = arith.constant 32 : index
        %parallel_loop3A_194 = tpu.vector_load %arg11[%parallel_loop3A_192, %parallel_loop3A_193] {strides = array<i32>} : memref<128x128xf32, #tpu.memory_space<vmem>>, vector<16xf32>,
        tpu.vector_store %arg11[%parallel_loop3A_192, %parallel_loop3A_193], %parallel_loop3A_191 {strides = array<i32>} : memref<128x128xf32, #tpu.memory_space<vmem>>, vector<16xf32>,
        %parallel_loop3A_195 = arith.index_cast %parallel_loop3A_171 : i32 to index
        %parallel_loop3A_196 = arith.constant 48 : index
        %parallel_loop3A_197 = tpu.vector_load %arg11[%parallel_loop3A_195, %parallel_loop3A_196] {strides = array<i32>} : memref<128x128xf32, #tpu.memory_space<vmem>>, vector<16xf32>,
        %parallel_loop3A_198 = arith.mulf %parallel_loop3A_197, %parallel_loop3A_173 : vector<16xf32>
        %parallel_loop3A_199 = arith.index_cast %parallel_loop3A_171 : i32 to index
        %parallel_loop3A_200 = arith.constant 48 : index
        %parallel_loop3A_201 = tpu.vector_load %arg11[%parallel_loop3A_199, %parallel_loop3A_200] {strides = array<i32>} : memref<128x128xf32, #tpu.memory_space<vmem>>, vector<16xf32>,
        tpu.vector_store %arg11[%parallel_loop3A_199, %parallel_loop3A_200], %parallel_loop3A_198 {strides = array<i32>} : memref<128x128xf32, #tpu.memory_space<vmem>>, vector<16xf32>,
        %parallel_loop3A_202 = arith.index_cast %parallel_loop3A_171 : i32 to index
        %parallel_loop3A_203 = arith.constant 64 : index
        %parallel_loop3A_204 = tpu.vector_load %arg11[%parallel_loop3A_202, %parallel_loop3A_203] {strides = array<i32>} : memref<128x128xf32, #tpu.memory_space<vmem>>, vector<16xf32>,
        %parallel_loop3A_205 = arith.mulf %parallel_loop3A_204, %parallel_loop3A_173 : vector<16xf32>
        %parallel_loop3A_206 = arith.index_cast %parallel_loop3A_171 : i32 to index
        %parallel_loop3A_207 = arith.constant 64 : index
        %parallel_loop3A_208 = tpu.vector_load %arg11[%parallel_loop3A_206, %parallel_loop3A_207] {strides = array<i32>} : memref<128x128xf32, #tpu.memory_space<vmem>>, vector<16xf32>,
        tpu.vector_store %arg11[%parallel_loop3A_206, %parallel_loop3A_207], %parallel_loop3A_205 {strides = array<i32>} : memref<128x128xf32, #tpu.memory_space<vmem>>, vector<16xf32>,
        %parallel_loop3A_209 = arith.index_cast %parallel_loop3A_171 : i32 to index
        %parallel_loop3A_210 = arith.constant 80 : index
        %parallel_loop3A_211 = tpu.vector_load %arg11[%parallel_loop3A_209, %parallel_loop3A_210] {strides = array<i32>} : memref<128x128xf32, #tpu.memory_space<vmem>>, vector<16xf32>,
        %parallel_loop3A_212 = arith.mulf %parallel_loop3A_211, %parallel_loop3A_173 : vector<16xf32>
        %parallel_loop3A_213 = arith.index_cast %parallel_loop3A_171 : i32 to index
        %parallel_loop3A_214 = arith.constant 80 : index
        %parallel_loop3A_215 = tpu.vector_load %arg11[%parallel_loop3A_213, %parallel_loop3A_214] {strides = array<i32>} : memref<128x128xf32, #tpu.memory_space<vmem>>, vector<16xf32>,
        tpu.vector_store %arg11[%parallel_loop3A_213, %parallel_loop3A_214], %parallel_loop3A_212 {strides = array<i32>} : memref<128x128xf32, #tpu.memory_space<vmem>>, vector<16xf32>,
        %parallel_loop3A_216 = arith.index_cast %parallel_loop3A_171 : i32 to index
        %parallel_loop3A_217 = arith.constant 96 : index
        %parallel_loop3A_218 = tpu.vector_load %arg11[%parallel_loop3A_216, %parallel_loop3A_217] {strides = array<i32>} : memref<128x128xf32, #tpu.memory_space<vmem>>, vector<16xf32>,
        %parallel_loop3A_219 = arith.mulf %parallel_loop3A_218, %parallel_loop3A_173 : vector<16xf32>
        %parallel_loop3A_220 = arith.index_cast %parallel_loop3A_171 : i32 to index
        %parallel_loop3A_221 = arith.constant 96 : index
        %parallel_loop3A_222 = tpu.vector_load %arg11[%parallel_loop3A_220, %parallel_loop3A_221] {strides = array<i32>} : memref<128x128xf32, #tpu.memory_space<vmem>>, vector<16xf32>,
        tpu.vector_store %arg11[%parallel_loop3A_220, %parallel_loop3A_221], %parallel_loop3A_219 {strides = array<i32>} : memref<128x128xf32, #tpu.memory_space<vmem>>, vector<16xf32>,
        %parallel_loop3A_223 = arith.index_cast %parallel_loop3A_171 : i32 to index
        %parallel_loop3A_224 = arith.constant 112 : index
        %parallel_loop3A_225 = tpu.vector_load %arg11[%parallel_loop3A_223, %parallel_loop3A_224] {strides = array<i32>} : memref<128x128xf32, #tpu.memory_space<vmem>>, vector<16xf32>,
        %parallel_loop3A_226 = arith.mulf %parallel_loop3A_225, %parallel_loop3A_173 : vector<16xf32>
        %parallel_loop3A_227 = arith.index_cast %parallel_loop3A_171 : i32 to index
        %parallel_loop3A_228 = arith.constant 112 : index
        %parallel_loop3A_229 = tpu.vector_load %arg11[%parallel_loop3A_227, %parallel_loop3A_228] {strides = array<i32>} : memref<128x128xf32, #tpu.memory_space<vmem>>, vector<16xf32>,
        tpu.vector_store %arg11[%parallel_loop3A_227, %parallel_loop3A_228], %parallel_loop3A_226 {strides = array<i32>} : memref<128x128xf32, #tpu.memory_space<vmem>>, vector<16xf32>,
      } {sc.loop_unroll_factor = 4 : i64, sc.parallel_access}
      %dma_start3A_163 = arith.constant 3 : i32
      %dma_start3A_164 = arith.constant 0 : i32
      %dma_start3A_165 = tpu.memref_slice %arg8[%dma_start3A_163, %dma_start3A_164] : memref<4x128xi32, #tpu.memory_space<vmem>> -> memref<1x128xi32, #tpu.memory_space<vmem>>
      %dma_start3A_166 = tpu.memref_squeeze %dma_start3A_165 : memref<1x128xi32, #tpu.memory_space<vmem>> -> memref<128xi32, #tpu.memory_space<vmem>>
      %dma_start3A_167 = arith.constant 0 : i32
      %dma_start3A_168 = arith.constant 0 : i32
      %dma_start3A_169 = tpu.memref_slice %arg12[%dma_start3A_167, %dma_start3A_168] : memref<10112x128xf32, #tpu.memory_space<vmem_shared>> -> memref<10112x128xf32, #tpu.memory_space<vmem_shared>>
      tpu.enqueue_indirect_dma source(%arg11 : memref<128x128xf32, #tpu.memory_space<vmem>>) target(%dma_start3A_169 : memref<10112x128xf32, #tpu.memory_space<vmem_shared>>) offsets(%dma_start3A_166 : memref<128xi32, #tpu.memory_space<vmem>>) semaphore(%arg16 : memref<!tpu.dma_semaphore, #tpu.memory_space<semaphore_mem>>) {add = true}
      %while3A_170 = arith.constant 0 : i32
      scf.yield %while3A_170 : i32
    }
    %dma_wait3A = arith.constant 0 : i32
    %dma_wait3A_22 = arith.constant 0 : i32
    %dma_wait3A_23 = tpu.memref_slice %arg2[%dma_wait3A, %dma_wait3A_22] : memref<327680x128xf32, #tpu.memory_space<hbm>> -> memref<128x128xf32, #tpu.memory_space<hbm>>
    %dma_wait3A_24 = arith.constant 0 : i32
    %dma_wait3A_25 = arith.constant 0 : i32
    %dma_wait3A_26 = tpu.memref_slice %arg2[%dma_wait3A_24, %dma_wait3A_25] : memref<327680x128xf32, #tpu.memory_space<hbm>> -> memref<128x128xf32, #tpu.memory_space<hbm>>
    tpu.wait_dma2 semaphore(%arg15 : memref<!tpu.dma_semaphore, #tpu.memory_space<semaphore_mem>>) src(%dma_wait3A_26 : memref<128x128xf32, #tpu.memory_space<hbm>>) dst(%arg10 : memref<128x128xf32, #tpu.memory_space<vmem>>)
    %dma_wait3A_27 = arith.constant 0 : i32
    %dma_wait3A_28 = arith.constant 0 : i32
    %dma_wait3A_29 = tpu.memref_slice %arg2[%dma_wait3A_27, %dma_wait3A_28] : memref<327680x128xf32, #tpu.memory_space<hbm>> -> memref<128x128xf32, #tpu.memory_space<hbm>>
    %dma_wait3A_30 = arith.constant 0 : i32
    %dma_wait3A_31 = arith.constant 0 : i32
    %dma_wait3A_32 = tpu.memref_slice %arg2[%dma_wait3A_30, %dma_wait3A_31] : memref<327680x128xf32, #tpu.memory_space<hbm>> -> memref<128x128xf32, #tpu.memory_space<hbm>>
    tpu.wait_dma2 semaphore(%arg16 : memref<!tpu.dma_semaphore, #tpu.memory_space<semaphore_mem>>) src(%dma_wait3A_32 : memref<128x128xf32, #tpu.memory_space<hbm>>) dst(%arg11 : memref<128x128xf32, #tpu.memory_space<vmem>>)
    %barrier3A_33 = arith.constant 0 : index
    tpu.barrier barrier_id(%barrier3A_33)
    %eq3A_34 = arith.constant 0 : i32
    %eq3A_35 = arith.cmpi eq, %arg0, %eq3A_34 : i32
    %convert_element_type3A = arith.extui %eq3A_35 : i1 to i32
    %cond3A = arith.constant 0 : i32
    %cond3A_36 = arith.cmpi ne, %convert_element_type3A, %cond3A : i32
    scf.if %cond3A_36 {
      %mul3A_42 = arith.constant 632 : i32
      %mul3A_43 = arith.muli %arg1, %mul3A_42 : i32
      %mul3A_44 = arith.constant 632 : i32
      %mul3A_45 = arith.muli %arg1, %mul3A_44 : i32
      "tpu.region"() ({
        %run_scoped3A = tpu.sem_alloc : memref<!tpu.dma_semaphore, #tpu.memory_space<semaphore_mem>>
        %dma_start3A = arith.constant 0 : i32
        %dma_start3A_46 = tpu.memref_slice %arg6[%mul3A_45, %dma_start3A] : memref<10112x128xf32, #tpu.memory_space<hbm>> -> memref<632x128xf32, #tpu.memory_space<hbm>>
        %dma_start3A_47 = arith.constant 0 : i32
        %dma_start3A_48 = tpu.memref_slice %arg12[%mul3A_43, %dma_start3A_47] : memref<10112x128xf32, #tpu.memory_space<vmem_shared>> -> memref<632x128xf32, #tpu.memory_space<vmem_shared>>
        tpu.enqueue_dma source(%dma_start3A_48 : memref<632x128xf32, #tpu.memory_space<vmem_shared>>) target(%dma_start3A_46 : memref<632x128xf32, #tpu.memory_space<hbm>>) target_semaphore(%run_scoped3A : memref<!tpu.dma_semaphore, #tpu.memory_space<semaphore_mem>>)
        %dma_wait3A_49 = arith.constant 0 : i32
        %dma_wait3A_50 = tpu.memref_slice %arg6[%mul3A_45, %dma_wait3A_49] : memref<10112x128xf32, #tpu.memory_space<hbm>> -> memref<632x128xf32, #tpu.memory_space<hbm>>
        %dma_wait3A_51 = arith.constant 0 : i32
        %dma_wait3A_52 = tpu.memref_slice %arg12[%mul3A_43, %dma_wait3A_51] : memref<10112x128xf32, #tpu.memory_space<vmem_shared>> -> memref<632x128xf32, #tpu.memory_space<vmem_shared>>
        tpu.wait_dma2 semaphore(%run_scoped3A : memref<!tpu.dma_semaphore, #tpu.memory_space<semaphore_mem>>) src(%dma_wait3A_52 : memref<632x128xf32, #tpu.memory_space<vmem_shared>>) dst(%dma_wait3A_50 : memref<632x128xf32, #tpu.memory_space<hbm>>)
        tpu.yield
      }) : () -> ()
    } else {
    }
    %eq3A_37 = arith.constant 1 : i32
    %eq3A_38 = arith.cmpi eq, %arg0, %eq3A_37 : i32
    %convert_element_type3A_39 = arith.extui %eq3A_38 : i1 to i32
    %cond3A_40 = arith.constant 0 : i32
    %cond3A_41 = arith.cmpi ne, %convert_element_type3A_39, %cond3A_40 : i32
    scf.if %cond3A_41 {
      %mul3A_42 = arith.constant 632 : i32
      %mul3A_43 = arith.muli %arg1, %mul3A_42 : i32
      %mul3A_44 = arith.constant 632 : i32
      %mul3A_45 = arith.muli %arg1, %mul3A_44 : i32
      "tpu.region"() ({
        %run_scoped3A = tpu.sem_alloc : memref<!tpu.dma_semaphore, #tpu.memory_space<semaphore_mem>>
        %dma_start3A = arith.constant 0 : i32
        %dma_start3A_46 = tpu.memref_slice %arg7[%mul3A_45, %dma_start3A] : memref<10112x128xf32, #tpu.memory_space<hbm>> -> memref<632x128xf32, #tpu.memory_space<hbm>>
        %dma_start3A_47 = arith.constant 0 : i32
        %dma_start3A_48 = tpu.memref_slice %arg12[%mul3A_43, %dma_start3A_47] : memref<10112x128xf32, #tpu.memory_space<vmem_shared>> -> memref<632x128xf32, #tpu.memory_space<vmem_shared>>
        tpu.enqueue_dma source(%dma_start3A_48 : memref<632x128xf32, #tpu.memory_space<vmem_shared>>) target(%dma_start3A_46 : memref<632x128xf32, #tpu.memory_space<hbm>>) target_semaphore(%run_scoped3A : memref<!tpu.dma_semaphore, #tpu.memory_space<semaphore_mem>>)
        %dma_wait3A_49 = arith.constant 0 : i32
        %dma_wait3A_50 = tpu.memref_slice %arg7[%mul3A_45, %dma_wait3A_49] : memref<10112x128xf32, #tpu.memory_space<hbm>> -> memref<632x128xf32, #tpu.memory_space<hbm>>
        %dma_wait3A_51 = arith.constant 0 : i32
        %dma_wait3A_52 = tpu.memref_slice %arg12[%mul3A_43, %dma_wait3A_51] : memref<10112x128xf32, #tpu.memory_space<vmem_shared>> -> memref<632x128xf32, #tpu.memory_space<vmem_shared>>
        tpu.wait_dma2 semaphore(%run_scoped3A : memref<!tpu.dma_semaphore, #tpu.memory_space<semaphore_mem>>) src(%dma_wait3A_52 : memref<632x128xf32, #tpu.memory_space<vmem_shared>>) dst(%dma_wait3A_50 : memref<632x128xf32, #tpu.memory_space<hbm>>)
        tpu.yield
      }) : () -> ()
    } else {
    }
    return
  }
}

#map = affine_map<(d0, d1) -> (0, 0)>
#map1 = affine_map<(d0, d1) -> (0, 0, 0)>
module attributes {stable_mosaic.version = 14 : i64} {
  func.func @k(%arg0: i32, %arg1: i32, %arg2: memref<10000x128xf32, #tpu.memory_space<hbm>>, %arg3: memref<640x4x128xi32, #tpu.memory_space<hbm>>, %arg4: memref<640x4x128xi32, #tpu.memory_space<hbm>>, %arg5: memref<632x128xf32, #tpu.memory_space<hbm>>, %arg6: memref<10112x128xf32, #tpu.memory_space<hbm>>, %arg7: memref<10112x128xf32, #tpu.memory_space<hbm>>, %arg8: memref<327680x128xf32, #tpu.memory_space<hbm>>, %arg9: memref<4x128xi32, #tpu.memory_space<vmem>>, %arg10: memref<4x128xi32, #tpu.memory_space<vmem>>, %arg11: memref<128x128xf32, #tpu.memory_space<vmem>>, %arg12: memref<128x128xf32, #tpu.memory_space<vmem>>, %arg13: memref<10112x128xf32, #tpu.memory_space<vmem_shared>>, %arg14: memref<!tpu.dma_semaphore, #tpu.memory_space<semaphore_mem>>, %arg15: memref<!tpu.dma_semaphore, #tpu.memory_space<semaphore_mem>>, %arg16: memref<!tpu.dma_semaphore, #tpu.memory_space<semaphore_mem>>, %arg17: memref<!tpu.dma_semaphore, #tpu.memory_space<semaphore_mem>>, %arg18: memref<!tpu.dma_semaphore, #tpu.memory_space<semaphore_mem>>, %arg19: memref<!tpu.dma_semaphore, #tpu.memory_space<semaphore_mem>>) attributes {dimension_semantics = [#tpu.dimension_semantics<core_parallel>, #tpu.dimension_semantics<subcore_parallel>], iteration_bounds = array<i64: 2, 16>, scalar_prefetch = 0 : i64, scratch_operands = 11 : i64, tpu.core_type = #tpu.core_type<sc_vector_subcore>, window_params = [{transform_indices = #map}, {transform_indices = #map1}, {transform_indices = #map1}, {transform_indices = #map}, {transform_indices = #map}, {transform_indices = #map}, {transform_indices = #map}]} {
    %mul3A = arith.constant 632 : i32
    %mul3A_0 = arith.muli %arg1, %mul3A : i32
    "tpu.region"() ({
      %run_scoped3A = tpu.sem_alloc : memref<!tpu.dma_semaphore, #tpu.memory_space<semaphore_mem>>
      %dma_start3A = arith.constant 0 : i32
      %dma_start3A_54 = tpu.memref_slice %arg13[%mul3A_0, %dma_start3A] : memref<10112x128xf32, #tpu.memory_space<vmem_shared>> -> memref<632x128xf32, #tpu.memory_space<vmem_shared>>
      tpu.enqueue_dma source(%arg5 : memref<632x128xf32, #tpu.memory_space<hbm>>) target(%dma_start3A_54 : memref<632x128xf32, #tpu.memory_space<vmem_shared>>) target_semaphore(%run_scoped3A : memref<!tpu.dma_semaphore, #tpu.memory_space<semaphore_mem>>)
      %dma_wait3A_55 = arith.constant 0 : i32
      %dma_wait3A_56 = tpu.memref_slice %arg13[%mul3A_0, %dma_wait3A_55] : memref<10112x128xf32, #tpu.memory_space<vmem_shared>> -> memref<632x128xf32, #tpu.memory_space<vmem_shared>>
      tpu.wait_dma2 semaphore(%run_scoped3A : memref<!tpu.dma_semaphore, #tpu.memory_space<semaphore_mem>>) src(%arg5 : memref<632x128xf32, #tpu.memory_space<hbm>>) dst(%dma_wait3A_56 : memref<632x128xf32, #tpu.memory_space<vmem_shared>>)
      tpu.yield
    }) : () -> ()
    %barrier3A = arith.constant 0 : index
    tpu.barrier barrier_id(%barrier3A)
    %eq3A = arith.constant 0 : i32
    %eq3A_1 = arith.cmpi eq, %arg0, %eq3A : i32
    %jit3A = arith.constant 28 : i32
    %jit3A_2 = arith.constant 12 : i32
    %select_n3A = arith.select %eq3A_1, %jit3A, %jit3A_2 : i32
    %eq3A_3 = arith.constant 0 : i32
    %eq3A_4 = arith.cmpi eq, %arg0, %eq3A_3 : i32
    %mul3A_5 = arith.constant 28 : i32
    %mul3A_6 = arith.muli %arg1, %mul3A_5 : i32
    %mul3A_7 = arith.constant 12 : i32
    %mul3A_8 = arith.muli %arg1, %mul3A_7 : i32
    %add3A = arith.constant 448 : i32
    %add3A_9 = arith.addi %add3A, %mul3A_8 : i32
    %select_n3A_10 = arith.select %eq3A_4, %mul3A_6, %add3A_9 : i32
    %while3A = arith.constant 0 : i32
    %while3A_11 = arith.constant 0 : i32
    %while3A_12 = arith.subi %select_n3A, %while3A : i32
    %while3A_13 = arith.addi %while3A, %while3A_12 : i32
    %while3A_14 = arith.constant 1 : i32
    %while3A_15 = arith.divsi %while3A_12, %while3A_14 : i32
    %while3A_16 = arith.muli %while3A_15, %while3A_14 : i32
    %while3A_17 = arith.addi %while3A, %while3A_16 : i32
    %while3A_18 = arith.constant 1 : i32
    %while3A_19 = scf.for %while3A_54 = %while3A to %while3A_17 step %while3A_18 iter_args(%while3A_55 = %while3A_11) -> (i32)  : i32 {
      %add3A_56 = arith.addi %select_n3A_10, %while3A_54 : i32
      "tpu.region"() ({
        %run_scoped3A = tpu.sem_alloc : memref<!tpu.dma_semaphore, #tpu.memory_space<semaphore_mem>>
        %dma_start3A_205 = arith.constant 0 : i32
        %dma_start3A_206 = arith.constant 0 : i32
        %dma_start3A_207 = tpu.memref_slice %arg3[%add3A_56, %dma_start3A_205, %dma_start3A_206] : memref<640x4x128xi32, #tpu.memory_space<hbm>> -> memref<1x4x128xi32, #tpu.memory_space<hbm>>
        %dma_start3A_208 = tpu.memref_squeeze %dma_start3A_207 : memref<1x4x128xi32, #tpu.memory_space<hbm>> -> memref<4x128xi32, #tpu.memory_space<hbm>>
        %dma_start3A_209 = arith.constant 0 : i32
        %dma_start3A_210 = arith.constant 0 : i32
        %dma_start3A_211 = tpu.memref_slice %arg3[%add3A_56, %dma_start3A_209, %dma_start3A_210] : memref<640x4x128xi32, #tpu.memory_space<hbm>> -> memref<1x4x128xi32, #tpu.memory_space<hbm>>
        %dma_start3A_212 = tpu.memref_squeeze %dma_start3A_211 : memref<1x4x128xi32, #tpu.memory_space<hbm>> -> memref<4x128xi32, #tpu.memory_space<hbm>>
        tpu.enqueue_dma source(%dma_start3A_212 : memref<4x128xi32, #tpu.memory_space<hbm>>) target(%arg9 : memref<4x128xi32, #tpu.memory_space<vmem>>) target_semaphore(%run_scoped3A : memref<!tpu.dma_semaphore, #tpu.memory_space<semaphore_mem>>)
        %dma_wait3A_213 = arith.constant 0 : i32
        %dma_wait3A_214 = arith.constant 0 : i32
        %dma_wait3A_215 = tpu.memref_slice %arg3[%add3A_56, %dma_wait3A_213, %dma_wait3A_214] : memref<640x4x128xi32, #tpu.memory_space<hbm>> -> memref<1x4x128xi32, #tpu.memory_space<hbm>>
        %dma_wait3A_216 = tpu.memref_squeeze %dma_wait3A_215 : memref<1x4x128xi32, #tpu.memory_space<hbm>> -> memref<4x128xi32, #tpu.memory_space<hbm>>
        %dma_wait3A_217 = arith.constant 0 : i32
        %dma_wait3A_218 = arith.constant 0 : i32
        %dma_wait3A_219 = tpu.memref_slice %arg3[%add3A_56, %dma_wait3A_217, %dma_wait3A_218] : memref<640x4x128xi32, #tpu.memory_space<hbm>> -> memref<1x4x128xi32, #tpu.memory_space<hbm>>
        %dma_wait3A_220 = tpu.memref_squeeze %dma_wait3A_219 : memref<1x4x128xi32, #tpu.memory_space<hbm>> -> memref<4x128xi32, #tpu.memory_space<hbm>>
        tpu.wait_dma2 semaphore(%run_scoped3A : memref<!tpu.dma_semaphore, #tpu.memory_space<semaphore_mem>>) src(%dma_wait3A_220 : memref<4x128xi32, #tpu.memory_space<hbm>>) dst(%arg9 : memref<4x128xi32, #tpu.memory_space<vmem>>)
        tpu.yield
      }) : () -> ()
      "tpu.region"() ({
        %run_scoped3A = tpu.sem_alloc : memref<!tpu.dma_semaphore, #tpu.memory_space<semaphore_mem>>
        %dma_start3A_205 = arith.constant 0 : i32
        %dma_start3A_206 = arith.constant 0 : i32
        %dma_start3A_207 = tpu.memref_slice %arg4[%add3A_56, %dma_start3A_205, %dma_start3A_206] : memref<640x4x128xi32, #tpu.memory_space<hbm>> -> memref<1x4x128xi32, #tpu.memory_space<hbm>>
        %dma_start3A_208 = tpu.memref_squeeze %dma_start3A_207 : memref<1x4x128xi32, #tpu.memory_space<hbm>> -> memref<4x128xi32, #tpu.memory_space<hbm>>
        %dma_start3A_209 = arith.constant 0 : i32
        %dma_start3A_210 = arith.constant 0 : i32
        %dma_start3A_211 = tpu.memref_slice %arg4[%add3A_56, %dma_start3A_209, %dma_start3A_210] : memref<640x4x128xi32, #tpu.memory_space<hbm>> -> memref<1x4x128xi32, #tpu.memory_space<hbm>>
        %dma_start3A_212 = tpu.memref_squeeze %dma_start3A_211 : memref<1x4x128xi32, #tpu.memory_space<hbm>> -> memref<4x128xi32, #tpu.memory_space<hbm>>
        tpu.enqueue_dma source(%dma_start3A_212 : memref<4x128xi32, #tpu.memory_space<hbm>>) target(%arg10 : memref<4x128xi32, #tpu.memory_space<vmem>>) target_semaphore(%run_scoped3A : memref<!tpu.dma_semaphore, #tpu.memory_space<semaphore_mem>>)
        %dma_wait3A_213 = arith.constant 0 : i32
        %dma_wait3A_214 = arith.constant 0 : i32
        %dma_wait3A_215 = tpu.memref_slice %arg4[%add3A_56, %dma_wait3A_213, %dma_wait3A_214] : memref<640x4x128xi32, #tpu.memory_space<hbm>> -> memref<1x4x128xi32, #tpu.memory_space<hbm>>
        %dma_wait3A_216 = tpu.memref_squeeze %dma_wait3A_215 : memref<1x4x128xi32, #tpu.memory_space<hbm>> -> memref<4x128xi32, #tpu.memory_space<hbm>>
        %dma_wait3A_217 = arith.constant 0 : i32
        %dma_wait3A_218 = arith.constant 0 : i32
        %dma_wait3A_219 = tpu.memref_slice %arg4[%add3A_56, %dma_wait3A_217, %dma_wait3A_218] : memref<640x4x128xi32, #tpu.memory_space<hbm>> -> memref<1x4x128xi32, #tpu.memory_space<hbm>>
        %dma_wait3A_220 = tpu.memref_squeeze %dma_wait3A_219 : memref<1x4x128xi32, #tpu.memory_space<hbm>> -> memref<4x128xi32, #tpu.memory_space<hbm>>
        tpu.wait_dma2 semaphore(%run_scoped3A : memref<!tpu.dma_semaphore, #tpu.memory_space<semaphore_mem>>) src(%dma_wait3A_220 : memref<4x128xi32, #tpu.memory_space<hbm>>) dst(%arg10 : memref<4x128xi32, #tpu.memory_space<vmem>>)
        tpu.yield
      }) : () -> ()
      %gt3A = arith.constant 0 : i32
      %gt3A_57 = arith.cmpi sgt, %while3A_54, %gt3A : i32
      %convert_element_type3A_58 = arith.extui %gt3A_57 : i1 to i32
      %cond3A_59 = arith.constant 0 : i32
      %cond3A_60 = arith.cmpi ne, %convert_element_type3A_58, %cond3A_59 : i32
      scf.if %cond3A_60 {
        %dma_wait3A_205 = arith.constant 0 : i32
        %dma_wait3A_206 = arith.constant 0 : i32
        %dma_wait3A_207 = tpu.memref_slice %arg2[%dma_wait3A_205, %dma_wait3A_206] : memref<10000x128xf32, #tpu.memory_space<hbm>> -> memref<128x128xf32, #tpu.memory_space<hbm>>
        %dma_wait3A_208 = arith.constant 0 : i32
        %dma_wait3A_209 = arith.constant 0 : i32
        %dma_wait3A_210 = tpu.memref_slice %arg2[%dma_wait3A_208, %dma_wait3A_209] : memref<10000x128xf32, #tpu.memory_space<hbm>> -> memref<128x128xf32, #tpu.memory_space<hbm>>
        tpu.wait_dma2 semaphore(%arg16 : memref<!tpu.dma_semaphore, #tpu.memory_space<semaphore_mem>>) src(%dma_wait3A_210 : memref<128x128xf32, #tpu.memory_space<hbm>>) dst(%arg11 : memref<128x128xf32, #tpu.memory_space<vmem>>)
        %dma_wait3A_211 = arith.constant 0 : i32
        %dma_wait3A_212 = arith.constant 0 : i32
        %dma_wait3A_213 = tpu.memref_slice %arg2[%dma_wait3A_211, %dma_wait3A_212] : memref<10000x128xf32, #tpu.memory_space<hbm>> -> memref<128x128xf32, #tpu.memory_space<hbm>>
        %dma_wait3A_214 = arith.constant 0 : i32
        %dma_wait3A_215 = arith.constant 0 : i32
        %dma_wait3A_216 = tpu.memref_slice %arg2[%dma_wait3A_214, %dma_wait3A_215] : memref<10000x128xf32, #tpu.memory_space<hbm>> -> memref<128x128xf32, #tpu.memory_space<hbm>>
        tpu.wait_dma2 semaphore(%arg18 : memref<!tpu.dma_semaphore, #tpu.memory_space<semaphore_mem>>) src(%dma_wait3A_216 : memref<128x128xf32, #tpu.memory_space<hbm>>) dst(%arg11 : memref<128x128xf32, #tpu.memory_space<vmem>>)
        %dma_wait3A_217 = arith.constant 0 : i32
        %dma_wait3A_218 = arith.constant 0 : i32
        %dma_wait3A_219 = tpu.memref_slice %arg2[%dma_wait3A_217, %dma_wait3A_218] : memref<10000x128xf32, #tpu.memory_space<hbm>> -> memref<128x128xf32, #tpu.memory_space<hbm>>
        %dma_wait3A_220 = arith.constant 0 : i32
        %dma_wait3A_221 = arith.constant 0 : i32
        %dma_wait3A_222 = tpu.memref_slice %arg2[%dma_wait3A_220, %dma_wait3A_221] : memref<10000x128xf32, #tpu.memory_space<hbm>> -> memref<128x128xf32, #tpu.memory_space<hbm>>
        tpu.wait_dma2 semaphore(%arg17 : memref<!tpu.dma_semaphore, #tpu.memory_space<semaphore_mem>>) src(%dma_wait3A_222 : memref<128x128xf32, #tpu.memory_space<hbm>>) dst(%arg12 : memref<128x128xf32, #tpu.memory_space<vmem>>)
        %dma_wait3A_223 = arith.constant 0 : i32
        %dma_wait3A_224 = arith.constant 0 : i32
        %dma_wait3A_225 = tpu.memref_slice %arg2[%dma_wait3A_223, %dma_wait3A_224] : memref<10000x128xf32, #tpu.memory_space<hbm>> -> memref<128x128xf32, #tpu.memory_space<hbm>>
        %dma_wait3A_226 = arith.constant 0 : i32
        %dma_wait3A_227 = arith.constant 0 : i32
        %dma_wait3A_228 = tpu.memref_slice %arg2[%dma_wait3A_226, %dma_wait3A_227] : memref<10000x128xf32, #tpu.memory_space<hbm>> -> memref<128x128xf32, #tpu.memory_space<hbm>>
        tpu.wait_dma2 semaphore(%arg19 : memref<!tpu.dma_semaphore, #tpu.memory_space<semaphore_mem>>) src(%dma_wait3A_228 : memref<128x128xf32, #tpu.memory_space<hbm>>) dst(%arg12 : memref<128x128xf32, #tpu.memory_space<vmem>>)
      } else {
      }
      %dma_start3A = arith.constant 0 : i32
      %dma_start3A_61 = arith.constant 0 : i32
      %dma_start3A_62 = tpu.memref_slice %arg9[%dma_start3A, %dma_start3A_61] : memref<4x128xi32, #tpu.memory_space<vmem>> -> memref<1x128xi32, #tpu.memory_space<vmem>>
      %dma_start3A_63 = tpu.memref_squeeze %dma_start3A_62 : memref<1x128xi32, #tpu.memory_space<vmem>> -> memref<128xi32, #tpu.memory_space<vmem>>
      %dma_start3A_64 = arith.constant 0 : i32
      %dma_start3A_65 = arith.constant 0 : i32
      %dma_start3A_66 = tpu.memref_slice %arg2[%dma_start3A_64, %dma_start3A_65] : memref<10000x128xf32, #tpu.memory_space<hbm>> -> memref<10000x128xf32, #tpu.memory_space<hbm>>
      tpu.enqueue_indirect_dma source(%dma_start3A_66 : memref<10000x128xf32, #tpu.memory_space<hbm>>) target(%arg11 : memref<128x128xf32, #tpu.memory_space<vmem>>) offsets(%dma_start3A_63 : memref<128xi32, #tpu.memory_space<vmem>>) semaphore(%arg14 : memref<!tpu.dma_semaphore, #tpu.memory_space<semaphore_mem>>)
      %dma_start3A_67 = arith.constant 1 : i32
      %dma_start3A_68 = arith.constant 0 : i32
      %dma_start3A_69 = tpu.memref_slice %arg9[%dma_start3A_67, %dma_start3A_68] : memref<4x128xi32, #tpu.memory_space<vmem>> -> memref<1x128xi32, #tpu.memory_space<vmem>>
      %dma_start3A_70 = tpu.memref_squeeze %dma_start3A_69 : memref<1x128xi32, #tpu.memory_space<vmem>> -> memref<128xi32, #tpu.memory_space<vmem>>
      %dma_start3A_71 = arith.constant 0 : i32
      %dma_start3A_72 = arith.constant 0 : i32
      %dma_start3A_73 = tpu.memref_slice %arg2[%dma_start3A_71, %dma_start3A_72] : memref<10000x128xf32, #tpu.memory_space<hbm>> -> memref<10000x128xf32, #tpu.memory_space<hbm>>
      tpu.enqueue_indirect_dma source(%dma_start3A_73 : memref<10000x128xf32, #tpu.memory_space<hbm>>) target(%arg12 : memref<128x128xf32, #tpu.memory_space<vmem>>) offsets(%dma_start3A_70 : memref<128xi32, #tpu.memory_space<vmem>>) semaphore(%arg15 : memref<!tpu.dma_semaphore, #tpu.memory_space<semaphore_mem>>)
      %dma_wait3A_74 = arith.constant 0 : i32
      %dma_wait3A_75 = arith.constant 0 : i32
      %dma_wait3A_76 = tpu.memref_slice %arg2[%dma_wait3A_74, %dma_wait3A_75] : memref<10000x128xf32, #tpu.memory_space<hbm>> -> memref<128x128xf32, #tpu.memory_space<hbm>>
      %dma_wait3A_77 = arith.constant 0 : i32
      %dma_wait3A_78 = arith.constant 0 : i32
      %dma_wait3A_79 = tpu.memref_slice %arg2[%dma_wait3A_77, %dma_wait3A_78] : memref<10000x128xf32, #tpu.memory_space<hbm>> -> memref<128x128xf32, #tpu.memory_space<hbm>>
      tpu.wait_dma2 semaphore(%arg14 : memref<!tpu.dma_semaphore, #tpu.memory_space<semaphore_mem>>) src(%dma_wait3A_79 : memref<128x128xf32, #tpu.memory_space<hbm>>) dst(%arg11 : memref<128x128xf32, #tpu.memory_space<vmem>>)
      %dma_start3A_80 = arith.constant 0 : i32
      %dma_start3A_81 = arith.constant 0 : i32
      %dma_start3A_82 = tpu.memref_slice %arg10[%dma_start3A_80, %dma_start3A_81] : memref<4x128xi32, #tpu.memory_space<vmem>> -> memref<1x128xi32, #tpu.memory_space<vmem>>
      %dma_start3A_83 = tpu.memref_squeeze %dma_start3A_82 : memref<1x128xi32, #tpu.memory_space<vmem>> -> memref<128xi32, #tpu.memory_space<vmem>>
      %dma_start3A_84 = arith.constant 0 : i32
      %dma_start3A_85 = arith.constant 0 : i32
      %dma_start3A_86 = tpu.memref_slice %arg13[%dma_start3A_84, %dma_start3A_85] : memref<10112x128xf32, #tpu.memory_space<vmem_shared>> -> memref<10112x128xf32, #tpu.memory_space<vmem_shared>>
      tpu.enqueue_indirect_dma source(%arg11 : memref<128x128xf32, #tpu.memory_space<vmem>>) target(%dma_start3A_86 : memref<10112x128xf32, #tpu.memory_space<vmem_shared>>) offsets(%dma_start3A_83 : memref<128xi32, #tpu.memory_space<vmem>>) semaphore(%arg16 : memref<!tpu.dma_semaphore, #tpu.memory_space<semaphore_mem>>) {add = true}
      %mul3A_87 = arith.constant 4 : i32
      %mul3A_88 = arith.muli %add3A_56, %mul3A_87 : i32
      %add3A_89 = arith.constant 0 : i32
      %add3A_90 = arith.addi %mul3A_88, %add3A_89 : i32
      %mul3A_91 = arith.constant 128 : i32
      %mul3A_92 = arith.muli %add3A_90, %mul3A_91 : i32
      %dma_start3A_93 = arith.constant 0 : i32
      %dma_start3A_94 = tpu.memref_slice %arg8[%mul3A_92, %dma_start3A_93] : memref<327680x128xf32, #tpu.memory_space<hbm>> -> memref<128x128xf32, #tpu.memory_space<hbm>>
      %dma_start3A_95 = arith.constant 0 : i32
      %dma_start3A_96 = tpu.memref_slice %arg8[%mul3A_92, %dma_start3A_95] : memref<327680x128xf32, #tpu.memory_space<hbm>> -> memref<128x128xf32, #tpu.memory_space<hbm>>
      tpu.enqueue_dma source(%arg11 : memref<128x128xf32, #tpu.memory_space<vmem>>) target(%dma_start3A_96 : memref<128x128xf32, #tpu.memory_space<hbm>>) target_semaphore(%arg18 : memref<!tpu.dma_semaphore, #tpu.memory_space<semaphore_mem>>)
      %dma_wait3A_97 = arith.constant 0 : i32
      %dma_wait3A_98 = arith.constant 0 : i32
      %dma_wait3A_99 = tpu.memref_slice %arg2[%dma_wait3A_97, %dma_wait3A_98] : memref<10000x128xf32, #tpu.memory_space<hbm>> -> memref<128x128xf32, #tpu.memory_space<hbm>>
      %dma_wait3A_100 = arith.constant 0 : i32
      %dma_wait3A_101 = arith.constant 0 : i32
      %dma_wait3A_102 = tpu.memref_slice %arg2[%dma_wait3A_100, %dma_wait3A_101] : memref<10000x128xf32, #tpu.memory_space<hbm>> -> memref<128x128xf32, #tpu.memory_space<hbm>>
      tpu.wait_dma2 semaphore(%arg15 : memref<!tpu.dma_semaphore, #tpu.memory_space<semaphore_mem>>) src(%dma_wait3A_102 : memref<128x128xf32, #tpu.memory_space<hbm>>) dst(%arg12 : memref<128x128xf32, #tpu.memory_space<vmem>>)
      %dma_start3A_103 = arith.constant 1 : i32
      %dma_start3A_104 = arith.constant 0 : i32
      %dma_start3A_105 = tpu.memref_slice %arg10[%dma_start3A_103, %dma_start3A_104] : memref<4x128xi32, #tpu.memory_space<vmem>> -> memref<1x128xi32, #tpu.memory_space<vmem>>
      %dma_start3A_106 = tpu.memref_squeeze %dma_start3A_105 : memref<1x128xi32, #tpu.memory_space<vmem>> -> memref<128xi32, #tpu.memory_space<vmem>>
      %dma_start3A_107 = arith.constant 0 : i32
      %dma_start3A_108 = arith.constant 0 : i32
      %dma_start3A_109 = tpu.memref_slice %arg13[%dma_start3A_107, %dma_start3A_108] : memref<10112x128xf32, #tpu.memory_space<vmem_shared>> -> memref<10112x128xf32, #tpu.memory_space<vmem_shared>>
      tpu.enqueue_indirect_dma source(%arg12 : memref<128x128xf32, #tpu.memory_space<vmem>>) target(%dma_start3A_109 : memref<10112x128xf32, #tpu.memory_space<vmem_shared>>) offsets(%dma_start3A_106 : memref<128xi32, #tpu.memory_space<vmem>>) semaphore(%arg17 : memref<!tpu.dma_semaphore, #tpu.memory_space<semaphore_mem>>) {add = true}
      %mul3A_110 = arith.constant 4 : i32
      %mul3A_111 = arith.muli %add3A_56, %mul3A_110 : i32
      %add3A_112 = arith.constant 1 : i32
      %add3A_113 = arith.addi %mul3A_111, %add3A_112 : i32
      %mul3A_114 = arith.constant 128 : i32
      %mul3A_115 = arith.muli %add3A_113, %mul3A_114 : i32
      %dma_start3A_116 = arith.constant 0 : i32
      %dma_start3A_117 = tpu.memref_slice %arg8[%mul3A_115, %dma_start3A_116] : memref<327680x128xf32, #tpu.memory_space<hbm>> -> memref<128x128xf32, #tpu.memory_space<hbm>>
      %dma_start3A_118 = arith.constant 0 : i32
      %dma_start3A_119 = tpu.memref_slice %arg8[%mul3A_115, %dma_start3A_118] : memref<327680x128xf32, #tpu.memory_space<hbm>> -> memref<128x128xf32, #tpu.memory_space<hbm>>
      tpu.enqueue_dma source(%arg12 : memref<128x128xf32, #tpu.memory_space<vmem>>) target(%dma_start3A_119 : memref<128x128xf32, #tpu.memory_space<hbm>>) target_semaphore(%arg19 : memref<!tpu.dma_semaphore, #tpu.memory_space<semaphore_mem>>)
      %dma_wait3A_120 = arith.constant 0 : i32
      %dma_wait3A_121 = arith.constant 0 : i32
      %dma_wait3A_122 = tpu.memref_slice %arg2[%dma_wait3A_120, %dma_wait3A_121] : memref<10000x128xf32, #tpu.memory_space<hbm>> -> memref<128x128xf32, #tpu.memory_space<hbm>>
      %dma_wait3A_123 = arith.constant 0 : i32
      %dma_wait3A_124 = arith.constant 0 : i32
      %dma_wait3A_125 = tpu.memref_slice %arg2[%dma_wait3A_123, %dma_wait3A_124] : memref<10000x128xf32, #tpu.memory_space<hbm>> -> memref<128x128xf32, #tpu.memory_space<hbm>>
      tpu.wait_dma2 semaphore(%arg16 : memref<!tpu.dma_semaphore, #tpu.memory_space<semaphore_mem>>) src(%dma_wait3A_125 : memref<128x128xf32, #tpu.memory_space<hbm>>) dst(%arg11 : memref<128x128xf32, #tpu.memory_space<vmem>>)
      %dma_wait3A_126 = arith.constant 0 : i32
      %dma_wait3A_127 = arith.constant 0 : i32
      %dma_wait3A_128 = tpu.memref_slice %arg2[%dma_wait3A_126, %dma_wait3A_127] : memref<10000x128xf32, #tpu.memory_space<hbm>> -> memref<128x128xf32, #tpu.memory_space<hbm>>
      %dma_wait3A_129 = arith.constant 0 : i32
      %dma_wait3A_130 = arith.constant 0 : i32
      %dma_wait3A_131 = tpu.memref_slice %arg2[%dma_wait3A_129, %dma_wait3A_130] : memref<10000x128xf32, #tpu.memory_space<hbm>> -> memref<128x128xf32, #tpu.memory_space<hbm>>
      tpu.wait_dma2 semaphore(%arg18 : memref<!tpu.dma_semaphore, #tpu.memory_space<semaphore_mem>>) src(%dma_wait3A_131 : memref<128x128xf32, #tpu.memory_space<hbm>>) dst(%arg11 : memref<128x128xf32, #tpu.memory_space<vmem>>)
      %dma_start3A_132 = arith.constant 2 : i32
      %dma_start3A_133 = arith.constant 0 : i32
      %dma_start3A_134 = tpu.memref_slice %arg9[%dma_start3A_132, %dma_start3A_133] : memref<4x128xi32, #tpu.memory_space<vmem>> -> memref<1x128xi32, #tpu.memory_space<vmem>>
      %dma_start3A_135 = tpu.memref_squeeze %dma_start3A_134 : memref<1x128xi32, #tpu.memory_space<vmem>> -> memref<128xi32, #tpu.memory_space<vmem>>
      %dma_start3A_136 = arith.constant 0 : i32
      %dma_start3A_137 = arith.constant 0 : i32
      %dma_start3A_138 = tpu.memref_slice %arg2[%dma_start3A_136, %dma_start3A_137] : memref<10000x128xf32, #tpu.memory_space<hbm>> -> memref<10000x128xf32, #tpu.memory_space<hbm>>
      tpu.enqueue_indirect_dma source(%dma_start3A_138 : memref<10000x128xf32, #tpu.memory_space<hbm>>) target(%arg11 : memref<128x128xf32, #tpu.memory_space<vmem>>) offsets(%dma_start3A_135 : memref<128xi32, #tpu.memory_space<vmem>>) semaphore(%arg14 : memref<!tpu.dma_semaphore, #tpu.memory_space<semaphore_mem>>)
      %dma_wait3A_139 = arith.constant 0 : i32
      %dma_wait3A_140 = arith.constant 0 : i32
      %dma_wait3A_141 = tpu.memref_slice %arg2[%dma_wait3A_139, %dma_wait3A_140] : memref<10000x128xf32, #tpu.memory_space<hbm>> -> memref<128x128xf32, #tpu.memory_space<hbm>>
      %dma_wait3A_142 = arith.constant 0 : i32
      %dma_wait3A_143 = arith.constant 0 : i32
      %dma_wait3A_144 = tpu.memref_slice %arg2[%dma_wait3A_142, %dma_wait3A_143] : memref<10000x128xf32, #tpu.memory_space<hbm>> -> memref<128x128xf32, #tpu.memory_space<hbm>>
      tpu.wait_dma2 semaphore(%arg14 : memref<!tpu.dma_semaphore, #tpu.memory_space<semaphore_mem>>) src(%dma_wait3A_144 : memref<128x128xf32, #tpu.memory_space<hbm>>) dst(%arg11 : memref<128x128xf32, #tpu.memory_space<vmem>>)
      %dma_start3A_145 = arith.constant 2 : i32
      %dma_start3A_146 = arith.constant 0 : i32
      %dma_start3A_147 = tpu.memref_slice %arg10[%dma_start3A_145, %dma_start3A_146] : memref<4x128xi32, #tpu.memory_space<vmem>> -> memref<1x128xi32, #tpu.memory_space<vmem>>
      %dma_start3A_148 = tpu.memref_squeeze %dma_start3A_147 : memref<1x128xi32, #tpu.memory_space<vmem>> -> memref<128xi32, #tpu.memory_space<vmem>>
      %dma_start3A_149 = arith.constant 0 : i32
      %dma_start3A_150 = arith.constant 0 : i32
      %dma_start3A_151 = tpu.memref_slice %arg13[%dma_start3A_149, %dma_start3A_150] : memref<10112x128xf32, #tpu.memory_space<vmem_shared>> -> memref<10112x128xf32, #tpu.memory_space<vmem_shared>>
      tpu.enqueue_indirect_dma source(%arg11 : memref<128x128xf32, #tpu.memory_space<vmem>>) target(%dma_start3A_151 : memref<10112x128xf32, #tpu.memory_space<vmem_shared>>) offsets(%dma_start3A_148 : memref<128xi32, #tpu.memory_space<vmem>>) semaphore(%arg16 : memref<!tpu.dma_semaphore, #tpu.memory_space<semaphore_mem>>) {add = true}
      %mul3A_152 = arith.constant 4 : i32
      %mul3A_153 = arith.muli %add3A_56, %mul3A_152 : i32
      %add3A_154 = arith.constant 2 : i32
      %add3A_155 = arith.addi %mul3A_153, %add3A_154 : i32
      %mul3A_156 = arith.constant 128 : i32
      %mul3A_157 = arith.muli %add3A_155, %mul3A_156 : i32
      %dma_start3A_158 = arith.constant 0 : i32
      %dma_start3A_159 = tpu.memref_slice %arg8[%mul3A_157, %dma_start3A_158] : memref<327680x128xf32, #tpu.memory_space<hbm>> -> memref<128x128xf32, #tpu.memory_space<hbm>>
      %dma_start3A_160 = arith.constant 0 : i32
      %dma_start3A_161 = tpu.memref_slice %arg8[%mul3A_157, %dma_start3A_160] : memref<327680x128xf32, #tpu.memory_space<hbm>> -> memref<128x128xf32, #tpu.memory_space<hbm>>
      tpu.enqueue_dma source(%arg11 : memref<128x128xf32, #tpu.memory_space<vmem>>) target(%dma_start3A_161 : memref<128x128xf32, #tpu.memory_space<hbm>>) target_semaphore(%arg18 : memref<!tpu.dma_semaphore, #tpu.memory_space<semaphore_mem>>)
      %dma_wait3A_162 = arith.constant 0 : i32
      %dma_wait3A_163 = arith.constant 0 : i32
      %dma_wait3A_164 = tpu.memref_slice %arg2[%dma_wait3A_162, %dma_wait3A_163] : memref<10000x128xf32, #tpu.memory_space<hbm>> -> memref<128x128xf32, #tpu.memory_space<hbm>>
      %dma_wait3A_165 = arith.constant 0 : i32
      %dma_wait3A_166 = arith.constant 0 : i32
      %dma_wait3A_167 = tpu.memref_slice %arg2[%dma_wait3A_165, %dma_wait3A_166] : memref<10000x128xf32, #tpu.memory_space<hbm>> -> memref<128x128xf32, #tpu.memory_space<hbm>>
      tpu.wait_dma2 semaphore(%arg17 : memref<!tpu.dma_semaphore, #tpu.memory_space<semaphore_mem>>) src(%dma_wait3A_167 : memref<128x128xf32, #tpu.memory_space<hbm>>) dst(%arg12 : memref<128x128xf32, #tpu.memory_space<vmem>>)
      %dma_wait3A_168 = arith.constant 0 : i32
      %dma_wait3A_169 = arith.constant 0 : i32
      %dma_wait3A_170 = tpu.memref_slice %arg2[%dma_wait3A_168, %dma_wait3A_169] : memref<10000x128xf32, #tpu.memory_space<hbm>> -> memref<128x128xf32, #tpu.memory_space<hbm>>
      %dma_wait3A_171 = arith.constant 0 : i32
      %dma_wait3A_172 = arith.constant 0 : i32
      %dma_wait3A_173 = tpu.memref_slice %arg2[%dma_wait3A_171, %dma_wait3A_172] : memref<10000x128xf32, #tpu.memory_space<hbm>> -> memref<128x128xf32, #tpu.memory_space<hbm>>
      tpu.wait_dma2 semaphore(%arg19 : memref<!tpu.dma_semaphore, #tpu.memory_space<semaphore_mem>>) src(%dma_wait3A_173 : memref<128x128xf32, #tpu.memory_space<hbm>>) dst(%arg12 : memref<128x128xf32, #tpu.memory_space<vmem>>)
      %dma_start3A_174 = arith.constant 3 : i32
      %dma_start3A_175 = arith.constant 0 : i32
      %dma_start3A_176 = tpu.memref_slice %arg9[%dma_start3A_174, %dma_start3A_175] : memref<4x128xi32, #tpu.memory_space<vmem>> -> memref<1x128xi32, #tpu.memory_space<vmem>>
      %dma_start3A_177 = tpu.memref_squeeze %dma_start3A_176 : memref<1x128xi32, #tpu.memory_space<vmem>> -> memref<128xi32, #tpu.memory_space<vmem>>
      %dma_start3A_178 = arith.constant 0 : i32
      %dma_start3A_179 = arith.constant 0 : i32
      %dma_start3A_180 = tpu.memref_slice %arg2[%dma_start3A_178, %dma_start3A_179] : memref<10000x128xf32, #tpu.memory_space<hbm>> -> memref<10000x128xf32, #tpu.memory_space<hbm>>
      tpu.enqueue_indirect_dma source(%dma_start3A_180 : memref<10000x128xf32, #tpu.memory_space<hbm>>) target(%arg12 : memref<128x128xf32, #tpu.memory_space<vmem>>) offsets(%dma_start3A_177 : memref<128xi32, #tpu.memory_space<vmem>>) semaphore(%arg15 : memref<!tpu.dma_semaphore, #tpu.memory_space<semaphore_mem>>)
      %dma_wait3A_181 = arith.constant 0 : i32
      %dma_wait3A_182 = arith.constant 0 : i32
      %dma_wait3A_183 = tpu.memref_slice %arg2[%dma_wait3A_181, %dma_wait3A_182] : memref<10000x128xf32, #tpu.memory_space<hbm>> -> memref<128x128xf32, #tpu.memory_space<hbm>>
      %dma_wait3A_184 = arith.constant 0 : i32
      %dma_wait3A_185 = arith.constant 0 : i32
      %dma_wait3A_186 = tpu.memref_slice %arg2[%dma_wait3A_184, %dma_wait3A_185] : memref<10000x128xf32, #tpu.memory_space<hbm>> -> memref<128x128xf32, #tpu.memory_space<hbm>>
      tpu.wait_dma2 semaphore(%arg15 : memref<!tpu.dma_semaphore, #tpu.memory_space<semaphore_mem>>) src(%dma_wait3A_186 : memref<128x128xf32, #tpu.memory_space<hbm>>) dst(%arg12 : memref<128x128xf32, #tpu.memory_space<vmem>>)
      %dma_start3A_187 = arith.constant 3 : i32
      %dma_start3A_188 = arith.constant 0 : i32
      %dma_start3A_189 = tpu.memref_slice %arg10[%dma_start3A_187, %dma_start3A_188] : memref<4x128xi32, #tpu.memory_space<vmem>> -> memref<1x128xi32, #tpu.memory_space<vmem>>
      %dma_start3A_190 = tpu.memref_squeeze %dma_start3A_189 : memref<1x128xi32, #tpu.memory_space<vmem>> -> memref<128xi32, #tpu.memory_space<vmem>>
      %dma_start3A_191 = arith.constant 0 : i32
      %dma_start3A_192 = arith.constant 0 : i32
      %dma_start3A_193 = tpu.memref_slice %arg13[%dma_start3A_191, %dma_start3A_192] : memref<10112x128xf32, #tpu.memory_space<vmem_shared>> -> memref<10112x128xf32, #tpu.memory_space<vmem_shared>>
      tpu.enqueue_indirect_dma source(%arg12 : memref<128x128xf32, #tpu.memory_space<vmem>>) target(%dma_start3A_193 : memref<10112x128xf32, #tpu.memory_space<vmem_shared>>) offsets(%dma_start3A_190 : memref<128xi32, #tpu.memory_space<vmem>>) semaphore(%arg17 : memref<!tpu.dma_semaphore, #tpu.memory_space<semaphore_mem>>) {add = true}
      %mul3A_194 = arith.constant 4 : i32
      %mul3A_195 = arith.muli %add3A_56, %mul3A_194 : i32
      %add3A_196 = arith.constant 3 : i32
      %add3A_197 = arith.addi %mul3A_195, %add3A_196 : i32
      %mul3A_198 = arith.constant 128 : i32
      %mul3A_199 = arith.muli %add3A_197, %mul3A_198 : i32
      %dma_start3A_200 = arith.constant 0 : i32
      %dma_start3A_201 = tpu.memref_slice %arg8[%mul3A_199, %dma_start3A_200] : memref<327680x128xf32, #tpu.memory_space<hbm>> -> memref<128x128xf32, #tpu.memory_space<hbm>>
      %dma_start3A_202 = arith.constant 0 : i32
      %dma_start3A_203 = tpu.memref_slice %arg8[%mul3A_199, %dma_start3A_202] : memref<327680x128xf32, #tpu.memory_space<hbm>> -> memref<128x128xf32, #tpu.memory_space<hbm>>
      tpu.enqueue_dma source(%arg12 : memref<128x128xf32, #tpu.memory_space<vmem>>) target(%dma_start3A_203 : memref<128x128xf32, #tpu.memory_space<hbm>>) target_semaphore(%arg19 : memref<!tpu.dma_semaphore, #tpu.memory_space<semaphore_mem>>)
      %while3A_204 = arith.constant 0 : i32
      scf.yield %while3A_204 : i32
    }
    %while3A_20 = arith.constant 1 : i32
    %while3A_21 = scf.for %while3A_54 = %while3A_17 to %while3A_13 step %while3A_20 iter_args(%while3A_55 = %while3A_19) -> (i32)  : i32 {
      %add3A_56 = arith.addi %select_n3A_10, %while3A_54 : i32
      "tpu.region"() ({
        %run_scoped3A = tpu.sem_alloc : memref<!tpu.dma_semaphore, #tpu.memory_space<semaphore_mem>>
        %dma_start3A_205 = arith.constant 0 : i32
        %dma_start3A_206 = arith.constant 0 : i32
        %dma_start3A_207 = tpu.memref_slice %arg3[%add3A_56, %dma_start3A_205, %dma_start3A_206] : memref<640x4x128xi32, #tpu.memory_space<hbm>> -> memref<1x4x128xi32, #tpu.memory_space<hbm>>
        %dma_start3A_208 = tpu.memref_squeeze %dma_start3A_207 : memref<1x4x128xi32, #tpu.memory_space<hbm>> -> memref<4x128xi32, #tpu.memory_space<hbm>>
        %dma_start3A_209 = arith.constant 0 : i32
        %dma_start3A_210 = arith.constant 0 : i32
        %dma_start3A_211 = tpu.memref_slice %arg3[%add3A_56, %dma_start3A_209, %dma_start3A_210] : memref<640x4x128xi32, #tpu.memory_space<hbm>> -> memref<1x4x128xi32, #tpu.memory_space<hbm>>
        %dma_start3A_212 = tpu.memref_squeeze %dma_start3A_211 : memref<1x4x128xi32, #tpu.memory_space<hbm>> -> memref<4x128xi32, #tpu.memory_space<hbm>>
        tpu.enqueue_dma source(%dma_start3A_212 : memref<4x128xi32, #tpu.memory_space<hbm>>) target(%arg9 : memref<4x128xi32, #tpu.memory_space<vmem>>) target_semaphore(%run_scoped3A : memref<!tpu.dma_semaphore, #tpu.memory_space<semaphore_mem>>)
        %dma_wait3A_213 = arith.constant 0 : i32
        %dma_wait3A_214 = arith.constant 0 : i32
        %dma_wait3A_215 = tpu.memref_slice %arg3[%add3A_56, %dma_wait3A_213, %dma_wait3A_214] : memref<640x4x128xi32, #tpu.memory_space<hbm>> -> memref<1x4x128xi32, #tpu.memory_space<hbm>>
        %dma_wait3A_216 = tpu.memref_squeeze %dma_wait3A_215 : memref<1x4x128xi32, #tpu.memory_space<hbm>> -> memref<4x128xi32, #tpu.memory_space<hbm>>
        %dma_wait3A_217 = arith.constant 0 : i32
        %dma_wait3A_218 = arith.constant 0 : i32
        %dma_wait3A_219 = tpu.memref_slice %arg3[%add3A_56, %dma_wait3A_217, %dma_wait3A_218] : memref<640x4x128xi32, #tpu.memory_space<hbm>> -> memref<1x4x128xi32, #tpu.memory_space<hbm>>
        %dma_wait3A_220 = tpu.memref_squeeze %dma_wait3A_219 : memref<1x4x128xi32, #tpu.memory_space<hbm>> -> memref<4x128xi32, #tpu.memory_space<hbm>>
        tpu.wait_dma2 semaphore(%run_scoped3A : memref<!tpu.dma_semaphore, #tpu.memory_space<semaphore_mem>>) src(%dma_wait3A_220 : memref<4x128xi32, #tpu.memory_space<hbm>>) dst(%arg9 : memref<4x128xi32, #tpu.memory_space<vmem>>)
        tpu.yield
      }) : () -> ()
      "tpu.region"() ({
        %run_scoped3A = tpu.sem_alloc : memref<!tpu.dma_semaphore, #tpu.memory_space<semaphore_mem>>
        %dma_start3A_205 = arith.constant 0 : i32
        %dma_start3A_206 = arith.constant 0 : i32
        %dma_start3A_207 = tpu.memref_slice %arg4[%add3A_56, %dma_start3A_205, %dma_start3A_206] : memref<640x4x128xi32, #tpu.memory_space<hbm>> -> memref<1x4x128xi32, #tpu.memory_space<hbm>>
        %dma_start3A_208 = tpu.memref_squeeze %dma_start3A_207 : memref<1x4x128xi32, #tpu.memory_space<hbm>> -> memref<4x128xi32, #tpu.memory_space<hbm>>
        %dma_start3A_209 = arith.constant 0 : i32
        %dma_start3A_210 = arith.constant 0 : i32
        %dma_start3A_211 = tpu.memref_slice %arg4[%add3A_56, %dma_start3A_209, %dma_start3A_210] : memref<640x4x128xi32, #tpu.memory_space<hbm>> -> memref<1x4x128xi32, #tpu.memory_space<hbm>>
        %dma_start3A_212 = tpu.memref_squeeze %dma_start3A_211 : memref<1x4x128xi32, #tpu.memory_space<hbm>> -> memref<4x128xi32, #tpu.memory_space<hbm>>
        tpu.enqueue_dma source(%dma_start3A_212 : memref<4x128xi32, #tpu.memory_space<hbm>>) target(%arg10 : memref<4x128xi32, #tpu.memory_space<vmem>>) target_semaphore(%run_scoped3A : memref<!tpu.dma_semaphore, #tpu.memory_space<semaphore_mem>>)
        %dma_wait3A_213 = arith.constant 0 : i32
        %dma_wait3A_214 = arith.constant 0 : i32
        %dma_wait3A_215 = tpu.memref_slice %arg4[%add3A_56, %dma_wait3A_213, %dma_wait3A_214] : memref<640x4x128xi32, #tpu.memory_space<hbm>> -> memref<1x4x128xi32, #tpu.memory_space<hbm>>
        %dma_wait3A_216 = tpu.memref_squeeze %dma_wait3A_215 : memref<1x4x128xi32, #tpu.memory_space<hbm>> -> memref<4x128xi32, #tpu.memory_space<hbm>>
        %dma_wait3A_217 = arith.constant 0 : i32
        %dma_wait3A_218 = arith.constant 0 : i32
        %dma_wait3A_219 = tpu.memref_slice %arg4[%add3A_56, %dma_wait3A_217, %dma_wait3A_218] : memref<640x4x128xi32, #tpu.memory_space<hbm>> -> memref<1x4x128xi32, #tpu.memory_space<hbm>>
        %dma_wait3A_220 = tpu.memref_squeeze %dma_wait3A_219 : memref<1x4x128xi32, #tpu.memory_space<hbm>> -> memref<4x128xi32, #tpu.memory_space<hbm>>
        tpu.wait_dma2 semaphore(%run_scoped3A : memref<!tpu.dma_semaphore, #tpu.memory_space<semaphore_mem>>) src(%dma_wait3A_220 : memref<4x128xi32, #tpu.memory_space<hbm>>) dst(%arg10 : memref<4x128xi32, #tpu.memory_space<vmem>>)
        tpu.yield
      }) : () -> ()
      %gt3A = arith.constant 0 : i32
      %gt3A_57 = arith.cmpi sgt, %while3A_54, %gt3A : i32
      %convert_element_type3A_58 = arith.extui %gt3A_57 : i1 to i32
      %cond3A_59 = arith.constant 0 : i32
      %cond3A_60 = arith.cmpi ne, %convert_element_type3A_58, %cond3A_59 : i32
      scf.if %cond3A_60 {
        %dma_wait3A_205 = arith.constant 0 : i32
        %dma_wait3A_206 = arith.constant 0 : i32
        %dma_wait3A_207 = tpu.memref_slice %arg2[%dma_wait3A_205, %dma_wait3A_206] : memref<10000x128xf32, #tpu.memory_space<hbm>> -> memref<128x128xf32, #tpu.memory_space<hbm>>
        %dma_wait3A_208 = arith.constant 0 : i32
        %dma_wait3A_209 = arith.constant 0 : i32
        %dma_wait3A_210 = tpu.memref_slice %arg2[%dma_wait3A_208, %dma_wait3A_209] : memref<10000x128xf32, #tpu.memory_space<hbm>> -> memref<128x128xf32, #tpu.memory_space<hbm>>
        tpu.wait_dma2 semaphore(%arg16 : memref<!tpu.dma_semaphore, #tpu.memory_space<semaphore_mem>>) src(%dma_wait3A_210 : memref<128x128xf32, #tpu.memory_space<hbm>>) dst(%arg11 : memref<128x128xf32, #tpu.memory_space<vmem>>)
        %dma_wait3A_211 = arith.constant 0 : i32
        %dma_wait3A_212 = arith.constant 0 : i32
        %dma_wait3A_213 = tpu.memref_slice %arg2[%dma_wait3A_211, %dma_wait3A_212] : memref<10000x128xf32, #tpu.memory_space<hbm>> -> memref<128x128xf32, #tpu.memory_space<hbm>>
        %dma_wait3A_214 = arith.constant 0 : i32
        %dma_wait3A_215 = arith.constant 0 : i32
        %dma_wait3A_216 = tpu.memref_slice %arg2[%dma_wait3A_214, %dma_wait3A_215] : memref<10000x128xf32, #tpu.memory_space<hbm>> -> memref<128x128xf32, #tpu.memory_space<hbm>>
        tpu.wait_dma2 semaphore(%arg18 : memref<!tpu.dma_semaphore, #tpu.memory_space<semaphore_mem>>) src(%dma_wait3A_216 : memref<128x128xf32, #tpu.memory_space<hbm>>) dst(%arg11 : memref<128x128xf32, #tpu.memory_space<vmem>>)
        %dma_wait3A_217 = arith.constant 0 : i32
        %dma_wait3A_218 = arith.constant 0 : i32
        %dma_wait3A_219 = tpu.memref_slice %arg2[%dma_wait3A_217, %dma_wait3A_218] : memref<10000x128xf32, #tpu.memory_space<hbm>> -> memref<128x128xf32, #tpu.memory_space<hbm>>
        %dma_wait3A_220 = arith.constant 0 : i32
        %dma_wait3A_221 = arith.constant 0 : i32
        %dma_wait3A_222 = tpu.memref_slice %arg2[%dma_wait3A_220, %dma_wait3A_221] : memref<10000x128xf32, #tpu.memory_space<hbm>> -> memref<128x128xf32, #tpu.memory_space<hbm>>
        tpu.wait_dma2 semaphore(%arg17 : memref<!tpu.dma_semaphore, #tpu.memory_space<semaphore_mem>>) src(%dma_wait3A_222 : memref<128x128xf32, #tpu.memory_space<hbm>>) dst(%arg12 : memref<128x128xf32, #tpu.memory_space<vmem>>)
        %dma_wait3A_223 = arith.constant 0 : i32
        %dma_wait3A_224 = arith.constant 0 : i32
        %dma_wait3A_225 = tpu.memref_slice %arg2[%dma_wait3A_223, %dma_wait3A_224] : memref<10000x128xf32, #tpu.memory_space<hbm>> -> memref<128x128xf32, #tpu.memory_space<hbm>>
        %dma_wait3A_226 = arith.constant 0 : i32
        %dma_wait3A_227 = arith.constant 0 : i32
        %dma_wait3A_228 = tpu.memref_slice %arg2[%dma_wait3A_226, %dma_wait3A_227] : memref<10000x128xf32, #tpu.memory_space<hbm>> -> memref<128x128xf32, #tpu.memory_space<hbm>>
        tpu.wait_dma2 semaphore(%arg19 : memref<!tpu.dma_semaphore, #tpu.memory_space<semaphore_mem>>) src(%dma_wait3A_228 : memref<128x128xf32, #tpu.memory_space<hbm>>) dst(%arg12 : memref<128x128xf32, #tpu.memory_space<vmem>>)
      } else {
      }
      %dma_start3A = arith.constant 0 : i32
      %dma_start3A_61 = arith.constant 0 : i32
      %dma_start3A_62 = tpu.memref_slice %arg9[%dma_start3A, %dma_start3A_61] : memref<4x128xi32, #tpu.memory_space<vmem>> -> memref<1x128xi32, #tpu.memory_space<vmem>>
      %dma_start3A_63 = tpu.memref_squeeze %dma_start3A_62 : memref<1x128xi32, #tpu.memory_space<vmem>> -> memref<128xi32, #tpu.memory_space<vmem>>
      %dma_start3A_64 = arith.constant 0 : i32
      %dma_start3A_65 = arith.constant 0 : i32
      %dma_start3A_66 = tpu.memref_slice %arg2[%dma_start3A_64, %dma_start3A_65] : memref<10000x128xf32, #tpu.memory_space<hbm>> -> memref<10000x128xf32, #tpu.memory_space<hbm>>
      tpu.enqueue_indirect_dma source(%dma_start3A_66 : memref<10000x128xf32, #tpu.memory_space<hbm>>) target(%arg11 : memref<128x128xf32, #tpu.memory_space<vmem>>) offsets(%dma_start3A_63 : memref<128xi32, #tpu.memory_space<vmem>>) semaphore(%arg14 : memref<!tpu.dma_semaphore, #tpu.memory_space<semaphore_mem>>)
      %dma_start3A_67 = arith.constant 1 : i32
      %dma_start3A_68 = arith.constant 0 : i32
      %dma_start3A_69 = tpu.memref_slice %arg9[%dma_start3A_67, %dma_start3A_68] : memref<4x128xi32, #tpu.memory_space<vmem>> -> memref<1x128xi32, #tpu.memory_space<vmem>>
      %dma_start3A_70 = tpu.memref_squeeze %dma_start3A_69 : memref<1x128xi32, #tpu.memory_space<vmem>> -> memref<128xi32, #tpu.memory_space<vmem>>
      %dma_start3A_71 = arith.constant 0 : i32
      %dma_start3A_72 = arith.constant 0 : i32
      %dma_start3A_73 = tpu.memref_slice %arg2[%dma_start3A_71, %dma_start3A_72] : memref<10000x128xf32, #tpu.memory_space<hbm>> -> memref<10000x128xf32, #tpu.memory_space<hbm>>
      tpu.enqueue_indirect_dma source(%dma_start3A_73 : memref<10000x128xf32, #tpu.memory_space<hbm>>) target(%arg12 : memref<128x128xf32, #tpu.memory_space<vmem>>) offsets(%dma_start3A_70 : memref<128xi32, #tpu.memory_space<vmem>>) semaphore(%arg15 : memref<!tpu.dma_semaphore, #tpu.memory_space<semaphore_mem>>)
      %dma_wait3A_74 = arith.constant 0 : i32
      %dma_wait3A_75 = arith.constant 0 : i32
      %dma_wait3A_76 = tpu.memref_slice %arg2[%dma_wait3A_74, %dma_wait3A_75] : memref<10000x128xf32, #tpu.memory_space<hbm>> -> memref<128x128xf32, #tpu.memory_space<hbm>>
      %dma_wait3A_77 = arith.constant 0 : i32
      %dma_wait3A_78 = arith.constant 0 : i32
      %dma_wait3A_79 = tpu.memref_slice %arg2[%dma_wait3A_77, %dma_wait3A_78] : memref<10000x128xf32, #tpu.memory_space<hbm>> -> memref<128x128xf32, #tpu.memory_space<hbm>>
      tpu.wait_dma2 semaphore(%arg14 : memref<!tpu.dma_semaphore, #tpu.memory_space<semaphore_mem>>) src(%dma_wait3A_79 : memref<128x128xf32, #tpu.memory_space<hbm>>) dst(%arg11 : memref<128x128xf32, #tpu.memory_space<vmem>>)
      %dma_start3A_80 = arith.constant 0 : i32
      %dma_start3A_81 = arith.constant 0 : i32
      %dma_start3A_82 = tpu.memref_slice %arg10[%dma_start3A_80, %dma_start3A_81] : memref<4x128xi32, #tpu.memory_space<vmem>> -> memref<1x128xi32, #tpu.memory_space<vmem>>
      %dma_start3A_83 = tpu.memref_squeeze %dma_start3A_82 : memref<1x128xi32, #tpu.memory_space<vmem>> -> memref<128xi32, #tpu.memory_space<vmem>>
      %dma_start3A_84 = arith.constant 0 : i32
      %dma_start3A_85 = arith.constant 0 : i32
      %dma_start3A_86 = tpu.memref_slice %arg13[%dma_start3A_84, %dma_start3A_85] : memref<10112x128xf32, #tpu.memory_space<vmem_shared>> -> memref<10112x128xf32, #tpu.memory_space<vmem_shared>>
      tpu.enqueue_indirect_dma source(%arg11 : memref<128x128xf32, #tpu.memory_space<vmem>>) target(%dma_start3A_86 : memref<10112x128xf32, #tpu.memory_space<vmem_shared>>) offsets(%dma_start3A_83 : memref<128xi32, #tpu.memory_space<vmem>>) semaphore(%arg16 : memref<!tpu.dma_semaphore, #tpu.memory_space<semaphore_mem>>) {add = true}
      %mul3A_87 = arith.constant 4 : i32
      %mul3A_88 = arith.muli %add3A_56, %mul3A_87 : i32
      %add3A_89 = arith.constant 0 : i32
      %add3A_90 = arith.addi %mul3A_88, %add3A_89 : i32
      %mul3A_91 = arith.constant 128 : i32
      %mul3A_92 = arith.muli %add3A_90, %mul3A_91 : i32
      %dma_start3A_93 = arith.constant 0 : i32
      %dma_start3A_94 = tpu.memref_slice %arg8[%mul3A_92, %dma_start3A_93] : memref<327680x128xf32, #tpu.memory_space<hbm>> -> memref<128x128xf32, #tpu.memory_space<hbm>>
      %dma_start3A_95 = arith.constant 0 : i32
      %dma_start3A_96 = tpu.memref_slice %arg8[%mul3A_92, %dma_start3A_95] : memref<327680x128xf32, #tpu.memory_space<hbm>> -> memref<128x128xf32, #tpu.memory_space<hbm>>
      tpu.enqueue_dma source(%arg11 : memref<128x128xf32, #tpu.memory_space<vmem>>) target(%dma_start3A_96 : memref<128x128xf32, #tpu.memory_space<hbm>>) target_semaphore(%arg18 : memref<!tpu.dma_semaphore, #tpu.memory_space<semaphore_mem>>)
      %dma_wait3A_97 = arith.constant 0 : i32
      %dma_wait3A_98 = arith.constant 0 : i32
      %dma_wait3A_99 = tpu.memref_slice %arg2[%dma_wait3A_97, %dma_wait3A_98] : memref<10000x128xf32, #tpu.memory_space<hbm>> -> memref<128x128xf32, #tpu.memory_space<hbm>>
      %dma_wait3A_100 = arith.constant 0 : i32
      %dma_wait3A_101 = arith.constant 0 : i32
      %dma_wait3A_102 = tpu.memref_slice %arg2[%dma_wait3A_100, %dma_wait3A_101] : memref<10000x128xf32, #tpu.memory_space<hbm>> -> memref<128x128xf32, #tpu.memory_space<hbm>>
      tpu.wait_dma2 semaphore(%arg15 : memref<!tpu.dma_semaphore, #tpu.memory_space<semaphore_mem>>) src(%dma_wait3A_102 : memref<128x128xf32, #tpu.memory_space<hbm>>) dst(%arg12 : memref<128x128xf32, #tpu.memory_space<vmem>>)
      %dma_start3A_103 = arith.constant 1 : i32
      %dma_start3A_104 = arith.constant 0 : i32
      %dma_start3A_105 = tpu.memref_slice %arg10[%dma_start3A_103, %dma_start3A_104] : memref<4x128xi32, #tpu.memory_space<vmem>> -> memref<1x128xi32, #tpu.memory_space<vmem>>
      %dma_start3A_106 = tpu.memref_squeeze %dma_start3A_105 : memref<1x128xi32, #tpu.memory_space<vmem>> -> memref<128xi32, #tpu.memory_space<vmem>>
      %dma_start3A_107 = arith.constant 0 : i32
      %dma_start3A_108 = arith.constant 0 : i32
      %dma_start3A_109 = tpu.memref_slice %arg13[%dma_start3A_107, %dma_start3A_108] : memref<10112x128xf32, #tpu.memory_space<vmem_shared>> -> memref<10112x128xf32, #tpu.memory_space<vmem_shared>>
      tpu.enqueue_indirect_dma source(%arg12 : memref<128x128xf32, #tpu.memory_space<vmem>>) target(%dma_start3A_109 : memref<10112x128xf32, #tpu.memory_space<vmem_shared>>) offsets(%dma_start3A_106 : memref<128xi32, #tpu.memory_space<vmem>>) semaphore(%arg17 : memref<!tpu.dma_semaphore, #tpu.memory_space<semaphore_mem>>) {add = true}
      %mul3A_110 = arith.constant 4 : i32
      %mul3A_111 = arith.muli %add3A_56, %mul3A_110 : i32
      %add3A_112 = arith.constant 1 : i32
      %add3A_113 = arith.addi %mul3A_111, %add3A_112 : i32
      %mul3A_114 = arith.constant 128 : i32
      %mul3A_115 = arith.muli %add3A_113, %mul3A_114 : i32
      %dma_start3A_116 = arith.constant 0 : i32
      %dma_start3A_117 = tpu.memref_slice %arg8[%mul3A_115, %dma_start3A_116] : memref<327680x128xf32, #tpu.memory_space<hbm>> -> memref<128x128xf32, #tpu.memory_space<hbm>>
      %dma_start3A_118 = arith.constant 0 : i32
      %dma_start3A_119 = tpu.memref_slice %arg8[%mul3A_115, %dma_start3A_118] : memref<327680x128xf32, #tpu.memory_space<hbm>> -> memref<128x128xf32, #tpu.memory_space<hbm>>
      tpu.enqueue_dma source(%arg12 : memref<128x128xf32, #tpu.memory_space<vmem>>) target(%dma_start3A_119 : memref<128x128xf32, #tpu.memory_space<hbm>>) target_semaphore(%arg19 : memref<!tpu.dma_semaphore, #tpu.memory_space<semaphore_mem>>)
      %dma_wait3A_120 = arith.constant 0 : i32
      %dma_wait3A_121 = arith.constant 0 : i32
      %dma_wait3A_122 = tpu.memref_slice %arg2[%dma_wait3A_120, %dma_wait3A_121] : memref<10000x128xf32, #tpu.memory_space<hbm>> -> memref<128x128xf32, #tpu.memory_space<hbm>>
      %dma_wait3A_123 = arith.constant 0 : i32
      %dma_wait3A_124 = arith.constant 0 : i32
      %dma_wait3A_125 = tpu.memref_slice %arg2[%dma_wait3A_123, %dma_wait3A_124] : memref<10000x128xf32, #tpu.memory_space<hbm>> -> memref<128x128xf32, #tpu.memory_space<hbm>>
      tpu.wait_dma2 semaphore(%arg16 : memref<!tpu.dma_semaphore, #tpu.memory_space<semaphore_mem>>) src(%dma_wait3A_125 : memref<128x128xf32, #tpu.memory_space<hbm>>) dst(%arg11 : memref<128x128xf32, #tpu.memory_space<vmem>>)
      %dma_wait3A_126 = arith.constant 0 : i32
      %dma_wait3A_127 = arith.constant 0 : i32
      %dma_wait3A_128 = tpu.memref_slice %arg2[%dma_wait3A_126, %dma_wait3A_127] : memref<10000x128xf32, #tpu.memory_space<hbm>> -> memref<128x128xf32, #tpu.memory_space<hbm>>
      %dma_wait3A_129 = arith.constant 0 : i32
      %dma_wait3A_130 = arith.constant 0 : i32
      %dma_wait3A_131 = tpu.memref_slice %arg2[%dma_wait3A_129, %dma_wait3A_130] : memref<10000x128xf32, #tpu.memory_space<hbm>> -> memref<128x128xf32, #tpu.memory_space<hbm>>
      tpu.wait_dma2 semaphore(%arg18 : memref<!tpu.dma_semaphore, #tpu.memory_space<semaphore_mem>>) src(%dma_wait3A_131 : memref<128x128xf32, #tpu.memory_space<hbm>>) dst(%arg11 : memref<128x128xf32, #tpu.memory_space<vmem>>)
      %dma_start3A_132 = arith.constant 2 : i32
      %dma_start3A_133 = arith.constant 0 : i32
      %dma_start3A_134 = tpu.memref_slice %arg9[%dma_start3A_132, %dma_start3A_133] : memref<4x128xi32, #tpu.memory_space<vmem>> -> memref<1x128xi32, #tpu.memory_space<vmem>>
      %dma_start3A_135 = tpu.memref_squeeze %dma_start3A_134 : memref<1x128xi32, #tpu.memory_space<vmem>> -> memref<128xi32, #tpu.memory_space<vmem>>
      %dma_start3A_136 = arith.constant 0 : i32
      %dma_start3A_137 = arith.constant 0 : i32
      %dma_start3A_138 = tpu.memref_slice %arg2[%dma_start3A_136, %dma_start3A_137] : memref<10000x128xf32, #tpu.memory_space<hbm>> -> memref<10000x128xf32, #tpu.memory_space<hbm>>
      tpu.enqueue_indirect_dma source(%dma_start3A_138 : memref<10000x128xf32, #tpu.memory_space<hbm>>) target(%arg11 : memref<128x128xf32, #tpu.memory_space<vmem>>) offsets(%dma_start3A_135 : memref<128xi32, #tpu.memory_space<vmem>>) semaphore(%arg14 : memref<!tpu.dma_semaphore, #tpu.memory_space<semaphore_mem>>)
      %dma_wait3A_139 = arith.constant 0 : i32
      %dma_wait3A_140 = arith.constant 0 : i32
      %dma_wait3A_141 = tpu.memref_slice %arg2[%dma_wait3A_139, %dma_wait3A_140] : memref<10000x128xf32, #tpu.memory_space<hbm>> -> memref<128x128xf32, #tpu.memory_space<hbm>>
      %dma_wait3A_142 = arith.constant 0 : i32
      %dma_wait3A_143 = arith.constant 0 : i32
      %dma_wait3A_144 = tpu.memref_slice %arg2[%dma_wait3A_142, %dma_wait3A_143] : memref<10000x128xf32, #tpu.memory_space<hbm>> -> memref<128x128xf32, #tpu.memory_space<hbm>>
      tpu.wait_dma2 semaphore(%arg14 : memref<!tpu.dma_semaphore, #tpu.memory_space<semaphore_mem>>) src(%dma_wait3A_144 : memref<128x128xf32, #tpu.memory_space<hbm>>) dst(%arg11 : memref<128x128xf32, #tpu.memory_space<vmem>>)
      %dma_start3A_145 = arith.constant 2 : i32
      %dma_start3A_146 = arith.constant 0 : i32
      %dma_start3A_147 = tpu.memref_slice %arg10[%dma_start3A_145, %dma_start3A_146] : memref<4x128xi32, #tpu.memory_space<vmem>> -> memref<1x128xi32, #tpu.memory_space<vmem>>
      %dma_start3A_148 = tpu.memref_squeeze %dma_start3A_147 : memref<1x128xi32, #tpu.memory_space<vmem>> -> memref<128xi32, #tpu.memory_space<vmem>>
      %dma_start3A_149 = arith.constant 0 : i32
      %dma_start3A_150 = arith.constant 0 : i32
      %dma_start3A_151 = tpu.memref_slice %arg13[%dma_start3A_149, %dma_start3A_150] : memref<10112x128xf32, #tpu.memory_space<vmem_shared>> -> memref<10112x128xf32, #tpu.memory_space<vmem_shared>>
      tpu.enqueue_indirect_dma source(%arg11 : memref<128x128xf32, #tpu.memory_space<vmem>>) target(%dma_start3A_151 : memref<10112x128xf32, #tpu.memory_space<vmem_shared>>) offsets(%dma_start3A_148 : memref<128xi32, #tpu.memory_space<vmem>>) semaphore(%arg16 : memref<!tpu.dma_semaphore, #tpu.memory_space<semaphore_mem>>) {add = true}
      %mul3A_152 = arith.constant 4 : i32
      %mul3A_153 = arith.muli %add3A_56, %mul3A_152 : i32
      %add3A_154 = arith.constant 2 : i32
      %add3A_155 = arith.addi %mul3A_153, %add3A_154 : i32
      %mul3A_156 = arith.constant 128 : i32
      %mul3A_157 = arith.muli %add3A_155, %mul3A_156 : i32
      %dma_start3A_158 = arith.constant 0 : i32
      %dma_start3A_159 = tpu.memref_slice %arg8[%mul3A_157, %dma_start3A_158] : memref<327680x128xf32, #tpu.memory_space<hbm>> -> memref<128x128xf32, #tpu.memory_space<hbm>>
      %dma_start3A_160 = arith.constant 0 : i32
      %dma_start3A_161 = tpu.memref_slice %arg8[%mul3A_157, %dma_start3A_160] : memref<327680x128xf32, #tpu.memory_space<hbm>> -> memref<128x128xf32, #tpu.memory_space<hbm>>
      tpu.enqueue_dma source(%arg11 : memref<128x128xf32, #tpu.memory_space<vmem>>) target(%dma_start3A_161 : memref<128x128xf32, #tpu.memory_space<hbm>>) target_semaphore(%arg18 : memref<!tpu.dma_semaphore, #tpu.memory_space<semaphore_mem>>)
      %dma_wait3A_162 = arith.constant 0 : i32
      %dma_wait3A_163 = arith.constant 0 : i32
      %dma_wait3A_164 = tpu.memref_slice %arg2[%dma_wait3A_162, %dma_wait3A_163] : memref<10000x128xf32, #tpu.memory_space<hbm>> -> memref<128x128xf32, #tpu.memory_space<hbm>>
      %dma_wait3A_165 = arith.constant 0 : i32
      %dma_wait3A_166 = arith.constant 0 : i32
      %dma_wait3A_167 = tpu.memref_slice %arg2[%dma_wait3A_165, %dma_wait3A_166] : memref<10000x128xf32, #tpu.memory_space<hbm>> -> memref<128x128xf32, #tpu.memory_space<hbm>>
      tpu.wait_dma2 semaphore(%arg17 : memref<!tpu.dma_semaphore, #tpu.memory_space<semaphore_mem>>) src(%dma_wait3A_167 : memref<128x128xf32, #tpu.memory_space<hbm>>) dst(%arg12 : memref<128x128xf32, #tpu.memory_space<vmem>>)
      %dma_wait3A_168 = arith.constant 0 : i32
      %dma_wait3A_169 = arith.constant 0 : i32
      %dma_wait3A_170 = tpu.memref_slice %arg2[%dma_wait3A_168, %dma_wait3A_169] : memref<10000x128xf32, #tpu.memory_space<hbm>> -> memref<128x128xf32, #tpu.memory_space<hbm>>
      %dma_wait3A_171 = arith.constant 0 : i32
      %dma_wait3A_172 = arith.constant 0 : i32
      %dma_wait3A_173 = tpu.memref_slice %arg2[%dma_wait3A_171, %dma_wait3A_172] : memref<10000x128xf32, #tpu.memory_space<hbm>> -> memref<128x128xf32, #tpu.memory_space<hbm>>
      tpu.wait_dma2 semaphore(%arg19 : memref<!tpu.dma_semaphore, #tpu.memory_space<semaphore_mem>>) src(%dma_wait3A_173 : memref<128x128xf32, #tpu.memory_space<hbm>>) dst(%arg12 : memref<128x128xf32, #tpu.memory_space<vmem>>)
      %dma_start3A_174 = arith.constant 3 : i32
      %dma_start3A_175 = arith.constant 0 : i32
      %dma_start3A_176 = tpu.memref_slice %arg9[%dma_start3A_174, %dma_start3A_175] : memref<4x128xi32, #tpu.memory_space<vmem>> -> memref<1x128xi32, #tpu.memory_space<vmem>>
      %dma_start3A_177 = tpu.memref_squeeze %dma_start3A_176 : memref<1x128xi32, #tpu.memory_space<vmem>> -> memref<128xi32, #tpu.memory_space<vmem>>
      %dma_start3A_178 = arith.constant 0 : i32
      %dma_start3A_179 = arith.constant 0 : i32
      %dma_start3A_180 = tpu.memref_slice %arg2[%dma_start3A_178, %dma_start3A_179] : memref<10000x128xf32, #tpu.memory_space<hbm>> -> memref<10000x128xf32, #tpu.memory_space<hbm>>
      tpu.enqueue_indirect_dma source(%dma_start3A_180 : memref<10000x128xf32, #tpu.memory_space<hbm>>) target(%arg12 : memref<128x128xf32, #tpu.memory_space<vmem>>) offsets(%dma_start3A_177 : memref<128xi32, #tpu.memory_space<vmem>>) semaphore(%arg15 : memref<!tpu.dma_semaphore, #tpu.memory_space<semaphore_mem>>)
      %dma_wait3A_181 = arith.constant 0 : i32
      %dma_wait3A_182 = arith.constant 0 : i32
      %dma_wait3A_183 = tpu.memref_slice %arg2[%dma_wait3A_181, %dma_wait3A_182] : memref<10000x128xf32, #tpu.memory_space<hbm>> -> memref<128x128xf32, #tpu.memory_space<hbm>>
      %dma_wait3A_184 = arith.constant 0 : i32
      %dma_wait3A_185 = arith.constant 0 : i32
      %dma_wait3A_186 = tpu.memref_slice %arg2[%dma_wait3A_184, %dma_wait3A_185] : memref<10000x128xf32, #tpu.memory_space<hbm>> -> memref<128x128xf32, #tpu.memory_space<hbm>>
      tpu.wait_dma2 semaphore(%arg15 : memref<!tpu.dma_semaphore, #tpu.memory_space<semaphore_mem>>) src(%dma_wait3A_186 : memref<128x128xf32, #tpu.memory_space<hbm>>) dst(%arg12 : memref<128x128xf32, #tpu.memory_space<vmem>>)
      %dma_start3A_187 = arith.constant 3 : i32
      %dma_start3A_188 = arith.constant 0 : i32
      %dma_start3A_189 = tpu.memref_slice %arg10[%dma_start3A_187, %dma_start3A_188] : memref<4x128xi32, #tpu.memory_space<vmem>> -> memref<1x128xi32, #tpu.memory_space<vmem>>
      %dma_start3A_190 = tpu.memref_squeeze %dma_start3A_189 : memref<1x128xi32, #tpu.memory_space<vmem>> -> memref<128xi32, #tpu.memory_space<vmem>>
      %dma_start3A_191 = arith.constant 0 : i32
      %dma_start3A_192 = arith.constant 0 : i32
      %dma_start3A_193 = tpu.memref_slice %arg13[%dma_start3A_191, %dma_start3A_192] : memref<10112x128xf32, #tpu.memory_space<vmem_shared>> -> memref<10112x128xf32, #tpu.memory_space<vmem_shared>>
      tpu.enqueue_indirect_dma source(%arg12 : memref<128x128xf32, #tpu.memory_space<vmem>>) target(%dma_start3A_193 : memref<10112x128xf32, #tpu.memory_space<vmem_shared>>) offsets(%dma_start3A_190 : memref<128xi32, #tpu.memory_space<vmem>>) semaphore(%arg17 : memref<!tpu.dma_semaphore, #tpu.memory_space<semaphore_mem>>) {add = true}
      %mul3A_194 = arith.constant 4 : i32
      %mul3A_195 = arith.muli %add3A_56, %mul3A_194 : i32
      %add3A_196 = arith.constant 3 : i32
      %add3A_197 = arith.addi %mul3A_195, %add3A_196 : i32
      %mul3A_198 = arith.constant 128 : i32
      %mul3A_199 = arith.muli %add3A_197, %mul3A_198 : i32
      %dma_start3A_200 = arith.constant 0 : i32
      %dma_start3A_201 = tpu.memref_slice %arg8[%mul3A_199, %dma_start3A_200] : memref<327680x128xf32, #tpu.memory_space<hbm>> -> memref<128x128xf32, #tpu.memory_space<hbm>>
      %dma_start3A_202 = arith.constant 0 : i32
      %dma_start3A_203 = tpu.memref_slice %arg8[%mul3A_199, %dma_start3A_202] : memref<327680x128xf32, #tpu.memory_space<hbm>> -> memref<128x128xf32, #tpu.memory_space<hbm>>
      tpu.enqueue_dma source(%arg12 : memref<128x128xf32, #tpu.memory_space<vmem>>) target(%dma_start3A_203 : memref<128x128xf32, #tpu.memory_space<hbm>>) target_semaphore(%arg19 : memref<!tpu.dma_semaphore, #tpu.memory_space<semaphore_mem>>)
      %while3A_204 = arith.constant 0 : i32
      scf.yield %while3A_204 : i32
    }
    %dma_wait3A = arith.constant 0 : i32
    %dma_wait3A_22 = arith.constant 0 : i32
    %dma_wait3A_23 = tpu.memref_slice %arg2[%dma_wait3A, %dma_wait3A_22] : memref<10000x128xf32, #tpu.memory_space<hbm>> -> memref<128x128xf32, #tpu.memory_space<hbm>>
    %dma_wait3A_24 = arith.constant 0 : i32
    %dma_wait3A_25 = arith.constant 0 : i32
    %dma_wait3A_26 = tpu.memref_slice %arg2[%dma_wait3A_24, %dma_wait3A_25] : memref<10000x128xf32, #tpu.memory_space<hbm>> -> memref<128x128xf32, #tpu.memory_space<hbm>>
    tpu.wait_dma2 semaphore(%arg16 : memref<!tpu.dma_semaphore, #tpu.memory_space<semaphore_mem>>) src(%dma_wait3A_26 : memref<128x128xf32, #tpu.memory_space<hbm>>) dst(%arg11 : memref<128x128xf32, #tpu.memory_space<vmem>>)
    %dma_wait3A_27 = arith.constant 0 : i32
    %dma_wait3A_28 = arith.constant 0 : i32
    %dma_wait3A_29 = tpu.memref_slice %arg2[%dma_wait3A_27, %dma_wait3A_28] : memref<10000x128xf32, #tpu.memory_space<hbm>> -> memref<128x128xf32, #tpu.memory_space<hbm>>
    %dma_wait3A_30 = arith.constant 0 : i32
    %dma_wait3A_31 = arith.constant 0 : i32
    %dma_wait3A_32 = tpu.memref_slice %arg2[%dma_wait3A_30, %dma_wait3A_31] : memref<10000x128xf32, #tpu.memory_space<hbm>> -> memref<128x128xf32, #tpu.memory_space<hbm>>
    tpu.wait_dma2 semaphore(%arg18 : memref<!tpu.dma_semaphore, #tpu.memory_space<semaphore_mem>>) src(%dma_wait3A_32 : memref<128x128xf32, #tpu.memory_space<hbm>>) dst(%arg11 : memref<128x128xf32, #tpu.memory_space<vmem>>)
    %dma_wait3A_33 = arith.constant 0 : i32
    %dma_wait3A_34 = arith.constant 0 : i32
    %dma_wait3A_35 = tpu.memref_slice %arg2[%dma_wait3A_33, %dma_wait3A_34] : memref<10000x128xf32, #tpu.memory_space<hbm>> -> memref<128x128xf32, #tpu.memory_space<hbm>>
    %dma_wait3A_36 = arith.constant 0 : i32
    %dma_wait3A_37 = arith.constant 0 : i32
    %dma_wait3A_38 = tpu.memref_slice %arg2[%dma_wait3A_36, %dma_wait3A_37] : memref<10000x128xf32, #tpu.memory_space<hbm>> -> memref<128x128xf32, #tpu.memory_space<hbm>>
    tpu.wait_dma2 semaphore(%arg17 : memref<!tpu.dma_semaphore, #tpu.memory_space<semaphore_mem>>) src(%dma_wait3A_38 : memref<128x128xf32, #tpu.memory_space<hbm>>) dst(%arg12 : memref<128x128xf32, #tpu.memory_space<vmem>>)
    %dma_wait3A_39 = arith.constant 0 : i32
    %dma_wait3A_40 = arith.constant 0 : i32
    %dma_wait3A_41 = tpu.memref_slice %arg2[%dma_wait3A_39, %dma_wait3A_40] : memref<10000x128xf32, #tpu.memory_space<hbm>> -> memref<128x128xf32, #tpu.memory_space<hbm>>
    %dma_wait3A_42 = arith.constant 0 : i32
    %dma_wait3A_43 = arith.constant 0 : i32
    %dma_wait3A_44 = tpu.memref_slice %arg2[%dma_wait3A_42, %dma_wait3A_43] : memref<10000x128xf32, #tpu.memory_space<hbm>> -> memref<128x128xf32, #tpu.memory_space<hbm>>
    tpu.wait_dma2 semaphore(%arg19 : memref<!tpu.dma_semaphore, #tpu.memory_space<semaphore_mem>>) src(%dma_wait3A_44 : memref<128x128xf32, #tpu.memory_space<hbm>>) dst(%arg12 : memref<128x128xf32, #tpu.memory_space<vmem>>)
    %barrier3A_45 = arith.constant 0 : index
    tpu.barrier barrier_id(%barrier3A_45)
    %eq3A_46 = arith.constant 0 : i32
    %eq3A_47 = arith.cmpi eq, %arg0, %eq3A_46 : i32
    %convert_element_type3A = arith.extui %eq3A_47 : i1 to i32
    %cond3A = arith.constant 0 : i32
    %cond3A_48 = arith.cmpi ne, %convert_element_type3A, %cond3A : i32
    scf.if %cond3A_48 {
      %mul3A_54 = arith.constant 632 : i32
      %mul3A_55 = arith.muli %arg1, %mul3A_54 : i32
      %mul3A_56 = arith.constant 632 : i32
      %mul3A_57 = arith.muli %arg1, %mul3A_56 : i32
      "tpu.region"() ({
        %run_scoped3A = tpu.sem_alloc : memref<!tpu.dma_semaphore, #tpu.memory_space<semaphore_mem>>
        %dma_start3A = arith.constant 0 : i32
        %dma_start3A_58 = tpu.memref_slice %arg6[%mul3A_57, %dma_start3A] : memref<10112x128xf32, #tpu.memory_space<hbm>> -> memref<632x128xf32, #tpu.memory_space<hbm>>
        %dma_start3A_59 = arith.constant 0 : i32
        %dma_start3A_60 = tpu.memref_slice %arg13[%mul3A_55, %dma_start3A_59] : memref<10112x128xf32, #tpu.memory_space<vmem_shared>> -> memref<632x128xf32, #tpu.memory_space<vmem_shared>>
        tpu.enqueue_dma source(%dma_start3A_60 : memref<632x128xf32, #tpu.memory_space<vmem_shared>>) target(%dma_start3A_58 : memref<632x128xf32, #tpu.memory_space<hbm>>) target_semaphore(%run_scoped3A : memref<!tpu.dma_semaphore, #tpu.memory_space<semaphore_mem>>)
        %dma_wait3A_61 = arith.constant 0 : i32
        %dma_wait3A_62 = tpu.memref_slice %arg6[%mul3A_57, %dma_wait3A_61] : memref<10112x128xf32, #tpu.memory_space<hbm>> -> memref<632x128xf32, #tpu.memory_space<hbm>>
        %dma_wait3A_63 = arith.constant 0 : i32
        %dma_wait3A_64 = tpu.memref_slice %arg13[%mul3A_55, %dma_wait3A_63] : memref<10112x128xf32, #tpu.memory_space<vmem_shared>> -> memref<632x128xf32, #tpu.memory_space<vmem_shared>>
        tpu.wait_dma2 semaphore(%run_scoped3A : memref<!tpu.dma_semaphore, #tpu.memory_space<semaphore_mem>>) src(%dma_wait3A_64 : memref<632x128xf32, #tpu.memory_space<vmem_shared>>) dst(%dma_wait3A_62 : memref<632x128xf32, #tpu.memory_space<hbm>>)
        tpu.yield
      }) : () -> ()
    } else {
    }
    %eq3A_49 = arith.constant 1 : i32
    %eq3A_50 = arith.cmpi eq, %arg0, %eq3A_49 : i32
    %convert_element_type3A_51 = arith.extui %eq3A_50 : i1 to i32
    %cond3A_52 = arith.constant 0 : i32
    %cond3A_53 = arith.cmpi ne, %convert_element_type3A_51, %cond3A_52 : i32
    scf.if %cond3A_53 {
      %mul3A_54 = arith.constant 632 : i32
      %mul3A_55 = arith.muli %arg1, %mul3A_54 : i32
      %mul3A_56 = arith.constant 632 : i32
      %mul3A_57 = arith.muli %arg1, %mul3A_56 : i32
      "tpu.region"() ({
        %run_scoped3A = tpu.sem_alloc : memref<!tpu.dma_semaphore, #tpu.memory_space<semaphore_mem>>
        %dma_start3A = arith.constant 0 : i32
        %dma_start3A_58 = tpu.memref_slice %arg7[%mul3A_57, %dma_start3A] : memref<10112x128xf32, #tpu.memory_space<hbm>> -> memref<632x128xf32, #tpu.memory_space<hbm>>
        %dma_start3A_59 = arith.constant 0 : i32
        %dma_start3A_60 = tpu.memref_slice %arg13[%mul3A_55, %dma_start3A_59] : memref<10112x128xf32, #tpu.memory_space<vmem_shared>> -> memref<632x128xf32, #tpu.memory_space<vmem_shared>>
        tpu.enqueue_dma source(%dma_start3A_60 : memref<632x128xf32, #tpu.memory_space<vmem_shared>>) target(%dma_start3A_58 : memref<632x128xf32, #tpu.memory_space<hbm>>) target_semaphore(%run_scoped3A : memref<!tpu.dma_semaphore, #tpu.memory_space<semaphore_mem>>)
        %dma_wait3A_61 = arith.constant 0 : i32
        %dma_wait3A_62 = tpu.memref_slice %arg7[%mul3A_57, %dma_wait3A_61] : memref<10112x128xf32, #tpu.memory_space<hbm>> -> memref<632x128xf32, #tpu.memory_space<hbm>>
        %dma_wait3A_63 = arith.constant 0 : i32
        %dma_wait3A_64 = tpu.memref_slice %arg13[%mul3A_55, %dma_wait3A_63] : memref<10112x128xf32, #tpu.memory_space<vmem_shared>> -> memref<632x128xf32, #tpu.memory_space<vmem_shared>>
        tpu.wait_dma2 semaphore(%run_scoped3A : memref<!tpu.dma_semaphore, #tpu.memory_space<semaphore_mem>>) src(%dma_wait3A_64 : memref<632x128xf32, #tpu.memory_space<vmem_shared>>) dst(%dma_wait3A_62 : memref<632x128xf32, #tpu.memory_space<hbm>>)
        tpu.yield
      }) : () -> ()
    } else {
    }
    return
  }
}

#map = affine_map<(d0, d1) -> (0, 0)>
#map1 = affine_map<(d0, d1) -> (0, 0, 0)>
module attributes {stable_mosaic.version = 14 : i64} {
  func.func @k(%arg0: i32, %arg1: i32, %arg2: memref<10112x128xf32, #tpu.memory_space<hbm>>, %arg3: memref<640x4x128xi32, #tpu.memory_space<hbm>>, %arg4: memref<640x4x128xi32, #tpu.memory_space<hbm>>, %arg5: memref<327680x128xf32, #tpu.memory_space<hbm>>, %arg6: memref<327680x128xf32, #tpu.memory_space<hbm>>, %arg7: memref<4x128xi32, #tpu.memory_space<vmem>>, %arg8: memref<4x128xi32, #tpu.memory_space<vmem>>, %arg9: memref<128x128xf32, #tpu.memory_space<vmem>>, %arg10: memref<128x128xf32, #tpu.memory_space<vmem>>, %arg11: memref<10112x128xf32, #tpu.memory_space<vmem_shared>>, %arg12: memref<!tpu.dma_semaphore, #tpu.memory_space<semaphore_mem>>, %arg13: memref<!tpu.dma_semaphore, #tpu.memory_space<semaphore_mem>>) attributes {dimension_semantics = [#tpu.dimension_semantics<core_parallel>, #tpu.dimension_semantics<subcore_parallel>], iteration_bounds = array<i64: 2, 16>, scalar_prefetch = 0 : i64, scratch_operands = 7 : i64, tpu.core_type = #tpu.core_type<sc_vector_subcore>, window_params = [{transform_indices = #map}, {transform_indices = #map1}, {transform_indices = #map1}, {transform_indices = #map}, {transform_indices = #map}]} {
    %mul3A = arith.constant 632 : i32
    %mul3A_0 = arith.muli %arg1, %mul3A : i32
    %mul3A_1 = arith.constant 632 : i32
    %mul3A_2 = arith.muli %arg1, %mul3A_1 : i32
    "tpu.region"() ({
      %run_scoped3A = tpu.sem_alloc : memref<!tpu.dma_semaphore, #tpu.memory_space<semaphore_mem>>
      %dma_start3A = arith.constant 0 : i32
      %dma_start3A_9 = tpu.memref_slice %arg11[%mul3A_2, %dma_start3A] : memref<10112x128xf32, #tpu.memory_space<vmem_shared>> -> memref<632x128xf32, #tpu.memory_space<vmem_shared>>
      %dma_start3A_10 = arith.constant 0 : i32
      %dma_start3A_11 = tpu.memref_slice %arg2[%mul3A_0, %dma_start3A_10] : memref<10112x128xf32, #tpu.memory_space<hbm>> -> memref<632x128xf32, #tpu.memory_space<hbm>>
      tpu.enqueue_dma source(%dma_start3A_11 : memref<632x128xf32, #tpu.memory_space<hbm>>) target(%dma_start3A_9 : memref<632x128xf32, #tpu.memory_space<vmem_shared>>) target_semaphore(%run_scoped3A : memref<!tpu.dma_semaphore, #tpu.memory_space<semaphore_mem>>)
      %dma_wait3A = arith.constant 0 : i32
      %dma_wait3A_12 = tpu.memref_slice %arg11[%mul3A_2, %dma_wait3A] : memref<10112x128xf32, #tpu.memory_space<vmem_shared>> -> memref<632x128xf32, #tpu.memory_space<vmem_shared>>
      %dma_wait3A_13 = arith.constant 0 : i32
      %dma_wait3A_14 = tpu.memref_slice %arg2[%mul3A_0, %dma_wait3A_13] : memref<10112x128xf32, #tpu.memory_space<hbm>> -> memref<632x128xf32, #tpu.memory_space<hbm>>
      tpu.wait_dma2 semaphore(%run_scoped3A : memref<!tpu.dma_semaphore, #tpu.memory_space<semaphore_mem>>) src(%dma_wait3A_14 : memref<632x128xf32, #tpu.memory_space<hbm>>) dst(%dma_wait3A_12 : memref<632x128xf32, #tpu.memory_space<vmem_shared>>)
      tpu.yield
    }) : () -> ()
    %barrier3A = arith.constant 0 : index
    tpu.barrier barrier_id(%barrier3A)
    %scan3A = arith.constant 0 : i32
    %scan3A_3 = arith.constant 0 : i32
    %scan3A_4 = arith.constant 20 : i32
    %scan3A_5 = arith.addi %scan3A_3, %scan3A_4 : i32
    %scan3A_6 = arith.constant 1 : i32
    %scan3A_7 = scf.for %scan3A_9 = %scan3A_3 to %scan3A_5 step %scan3A_6 iter_args(%scan3A_10 = %scan3A) -> (i32)  : i32 {
      %mul3A_11 = arith.constant 16 : i32
      %mul3A_12 = arith.muli %arg0, %mul3A_11 : i32
      %add3A = arith.addi %mul3A_12, %arg1 : i32
      %mul3A_13 = arith.constant 20 : i32
      %mul3A_14 = arith.muli %add3A, %mul3A_13 : i32
      %add3A_15 = arith.addi %mul3A_14, %scan3A_9 : i32
      "tpu.region"() ({
        %run_scoped3A = tpu.sem_alloc : memref<!tpu.dma_semaphore, #tpu.memory_space<semaphore_mem>>
        %dma_start3A = arith.constant 0 : i32
        %dma_start3A_24 = arith.constant 0 : i32
        %dma_start3A_25 = tpu.memref_slice %arg3[%add3A_15, %dma_start3A, %dma_start3A_24] : memref<640x4x128xi32, #tpu.memory_space<hbm>> -> memref<1x4x128xi32, #tpu.memory_space<hbm>>
        %dma_start3A_26 = tpu.memref_squeeze %dma_start3A_25 : memref<1x4x128xi32, #tpu.memory_space<hbm>> -> memref<4x128xi32, #tpu.memory_space<hbm>>
        %dma_start3A_27 = arith.constant 0 : i32
        %dma_start3A_28 = arith.constant 0 : i32
        %dma_start3A_29 = tpu.memref_slice %arg3[%add3A_15, %dma_start3A_27, %dma_start3A_28] : memref<640x4x128xi32, #tpu.memory_space<hbm>> -> memref<1x4x128xi32, #tpu.memory_space<hbm>>
        %dma_start3A_30 = tpu.memref_squeeze %dma_start3A_29 : memref<1x4x128xi32, #tpu.memory_space<hbm>> -> memref<4x128xi32, #tpu.memory_space<hbm>>
        tpu.enqueue_dma source(%dma_start3A_30 : memref<4x128xi32, #tpu.memory_space<hbm>>) target(%arg7 : memref<4x128xi32, #tpu.memory_space<vmem>>) target_semaphore(%run_scoped3A : memref<!tpu.dma_semaphore, #tpu.memory_space<semaphore_mem>>)
        %dma_wait3A = arith.constant 0 : i32
        %dma_wait3A_31 = arith.constant 0 : i32
        %dma_wait3A_32 = tpu.memref_slice %arg3[%add3A_15, %dma_wait3A, %dma_wait3A_31] : memref<640x4x128xi32, #tpu.memory_space<hbm>> -> memref<1x4x128xi32, #tpu.memory_space<hbm>>
        %dma_wait3A_33 = tpu.memref_squeeze %dma_wait3A_32 : memref<1x4x128xi32, #tpu.memory_space<hbm>> -> memref<4x128xi32, #tpu.memory_space<hbm>>
        %dma_wait3A_34 = arith.constant 0 : i32
        %dma_wait3A_35 = arith.constant 0 : i32
        %dma_wait3A_36 = tpu.memref_slice %arg3[%add3A_15, %dma_wait3A_34, %dma_wait3A_35] : memref<640x4x128xi32, #tpu.memory_space<hbm>> -> memref<1x4x128xi32, #tpu.memory_space<hbm>>
        %dma_wait3A_37 = tpu.memref_squeeze %dma_wait3A_36 : memref<1x4x128xi32, #tpu.memory_space<hbm>> -> memref<4x128xi32, #tpu.memory_space<hbm>>
        tpu.wait_dma2 semaphore(%run_scoped3A : memref<!tpu.dma_semaphore, #tpu.memory_space<semaphore_mem>>) src(%dma_wait3A_37 : memref<4x128xi32, #tpu.memory_space<hbm>>) dst(%arg7 : memref<4x128xi32, #tpu.memory_space<vmem>>)
        tpu.yield
      }) : () -> ()
      "tpu.region"() ({
        %run_scoped3A = tpu.sem_alloc : memref<!tpu.dma_semaphore, #tpu.memory_space<semaphore_mem>>
        %dma_start3A = arith.constant 0 : i32
        %dma_start3A_24 = arith.constant 0 : i32
        %dma_start3A_25 = tpu.memref_slice %arg4[%add3A_15, %dma_start3A, %dma_start3A_24] : memref<640x4x128xi32, #tpu.memory_space<hbm>> -> memref<1x4x128xi32, #tpu.memory_space<hbm>>
        %dma_start3A_26 = tpu.memref_squeeze %dma_start3A_25 : memref<1x4x128xi32, #tpu.memory_space<hbm>> -> memref<4x128xi32, #tpu.memory_space<hbm>>
        %dma_start3A_27 = arith.constant 0 : i32
        %dma_start3A_28 = arith.constant 0 : i32
        %dma_start3A_29 = tpu.memref_slice %arg4[%add3A_15, %dma_start3A_27, %dma_start3A_28] : memref<640x4x128xi32, #tpu.memory_space<hbm>> -> memref<1x4x128xi32, #tpu.memory_space<hbm>>
        %dma_start3A_30 = tpu.memref_squeeze %dma_start3A_29 : memref<1x4x128xi32, #tpu.memory_space<hbm>> -> memref<4x128xi32, #tpu.memory_space<hbm>>
        tpu.enqueue_dma source(%dma_start3A_30 : memref<4x128xi32, #tpu.memory_space<hbm>>) target(%arg8 : memref<4x128xi32, #tpu.memory_space<vmem>>) target_semaphore(%run_scoped3A : memref<!tpu.dma_semaphore, #tpu.memory_space<semaphore_mem>>)
        %dma_wait3A = arith.constant 0 : i32
        %dma_wait3A_31 = arith.constant 0 : i32
        %dma_wait3A_32 = tpu.memref_slice %arg4[%add3A_15, %dma_wait3A, %dma_wait3A_31] : memref<640x4x128xi32, #tpu.memory_space<hbm>> -> memref<1x4x128xi32, #tpu.memory_space<hbm>>
        %dma_wait3A_33 = tpu.memref_squeeze %dma_wait3A_32 : memref<1x4x128xi32, #tpu.memory_space<hbm>> -> memref<4x128xi32, #tpu.memory_space<hbm>>
        %dma_wait3A_34 = arith.constant 0 : i32
        %dma_wait3A_35 = arith.constant 0 : i32
        %dma_wait3A_36 = tpu.memref_slice %arg4[%add3A_15, %dma_wait3A_34, %dma_wait3A_35] : memref<640x4x128xi32, #tpu.memory_space<hbm>> -> memref<1x4x128xi32, #tpu.memory_space<hbm>>
        %dma_wait3A_37 = tpu.memref_squeeze %dma_wait3A_36 : memref<1x4x128xi32, #tpu.memory_space<hbm>> -> memref<4x128xi32, #tpu.memory_space<hbm>>
        tpu.wait_dma2 semaphore(%run_scoped3A : memref<!tpu.dma_semaphore, #tpu.memory_space<semaphore_mem>>) src(%dma_wait3A_37 : memref<4x128xi32, #tpu.memory_space<hbm>>) dst(%arg8 : memref<4x128xi32, #tpu.memory_space<vmem>>)
        tpu.yield
      }) : () -> ()
      %scan3A_16 = arith.constant 0 : i32
      %scan3A_17 = arith.constant 0 : i32
      %scan3A_18 = arith.constant 4 : i32
      %scan3A_19 = arith.addi %scan3A_17, %scan3A_18 : i32
      %scan3A_20 = arith.constant 1 : i32
      %scan3A_21 = scf.for %scan3A_24 = %scan3A_17 to %scan3A_19 step %scan3A_20 iter_args(%scan3A_25 = %scan3A_16) -> (i32)  : i32 {
        %mul3A_26 = arith.constant 4 : i32
        %mul3A_27 = arith.muli %add3A_15, %mul3A_26 : i32
        %add3A_28 = arith.addi %mul3A_27, %scan3A_24 : i32
        %mul3A_29 = arith.constant 128 : i32
        %mul3A_30 = arith.muli %add3A_28, %mul3A_29 : i32
        %dma_start3A = arith.constant 0 : i32
        %dma_start3A_31 = tpu.memref_slice %arg7[%scan3A_24, %dma_start3A] : memref<4x128xi32, #tpu.memory_space<vmem>> -> memref<1x128xi32, #tpu.memory_space<vmem>>
        %dma_start3A_32 = tpu.memref_squeeze %dma_start3A_31 : memref<1x128xi32, #tpu.memory_space<vmem>> -> memref<128xi32, #tpu.memory_space<vmem>>
        %dma_start3A_33 = arith.constant 0 : i32
        %dma_start3A_34 = arith.constant 0 : i32
        %dma_start3A_35 = tpu.memref_slice %arg11[%dma_start3A_33, %dma_start3A_34] : memref<10112x128xf32, #tpu.memory_space<vmem_shared>> -> memref<10112x128xf32, #tpu.memory_space<vmem_shared>>
        tpu.enqueue_indirect_dma source(%dma_start3A_35 : memref<10112x128xf32, #tpu.memory_space<vmem_shared>>) target(%arg9 : memref<128x128xf32, #tpu.memory_space<vmem>>) offsets(%dma_start3A_32 : memref<128xi32, #tpu.memory_space<vmem>>) semaphore(%arg12 : memref<!tpu.dma_semaphore, #tpu.memory_space<semaphore_mem>>)
        %dma_start3A_36 = arith.constant 0 : i32
        %dma_start3A_37 = tpu.memref_slice %arg8[%scan3A_24, %dma_start3A_36] : memref<4x128xi32, #tpu.memory_space<vmem>> -> memref<1x128xi32, #tpu.memory_space<vmem>>
        %dma_start3A_38 = tpu.memref_squeeze %dma_start3A_37 : memref<1x128xi32, #tpu.memory_space<vmem>> -> memref<128xi32, #tpu.memory_space<vmem>>
        %dma_start3A_39 = arith.constant 0 : i32
        %dma_start3A_40 = arith.constant 0 : i32
        %dma_start3A_41 = tpu.memref_slice %arg11[%dma_start3A_39, %dma_start3A_40] : memref<10112x128xf32, #tpu.memory_space<vmem_shared>> -> memref<10112x128xf32, #tpu.memory_space<vmem_shared>>
        tpu.enqueue_indirect_dma source(%dma_start3A_41 : memref<10112x128xf32, #tpu.memory_space<vmem_shared>>) target(%arg10 : memref<128x128xf32, #tpu.memory_space<vmem>>) offsets(%dma_start3A_38 : memref<128xi32, #tpu.memory_space<vmem>>) semaphore(%arg13 : memref<!tpu.dma_semaphore, #tpu.memory_space<semaphore_mem>>)
        %dma_wait3A = arith.constant 0 : i32
        %dma_wait3A_42 = tpu.memref_slice %arg7[%scan3A_24, %dma_wait3A] : memref<4x128xi32, #tpu.memory_space<vmem>> -> memref<1x128xi32, #tpu.memory_space<vmem>>
        %dma_wait3A_43 = tpu.memref_squeeze %dma_wait3A_42 : memref<1x128xi32, #tpu.memory_space<vmem>> -> memref<128xi32, #tpu.memory_space<vmem>>
        %dma_wait3A_44 = arith.constant 0 : i32
        %dma_wait3A_45 = arith.constant 0 : i32
        %dma_wait3A_46 = tpu.memref_slice %arg11[%dma_wait3A_44, %dma_wait3A_45] : memref<10112x128xf32, #tpu.memory_space<vmem_shared>> -> memref<10112x128xf32, #tpu.memory_space<vmem_shared>>
        tpu.wait_indirect_dma semaphore(%arg12 : memref<!tpu.dma_semaphore, #tpu.memory_space<semaphore_mem>>) src(%dma_wait3A_46 : memref<10112x128xf32, #tpu.memory_space<vmem_shared>>) dst(%arg9 : memref<128x128xf32, #tpu.memory_space<vmem>>)
        "tpu.region"() ({
          %run_scoped3A = tpu.sem_alloc : memref<!tpu.dma_semaphore, #tpu.memory_space<semaphore_mem>>
          %dma_start3A_54 = arith.constant 0 : i32
          %dma_start3A_55 = tpu.memref_slice %arg5[%mul3A_30, %dma_start3A_54] : memref<327680x128xf32, #tpu.memory_space<hbm>> -> memref<128x128xf32, #tpu.memory_space<hbm>>
          %dma_start3A_56 = arith.constant 0 : i32
          %dma_start3A_57 = tpu.memref_slice %arg5[%mul3A_30, %dma_start3A_56] : memref<327680x128xf32, #tpu.memory_space<hbm>> -> memref<128x128xf32, #tpu.memory_space<hbm>>
          tpu.enqueue_dma source(%arg9 : memref<128x128xf32, #tpu.memory_space<vmem>>) target(%dma_start3A_57 : memref<128x128xf32, #tpu.memory_space<hbm>>) target_semaphore(%run_scoped3A : memref<!tpu.dma_semaphore, #tpu.memory_space<semaphore_mem>>)
          %dma_wait3A_58 = arith.constant 0 : i32
          %dma_wait3A_59 = tpu.memref_slice %arg5[%mul3A_30, %dma_wait3A_58] : memref<327680x128xf32, #tpu.memory_space<hbm>> -> memref<128x128xf32, #tpu.memory_space<hbm>>
          %dma_wait3A_60 = arith.constant 0 : i32
          %dma_wait3A_61 = tpu.memref_slice %arg5[%mul3A_30, %dma_wait3A_60] : memref<327680x128xf32, #tpu.memory_space<hbm>> -> memref<128x128xf32, #tpu.memory_space<hbm>>
          tpu.wait_dma2 semaphore(%run_scoped3A : memref<!tpu.dma_semaphore, #tpu.memory_space<semaphore_mem>>) src(%arg9 : memref<128x128xf32, #tpu.memory_space<vmem>>) dst(%dma_wait3A_61 : memref<128x128xf32, #tpu.memory_space<hbm>>)
          tpu.yield
        }) : () -> ()
        %dma_wait3A_47 = arith.constant 0 : i32
        %dma_wait3A_48 = tpu.memref_slice %arg8[%scan3A_24, %dma_wait3A_47] : memref<4x128xi32, #tpu.memory_space<vmem>> -> memref<1x128xi32, #tpu.memory_space<vmem>>
        %dma_wait3A_49 = tpu.memref_squeeze %dma_wait3A_48 : memref<1x128xi32, #tpu.memory_space<vmem>> -> memref<128xi32, #tpu.memory_space<vmem>>
        %dma_wait3A_50 = arith.constant 0 : i32
        %dma_wait3A_51 = arith.constant 0 : i32
        %dma_wait3A_52 = tpu.memref_slice %arg11[%dma_wait3A_50, %dma_wait3A_51] : memref<10112x128xf32, #tpu.memory_space<vmem_shared>> -> memref<10112x128xf32, #tpu.memory_space<vmem_shared>>
        tpu.wait_indirect_dma semaphore(%arg13 : memref<!tpu.dma_semaphore, #tpu.memory_space<semaphore_mem>>) src(%dma_wait3A_52 : memref<10112x128xf32, #tpu.memory_space<vmem_shared>>) dst(%arg10 : memref<128x128xf32, #tpu.memory_space<vmem>>)
        "tpu.region"() ({
          %run_scoped3A = tpu.sem_alloc : memref<!tpu.dma_semaphore, #tpu.memory_space<semaphore_mem>>
          %dma_start3A_54 = arith.constant 0 : i32
          %dma_start3A_55 = tpu.memref_slice %arg6[%mul3A_30, %dma_start3A_54] : memref<327680x128xf32, #tpu.memory_space<hbm>> -> memref<128x128xf32, #tpu.memory_space<hbm>>
          %dma_start3A_56 = arith.constant 0 : i32
          %dma_start3A_57 = tpu.memref_slice %arg6[%mul3A_30, %dma_start3A_56] : memref<327680x128xf32, #tpu.memory_space<hbm>> -> memref<128x128xf32, #tpu.memory_space<hbm>>
          tpu.enqueue_dma source(%arg10 : memref<128x128xf32, #tpu.memory_space<vmem>>) target(%dma_start3A_57 : memref<128x128xf32, #tpu.memory_space<hbm>>) target_semaphore(%run_scoped3A : memref<!tpu.dma_semaphore, #tpu.memory_space<semaphore_mem>>)
          %dma_wait3A_58 = arith.constant 0 : i32
          %dma_wait3A_59 = tpu.memref_slice %arg6[%mul3A_30, %dma_wait3A_58] : memref<327680x128xf32, #tpu.memory_space<hbm>> -> memref<128x128xf32, #tpu.memory_space<hbm>>
          %dma_wait3A_60 = arith.constant 0 : i32
          %dma_wait3A_61 = tpu.memref_slice %arg6[%mul3A_30, %dma_wait3A_60] : memref<327680x128xf32, #tpu.memory_space<hbm>> -> memref<128x128xf32, #tpu.memory_space<hbm>>
          tpu.wait_dma2 semaphore(%run_scoped3A : memref<!tpu.dma_semaphore, #tpu.memory_space<semaphore_mem>>) src(%arg10 : memref<128x128xf32, #tpu.memory_space<vmem>>) dst(%dma_wait3A_61 : memref<128x128xf32, #tpu.memory_space<hbm>>)
          tpu.yield
        }) : () -> ()
        %scan3A_53 = arith.constant 0 : i32
        scf.yield %scan3A_53 : i32
      }
      %scan3A_22 = arith.constant 4 : i32
      %scan3A_23 = arith.constant 0 : i32
      scf.yield %scan3A_23 : i32
    }
    %scan3A_8 = arith.constant 20 : i32
    return
  }
}

module attributes {stable_mosaic.version = 14 : i64} {
  func.func @body(%arg0: i32, %arg1: memref<2528x128xf32, #tpu.memory_space<vmem>>, %arg2: memref<2528x128xf32, #tpu.memory_space<vmem>>, %arg3: memref<2528x128xf32, #tpu.memory_space<vmem>>) attributes {dimension_semantics = [#tpu.dimension_semantics<arbitrary>], iteration_bounds = array<i64: 4>, scalar_prefetch = 0 : i64, scratch_operands = 0 : i64, tpu.core_type = #tpu.core_type<tc>, window_params = [{transform_indices = @transform_0, window_bounds = array<i64: 2528, 128>}, {transform_indices = @transform_1, window_bounds = array<i64: 2528, 128>}, {transform_indices = @transform_2, window_bounds = array<i64: 2528, 128>}]} {
    %get3A = arith.constant 0 : index
    %get3A_0 = arith.constant 0 : index
    %get3A_1 = vector.load %arg1[%get3A, %get3A_0] : memref<2528x128xf32, #tpu.memory_space<vmem>>, vector<2528x128xf32>
    %get3A_2 = arith.constant 0 : index
    %get3A_3 = arith.constant 0 : index
    %get3A_4 = vector.load %arg2[%get3A_2, %get3A_3] : memref<2528x128xf32, #tpu.memory_space<vmem>>, vector<2528x128xf32>
    %add3A = arith.addf %get3A_1, %get3A_4 : vector<2528x128xf32>
    %swap3A = arith.constant 0 : index
    %swap3A_5 = arith.constant 0 : index
    %swap3A_6 = vector.load %arg3[%swap3A, %swap3A_5] : memref<2528x128xf32, #tpu.memory_space<vmem>>, vector<2528x128xf32>
    tpu.vector_store %arg3[%swap3A, %swap3A_5], %add3A {strides = array<i32>} : memref<2528x128xf32, #tpu.memory_space<vmem>>, vector<2528x128xf32>,
    return
  }
  func.func @transform_0(%arg0: i32) -> (i32, i32) {
    %c0_i32 = arith.constant 0 : i32
    %c0_i32_0 = arith.constant 0 : i32
    return %arg0, %c0_i32 : i32, i32
  }
  func.func @transform_1(%arg0: i32) -> (i32, i32) {
    %c0_i32 = arith.constant 0 : i32
    %c0_i32_0 = arith.constant 0 : i32
    return %arg0, %c0_i32 : i32, i32
  }
  func.func @transform_2(%arg0: i32) -> (i32, i32) {
    %c0_i32 = arith.constant 0 : i32
    %c0_i32_0 = arith.constant 0 : i32
    return %arg0, %c0_i32 : i32, i32
  }
}

module attributes {stable_mosaic.version = 14 : i64} {
  func.func @body(%arg0: i32, %arg1: memref<2000x128xf32, #tpu.memory_space<vmem>>, %arg2: memref<128x128xf32, #tpu.memory_space<vmem>>, %arg3: memref<1x128xf32, #tpu.memory_space<vmem>>, %arg4: memref<2000x128xf32, #tpu.memory_space<vmem>>) attributes {dimension_semantics = [#tpu.dimension_semantics<arbitrary>], iteration_bounds = array<i64: 5>, scalar_prefetch = 0 : i64, scratch_operands = 0 : i64, tpu.core_type = #tpu.core_type<tc>, window_params = [{transform_indices = @transform_0, window_bounds = array<i64: 2000, 128>}, {pipeline_mode = #tpu.pipeline_mode<synchronous>, transform_indices = @transform_1, window_bounds = array<i64: 128, 128>}, {pipeline_mode = #tpu.pipeline_mode<synchronous>, transform_indices = @transform_2, window_bounds = array<i64: 1, 128>}, {transform_indices = @transform_3, window_bounds = array<i64: 2000, 128>}]} {
    %get3A = arith.constant 0 : index
    %get3A_0 = arith.constant 0 : index
    %get3A_1 = vector.load %arg1[%get3A, %get3A_0] : memref<2000x128xf32, #tpu.memory_space<vmem>>, vector<2000x128xf32>
    %get3A_2 = arith.constant 0 : index
    %get3A_3 = arith.constant 0 : index
    %get3A_4 = vector.load %arg2[%get3A_2, %get3A_3] : memref<128x128xf32, #tpu.memory_space<vmem>>, vector<128x128xf32>
    %dot_general3A = arith.constant dense<0.000000e+00> : vector<2000x128xf32>
    %dot_general3A_5 = tpu.matmul %get3A_1, %get3A_4, %dot_general3A {dimension_numbers = #tpu.dot_dimension_numbers<[1], [0], [0], [1], [0, 0, 1, 1], [], []>, transpose_lhs_hint = false} : vector<2000x128xf32>, vector<128x128xf32>, vector<2000x128xf32> -> vector<2000x128xf32>
    %get3A_6 = arith.constant 0 : index
    %get3A_7 = arith.constant 0 : index
    %get3A_8 = vector.load %arg3[%get3A_6, %get3A_7] : memref<1x128xf32, #tpu.memory_space<vmem>>, vector<1x128xf32>
    %add3A = vector.broadcast %get3A_8 : vector<1x128xf32> to vector<2000x128xf32>
    %add3A_9 = arith.addf %dot_general3A_5, %add3A : vector<2000x128xf32>
    %swap3A = arith.constant 0 : index
    %swap3A_10 = arith.constant 0 : index
    %swap3A_11 = vector.load %arg4[%swap3A, %swap3A_10] : memref<2000x128xf32, #tpu.memory_space<vmem>>, vector<2000x128xf32>
    tpu.vector_store %arg4[%swap3A, %swap3A_10], %add3A_9 {strides = array<i32>} : memref<2000x128xf32, #tpu.memory_space<vmem>>, vector<2000x128xf32>,
    return
  }
  func.func @transform_0(%arg0: i32) -> (i32, i32) {
    %c0_i32 = arith.constant 0 : i32
    %c0_i32_0 = arith.constant 0 : i32
    return %arg0, %c0_i32 : i32, i32
  }
  func.func @transform_1(%arg0: i32) -> (i32, i32) {
    %c0_i32 = arith.constant 0 : i32
    %c0_i32_0 = arith.constant 0 : i32
    %c0_i32_1 = arith.constant 0 : i32
    return %c0_i32, %c0_i32_0 : i32, i32
  }
  func.func @transform_2(%arg0: i32) -> (i32, i32) {
    %c0_i32 = arith.constant 0 : i32
    %c0_i32_0 = arith.constant 0 : i32
    %c0_i32_1 = arith.constant 0 : i32
    return %c0_i32, %c0_i32_0 : i32, i32
  }
  func.func @transform_3(%arg0: i32) -> (i32, i32) {
    %c0_i32 = arith.constant 0 : i32
    %c0_i32_0 = arith.constant 0 : i32
    return %arg0, %c0_i32 : i32, i32
  }
}

module attributes {stable_mosaic.version = 14 : i64} {
  func.func @body(%arg0: i32, %arg1: memref<2000x128xf32, #tpu.memory_space<vmem>>, %arg2: memref<2000x128xf32, #tpu.memory_space<vmem>>, %arg3: memref<2000x128xf32, #tpu.memory_space<vmem>>) attributes {dimension_semantics = [#tpu.dimension_semantics<arbitrary>], iteration_bounds = array<i64: 5>, scalar_prefetch = 0 : i64, scratch_operands = 0 : i64, tpu.core_type = #tpu.core_type<tc>, window_params = [{transform_indices = @transform_0, window_bounds = array<i64: 2000, 128>}, {transform_indices = @transform_1, window_bounds = array<i64: 2000, 128>}, {transform_indices = @transform_2, window_bounds = array<i64: 2000, 128>}]} {
    %get3A = arith.constant 0 : index
    %get3A_0 = arith.constant 0 : index
    %get3A_1 = vector.load %arg1[%get3A, %get3A_0] : memref<2000x128xf32, #tpu.memory_space<vmem>>, vector<2000x128xf32>
    %get3A_2 = arith.constant 0 : index
    %get3A_3 = arith.constant 0 : index
    %get3A_4 = vector.load %arg2[%get3A_2, %get3A_3] : memref<2000x128xf32, #tpu.memory_space<vmem>>, vector<2000x128xf32>
    %add3A = arith.addf %get3A_1, %get3A_4 : vector<2000x128xf32>
    %swap3A = arith.constant 0 : index
    %swap3A_5 = arith.constant 0 : index
    %swap3A_6 = vector.load %arg3[%swap3A, %swap3A_5] : memref<2000x128xf32, #tpu.memory_space<vmem>>, vector<2000x128xf32>
    tpu.vector_store %arg3[%swap3A, %swap3A_5], %add3A {strides = array<i32>} : memref<2000x128xf32, #tpu.memory_space<vmem>>, vector<2000x128xf32>,
    return
  }
  func.func @transform_0(%arg0: i32) -> (i32, i32) {
    %c0_i32 = arith.constant 0 : i32
    %c0_i32_0 = arith.constant 0 : i32
    return %arg0, %c0_i32 : i32, i32
  }
  func.func @transform_1(%arg0: i32) -> (i32, i32) {
    %c0_i32 = arith.constant 0 : i32
    %c0_i32_0 = arith.constant 0 : i32
    return %arg0, %c0_i32 : i32, i32
  }
  func.func @transform_2(%arg0: i32) -> (i32, i32) {
    %c0_i32 = arith.constant 0 : i32
    %c0_i32_0 = arith.constant 0 : i32
    return %arg0, %c0_i32 : i32, i32
  }
}

module attributes {stable_mosaic.version = 14 : i64} {
  func.func @body(%arg0: i32, %arg1: memref<4096x128xf32, #tpu.memory_space<vmem>>, %arg2: memref<4096x128xf32, #tpu.memory_space<vmem>>, %arg3: memref<2x128x512xbf16, #tpu.memory_space<vmem>>, %arg4: memref<512x1xf32, #tpu.memory_space<vmem>>, %arg5: memref<1x512xf32, #tpu.memory_space<vmem>>, %arg6: memref<1xf32, #tpu.memory_space<smem>>, %arg7: memref<1x1x4096xf32, #tpu.memory_space<vmem>>) attributes {dimension_semantics = [#tpu.dimension_semantics<arbitrary>], iteration_bounds = array<i64: 80>, scalar_prefetch = 0 : i64, scratch_operands = 0 : i64, tpu.core_type = #tpu.core_type<tc>, window_params = [{transform_indices = @transform_0, window_bounds = array<i64: 4096, 128>}, {transform_indices = @transform_1, window_bounds = array<i64: 4096, 128>}, {pipeline_mode = #tpu.pipeline_mode<synchronous>, transform_indices = @transform_2, window_bounds = array<i64: 2, 128, 512>}, {pipeline_mode = #tpu.pipeline_mode<synchronous>, transform_indices = @transform_3, window_bounds = array<i64: 512, 1>}, {pipeline_mode = #tpu.pipeline_mode<synchronous>, transform_indices = @transform_4, window_bounds = array<i64: 1, 512>}, {transform_indices = @transform_5, window_bounds = array<i64: 1>}, {transform_indices = @transform_6, window_bounds = array<i64: 1, 1, 4096>}]} {
    %get3A = arith.constant 0 : index
    %get3A_0 = arith.constant 0 : index
    %get3A_1 = vector.load %arg1[%get3A, %get3A_0] : memref<4096x128xf32, #tpu.memory_space<vmem>>, vector<4096x128xf32>
    %convert_element_type3A = arith.truncf %get3A_1 : vector<4096x128xf32> to vector<4096x128xbf16>
    %get3A_2 = arith.constant 0 : index
    %get3A_3 = arith.constant 0 : index
    %get3A_4 = vector.load %arg2[%get3A_2, %get3A_3] : memref<4096x128xf32, #tpu.memory_space<vmem>>, vector<4096x128xf32>
    %convert_element_type3A_5 = arith.truncf %get3A_4 : vector<4096x128xf32> to vector<4096x128xbf16>
    %get3A_6 = arith.constant 0 : index
    %get3A_7 = arith.constant 0 : index
    %get3A_8 = arith.constant 0 : index
    %get3A_9 = vector.load %arg3[%get3A_6, %get3A_7, %get3A_8] : memref<2x128x512xbf16, #tpu.memory_space<vmem>>, vector<1x128x512xbf16>
    %get3A_10 = vector.shape_cast %get3A_9 : vector<1x128x512xbf16> to vector<128x512xbf16>
    %dot_general3A = arith.constant dense<0.000000e+00> : vector<512x4096xf32>
    %dot_general3A_11 = tpu.matmul %get3A_10, %convert_element_type3A, %dot_general3A {dimension_numbers = #tpu.dot_dimension_numbers<[0], [1], [1], [0], [0, 1, 1, 0], [], []>, transpose_lhs_hint = false} : vector<128x512xbf16>, vector<4096x128xbf16>, vector<512x4096xf32> -> vector<512x4096xf32>
    %get3A_12 = arith.constant 1 : index
    %get3A_13 = arith.constant 0 : index
    %get3A_14 = arith.constant 0 : index
    %get3A_15 = vector.load %arg3[%get3A_12, %get3A_13, %get3A_14] : memref<2x128x512xbf16, #tpu.memory_space<vmem>>, vector<1x128x512xbf16>
    %get3A_16 = vector.shape_cast %get3A_15 : vector<1x128x512xbf16> to vector<128x512xbf16>
    %dot_general3A_17 = arith.constant dense<0.000000e+00> : vector<512x4096xf32>
    %dot_general3A_18 = tpu.matmul %get3A_16, %convert_element_type3A_5, %dot_general3A_17 {dimension_numbers = #tpu.dot_dimension_numbers<[0], [1], [1], [0], [0, 1, 1, 0], [], []>, transpose_lhs_hint = false} : vector<128x512xbf16>, vector<4096x128xbf16>, vector<512x4096xf32> -> vector<512x4096xf32>
    %add3A = arith.addf %dot_general3A_11, %dot_general3A_18 : vector<512x4096xf32>
    %get3A_19 = arith.constant 0 : index
    %get3A_20 = arith.constant 0 : index
    %get3A_21 = vector.load %arg4[%get3A_19, %get3A_20] : memref<512x1xf32, #tpu.memory_space<vmem>>, vector<512x1xf32>
    %add3A_22 = vector.broadcast %get3A_21 : vector<512x1xf32> to vector<512x4096xf32>
    %add3A_23 = arith.addf %add3A, %add3A_22 : vector<512x4096xf32>
    %max3A = arith.constant 0.000000e+00 : f32
    %max3A_24 = vector.broadcast %max3A : f32 to vector<512x4096xf32>
    %max3A_25 = arith.maximumf %add3A_23, %max3A_24 : vector<512x4096xf32>
    %get3A_26 = arith.constant 0 : index
    %get3A_27 = arith.constant 0 : index
    %get3A_28 = vector.load %arg5[%get3A_26, %get3A_27] : memref<1x512xf32, #tpu.memory_space<vmem>>, vector<1x512xf32>
    %dot_general3A_29 = arith.constant dense<0.000000e+00> : vector<1x4096xf32>
    %dot_general3A_30 = tpu.matmul %get3A_28, %max3A_25, %dot_general3A_29 {dimension_numbers = #tpu.dot_dimension_numbers<[1], [0], [0], [1], [0, 0, 1, 1], [], []>, transpose_lhs_hint = false} : vector<1x512xf32>, vector<512x4096xf32>, vector<1x4096xf32> -> vector<1x4096xf32>
    %get3A_31 = arith.constant 0 : index
    %get3A_32 = memref.load %arg6[%get3A_31] : memref<1xf32, #tpu.memory_space<smem>>
    %add3A_33 = vector.broadcast %get3A_32 : f32 to vector<1x4096xf32>
    %add3A_34 = arith.addf %dot_general3A_30, %add3A_33 : vector<1x4096xf32>
    %max3A_35 = arith.constant 0.000000e+00 : f32
    %max3A_36 = vector.broadcast %max3A_35 : f32 to vector<1x4096xf32>
    %max3A_37 = arith.maximumf %add3A_34, %max3A_36 : vector<1x4096xf32>
    %reshape3A = vector.shape_cast %max3A_37 : vector<1x4096xf32> to vector<1x1x4096xf32>
    %swap3A = arith.constant 0 : index
    %swap3A_38 = arith.constant 0 : index
    %swap3A_39 = arith.constant 0 : index
    %swap3A_40 = vector.load %arg7[%swap3A, %swap3A_38, %swap3A_39] : memref<1x1x4096xf32, #tpu.memory_space<vmem>>, vector<1x1x4096xf32>
    tpu.vector_store %arg7[%swap3A, %swap3A_38, %swap3A_39], %reshape3A {strides = array<i32>} : memref<1x1x4096xf32, #tpu.memory_space<vmem>>, vector<1x1x4096xf32>,
    return
  }
  func.func @transform_0(%arg0: i32) -> (i32, i32) {
    %c0_i32 = arith.constant 0 : i32
    %c0_i32_0 = arith.constant 0 : i32
    return %arg0, %c0_i32 : i32, i32
  }
  func.func @transform_1(%arg0: i32) -> (i32, i32) {
    %c0_i32 = arith.constant 0 : i32
    %c0_i32_0 = arith.constant 0 : i32
    return %arg0, %c0_i32 : i32, i32
  }
  func.func @transform_2(%arg0: i32) -> (i32, i32, i32) {
    %c0_i32 = arith.constant 0 : i32
    %c0_i32_0 = arith.constant 0 : i32
    %c0_i32_1 = arith.constant 0 : i32
    %c0_i32_2 = arith.constant 0 : i32
    return %c0_i32, %c0_i32_0, %c0_i32_1 : i32, i32, i32
  }
  func.func @transform_3(%arg0: i32) -> (i32, i32) {
    %c0_i32 = arith.constant 0 : i32
    %c0_i32_0 = arith.constant 0 : i32
    %c0_i32_1 = arith.constant 0 : i32
    return %c0_i32, %c0_i32_0 : i32, i32
  }
  func.func @transform_4(%arg0: i32) -> (i32, i32) {
    %c0_i32 = arith.constant 0 : i32
    %c0_i32_0 = arith.constant 0 : i32
    %c0_i32_1 = arith.constant 0 : i32
    return %c0_i32, %c0_i32_0 : i32, i32
  }
  func.func @transform_5(%arg0: i32) -> i32 {
    %c0_i32 = arith.constant 0 : i32
    %c0_i32_0 = arith.constant 0 : i32
    return %c0_i32 : i32
  }
  func.func @transform_6(%arg0: i32) -> (i32, i32, i32) {
    %c0_i32 = arith.constant 0 : i32
    %c0_i32_0 = arith.constant 0 : i32
    %c0_i32_1 = arith.constant 0 : i32
    return %arg0, %c0_i32, %c0_i32_0 : i32, i32, i32
  }
}

</mosaic_0001>

<sc_bundles>
// kernel: kernel.12.cloned.1.call-start
scs
__scs_entry_jumppad:
0x0: {  	(pc) =	sbr.rel $0x88, $3  }
0x1: {  	(tag) =	ssettag $0x0;
	lr =	simm.s32 $0x1  }
0x2: {  	[smem:$0x3F99] =	sst lr;
	_ =	strace $0xD0000000  }
0x3: {  	_ = 	snop  }
0x4: {  	_ = 	snop  }
0x5: {  	_ = 	snop  }
0x6: {  	_ = 	snop  }
0x7: {  	_ = 	snop  }
__scs_overlays_trampoline_lowered:
0x8: {  	[smem:$0x3FA8] =	sst s0  }
0x9: {  	[smem:$0x3FA9] =	sst s1  }
0xa: {  	[smem:$0x3FAA] =	sst s2  }
0xb: {  	[smem:$0x3FAB] =	sst s3  }
0xc: {  	[smem:$0x3FAC] =	sst s4  }
0xd: {  	[smem:$0x3FAD] =	sst s5  }
0xe: {  	[smem:$0x3FAE] =	sst s6  }
0xf: {  	[smem:$0x3FAF] =	sst s7  }
0x10: {  	[smem:$0x3FB0] =	sst s8  }
0x11: {  	[smem:$0x3FB1] =	sst s9;
	s0 =	simm.s32 @!p0 $0x0  }
0x12: {  	s1 =	sld [smem:$0x3F97];
	s0 =	simm.s32 @p0 $0x1  }
0x13: {  	[smem:$0x3FB2] =	sst s0;
	s0 =	simm.s32 @!p1 $0x0  }
0x14: {  	s2 =	sld [smem:$0x3F96];
	s0 =	simm.s32 @p1 $0x1  }
0x15: {  	[smem:$0x3FB3] =	sst s0;
	s0 =	simm.s32 @!p2 $0x0  }
0x16: {  	s3 =	sld [smem:$0x3FDB];
	s0 =	simm.s32 @p2 $0x1  }
0x17: {  	s4 =	simm.s32 $0x1BF5;
	[smem:$0x3FB5] =	sst s0  }
0x18: {  	s0 =	sld [smem:$0x3F98];
	_ =	swait.ge [sflag:s4], $0x0  }
0x19: {  	s7 =	sld [smem:$0x3F99]  }
0x1a: {  	s8 =	sadd.s32 $0xFFFFE003, lr  }
0x1b: {  	s9 =	sadd.s32 $0xFFFFFEF7, lr;
	s5 =	simm.s32 $0xFFFFFFFF;
	p2 =	slt.u32 s8, $0xFFFFF086  }
0x1c: {  	p1 =	slt.u32 s9, $0xF7A;
	s5 =	simm.s32 @!p2 $0x0  }
0x1d: {  	s5 =	simm.s32 @p1 $0x1;
	p0 =	seq.s32 s7, s2  }
0x1e: {  	s7 =	smul.u32 @!p0 $0xF7A, s2;
	p2 =	seq.s32 @!p0 s5, $0x0  }
0x1f: {  	s9 =	smul.u32 $0xF7A, s1;
	s8 =	simm.s32 @!p0 $0x1BF5;
	p2 =	por !p2, p0  }
0x20: {  	[sflag:s8] =	ssyncset.s32 @!p0 $0xFFFFF086;
	s6 =	sadd.s32 @!p0 s3, s7;
	s7 =	simm.s32 @!p0 $0x108  }
0x21: {  	s3 =	sadd.s32 s3, s9;
	s6 =	sadd.s32 @!p0 $0x88, s6;
	s7 =	simm.s32 @p2 $0x1082  }
0x22: {  	[simem:s7], [sflag:s8] =	dma.local @!p0 [hbm:s6], $0xF7A  }
0x23: {  	s9 =	sor.u32 $0xD0000000, s2;
	s6 =	simm.s32 $0x108;
	_ =	swait.ge @!p0 [sflag:s8], $0x0  }
0x24: {  	s3 =	sadd.s32 $0x88, s3;
	s6 =	simm.s32 @!p1 $0x1082;
	[sflag:s4] =	ssyncset.s32 $0xFFFFF086  }
0x25: {  	[simem:s6], [sflag:s4] =	dma.local [hbm:s3], $0xF7A  }
0x26: {  	[smem:$0x3F99] =	sst s1;
	(tag) =	ssettag s2;
	_ =	strace s9  }
0x27: {  	s1 =	sld [smem:$0x3FA9]  }
0x28: {  	s2 =	sld [smem:$0x3FAA]  }
0x29: {  	s4 =	sld [smem:$0x3FAC]  }
0x2a: {  	p0 =	seq.s32 s5, $0x0;
	s5 =	sld [smem:$0x3FAD]  }
0x2b: {  	s6 =	sld [smem:$0x3FAE]  }
0x2c: {  	s7 =	sld [smem:$0x3FAF]  }
0x2d: {  	s3 =	simm.s32 $0x108;
	s8 =	sld [smem:$0x3FB0]  }
0x2e: {  	s3 =	simm.s32 @!p0 $0x1082;
	s9 =	sld [smem:$0x3FB1]  }
0x2f: {  	lr =	sadd.s32 s0, s3;
	s0 =	sld [smem:$0x3FA8]  }
0x30: {  	s3 =	sld [smem:$0x3FAB]  }
0x31: {  	[smem:$0x3FB4] =	sst s10  }
0x32: {  	s10 =	sld [smem:$0x3FB2];
	_ =	sdelay $0x3  }
0x33: {  	p0 =	seq.s32 s10, $0x1;
	s10 =	sld [smem:$0x3FB4];
	_ =	sdelay $0x3  }
0x34: {  	[smem:$0x3FB4] =	sst s10  }
0x35: {  	s10 =	sld [smem:$0x3FB3];
	_ =	sdelay $0x3  }
0x36: {  	p1 =	seq.s32 s10, $0x1;
	s10 =	sld [smem:$0x3FB4];
	_ =	sdelay $0x3  }
0x37: {  	[smem:$0x3FB4] =	sst s10  }
0x38: {  	s10 =	sld [smem:$0x3FB5]  }
0x39: {  	_ = 	snop;
	(pc) =	sbr.ind lr, $3  }
0x3a: {  	_ = 	snop  }
0x3b: {  	_ = 	snop  }
0x3c: {  	p2 =	seq.s32 s10, $0x1;
	s10 =	sld [smem:$0x3FB4]  }
0x3d: {  	_ =	shalt  }
0x3e: {  	_ =	shalt  }
0x3f: {  	_ =	shalt  }
0x40: {  	_ =	shalt  }
0x41: {  	_ =	shalt  }
0x42: {  	_ =	shalt  }
0x43: {  	_ =	shalt  }
0x44: {  	_ =	shalt  }
0x45: {  	_ =	shalt  }
0x46: {  	_ =	shalt  }
0x47: {  	_ =	shalt  }
0x48: {  	_ =	shalt  }
0x49: {  	_ =	shalt  }
0x4a: {  	_ =	shalt  }
0x4b: {  	_ =	shalt  }
0x4c: {  	_ =	shalt  }
0x4d: {  	_ =	shalt  }
0x4e: {  	_ =	shalt  }
0x4f: {  	_ =	shalt  }
0x50: {  	_ =	shalt  }
0x51: {  	_ =	shalt  }
0x52: {  	_ =	shalt  }
0x53: {  	_ =	shalt  }
0x54: {  	_ =	shalt  }
0x55: {  	_ =	shalt  }
0x56: {  	_ =	shalt  }
0x57: {  	_ =	shalt  }
0x58: {  	_ =	shalt  }
0x59: {  	_ =	shalt  }
0x5a: {  	_ =	shalt  }
0x5b: {  	_ =	shalt  }
0x5c: {  	_ =	shalt  }
0x5d: {  	_ =	shalt  }
0x5e: {  	_ =	shalt  }
0x5f: {  	_ =	shalt  }
0x60: {  	_ =	shalt  }
0x61: {  	_ =	shalt  }
0x62: {  	_ =	shalt  }
0x63: {  	_ =	shalt  }
0x64: {  	_ =	shalt  }
0x65: {  	_ =	shalt  }
0x66: {  	_ =	shalt  }
0x67: {  	_ =	shalt  }
0x68: {  	_ =	shalt  }
0x69: {  	_ =	shalt  }
0x6a: {  	_ =	shalt  }
0x6b: {  	_ =	shalt  }
0x6c: {  	_ =	shalt  }
0x6d: {  	_ =	shalt  }
0x6e: {  	_ =	shalt  }
0x6f: {  	_ =	shalt  }
0x70: {  	_ =	shalt  }
0x71: {  	_ =	shalt  }
0x72: {  	_ =	shalt  }
0x73: {  	_ =	shalt  }
0x74: {  	_ =	shalt  }
0x75: {  	_ =	shalt  }
0x76: {  	_ =	shalt  }
0x77: {  	_ =	shalt  }
0x78: {  	_ =	shalt  }
0x79: {  	_ =	shalt  }
0x7a: {  	_ =	shalt  }
0x7b: {  	_ =	shalt  }
0x7c: {  	_ =	shalt  }
0x7d: {  	_ =	shalt  }
0x7e: {  	_ =	shalt  }
0x7f: {  	_ =	shalt  }
0x80: {  	_ =	shalt  }
0x81: {  	_ =	shalt  }
0x82: {  	_ =	shalt  }
0x83: {  	_ =	shalt  }
0x84: {  	_ =	shalt  }
0x85: {  	_ =	shalt  }
0x86: {  	_ =	shalt  }
0x87: {  	_ =	shalt  }
.Lfunc_end0:
.L_simem_size_0:
called_computation.1_lowered:
.L_overlay_start_0:
0x88: {  	s2 =	sld [smem:$0x3FD9]  }
0x89: {  	s3 =	sld [smem:$0x3FFE];
	_ =	sdelay $0x1  }
0x8a: {  	s1 =	srdreg.scid  }
0x8b: {  	s0 =	sand.u32 $0x1, s1  }
0x8c: {  	s16 =	sshll.u32 s0, $0xA;
	s2 =	sadd.s32 s3, s2  }
0x8d: {  	s2 =	sadd.s32 s2, s16  }
0x8e: {  	[smem:$0x3FC0] =	sst s2  }
0x8f: {  	_ = 	snop  }
0x90: {  	(tm) =	ssettm $0x1  }
0x91: {  	s17 =	sld [smem:$0x3FFB];
	_ =	sdelay $0x3  }
0x92: {  	_ =	strace s17  }
0x93: {  	s2 =	sld [smem:$0x3FFC];
	_ =	sdelay $0x3  }
0x94: {  	_ =	strace s2  }
0x95: {  	s2 =	sld [smem:$0x3FFD];
	_ =	sdelay $0x3  }
0x96: {  	_ =	strace s2  }
0x97: {  	_ =	strace $0x8FFFFFFF  }
0x98: {  	s18 =	sld [smem:$0x3FDB];
	_ =	sdelay $0x1  }
0x99: {  	s19 =	simm.s32 $_scs_section_size  }
0x9a: {  	s4 =	simm.s32 $_size__tile_overlayer_lowered;
	s5 =	simm.s32 $_tile_overlayer_lowered  }
0x9b: {  	s22 =	simm.s32 $0x1BFF;
	s21 =	sshll.u32 s5, $0x1;
	s2 =	sadd.s32 s19, s18  }
0x9c: {  	s6 =	simm.s32 $0x0;
	s20 =	sshll.u32 s4, $0x1;
	s4 =	sadd.s32 s21, s2  }
0x9d: {  	[timem:s6], [sflag:s22] =	dma.local [hbm:s4], s20  }
0x9e: {  	_ =	swait.ge [sflag:s22], s20  }
0x9f: {  	s3 =	ssub.s32 $0x0, s20;
	[sflag:s22] =	ssyncset.done $0x0  }
0xa0: {  	[sflag:s22] =	ssyncadd.s32 s3;
	_ =	sdelay $0x1  }
0xa1: {  	s23 =	simm.s32 $0x1B8B  }
0xa2: {  	_ =	swait.ge [sflag:s23], $0x1  }
0xa3: {  	[sflag:s23] =	ssyncset.done $0x0  }
0xa4: {  	s25 =	simm.s32 $0x1B8E;
	s24 =	sld [smem:$0x3FFE];
	[sflag:s23] =	ssyncadd.s32 $0xFFFFFFFF  }
0xa5: {  	s26 =	simm.s32 $execute0_lowered;
	[smem:$0x3FD2] =	sst s25  }
0xa6: {  	s4 =	sshll.u32 s26, $0x1;
	_ =	strace $0x80000049;
	[dreg:$0x1] =	wrdreg $0xFFFFFFFF  }
0xa7: {  	s28 =	simm.s32 $_size_execute0_lowered;
	s2 =	sadd.s32 s2, s4;
	[dreg:$0x0] =	wrdreg $0x0  }
0xa8: {  	s4 =	sshll.u32 s28, $0x1;
	[dreg:$0x2] =	wrdreg s2  }
0xa9: {  	[dreg:$0x3] =	wrdreg s4  }
0xaa: {  	[dreg:$0x4] =	wrdreg $0xC0  }
0xab: {  	_ =	task [dreg:s6], $0x5FFFF  }
0xac: {  	[dreg:$0x1] =	wrdreg $0xFFFFFFFF  }
0xad: {  	[dreg:$0x0] =	wrdreg $0x60  }
0xae: {  	[dreg:$0x2] =	wrdreg s24  }
0xaf: {  	[dreg:$0x3] =	wrdreg $0x84000  }
0xb0: {  	[dreg:$0x4] =	wrdreg $0x9  }
0xb1: {  	_ =	task.clear_ibuf [dreg:s6], $0x5FFFF;
	_ =	strace $0x90000049  }
0xb2: {  	s29 =	simm.s32 $0x9;
	_ =	strace $0x8000004B  }
0xb3: {  	_ =	swait.ge [sflag:s29], $0x1  }
0xb4: {  	[sflag:s29] =	ssyncadd.s32 $0xFFFFFFFF  }
0xb5: {  	_ =	strace $0x9000004B  }
0xb6: {  	_ =	sfence  }
0xb7: {  	s30 =	sld [smem:$0x0];
	_ =	sdelay $0x2  }
0xb8: {  	s31 =	sshll.u32 s1, $0xD;
	s1 =	sshrl.u32 s1, $0x2  }
0xb9: {  	s3 =	sand.u32 $0x4000, s31;
	s1 =	sadd.s32 s1, s30  }
0xba: {  	s0 =	sor.u32 s3, s0;
	s1 =	sshll.u32 s1, $0x11  }
0xbb: {  	s0 =	sor.u32 s1, s0  }
0xbc: {  	s0 =	sadd.s32 $0x8F2B, s0  }
0xbd: {  	[sflag:s0] =	ssyncadd.remote.s32 $0x1  }
0xbe: {  	_ =	sfence.sel $0xFFFF  }
0xbf: {  	[dreg:$0x0] =	wrdreg $0xFFFFFFFF;
	(pc) =	sbr.abs _section_cstart, $3  }
0xc0: {  	[dreg:$0x1] =	wrdreg $0xFFFFFFFF  }
0xc1: {  	_ =	task.clear_ibuf [dreg:s6], $0x2FFFF;
	_ =	strace $0x9FFFFFFF  }
0xc2: {  	(tm) =	ssettm $0x7FFFFFFF  }
0xc3: {  	_ =	shalt  }
tec
execute0_lowered:
.L_overlay_start_1:
0x0: {  	(tag) =	ssettag $0x1  }
0x1: {  	s4 =	rddreg [dreg:$0x0];
	s0 =	stileid.u32  }
0x2: {  	s1 =	srdreg.scid;
	s2 =	rddreg [dreg:$0x1];
	s3 =	simm.s32 $0x0  }
0x3: {  	s13 =	simm.s32 $0x200;
	s14 =	simm.s32 $0x80;
	s15 =	simm.s32 $0x400  }
0x4: {  	s16 =	simm.s32 $0x4400;
	s17 =	simm.s32 $0x1;
	s18 =	simm.s32 $0x2  }
0x5: {  	s19 =	simm.s32 $0x280;
	s20 =	simm.s32 $0x100;
	s5 =	smul.u32 $0x2780, s0  }
0x6: {  	s21 =	simm.s32 $0x300;
	s22 =	simm.s32 $0x180;
	s9 =	smul.u32 $0x4F000, s0  }
0x7: {  	s23 =	simm.s32 $0x380;
	s24 =	simm.s32 $0x0;
	s10 =	smul.u32 $0x28000, s0  }
0x8: {  	s6 =	sand.u32 $0x1, s1;
	s1 =	rddreg [dreg:$0x2];
	s29 =	smul.u32 $0x500, s0  }
0x9: {  	[smem:$0x7FF] =	sst s3;
	s30 =	sshll.u32 s0, $0x6;
	s7 =	smul.u32 $0x5000, s6  }
0xa: {  	s8 =	smul.u32 $0x280000, s6;
	_ =	strace $0x8000004A;
	s28 =	ssub.s32 $0x2, s6  }
0xb: {  	s5 =	sadd.s32 s5, s4;
	s6 =	sshrl.u32 s28, $0x1;
	s9 =	sshrl.u32 s9, $0x2  }
0xc: {  	s7 =	sadd.s32 s7, s4;
	s8 =	sadd.s32 s8, s4;
	s11 =	ssub.s32 s28, s6  }
0xd: {  	s12 =	sadd.s32 s9, s2;
	s4 =	sadd.s32 $0x19400, s5;
	s5 =	sor.u32 $0x1C03, s30  }
0xe: {  	s8 =	sadd.s32 s10, s8;
	s31 =	sadd.s32 s29, s7;
	s7 =	smax.u32 s11, $0x1  }
0xf: {  	s11 =	sshrl.u32 s12, $0x3;
	s12 =	simm.s32 $0x3;
	s6 =	sadd.s32 $0x568400, s8  }
0x10: {  	s8 =	sadd.s32 $0xA68400, s8;
	s9 =	sadd.s32 $0xCC00, s31;
	s10 =	sadd.s32 $0x2C00, s31  }
.LBB2_1:
0x11: {  	[spmem:s11], [sflag:s5] =	dma.local [hbm:s4], $0x2780  }
0x12: {  	_ =	swait.ge [sflag:s12], $0x2780  }
0x13: {  	[sflag:s12] =	ssyncset.done $0x0  }
0x14: {  	[sflag:s12] =	ssyncadd.s32 $0xFFFFD880  }
0x15: {  	[bflag:$0x0] =	sbarrier.arrive $0xFFFF  }
0x16: {  	[tilespmem:s3], [sflag:$0x3] =	stream.linear.gather [hbm4b:s10+s3], $0x200, $0x38;
	[tilespmem:$0x1C000] =	vst v63  }
0x17: {  	_ =	swait.ge [sflag:s12], $0x200  }
0x18: {  	[sflag:s12] =	ssyncset.done $0x0  }
0x19: {  	[sflag:s12] =	ssyncadd.s32 $0xFFFFFE00  }
0x1a: {  	[tilespmem:s13], [sflag:$0x3] =	stream.linear.gather [hbm4b:s9+s3], $0x200, $0x38;
	[tilespmem:$0x1C000] =	vst v63  }
0x1b: {  	_ =	swait.ge [sflag:s12], $0x200  }
0x1c: {  	[sflag:s12] =	ssyncset.done $0x0  }
0x1d: {  	[sflag:s12] =	ssyncadd.s32 $0xFFFFFE00  }
0x1e: {  	[tilespmem:s15], [sflag:$0x1] =	stream.indirect.gather [spmem:s2], $0x80, s3, s14, $0xb8;
	[tilespmem:$0x1C000] =	vst v63  }
0x1f: {  	_ = 	snop  }
0x20: {  	[tilespmem:s16], [sflag:$0x2] =	stream.indirect.gather [spmem:s2], $0x80, s13, s14, $0xb8;
	[tilespmem:$0x1C000] =	vst v63  }
0x21: {  	_ =	swait.ge [sflag:s17], $0x4000  }
0x22: {  	[sflag:s17] =	ssyncset.done $0x0  }
0x23: {  	s25 =	sadd.s32 $0x0, s6;
	[sflag:s17] =	ssyncadd.s32 $0xFFFFC000  }
0x24: {  	[hbm4b:s25+s3] =	stream.linear.scatter [tilespmem:s15], [sflag:$0x3], $0x4000, $0x38;
	[tilespmem:$0x1C000] =	vst v63  }
0x25: {  	_ =	swait.ge [sflag:s12], $0x4000  }
0x26: {  	[sflag:s12] =	ssyncset.done $0x0  }
0x27: {  	[sflag:s12] =	ssyncadd.s32 $0xFFFFC000  }
0x28: {  	_ =	swait.ge [sflag:s18], $0x4000  }
0x29: {  	[sflag:s18] =	ssyncset.done $0x0  }
0x2a: {  	s26 =	sadd.s32 $0x0, s8;
	[sflag:s18] =	ssyncadd.s32 $0xFFFFC000  }
0x2b: {  	[hbm4b:s26+s3] =	stream.linear.scatter [tilespmem:s16], [sflag:$0x3], $0x4000, $0x38;
	[tilespmem:$0x1C000] =	vst v63  }
0x2c: {  	_ =	swait.ge [sflag:s12], $0x4000  }
0x2d: {  	[sflag:s12] =	ssyncset.done $0x0  }
0x2e: {  	[sflag:s12] =	ssyncadd.s32 $0xFFFFC000  }
0x2f: {  	[tilespmem:s15], [sflag:$0x1] =	stream.indirect.gather [spmem:s2], $0x80, s14, s14, $0xb8;
	[tilespmem:$0x1C000] =	vst v63  }
0x30: {  	_ = 	snop  }
0x31: {  	[tilespmem:s16], [sflag:$0x2] =	stream.indirect.gather [spmem:s2], $0x80, s19, s14, $0xb8;
	[tilespmem:$0x1C000] =	vst v63  }
0x32: {  	_ =	swait.ge [sflag:s17], $0x4000  }
0x33: {  	[sflag:s17] =	ssyncset.done $0x0  }
0x34: {  	s28 =	sadd.s32 $0x800, s25;
	[sflag:s17] =	ssyncadd.s32 $0xFFFFC000  }
0x35: {  	[hbm4b:s28+s3] =	stream.linear.scatter [tilespmem:s15], [sflag:$0x3], $0x4000, $0x38;
	[tilespmem:$0x1C000] =	vst v63  }
0x36: {  	_ =	swait.ge [sflag:s12], $0x4000  }
0x37: {  	[sflag:s12] =	ssyncset.done $0x0  }
0x38: {  	[sflag:s12] =	ssyncadd.s32 $0xFFFFC000  }
0x39: {  	_ =	swait.ge [sflag:s18], $0x4000  }
0x3a: {  	[sflag:s18] =	ssyncset.done $0x0  }
0x3b: {  	s28 =	sadd.s32 $0x800, s26;
	[sflag:s18] =	ssyncadd.s32 $0xFFFFC000  }
0x3c: {  	[hbm4b:s28+s3] =	stream.linear.scatter [tilespmem:s16], [sflag:$0x3], $0x4000, $0x38;
	[tilespmem:$0x1C000] =	vst v63  }
0x3d: {  	_ =	swait.ge [sflag:s12], $0x4000  }
0x3e: {  	[sflag:s12] =	ssyncset.done $0x0  }
0x3f: {  	[sflag:s12] =	ssyncadd.s32 $0xFFFFC000  }
0x40: {  	[tilespmem:s15], [sflag:$0x1] =	stream.indirect.gather [spmem:s2], $0x80, s20, s14, $0xb8;
	[tilespmem:$0x1C000] =	vst v63  }
0x41: {  	_ = 	snop  }
0x42: {  	[tilespmem:s16], [sflag:$0x2] =	stream.indirect.gather [spmem:s2], $0x80, s21, s14, $0xb8;
	[tilespmem:$0x1C000] =	vst v63  }
0x43: {  	_ =	swait.ge [sflag:s17], $0x4000  }
0x44: {  	[sflag:s17] =	ssyncset.done $0x0  }
0x45: {  	s28 =	sadd.s32 $0x1000, s25;
	[sflag:s17] =	ssyncadd.s32 $0xFFFFC000  }
0x46: {  	[hbm4b:s28+s3] =	stream.linear.scatter [tilespmem:s15], [sflag:$0x3], $0x4000, $0x38;
	[tilespmem:$0x1C000] =	vst v63  }
0x47: {  	_ =	swait.ge [sflag:s12], $0x4000  }
0x48: {  	[sflag:s12] =	ssyncset.done $0x0  }
0x49: {  	[sflag:s12] =	ssyncadd.s32 $0xFFFFC000  }
0x4a: {  	_ =	swait.ge [sflag:s18], $0x4000  }
0x4b: {  	[sflag:s18] =	ssyncset.done $0x0  }
0x4c: {  	s28 =	sadd.s32 $0x1000, s26;
	[sflag:s18] =	ssyncadd.s32 $0xFFFFC000  }
0x4d: {  	[hbm4b:s28+s3] =	stream.linear.scatter [tilespmem:s16], [sflag:$0x3], $0x4000, $0x38;
	[tilespmem:$0x1C000] =	vst v63  }
0x4e: {  	_ =	swait.ge [sflag:s12], $0x4000  }
0x4f: {  	[sflag:s12] =	ssyncset.done $0x0  }
0x50: {  	[sflag:s12] =	ssyncadd.s32 $0xFFFFC000  }
0x51: {  	[tilespmem:s15], [sflag:$0x1] =	stream.indirect.gather [spmem:s2], $0x80, s22, s14, $0xb8;
	[tilespmem:$0x1C000] =	vst v63  }
0x52: {  	_ = 	snop  }
0x53: {  	[tilespmem:s16], [sflag:$0x2] =	stream.indirect.gather [spmem:s2], $0x80, s23, s14, $0xb8;
	[tilespmem:$0x1C000] =	vst v63  }
0x54: {  	_ =	swait.ge [sflag:s17], $0x4000  }
0x55: {  	[sflag:s17] =	ssyncset.done $0x0  }
0x56: {  	s25 =	sadd.s32 $0x1800, s25;
	[sflag:s17] =	ssyncadd.s32 $0xFFFFC000  }
0x57: {  	[hbm4b:s25+s3] =	stream.linear.scatter [tilespmem:s15], [sflag:$0x3], $0x4000, $0x38;
	[tilespmem:$0x1C000] =	vst v63  }
0x58: {  	_ =	swait.ge [sflag:s12], $0x4000  }
0x59: {  	[sflag:s12] =	ssyncset.done $0x0  }
0x5a: {  	[sflag:s12] =	ssyncadd.s32 $0xFFFFC000  }
0x5b: {  	_ =	swait.ge [sflag:s18], $0x4000  }
0x5c: {  	[sflag:s18] =	ssyncset.done $0x0  }
0x5d: {  	s31 =	sadd.s32 $0x1800, s26;
	[sflag:s18] =	ssyncadd.s32 $0xFFFFC000  }
0x5e: {  	[hbm4b:s31+s3] =	stream.linear.scatter [tilespmem:s16], [sflag:$0x3], $0x4000, $0x38;
	[tilespmem:$0x1C000] =	vst v63  }
0x5f: {  	s26 =	smov.u32 s9;
	_ =	swait.ge [sflag:s12], $0x4000  }
0x60: {  	s28 =	smov.u32 s10;
	s25 =	simm.s32 $0x2000;
	[sflag:s12] =	ssyncset.done $0x0  }
.LBB2_2:
0x61: {  	[sflag:s12] =	ssyncadd.s32 $0xFFFFC000  }
0x62: {  	s26 =	sadd.s32 $0x40, s26;
	s28 =	sadd.s32 $0x40, s28;
	s30 =	smov.u32 s25  }
0x63: {  	[tilespmem:s3], [sflag:$0x3] =	stream.linear.gather [hbm4b:s28+s3], $0x200, $0x38;
	[tilespmem:$0x1C000] =	vst v63  }
0x64: {  	p0 =	sne.s32 s25, $0x26000;
	s25 =	sadd.s32 $0x2000, s25;
	_ =	swait.ge [sflag:s12], $0x200  }
0x65: {  	[sflag:s12] =	ssyncset.done $0x0  }
0x66: {  	[sflag:s12] =	ssyncadd.s32 $0xFFFFFE00  }
0x67: {  	[tilespmem:s13], [sflag:$0x3] =	stream.linear.gather [hbm4b:s26+s3], $0x200, $0x38;
	[tilespmem:$0x1C000] =	vst v63  }
0x68: {  	_ =	swait.ge [sflag:s12], $0x200  }
0x69: {  	[sflag:s12] =	ssyncset.done $0x0  }
0x6a: {  	[sflag:s12] =	ssyncadd.s32 $0xFFFFFE00  }
0x6b: {  	[tilespmem:s15], [sflag:$0x1] =	stream.indirect.gather [spmem:s2], $0x80, s3, s14, $0xb8;
	[tilespmem:$0x1C000] =	vst v63  }
0x6c: {  	_ = 	snop  }
0x6d: {  	[tilespmem:s16], [sflag:$0x2] =	stream.indirect.gather [spmem:s2], $0x80, s13, s14, $0xb8;
	[tilespmem:$0x1C000] =	vst v63  }
0x6e: {  	_ =	swait.ge [sflag:s17], $0x4000  }
0x6f: {  	[sflag:s17] =	ssyncset.done $0x0  }
0x70: {  	s29 =	sadd.s32 s30, s6;
	[sflag:s17] =	ssyncadd.s32 $0xFFFFC000  }
0x71: {  	[hbm4b:s29+s3] =	stream.linear.scatter [tilespmem:s15], [sflag:$0x3], $0x4000, $0x38;
	[tilespmem:$0x1C000] =	vst v63  }
0x72: {  	_ =	swait.ge [sflag:s12], $0x4000  }
0x73: {  	[sflag:s12] =	ssyncset.done $0x0  }
0x74: {  	[sflag:s12] =	ssyncadd.s32 $0xFFFFC000  }
0x75: {  	_ =	swait.ge [sflag:s18], $0x4000  }
0x76: {  	[sflag:s18] =	ssyncset.done $0x0  }
0x77: {  	s30 =	sadd.s32 s30, s8;
	[sflag:s18] =	ssyncadd.s32 $0xFFFFC000  }
0x78: {  	[hbm4b:s30+s3] =	stream.linear.scatter [tilespmem:s16], [sflag:$0x3], $0x4000, $0x38;
	[tilespmem:$0x1C000] =	vst v63  }
0x79: {  	_ =	swait.ge [sflag:s12], $0x4000  }
0x7a: {  	[sflag:s12] =	ssyncset.done $0x0  }
0x7b: {  	[sflag:s12] =	ssyncadd.s32 $0xFFFFC000  }
0x7c: {  	[tilespmem:s15], [sflag:$0x1] =	stream.indirect.gather [spmem:s2], $0x80, s14, s14, $0xb8;
	[tilespmem:$0x1C000] =	vst v63  }
0x7d: {  	_ = 	snop  }
0x7e: {  	[tilespmem:s16], [sflag:$0x2] =	stream.indirect.gather [spmem:s2], $0x80, s19, s14, $0xb8;
	[tilespmem:$0x1C000] =	vst v63  }
0x7f: {  	_ =	swait.ge [sflag:s17], $0x4000  }
0x80: {  	[sflag:s17] =	ssyncset.done $0x0  }
0x81: {  	s31 =	sadd.s32 $0x800, s29;
	[sflag:s17] =	ssyncadd.s32 $0xFFFFC000  }
0x82: {  	[hbm4b:s31+s3] =	stream.linear.scatter [tilespmem:s15], [sflag:$0x3], $0x4000, $0x38;
	[tilespmem:$0x1C000] =	vst v63  }
0x83: {  	_ =	swait.ge [sflag:s12], $0x4000  }
0x84: {  	[sflag:s12] =	ssyncset.done $0x0  }
0x85: {  	[sflag:s12] =	ssyncadd.s32 $0xFFFFC000  }
0x86: {  	_ =	swait.ge [sflag:s18], $0x4000  }
0x87: {  	[sflag:s18] =	ssyncset.done $0x0  }
0x88: {  	s31 =	sadd.s32 $0x800, s30;
	[sflag:s18] =	ssyncadd.s32 $0xFFFFC000  }
0x89: {  	[hbm4b:s31+s3] =	stream.linear.scatter [tilespmem:s16], [sflag:$0x3], $0x4000, $0x38;
	[tilespmem:$0x1C000] =	vst v63  }
0x8a: {  	_ =	swait.ge [sflag:s12], $0x4000  }
0x8b: {  	[sflag:s12] =	ssyncset.done $0x0  }
0x8c: {  	[sflag:s12] =	ssyncadd.s32 $0xFFFFC000  }
0x8d: {  	[tilespmem:s15], [sflag:$0x1] =	stream.indirect.gather [spmem:s2], $0x80, s20, s14, $0xb8;
	[tilespmem:$0x1C000] =	vst v63  }
0x8e: {  	_ = 	snop  }
0x8f: {  	[tilespmem:s16], [sflag:$0x2] =	stream.indirect.gather [spmem:s2], $0x80, s21, s14, $0xb8;
	[tilespmem:$0x1C000] =	vst v63  }
0x90: {  	_ =	swait.ge [sflag:s17], $0x4000  }
0x91: {  	[sflag:s17] =	ssyncset.done $0x0  }
0x92: {  	s31 =	sadd.s32 $0x1000, s29;
	[sflag:s17] =	ssyncadd.s32 $0xFFFFC000  }
0x93: {  	[hbm4b:s31+s3] =	stream.linear.scatter [tilespmem:s15], [sflag:$0x3], $0x4000, $0x38;
	[tilespmem:$0x1C000] =	vst v63  }
0x94: {  	_ =	swait.ge [sflag:s12], $0x4000  }
0x95: {  	[sflag:s12] =	ssyncset.done $0x0  }
0x96: {  	[sflag:s12] =	ssyncadd.s32 $0xFFFFC000  }
0x97: {  	_ =	swait.ge [sflag:s18], $0x4000  }
0x98: {  	[sflag:s18] =	ssyncset.done $0x0  }
0x99: {  	s31 =	sadd.s32 $0x1000, s30;
	[sflag:s18] =	ssyncadd.s32 $0xFFFFC000  }
0x9a: {  	[hbm4b:s31+s3] =	stream.linear.scatter [tilespmem:s16], [sflag:$0x3], $0x4000, $0x38;
	[tilespmem:$0x1C000] =	vst v63  }
0x9b: {  	_ =	swait.ge [sflag:s12], $0x4000  }
0x9c: {  	[sflag:s12] =	ssyncset.done $0x0  }
0x9d: {  	[sflag:s12] =	ssyncadd.s32 $0xFFFFC000  }
0x9e: {  	[tilespmem:s15], [sflag:$0x1] =	stream.indirect.gather [spmem:s2], $0x80, s22, s14, $0xb8;
	[tilespmem:$0x1C000] =	vst v63  }
0x9f: {  	_ = 	snop  }
0xa0: {  	[tilespmem:s16], [sflag:$0x2] =	stream.indirect.gather [spmem:s2], $0x80, s23, s14, $0xb8;
	[tilespmem:$0x1C000] =	vst v63  }
0xa1: {  	_ =	swait.ge [sflag:s17], $0x4000  }
0xa2: {  	[sflag:s17] =	ssyncset.done $0x0  }
0xa3: {  	s29 =	sadd.s32 $0x1800, s29;
	[sflag:s17] =	ssyncadd.s32 $0xFFFFC000  }
0xa4: {  	[hbm4b:s29+s3] =	stream.linear.scatter [tilespmem:s15], [sflag:$0x3], $0x4000, $0x38;
	[tilespmem:$0x1C000] =	vst v63  }
0xa5: {  	_ =	swait.ge [sflag:s12], $0x4000  }
0xa6: {  	[sflag:s12] =	ssyncset.done $0x0  }
0xa7: {  	[sflag:s12] =	ssyncadd.s32 $0xFFFFC000  }
0xa8: {  	_ =	swait.ge [sflag:s18], $0x4000  }
.Ltmp0:
0xa9: {  	[sflag:s18] =	ssyncset.done $0x0;
	(pc) =	sbr.rel @p0 .LBB2_2-.Ltmp0, $4  }
0xaa: {  	s29 =	sadd.s32 $0x1800, s30;
	[sflag:s18] =	ssyncadd.s32 $0xFFFFC000  }
0xab: {  	[hbm4b:s29+s3] =	stream.linear.scatter [tilespmem:s16], [sflag:$0x3], $0x4000, $0x38;
	[tilespmem:$0x1C000] =	vst v63  }
0xac: {  	_ =	swait.ge [sflag:s12], $0x4000  }
0xad: {  	[sflag:s12] =	ssyncset.done $0x0  }
0xae: {  	s24 =	sadd.s32 $0x1, s24  }
0xaf: {  	p0 =	sne.s32 s24, s7  }
.Ltmp1:
0xb0: {  	_ = 	snop;
	(pc) =	sbr.rel @p0 .LBB2_1-.Ltmp1, $2  }
0xb1: {  	_ =	sdelay $0x2  }
0xb2: {  	[sflag:s12] =	ssyncadd.s32 $0xFFFFC000  }
0xb3: {  	_ =	sfence.sel $0x180000  }
0xb4: {  	[bflag:$0x0] =	sbarrier.arrive $0xFFFF  }
0xb5: {  	p0 =	sne.s32 s0, $0x0;
	_ =	strace $0x9000004A  }
0xb6: {  	s0 =	sadd.s32 @!p0 $0x100000, s1;
	[bflag:$0x2] =	sbarrier.arrive $0xFFFF  }
0xb7: {  	[sflag:s0] =	ssyncadd.tile.s32 @!p0 $0x1;
	_ =	shalt  }
.Lfunc_end2:
_tile_overlayer_lowered:
.L_overlay_start_2:
0xb8: {  	(tag) =	ssettag $0x2  }
0xb9: {  	s0 =	rddreg [dreg:$0x0];
	s2 =	stileid.u32  }
0xba: {  	s1 =	rddreg [dreg:$0x1];
	p0 =	sne.s32 s2, $0x0  }
0xbb: {  	s3 =	rddreg [dreg:$0x2];
	[bflag:$0x3] =	sbarrier.arrive $0xFFFF;
	s2 =	simm.s32 @!p0 $0x1C03  }
0xbc: {  	[timem:s3], [sflag:s2] =	dma.local @!p0 [hbm:s0], s1  }
0xbd: {  	s0 =	simm.s32 @!p0 $0x3  }
0xbe: {  	_ =	swait.ge @!p0 [sflag:s0], s1  }
0xbf: {  	s1 =	ssub.s32 @!p0 $0x0, s1;
	[sflag:s0] =	ssyncset.done @!p0 $0x0  }
0xc0: {  	[sflag:s0] =	ssyncadd.s32 @!p0 s1  }
0xc1: {  	[bflag:$0x3] =	sbarrier.arrive $0xFFFF  }
0xc2: {  	_ =	shalt  }

// kernel: kernel.15.cloned.1.call-start
scs
__scs_entry_jumppad:
0x0: {  	(pc) =	sbr.rel $0x88, $3  }
0x1: {  	(tag) =	ssettag $0x0;
	lr =	simm.s32 $0x1  }
0x2: {  	[smem:$0x3F99] =	sst lr;
	_ =	strace $0xD0000000  }
0x3: {  	_ = 	snop  }
0x4: {  	_ = 	snop  }
0x5: {  	_ = 	snop  }
0x6: {  	_ = 	snop  }
0x7: {  	_ = 	snop  }
__scs_overlays_trampoline_lowered:
0x8: {  	[smem:$0x3FA8] =	sst s0  }
0x9: {  	[smem:$0x3FA9] =	sst s1  }
0xa: {  	[smem:$0x3FAA] =	sst s2  }
0xb: {  	[smem:$0x3FAB] =	sst s3  }
0xc: {  	[smem:$0x3FAC] =	sst s4  }
0xd: {  	[smem:$0x3FAD] =	sst s5  }
0xe: {  	[smem:$0x3FAE] =	sst s6  }
0xf: {  	[smem:$0x3FAF] =	sst s7  }
0x10: {  	[smem:$0x3FB0] =	sst s8  }
0x11: {  	[smem:$0x3FB1] =	sst s9;
	s0 =	simm.s32 @!p0 $0x0  }
0x12: {  	s1 =	sld [smem:$0x3F97];
	s0 =	simm.s32 @p0 $0x1  }
0x13: {  	[smem:$0x3FB2] =	sst s0;
	s0 =	simm.s32 @!p1 $0x0  }
0x14: {  	s2 =	sld [smem:$0x3F96];
	s0 =	simm.s32 @p1 $0x1  }
0x15: {  	[smem:$0x3FB3] =	sst s0;
	s0 =	simm.s32 @!p2 $0x0  }
0x16: {  	s3 =	sld [smem:$0x3FDB];
	s0 =	simm.s32 @p2 $0x1  }
0x17: {  	s4 =	simm.s32 $0x1BF5;
	[smem:$0x3FB5] =	sst s0  }
0x18: {  	s0 =	sld [smem:$0x3F98];
	_ =	swait.ge [sflag:s4], $0x0  }
0x19: {  	s7 =	sld [smem:$0x3F99]  }
0x1a: {  	s8 =	sadd.s32 $0xFFFFE003, lr  }
0x1b: {  	s9 =	sadd.s32 $0xFFFFFEF7, lr;
	s5 =	simm.s32 $0xFFFFFFFF;
	p2 =	slt.u32 s8, $0xFFFFF086  }
0x1c: {  	p1 =	slt.u32 s9, $0xF7A;
	s5 =	simm.s32 @!p2 $0x0  }
0x1d: {  	s5 =	simm.s32 @p1 $0x1;
	p0 =	seq.s32 s7, s2  }
0x1e: {  	s7 =	smul.u32 @!p0 $0xF7A, s2;
	p2 =	seq.s32 @!p0 s5, $0x0  }
0x1f: {  	s9 =	smul.u32 $0xF7A, s1;
	s8 =	simm.s32 @!p0 $0x1BF5;
	p2 =	por !p2, p0  }
0x20: {  	[sflag:s8] =	ssyncset.s32 @!p0 $0xFFFFF086;
	s6 =	sadd.s32 @!p0 s3, s7;
	s7 =	simm.s32 @!p0 $0x108  }
0x21: {  	s3 =	sadd.s32 s3, s9;
	s6 =	sadd.s32 @!p0 $0x88, s6;
	s7 =	simm.s32 @p2 $0x1082  }
0x22: {  	[simem:s7], [sflag:s8] =	dma.local @!p0 [hbm:s6], $0xF7A  }
0x23: {  	s9 =	sor.u32 $0xD0000000, s2;
	s6 =	simm.s32 $0x108;
	_ =	swait.ge @!p0 [sflag:s8], $0x0  }
0x24: {  	s3 =	sadd.s32 $0x88, s3;
	s6 =	simm.s32 @!p1 $0x1082;
	[sflag:s4] =	ssyncset.s32 $0xFFFFF086  }
0x25: {  	[simem:s6], [sflag:s4] =	dma.local [hbm:s3], $0xF7A  }
0x26: {  	[smem:$0x3F99] =	sst s1;
	(tag) =	ssettag s2;
	_ =	strace s9  }
0x27: {  	s1 =	sld [smem:$0x3FA9]  }
0x28: {  	s2 =	sld [smem:$0x3FAA]  }
0x29: {  	s4 =	sld [smem:$0x3FAC]  }
0x2a: {  	p0 =	seq.s32 s5, $0x0;
	s5 =	sld [smem:$0x3FAD]  }
0x2b: {  	s6 =	sld [smem:$0x3FAE]  }
0x2c: {  	s7 =	sld [smem:$0x3FAF]  }
0x2d: {  	s3 =	simm.s32 $0x108;
	s8 =	sld [smem:$0x3FB0]  }
0x2e: {  	s3 =	simm.s32 @!p0 $0x1082;
	s9 =	sld [smem:$0x3FB1]  }
0x2f: {  	lr =	sadd.s32 s0, s3;
	s0 =	sld [smem:$0x3FA8]  }
0x30: {  	s3 =	sld [smem:$0x3FAB]  }
0x31: {  	[smem:$0x3FB4] =	sst s10  }
0x32: {  	s10 =	sld [smem:$0x3FB2];
	_ =	sdelay $0x3  }
0x33: {  	p0 =	seq.s32 s10, $0x1;
	s10 =	sld [smem:$0x3FB4];
	_ =	sdelay $0x3  }
0x34: {  	[smem:$0x3FB4] =	sst s10  }
0x35: {  	s10 =	sld [smem:$0x3FB3];
	_ =	sdelay $0x3  }
0x36: {  	p1 =	seq.s32 s10, $0x1;
	s10 =	sld [smem:$0x3FB4];
	_ =	sdelay $0x3  }
0x37: {  	[smem:$0x3FB4] =	sst s10  }
0x38: {  	s10 =	sld [smem:$0x3FB5]  }
0x39: {  	_ = 	snop;
	(pc) =	sbr.ind lr, $3  }
0x3a: {  	_ = 	snop  }
0x3b: {  	_ = 	snop  }
0x3c: {  	p2 =	seq.s32 s10, $0x1;
	s10 =	sld [smem:$0x3FB4]  }
0x3d: {  	_ =	shalt  }
0x3e: {  	_ =	shalt  }
0x3f: {  	_ =	shalt  }
0x40: {  	_ =	shalt  }
0x41: {  	_ =	shalt  }
0x42: {  	_ =	shalt  }
0x43: {  	_ =	shalt  }
0x44: {  	_ =	shalt  }
0x45: {  	_ =	shalt  }
0x46: {  	_ =	shalt  }
0x47: {  	_ =	shalt  }
0x48: {  	_ =	shalt  }
0x49: {  	_ =	shalt  }
0x4a: {  	_ =	shalt  }
0x4b: {  	_ =	shalt  }
0x4c: {  	_ =	shalt  }
0x4d: {  	_ =	shalt  }
0x4e: {  	_ =	shalt  }
0x4f: {  	_ =	shalt  }
0x50: {  	_ =	shalt  }
0x51: {  	_ =	shalt  }
0x52: {  	_ =	shalt  }
0x53: {  	_ =	shalt  }
0x54: {  	_ =	shalt  }
0x55: {  	_ =	shalt  }
0x56: {  	_ =	shalt  }
0x57: {  	_ =	shalt  }
0x58: {  	_ =	shalt  }
0x59: {  	_ =	shalt  }
0x5a: {  	_ =	shalt  }
0x5b: {  	_ =	shalt  }
0x5c: {  	_ =	shalt  }
0x5d: {  	_ =	shalt  }
0x5e: {  	_ =	shalt  }
0x5f: {  	_ =	shalt  }
0x60: {  	_ =	shalt  }
0x61: {  	_ =	shalt  }
0x62: {  	_ =	shalt  }
0x63: {  	_ =	shalt  }
0x64: {  	_ =	shalt  }
0x65: {  	_ =	shalt  }
0x66: {  	_ =	shalt  }
0x67: {  	_ =	shalt  }
0x68: {  	_ =	shalt  }
0x69: {  	_ =	shalt  }
0x6a: {  	_ =	shalt  }
0x6b: {  	_ =	shalt  }
0x6c: {  	_ =	shalt  }
0x6d: {  	_ =	shalt  }
0x6e: {  	_ =	shalt  }
0x6f: {  	_ =	shalt  }
0x70: {  	_ =	shalt  }
0x71: {  	_ =	shalt  }
0x72: {  	_ =	shalt  }
0x73: {  	_ =	shalt  }
0x74: {  	_ =	shalt  }
0x75: {  	_ =	shalt  }
0x76: {  	_ =	shalt  }
0x77: {  	_ =	shalt  }
0x78: {  	_ =	shalt  }
0x79: {  	_ =	shalt  }
0x7a: {  	_ =	shalt  }
0x7b: {  	_ =	shalt  }
0x7c: {  	_ =	shalt  }
0x7d: {  	_ =	shalt  }
0x7e: {  	_ =	shalt  }
0x7f: {  	_ =	shalt  }
0x80: {  	_ =	shalt  }
0x81: {  	_ =	shalt  }
0x82: {  	_ =	shalt  }
0x83: {  	_ =	shalt  }
0x84: {  	_ =	shalt  }
0x85: {  	_ =	shalt  }
0x86: {  	_ =	shalt  }
0x87: {  	_ =	shalt  }
.Lfunc_end0:
.L_simem_size_0:
called_computation.2_lowered:
.L_overlay_start_0:
0x88: {  	s2 =	sld [smem:$0x3FD9]  }
0x89: {  	s3 =	sld [smem:$0x3FFE];
	_ =	sdelay $0x1  }
0x8a: {  	s1 =	srdreg.scid  }
0x8b: {  	s0 =	sand.u32 $0x1, s1  }
0x8c: {  	s17 =	sshll.u32 s0, $0xA;
	s2 =	sadd.s32 s3, s2  }
0x8d: {  	s2 =	sadd.s32 s2, s17  }
0x8e: {  	[smem:$0x3FC0] =	sst s2  }
0x8f: {  	_ = 	snop  }
0x90: {  	s2 =	sld [smem:$0x3FD0];
	(tm) =	ssettm $0x1  }
0x91: {  	s18 =	sld [smem:$0x3FFB];
	_ =	sdelay $0x3  }
0x92: {  	_ =	strace s18  }
0x93: {  	s3 =	sld [smem:$0x3FFC];
	_ =	sdelay $0x3  }
0x94: {  	_ =	strace s3  }
0x95: {  	s3 =	sld [smem:$0x3FFD];
	_ =	sdelay $0x3  }
0x96: {  	_ =	strace s3  }
0x97: {  	_ =	strace $0x8FFFFFFF  }
0x98: {  	s19 =	sld [smem:$0x3FDB];
	_ =	sdelay $0x1  }
0x99: {  	s4 =	simm.s32 $_scs_section_size  }
0x9a: {  	s5 =	simm.s32 $_size__tile_overlayer_lowered;
	s6 =	simm.s32 $_tile_overlayer_lowered  }
0x9b: {  	s22 =	simm.s32 $0x1BFF;
	s21 =	sshll.u32 s6, $0x1;
	s3 =	sadd.s32 s4, s19  }
0x9c: {  	s7 =	simm.s32 $0x0;
	s20 =	sshll.u32 s5, $0x1;
	s5 =	sadd.s32 s21, s3  }
0x9d: {  	[timem:s7], [sflag:s22] =	dma.local [hbm:s5], s20  }
0x9e: {  	_ =	swait.ge [sflag:s22], s20  }
0x9f: {  	s4 =	ssub.s32 $0x0, s20;
	[sflag:s22] =	ssyncset.done $0x0  }
0xa0: {  	[sflag:s22] =	ssyncadd.s32 s4;
	_ =	sdelay $0x1  }
0xa1: {  	s23 =	simm.s32 $0x1B8B  }
0xa2: {  	_ =	swait.ge [sflag:s23], $0x1  }
0xa3: {  	[sflag:s23] =	ssyncset.done $0x0  }
0xa4: {  	s25 =	simm.s32 $0x1B8E;
	s24 =	sld [smem:$0x3FFE];
	[sflag:s23] =	ssyncadd.s32 $0xFFFFFFFF  }
0xa5: {  	s26 =	simm.s32 $execute0_lowered;
	[smem:$0x3FD2] =	sst s25  }
0xa6: {  	s5 =	sshll.u32 s26, $0x1;
	_ =	strace $0x8000004C;
	[dreg:$0x1] =	wrdreg $0xFFFFFFFF  }
0xa7: {  	s28 =	simm.s32 $_size_execute0_lowered;
	s3 =	sadd.s32 s3, s5;
	[dreg:$0x0] =	wrdreg $0x0  }
0xa8: {  	s5 =	sshll.u32 s28, $0x1;
	[dreg:$0x2] =	wrdreg s3  }
0xa9: {  	[dreg:$0x3] =	wrdreg s5  }
0xaa: {  	[dreg:$0x4] =	wrdreg $0xC0  }
0xab: {  	_ =	task [dreg:s7], $0x5FFFF  }
0xac: {  	[dreg:$0x1] =	wrdreg $0xFFFFFFFF  }
0xad: {  	[dreg:$0x0] =	wrdreg $0x60  }
0xae: {  	[dreg:$0x2] =	wrdreg s24  }
0xaf: {  	[dreg:$0x3] =	wrdreg s2  }
0xb0: {  	[dreg:$0x4] =	wrdreg $0x84000  }
0xb1: {  	[dreg:$0x5] =	wrdreg $0x9  }
0xb2: {  	_ =	task.clear_ibuf [dreg:s7], $0x6FFFF;
	_ =	strace $0x9000004C  }
0xb3: {  	s29 =	simm.s32 $0x9;
	_ =	strace $0x8000004E  }
0xb4: {  	_ =	swait.ge [sflag:s29], $0x1  }
0xb5: {  	[sflag:s29] =	ssyncadd.s32 $0xFFFFFFFF  }
0xb6: {  	_ =	strace $0x9000004E  }
0xb7: {  	_ =	sfence  }
0xb8: {  	s30 =	sld [smem:$0x0];
	_ =	sdelay $0x2  }
0xb9: {  	s31 =	sshll.u32 s1, $0xD;
	s1 =	sshrl.u32 s1, $0x2  }
0xba: {  	s3 =	sand.u32 $0x4000, s31;
	s1 =	sadd.s32 s1, s30  }
0xbb: {  	s0 =	sor.u32 s3, s0;
	s1 =	sshll.u32 s1, $0x11  }
0xbc: {  	s0 =	sor.u32 s1, s0  }
0xbd: {  	s0 =	sadd.s32 $0x8F2B, s0  }
0xbe: {  	[sflag:s0] =	ssyncadd.remote.s32 $0x1  }
0xbf: {  	_ =	sfence.sel $0xFFFF  }
0xc0: {  	[dreg:$0x0] =	wrdreg $0xFFFFFFFF;
	(pc) =	sbr.abs _section_cstart, $3  }
0xc1: {  	[dreg:$0x1] =	wrdreg $0xFFFFFFFF  }
0xc2: {  	_ =	task.clear_ibuf [dreg:s7], $0x2FFFF;
	_ =	strace $0x9FFFFFFF  }
0xc3: {  	(tm) =	ssettm $0x7FFFFFFF  }
tec
execute0_lowered:
.L_overlay_start_1:
0x0: {  	(tag) =	ssettag $0x1  }
0x1: {  	s0 =	rddreg [dreg:$0x0]  }
0x2: {  	s1 =	rddreg [dreg:$0x1]  }
0x3: {  	s2 =	rddreg [dreg:$0x2]  }
0x4: {  	s3 =	simm.s32 $0x0;
	s4 =	srdreg.scid;
	s11 =	stileid.u32  }
0x5: {  	s16 =	simm.s32 $0x5;
	s17 =	simm.s32 $0x200;
	s18 =	simm.s32 $0x400  }
0x6: {  	s19 =	simm.s32 $0x4400;
	s20 =	simm.s32 $0x1;
	s21 =	simm.s32 $0x80  }
0x7: {  	s22 =	simm.s32 $0x2;
	s23 =	simm.s32 $0x3;
	s24 =	simm.s32 $0x100  }
0x8: {  	s25 =	simm.s32 $0x4;
	s28 =	simm.s32 $0x0;
	[smem:$0x7FF] =	sst s3  }
0x9: {  	s5 =	sadd.s32 $0x68400, s0;
	s6 =	sadd.s32 $0xCC00, s0;
	s7 =	sadd.s32 $0x16C00, s0  }
0xa: {  	s4 =	sand.u32 $0x1, s4;
	s26 =	smul.u32 $0x4F000, s11;
	s13 =	sadd.s32 $0x19400, s0  }
0xb: {  	s14 =	sadd.s32 $0x40C00, s0;
	s10 =	smul.u32 $0x14, s11;
	s29 =	sshll.u32 s11, $0x6  }
0xc: {  	s30 =	smul.u32 $0x2780, s11;
	s11 =	sadd.s32 $0x69400, s0;
	s12 =	sadd.s32 $0x69C00, s0  }
0xd: {  	_ =	strace $0x8000004D;
	[dreg:$0x4] =	wrdreg s7;
	s8 =	ssub.s32 $0x2, s4  }
0xe: {  	p0 =	seq.s32 s4, $0x0;
	s9 =	sshrl.u32 s8, $0x1;
	s7 =	sshrl.u32 s26, $0x2  }
0xf: {  	s14 =	smov.u32 @p0 s13;
	s26 =	simm.s32 $0x180;
	s15 =	ssub.s32 s8, s9  }
0x10: {  	s7 =	sadd.s32 s7, s2;
	s8 =	sor.u32 $0x1C05, s29;
	s9 =	sadd.s32 $0x140, s10  }
0x11: {  	s14 =	sadd.s32 s14, s30;
	s9 =	smov.u32 @p0 s10;
	s31 =	smax.u32 s15, $0x1  }
0x12: {  	s10 =	sadd.s32 $0x68C00, s0;
	s15 =	sshrl.u32 s7, $0x3;
	[dreg:$0x5] =	wrdreg s31  }
.LBB2_1:
0x13: {  	s0 =	rddreg [dreg:$0x4]  }
0x14: {  	[spmem:s15], [sflag:s8] =	dma.local [hbm:s0], $0x2780  }
0x15: {  	_ =	swait.ge [sflag:s16], $0x2780  }
0x16: {  	[sflag:s16] =	ssyncset.done $0x0  }
0x17: {  	[sflag:s16] =	ssyncadd.s32 $0xFFFFD880  }
0x18: {  	s29 =	simm.s32 $0x0;
	[bflag:$0x0] =	sbarrier.arrive $0xFFFF  }
.LBB2_2:
0x19: {  	s0 =	sadd.s32 s9, s29  }
0x1a: {  	s4 =	sshll.u32 s0, $0x6  }
0x1b: {  	s7 =	sadd.s32 s6, s4  }
0x1c: {  	[tilespmem:s3], [sflag:$0x5] =	stream.linear.gather [hbm4b:s7+s3], $0x200, $0x38;
	[tilespmem:$0x1C000] =	vst v63  }
0x1d: {  	_ =	swait.ge [sflag:s16], $0x200  }
0x1e: {  	[sflag:s16] =	ssyncset.done $0x0  }
0x1f: {  	s4 =	sadd.s32 s1, s4;
	[sflag:s16] =	ssyncadd.s32 $0xFFFFFE00  }
0x20: {  	[tilespmem:s17], [sflag:$0x5] =	stream.linear.gather [hbm4b:s4+s3], $0x200, $0x38;
	[tilespmem:$0x1C000] =	vst v63  }
0x21: {  	_ =	swait.ge [sflag:s16], $0x200  }
0x22: {  	p0 =	seq.s32 s29, $0x0;
	[sflag:s16] =	ssyncset.done $0x0  }
0x23: {  	s4 =	simm.s32 @!p0 $0x3;
	[sflag:s16] =	ssyncadd.s32 $0xFFFFFE00  }
0x24: {  	_ =	swait.ge @!p0 [sflag:s4], $0x4000  }
0x25: {  	[sflag:s4] =	ssyncset.done @!p0 $0x0  }
0x26: {  	[sflag:s4] =	ssyncadd.s32 @!p0 $0xFFFFC000;
	s4 =	simm.s32 @!p0 $0x4  }
0x27: {  	s7 =	simm.s32 $0x0;
	_ =	swait.ge @!p0 [sflag:s4], $0x4000  }
0x28: {  	s30 =	sshll.u32 s0, $0xD;
	s0 =	simm.s32 $0x2;
	v0 =	vmov s7;
	[sflag:s4] =	ssyncset.done @!p0 $0x0  }
0x29: {  	s13 =	sadd.s32 s5, s30;
	v1 =	vmov s0;
	v0 =	vand.u32 $0xFFFFFFFC, v0;
	[sflag:s4] =	ssyncadd.s32 @!p0 $0xFFFFC000  }
0x2a: {  	v1 =	vand.u32 $0xFFFFFFFE, v1;
	v0 =	vbroadcast v0, $0x0;
	[tilespmem:s18], [sflag:$0x1] =	stream.linear.gather [hbm4b:s13+s7], $0x4000, $0x38;
	[tilespmem:$0x1C000] =	vst v63  }
0x2b: {  	v1 =	vbroadcast v1, $0x0;
	s4 =	sadd.s32 s30, s10  }
0x2c: {  	[tilespmem:s19], [sflag:$0x2] =	stream.linear.gather [hbm4b:s4+s7], $0x4000, $0x38;
	[tilespmem:$0x1C000] =	vst v63  }
0x2d: {  	_ =	swait.ge [sflag:s20], $0x4000  }
0x2e: {  	[sflag:s20] =	ssyncset.done $0x0  }
0x2f: {  	[sflag:s20] =	ssyncadd.s32 $0xFFFFC000  }
0x30: {  	v0 =	vld.idx.msk [tilespmem:v0+s17+$0x0], $0xffff  }
0x31: {  	s31 =	simm.s32 $0x500;
	v1 =	vld.idx.msk [tilespmem:v1+s17+$0x0], $0xffff  }
0x32: {  	s7 =	simm.s32 $0x1;
	v3 =	vld [tilespmem:s31+$0x70]  }
0x33: {  	v2 =	vmov s7;
	v4 =	vld [tilespmem:s31+$0xFFFFFF00]  }
0x34: {  	v2 =	vand.u32 $0xFFFFFFFD, v2;
	v5 =	vld [tilespmem:s31+$0xFFFFFF10]  }
0x35: {  	v2 =	vbroadcast v2, $0x0;
	v6 =	vld [tilespmem:s31+$0xFFFFFF20]  }
0x36: {  	v7 =	vld [tilespmem:s31+$0xFFFFFF30]  }
0x37: {  	v8 =	vld [tilespmem:s31+$0xFFFFFF40]  }
0x38: {  	v9 =	vld [tilespmem:s31+$0xFFFFFF50]  }
0x39: {  	v10 =	vld [tilespmem:s31+$0xFFFFFF60];
	v4 =	vmul.f32 v4, v0  }
0x3a: {  	v12 =	vld [tilespmem:s31+$0x40];
	v3 =	vmul.f32 v3, v1  }
0x3b: {  	v2 =	vld.idx.msk [tilespmem:v2+s17+$0x0], $0xffff;
	[tilespmem:s31+$0xFFFFFF00] =	vst v4;
	v4 =	vmul.f32 v5, v0  }
0x3c: {  	v5 =	vld [tilespmem:s31+$0xFFFFFF70];
	[tilespmem:s31+$0x70] =	vst v3;
	v3 =	vmul.f32 v6, v0  }
0x3d: {  	v6 =	vld [tilespmem:s31+$0xFFFFFF80];
	[tilespmem:s31+$0xFFFFFF10] =	vst v4;
	v4 =	vmul.f32 v7, v0  }
0x3e: {  	v7 =	vld [tilespmem:s31+$0xFFFFFF90];
	[tilespmem:s31+$0xFFFFFF20] =	vst v3;
	v3 =	vmul.f32 v8, v0  }
0x3f: {  	v8 =	vld [tilespmem:s31+$0xFFFFFFA0];
	[tilespmem:s31+$0xFFFFFF30] =	vst v4;
	v4 =	vmul.f32 v9, v0  }
0x40: {  	v9 =	vld [tilespmem:s31+$0xFFFFFFB0];
	[tilespmem:s31+$0xFFFFFF40] =	vst v3;
	v3 =	vmul.f32 v10, v0  }
0x41: {  	v10 =	vld [tilespmem:s31+$0xFFFFFFC0];
	v5 =	vmul.f32 v5, v0;
	[tilespmem:s31+$0xFFFFFF50] =	vst v4  }
0x42: {  	v4 =	vmul.f32 v6, v2;
	v6 =	vld [tilespmem:s31+$0xFFFFFFD0];
	[tilespmem:s31+$0xFFFFFF60] =	vst v3  }
0x43: {  	s13 =	simm.s32 $0x3;
	v3 =	vld [tilespmem:s31+$0xFFFFFFE0];
	v7 =	vmul.f32 v7, v2;
	[tilespmem:s31+$0xFFFFFF70] =	vst v5  }
0x44: {  	v11 =	vmov s13;
	v5 =	vld [tilespmem:s31+$0xFFFFFFF0];
	[tilespmem:s31+$0xFFFFFF80] =	vst v4;
	v4 =	vmul.f32 v8, v2  }
0x45: {  	v8 =	vld [tilespmem:s31+$0x0];
	[tilespmem:s31+$0xFFFFFF90] =	vst v7;
	v7 =	vmul.f32 v9, v2  }
0x46: {  	v9 =	vld [tilespmem:s31+$0x10];
	[tilespmem:s31+$0xFFFFFFA0] =	vst v4;
	v4 =	vmul.f32 v10, v2  }
0x47: {  	[tilespmem:s31+$0xFFFFFFB0] =	vst v7;
	v6 =	vmul.f32 v6, v2;
	v7 =	vld [tilespmem:s31+$0x20]  }
0x48: {  	v10 =	vld [tilespmem:s31+$0x30];
	v3 =	vmul.f32 v3, v2;
	[tilespmem:s31+$0xFFFFFFC0] =	vst v4  }
0x49: {  	v0 =	vld.idx.msk [tilespmem:v11+s17+$0x0], $0xffff;
	v2 =	vmul.f32 v5, v2;
	[tilespmem:s31+$0xFFFFFFD0] =	vst v6  }
0x4a: {  	[tilespmem:s31+$0xFFFFFFE0] =	vst v3;
	v4 =	vmul.f32 v8, v1;
	v3 =	vld [tilespmem:s31+$0x50]  }
0x4b: {  	s4 =	simm.s32 $0x4;
	[tilespmem:s31+$0xFFFFFFF0] =	vst v2;
	v5 =	vmul.f32 v9, v1;
	v2 =	vld [tilespmem:s31+$0x60]  }
0x4c: {  	s7 =	simm.s32 $0x7;
	v6 =	vmov s4;
	[tilespmem:s31+$0x0] =	vst v4;
	v8 =	vmul.f32 v7, v1;
	v7 =	vld [tilespmem:s31+$0x80]  }
0x4d: {  	s13 =	simm.s32 $0x5;
	v11 =	vand.u32 $0xFFFFFFFC, v6;
	v6 =	vld [tilespmem:s31+$0x90];
	v4 =	vmov s7;
	v9 =	vmul.f32 v10, v1;
	[tilespmem:s31+$0x10] =	vst v5  }
0x4e: {  	s0 =	simm.s32 $0x500;
	s4 =	simm.s32 $0x8;
	s7 =	simm.s32 $0x6;
	v10 =	vmul.f32 v12, v1;
	v5 =	vbroadcast v11, $0x0;
	v11 =	vmov s13;
	[tilespmem:s31+$0x20] =	vst v8;
	v8 =	vld [tilespmem:s31+$0xA0]  }
.LBB2_3:
0x4f: {  	p0 =	slt.u32 s4, $0x7C;
	v11 =	vand.u32 $0xFFFFFFFD, v11;
	v12 =	vmov s7;
	[tilespmem:s31+$0x30] =	vst v9;
	v3 =	vmul.f32 v3, v1;
	v9 =	vld [tilespmem:s31+$0xB0]  }
0x50: {  	v11 =	vbroadcast v11, $0x0;
	v12 =	vand.u32 $0xFFFFFFFE, v12;
	[tilespmem:s31+$0x40] =	vst v10;
	v1 =	vmul.f32 v2, v1;
	v2 =	vld [tilespmem:s31+$0xC0]  }
0x51: {  	v10 =	vbroadcast v12, $0x0;
	[tilespmem:s31+$0x50] =	vst v3;
	v3 =	vmul.f32 v7, v0;
	v7 =	vld [tilespmem:s31+$0xD0]  }
0x52: {  	[tilespmem:s31+$0x60] =	vst v1;
	v1 =	vmul.f32 v6, v0;
	v6 =	vld [tilespmem:s31+$0xE0]  }
0x53: {  	[tilespmem:s31+$0x80] =	vst v3;
	v3 =	vmul.f32 v8, v0;
	v8 =	vld [tilespmem:s31+$0xF0]  }
0x54: {  	v4 =	vld.idx.msk [tilespmem:v4+s17+$0x0], $0xffff;
	[tilespmem:s31+$0x90] =	vst v1;
	v1 =	vmul.f32 v9, v0  }
0x55: {  	v5 =	vld.idx.msk [tilespmem:v5+s17+$0x0], $0xffff;
	[tilespmem:s31+$0xA0] =	vst v3;
	v2 =	vmul.f32 v2, v0  }
0x56: {  	v3 =	vld.idx.msk [tilespmem:v11+s17+$0x0], $0xffff;
	[tilespmem:s31+$0xB0] =	vst v1;
	v7 =	vmul.f32 v7, v0  }
0x57: {  	s31 =	sadd.s32 $0x200, s31;
	v1 =	vld.idx.msk [tilespmem:v10+s17+$0x0], $0xffff;
	[tilespmem:s0+$0xC0] =	vst v2;
	v2 =	vmul.f32 v6, v0  }
0x58: {  	v6 =	vld [tilespmem:s31+$0x70];
	[tilespmem:s0+$0xD0] =	vst v7;
	v8 =	vmul.f32 v8, v0  }
0x59: {  	v7 =	vld [tilespmem:s31+$0xFFFFFF00];
	[tilespmem:s0+$0xE0] =	vst v2  }
0x5a: {  	v0 =	vmov v4;
	v2 =	vld [tilespmem:s31+$0xFFFFFF10];
	[tilespmem:s0+$0xF0] =	vst v8;
	s0 =	smov.u32 s31  }
0x5b: {  	v4 =	vld [tilespmem:s31+$0xFFFFFF20]  }
0x5c: {  	v8 =	vld [tilespmem:s31+$0xFFFFFF30]  }
0x5d: {  	v9 =	vld [tilespmem:s31+$0xFFFFFF40];
	v6 =	vmul.f32 v6, v1  }
0x5e: {  	v7 =	vmul.f32 v7, v5;
	v10 =	vld [tilespmem:s31+$0xFFFFFF50]  }
0x5f: {  	v2 =	vmul.f32 v2, v5;
	v11 =	vld [tilespmem:s31+$0xFFFFFF60];
	[tilespmem:s31+$0x70] =	vst v6  }
0x60: {  	[tilespmem:s31+$0xFFFFFF00] =	vst v7;
	v4 =	vmul.f32 v4, v5;
	v6 =	vld [tilespmem:s31+$0xFFFFFF70]  }
0x61: {  	[tilespmem:s31+$0xFFFFFF10] =	vst v2;
	v2 =	vmul.f32 v8, v5;
	v7 =	vld [tilespmem:s31+$0xFFFFFF80]  }
0x62: {  	[tilespmem:s31+$0xFFFFFF20] =	vst v4;
	v4 =	vmul.f32 v9, v5;
	v8 =	vld [tilespmem:s31+$0xFFFFFF90]  }
0x63: {  	[tilespmem:s31+$0xFFFFFF30] =	vst v2;
	v2 =	vmul.f32 v10, v5;
	v9 =	vld [tilespmem:s31+$0xFFFFFFA0]  }
0x64: {  	[tilespmem:s31+$0xFFFFFF40] =	vst v4;
	v4 =	vmul.f32 v11, v5;
	v10 =	vld [tilespmem:s31+$0xFFFFFFB0]  }
0x65: {  	[tilespmem:s31+$0xFFFFFF50] =	vst v2;
	v2 =	vmul.f32 v6, v5;
	v5 =	vld [tilespmem:s31+$0xFFFFFFC0]  }
0x66: {  	[tilespmem:s31+$0xFFFFFF60] =	vst v4;
	v4 =	vmul.f32 v7, v3;
	v6 =	vld [tilespmem:s31+$0xFFFFFFD0]  }
0x67: {  	[tilespmem:s31+$0xFFFFFF70] =	vst v2;
	v2 =	vmul.f32 v8, v3;
	v7 =	vld [tilespmem:s31+$0xFFFFFFE0]  }
0x68: {  	[tilespmem:s31+$0xFFFFFF80] =	vst v4;
	v4 =	vmul.f32 v9, v3;
	v8 =	vld [tilespmem:s31+$0xFFFFFFF0]  }
0x69: {  	[tilespmem:s31+$0xFFFFFF90] =	vst v2;
	v2 =	vmul.f32 v10, v3;
	v9 =	vld [tilespmem:s31+$0x0]  }
0x6a: {  	[tilespmem:s31+$0xFFFFFFA0] =	vst v4;
	v4 =	vmul.f32 v5, v3;
	v5 =	vld [tilespmem:s31+$0x10]  }
0x6b: {  	[tilespmem:s31+$0xFFFFFFB0] =	vst v2;
	v2 =	vmul.f32 v6, v3;
	v6 =	vld [tilespmem:s31+$0x20]  }
0x6c: {  	[tilespmem:s31+$0xFFFFFFC0] =	vst v4;
	v4 =	vmul.f32 v7, v3;
	v10 =	vld [tilespmem:s31+$0x30]  }
0x6d: {  	[tilespmem:s31+$0xFFFFFFD0] =	vst v2;
	v2 =	vmul.f32 v8, v3;
	v8 =	vld [tilespmem:s31+$0x40]  }
.Ltmp0:
0x6e: {  	[tilespmem:s31+$0xFFFFFFE0] =	vst v4;
	v4 =	vmul.f32 v9, v1;
	v3 =	vld [tilespmem:s31+$0x50];
	(pc) =	sbr.rel @p0 .LBB2_3-.Ltmp0, $4  }
0x6f: {  	[tilespmem:s31+$0xFFFFFFF0] =	vst v2;
	v5 =	vmul.f32 v5, v1;
	v2 =	vld [tilespmem:s31+$0x60]  }
0x70: {  	s7 =	sadd.s32 $0x3, s4;
	v9 =	vmov s4;
	[tilespmem:s31+$0x0] =	vst v4;
	v12 =	vmul.f32 v6, v1;
	v7 =	vld [tilespmem:s31+$0x80]  }
0x71: {  	s13 =	sadd.s32 $0x1, s4;
	v11 =	vand.u32 $0xFFFFFFFC, v9;
	v4 =	vmov s7;
	[tilespmem:s31+$0x10] =	vst v5;
	v9 =	vmul.f32 v10, v1;
	v6 =	vld [tilespmem:s31+$0x90]  }
0x72: {  	s7 =	sadd.s32 $0x2, s4;
	s4 =	sadd.s32 $0x4, s4;
	v5 =	vbroadcast v11, $0x0;
	v11 =	vmov s13;
	[tilespmem:s31+$0x20] =	vst v12;
	v10 =	vmul.f32 v8, v1;
	v8 =	vld [tilespmem:s31+$0xA0]  }
0x73: {  	v12 =	vld [tilespmem:s31+$0xB0]  }
0x74: {  	v14 =	vld [tilespmem:s31+$0xC0]  }
0x75: {  	v13 =	vmov s7;
	v15 =	vld [tilespmem:s31+$0xD0]  }
0x76: {  	v16 =	vld [tilespmem:s31+$0xE0];
	[tilespmem:s31+$0x30] =	vst v9;
	v3 =	vmul.f32 v3, v1;
	v13 =	vand.u32 $0xFFFFFFFE, v13  }
0x77: {  	v11 =	vand.u32 $0xFFFFFFFD, v11;
	v4 =	vld.idx.msk [tilespmem:v4+s17+$0x0], $0xffff;
	[tilespmem:s31+$0x40] =	vst v10;
	v1 =	vmul.f32 v2, v1;
	v13 =	vbroadcast v13, $0x0  }
0x78: {  	s4 =	sadd.s32 $0x200, s31;
	v11 =	vbroadcast v11, $0x0;
	v2 =	vld.idx.msk [tilespmem:v5+s17+$0x0], $0xffff;
	v7 =	vmul.f32 v7, v0;
	[tilespmem:s31+$0x50] =	vst v3  }
0x79: {  	v9 =	vld [tilespmem:s4+$0xFFFFFF00];
	v3 =	vmul.f32 v6, v0;
	[tilespmem:s31+$0x60] =	vst v1  }
0x7a: {  	[tilespmem:s31+$0x80] =	vst v7;
	v7 =	vld [tilespmem:s31+$0xF0];
	v1 =	vmul.f32 v8, v0  }
0x7b: {  	v10 =	vld [tilespmem:s4+$0xFFFFFF10];
	[tilespmem:s31+$0x90] =	vst v3;
	v3 =	vmul.f32 v12, v0  }
0x7c: {  	v8 =	vld [tilespmem:s4+$0x70];
	[tilespmem:s31+$0xA0] =	vst v1;
	v1 =	vmul.f32 v14, v0  }
0x7d: {  	[tilespmem:s31+$0xB0] =	vst v3;
	v3 =	vmul.f32 v15, v0;
	v6 =	vld.idx.msk [tilespmem:v13+s17+$0x0], $0xffff  }
0x7e: {  	v5 =	vld.idx.msk [tilespmem:v11+s17+$0x0], $0xffff;
	[tilespmem:s0+$0xC0] =	vst v1;
	v1 =	vmul.f32 v16, v0  }
0x7f: {  	v11 =	vld [tilespmem:s4+$0xFFFFFF20];
	[tilespmem:s0+$0xD0] =	vst v3;
	v0 =	vmul.f32 v7, v0  }
0x80: {  	v3 =	vld [tilespmem:s4+$0xFFFFFF30];
	[tilespmem:s0+$0xE0] =	vst v1  }
0x81: {  	v1 =	vld [tilespmem:s4+$0xFFFFFF40];
	[tilespmem:s0+$0xF0] =	vst v0;
	v0 =	vmul.f32 v9, v2  }
0x82: {  	v7 =	vmul.f32 v8, v6;
	v8 =	vld [tilespmem:s4+$0xFFFFFF50]  }
0x83: {  	v9 =	vmul.f32 v10, v2;
	v10 =	vld [tilespmem:s4+$0xFFFFFF60];
	[tilespmem:s4+$0xFFFFFF00] =	vst v0  }
0x84: {  	v0 =	vmul.f32 v11, v2;
	[tilespmem:s4+$0x70] =	vst v7;
	v7 =	vld [tilespmem:s4+$0xFFFFFF70]  }
0x85: {  	[tilespmem:s4+$0xFFFFFF10] =	vst v9;
	v9 =	vld [tilespmem:s4+$0xFFFFFF80];
	v3 =	vmul.f32 v3, v2  }
0x86: {  	[tilespmem:s4+$0xFFFFFF20] =	vst v0;
	v0 =	vmul.f32 v1, v2;
	v1 =	vld [tilespmem:s4+$0xFFFFFF90]  }
0x87: {  	[tilespmem:s4+$0xFFFFFF30] =	vst v3;
	v3 =	vmul.f32 v8, v2;
	v8 =	vld [tilespmem:s4+$0xFFFFFFA0]  }
0x88: {  	[tilespmem:s4+$0xFFFFFF40] =	vst v0;
	v0 =	vmul.f32 v10, v2;
	v10 =	vld [tilespmem:s4+$0xFFFFFFB0]  }
0x89: {  	[tilespmem:s4+$0xFFFFFF50] =	vst v3;
	v2 =	vmul.f32 v7, v2;
	v3 =	vld [tilespmem:s4+$0xFFFFFFC0]  }
0x8a: {  	[tilespmem:s4+$0xFFFFFF60] =	vst v0;
	v0 =	vmul.f32 v9, v5;
	v7 =	vld [tilespmem:s4+$0xFFFFFFD0]  }
0x8b: {  	v1 =	vmul.f32 v1, v5;
	[tilespmem:s4+$0xFFFFFF70] =	vst v2;
	v2 =	vld [tilespmem:s4+$0xFFFFFFE0]  }
0x8c: {  	[tilespmem:s4+$0xFFFFFF80] =	vst v0;
	v0 =	vmul.f32 v8, v5;
	v8 =	vld [tilespmem:s4+$0xFFFFFFF0]  }
0x8d: {  	v9 =	vld [tilespmem:s4+$0x0];
	[tilespmem:s4+$0xFFFFFF90] =	vst v1;
	v1 =	vmul.f32 v10, v5  }
0x8e: {  	[tilespmem:s4+$0xFFFFFFA0] =	vst v0;
	v0 =	vmul.f32 v3, v5;
	v3 =	vld [tilespmem:s4+$0x10]  }
0x8f: {  	[tilespmem:s4+$0xFFFFFFB0] =	vst v1;
	v1 =	vmul.f32 v7, v5;
	v7 =	vld [tilespmem:s4+$0x20]  }
0x90: {  	[tilespmem:s4+$0xFFFFFFC0] =	vst v0;
	v0 =	vmul.f32 v2, v5;
	v2 =	vld [tilespmem:s4+$0x30]  }
0x91: {  	[tilespmem:s4+$0xFFFFFFD0] =	vst v1;
	v1 =	vmul.f32 v8, v5;
	v5 =	vld [tilespmem:s4+$0x40]  }
0x92: {  	v8 =	vld [tilespmem:s4+$0x50];
	[tilespmem:s4+$0xFFFFFFE0] =	vst v0;
	v0 =	vmul.f32 v9, v6  }
0x93: {  	[tilespmem:s4+$0xFFFFFFF0] =	vst v1;
	v1 =	vmul.f32 v3, v6;
	v3 =	vld [tilespmem:s4+$0x60]  }
0x94: {  	[tilespmem:s4+$0x0] =	vst v0;
	v0 =	vmul.f32 v7, v6;
	v7 =	vld [tilespmem:s4+$0x80]  }
0x95: {  	[tilespmem:s4+$0x10] =	vst v1;
	v1 =	vmul.f32 v2, v6;
	v2 =	vld [tilespmem:s4+$0x90]  }
0x96: {  	[tilespmem:s4+$0x20] =	vst v0;
	v0 =	vmul.f32 v5, v6;
	v5 =	vld [tilespmem:s4+$0xA0]  }
0x97: {  	[tilespmem:s4+$0x30] =	vst v1;
	v1 =	vmul.f32 v8, v6;
	v8 =	vld [tilespmem:s4+$0xB0]  }
0x98: {  	[tilespmem:s4+$0x40] =	vst v0;
	v0 =	vmul.f32 v3, v6;
	v3 =	vld [tilespmem:s4+$0xC0]  }
0x99: {  	v6 =	vld [tilespmem:s4+$0xD0];
	[tilespmem:s4+$0x50] =	vst v1;
	v1 =	vmul.f32 v7, v4  }
0x9a: {  	[tilespmem:s4+$0x60] =	vst v0;
	v0 =	vmul.f32 v2, v4;
	v2 =	vld [tilespmem:s4+$0xE0]  }
0x9b: {  	[tilespmem:s4+$0x80] =	vst v1;
	v1 =	vmul.f32 v5, v4;
	v5 =	vld [tilespmem:s4+$0xF0]  }
0x9c: {  	[tilespmem:s4+$0x90] =	vst v0;
	v0 =	vmul.f32 v8, v4  }
0x9d: {  	s0 =	simm.s32 $0x0;
	[tilespmem:s4+$0xA0] =	vst v1;
	v1 =	vmul.f32 v3, v4  }
0x9e: {  	v3 =	vmov s0;
	[tilespmem:s4+$0xB0] =	vst v0;
	v0 =	vmul.f32 v6, v4  }
0x9f: {  	[tilespmem:s4+$0xC0] =	vst v1;
	v1 =	vmul.f32 v2, v4;
	v2 =	vand.u32 $0x7C, v3  }
0xa0: {  	[tilespmem:s4+$0xD0] =	vst v0;
	v0 =	vmul.f32 v5, v4;
	v2 =	vor.u32 $0x80, v2  }
0xa1: {  	[tilespmem:s4+$0xE0] =	vst v1;
	v1 =	vbroadcast v2, $0x0  }
0xa2: {  	s13 =	simm.s32 $0x3;
	[tilespmem:s4+$0xF0] =	vst v0  }
0xa3: {  	[spmem:s2] =	stream.indirect.scatter.add.f32 [tilespmem:s18], [sflag:$0x3], $0x80, s0, s21, $0xb8;
	[tilespmem:$0x1C000] =	vst v63  }
0xa4: {  	v3 =	vmov s13;
	_ =	swait.ge [sflag:s22], $0x4000  }
0xa5: {  	v3 =	vand.u32 $0x7F, v3;
	[sflag:s22] =	ssyncset.done $0x0  }
0xa6: {  	v2 =	vor.u32 $0x80, v3;
	[sflag:s22] =	ssyncadd.s32 $0xFFFFC000  }
0xa7: {  	s31 =	simm.s32 $0x4500;
	v0 =	vbroadcast v2, $0x0;
	v2 =	vld.idx.msk [tilespmem:v1+s17+$0x0], $0xffff  }
0xa8: {  	v3 =	vld [tilespmem:s31+$0xF0]  }
0xa9: {  	s7 =	simm.s32 $0x1;
	v4 =	vld [tilespmem:s31+$0xFFFFFF00]  }
0xaa: {  	v1 =	vmov s7;
	v5 =	vld [tilespmem:s31+$0xFFFFFF10]  }
0xab: {  	v6 =	vld [tilespmem:s31+$0xFFFFFF20];
	v1 =	vand.u32 $0x7D, v1  }
0xac: {  	v7 =	vld [tilespmem:s31+$0xFFFFFF30];
	v1 =	vor.u32 $0x80, v1  }
0xad: {  	v10 =	vld [tilespmem:s31+$0xFFFFFF60];
	v1 =	vbroadcast v1, $0x0  }
0xae: {  	v0 =	vld.idx.msk [tilespmem:v0+s17+$0x0], $0xffff  }
0xaf: {  	v8 =	vld [tilespmem:s31+$0xFFFFFF40];
	v4 =	vmul.f32 v4, v2  }
0xb0: {  	v9 =	vld [tilespmem:s31+$0xFFFFFF50];
	v5 =	vmul.f32 v5, v2  }
0xb1: {  	[tilespmem:s31+$0xFFFFFF00] =	vst v4;
	v4 =	vld [tilespmem:s31+$0xFFFFFF70]  }
0xb2: {  	s13 =	simm.s32 $0x2;
	v10 =	vmul.f32 v10, v2;
	[tilespmem:s31+$0xFFFFFF10] =	vst v5;
	v5 =	vmul.f32 v7, v2;
	v7 =	vld [tilespmem:s31+$0xFFFFFFA0]  }
0xb3: {  	v11 =	vmov s13;
	v3 =	vmul.f32 v3, v0;
	v62 =	vld.idx.msk [tilespmem:v1+s17+$0x0], $0xffff  }
0xb4: {  	[tilespmem:s31+$0xFFFFFF60] =	vst v10;
	v1 =	vand.u32 $0x7E, v11;
	v11 =	vld [tilespmem:s31+$0xFFFFFF80]  }
0xb5: {  	[tilespmem:s31+$0xF0] =	vst v3;
	v3 =	vmul.f32 v6, v2;
	v6 =	vld [tilespmem:s31+$0xFFFFFF90];
	v1 =	vor.u32 $0x80, v1  }
0xb6: {  	[tilespmem:s31+$0xFFFFFF30] =	vst v5;
	v5 =	vmul.f32 v9, v2;
	v9 =	vld [tilespmem:s31+$0xFFFFFFC0];
	v1 =	vbroadcast v1, $0x0  }
0xb7: {  	[tilespmem:s31+$0xFFFFFF20] =	vst v3;
	v3 =	vmul.f32 v8, v2;
	v8 =	vld [tilespmem:s31+$0xFFFFFFB0]  }
0xb8: {  	[tilespmem:s31+$0xFFFFFF50] =	vst v5;
	v5 =	vld [tilespmem:s31+$0xFFFFFFE0];
	v2 =	vmul.f32 v4, v2  }
0xb9: {  	[tilespmem:s31+$0xFFFFFF40] =	vst v3;
	v4 =	vld [tilespmem:s31+$0xFFFFFFF0];
	v3 =	vmul.f32 v11, v62  }
0xba: {  	v11 =	vld [tilespmem:s31+$0xFFFFFFD0];
	[tilespmem:s31+$0xFFFFFF70] =	vst v2;
	v2 =	vmul.f32 v7, v62  }
0xbb: {  	[tilespmem:s31+$0xFFFFFF80] =	vst v3;
	v3 =	vmul.f32 v6, v62;
	v6 =	vld [tilespmem:s31+$0x0]  }
0xbc: {  	[tilespmem:s31+$0xFFFFFFA0] =	vst v2;
	v2 =	vmul.f32 v9, v62;
	v1 =	vld.idx.msk [tilespmem:v1+s17+$0x0], $0xffff  }
0xbd: {  	v7 =	vld [tilespmem:s31+$0x10];
	[tilespmem:s31+$0xFFFFFF90] =	vst v3;
	v3 =	vmul.f32 v8, v62  }
0xbe: {  	v5 =	vmul.f32 v5, v62;
	v8 =	vld [tilespmem:s31+$0x20];
	[tilespmem:s31+$0xFFFFFFC0] =	vst v2  }
0xbf: {  	s4 =	simm.s32 $0x4;
	v9 =	vld [tilespmem:s31+$0x30];
	[tilespmem:s31+$0xFFFFFFB0] =	vst v3;
	v3 =	vmul.f32 v11, v62  }
0xc0: {  	s7 =	simm.s32 $0x5;
	v10 =	vmov s4;
	v2 =	vld [tilespmem:s31+$0x40];
	[tilespmem:s31+$0xFFFFFFE0] =	vst v5;
	v11 =	vmul.f32 v4, v62  }
0xc1: {  	s13 =	simm.s32 $0x6;
	v63 =	vmov s7;
	v10 =	vand.u32 $0x7C, v10;
	[tilespmem:s31+$0xFFFFFFD0] =	vst v3;
	v6 =	vmul.f32 v6, v1;
	v3 =	vld [tilespmem:s31+$0x50]  }
0xc2: {  	v5 =	vor.u32 $0x80, v10;
	v10 =	vmov s13;
	v4 =	vld [tilespmem:s31+$0x60];
	v7 =	vmul.f32 v7, v1;
	[tilespmem:s31+$0xFFFFFFF0] =	vst v11  }
0xc3: {  	v10 =	vand.u32 $0x7E, v10;
	v11 =	vand.u32 $0x7D, v63;
	v8 =	vmul.f32 v8, v1;
	[tilespmem:s31+$0x0] =	vst v6;
	v6 =	vld [tilespmem:s31+$0x70]  }
0xc4: {  	s0 =	simm.s32 $0x4500;
	s7 =	simm.s32 $0x7;
	s4 =	simm.s32 $0x8;
	v5 =	vbroadcast v5, $0x0;
	v9 =	vmul.f32 v9, v1;
	v11 =	vor.u32 $0x80, v11;
	[tilespmem:s31+$0x10] =	vst v7;
	v7 =	vld [tilespmem:s31+$0x80]  }
.LBB2_5:
0xc5: {  	p0 =	slt.u32 s4, $0x7C;
	v10 =	vor.u32 $0x80, v10;
	v12 =	vmov s7;
	[tilespmem:s31+$0x20] =	vst v8;
	v2 =	vmul.f32 v2, v1;
	v8 =	vld [tilespmem:s31+$0x90]  }
0xc6: {  	v11 =	vbroadcast v11, $0x0;
	v12 =	vand.u32 $0x7F, v12;
	[tilespmem:s31+$0x30] =	vst v9;
	v3 =	vmul.f32 v3, v1;
	v9 =	vld [tilespmem:s31+$0xA0]  }
0xc7: {  	v10 =	vbroadcast v10, $0x0;
	v12 =	vor.u32 $0x80, v12;
	[tilespmem:s31+$0x40] =	vst v2;
	v2 =	vmul.f32 v4, v1;
	v4 =	vld [tilespmem:s31+$0xB0]  }
0xc8: {  	v12 =	vbroadcast v12, $0x0;
	[tilespmem:s31+$0x50] =	vst v3;
	v1 =	vmul.f32 v6, v1;
	v3 =	vld [tilespmem:s31+$0xC0]  }
0xc9: {  	[tilespmem:s31+$0x60] =	vst v2;
	v2 =	vmul.f32 v7, v0;
	v6 =	vld [tilespmem:s31+$0xD0]  }
0xca: {  	[tilespmem:s31+$0x70] =	vst v1;
	v1 =	vmul.f32 v8, v0;
	v7 =	vld [tilespmem:s31+$0xE0]  }
0xcb: {  	v5 =	vld.idx.msk [tilespmem:v5+s17+$0x0], $0xffff;
	[tilespmem:s31+$0x80] =	vst v2;
	v2 =	vmul.f32 v9, v0  }
0xcc: {  	v8 =	vld.idx.msk [tilespmem:v11+s17+$0x0], $0xffff;
	[tilespmem:s31+$0x90] =	vst v1;
	v4 =	vmul.f32 v4, v0  }
0xcd: {  	v1 =	vld.idx.msk [tilespmem:v10+s17+$0x0], $0xffff;
	[tilespmem:s31+$0xA0] =	vst v2;
	v2 =	vmul.f32 v3, v0  }
0xce: {  	s31 =	sadd.s32 $0x200, s31;
	v3 =	vld.idx.msk [tilespmem:v12+s17+$0x0], $0xffff;
	[tilespmem:s0+$0xB0] =	vst v4;
	v4 =	vmul.f32 v6, v0  }
0xcf: {  	v6 =	vld [tilespmem:s31+$0xF0];
	[tilespmem:s0+$0xC0] =	vst v2;
	v0 =	vmul.f32 v7, v0  }
0xd0: {  	v2 =	vld [tilespmem:s31+$0xFFFFFF00];
	[tilespmem:s0+$0xD0] =	vst v4  }
0xd1: {  	v4 =	vld [tilespmem:s31+$0xFFFFFF10];
	[tilespmem:s0+$0xE0] =	vst v0;
	s0 =	smov.u32 s31  }
0xd2: {  	v7 =	vld [tilespmem:s31+$0xFFFFFF20]  }
0xd3: {  	v9 =	vld [tilespmem:s31+$0xFFFFFF30]  }
0xd4: {  	v0 =	vmov v3;
	v10 =	vld [tilespmem:s31+$0xFFFFFF40];
	v6 =	vmul.f32 v6, v3  }
0xd5: {  	v2 =	vmul.f32 v2, v5;
	v3 =	vld [tilespmem:s31+$0xFFFFFF50]  }
0xd6: {  	v4 =	vmul.f32 v4, v5;
	v11 =	vld [tilespmem:s31+$0xFFFFFF60];
	[tilespmem:s31+$0xF0] =	vst v6  }
0xd7: {  	[tilespmem:s31+$0xFFFFFF00] =	vst v2;
	v2 =	vmul.f32 v7, v5;
	v6 =	vld [tilespmem:s31+$0xFFFFFF70]  }
0xd8: {  	[tilespmem:s31+$0xFFFFFF10] =	vst v4;
	v4 =	vmul.f32 v9, v5;
	v7 =	vld [tilespmem:s31+$0xFFFFFF80]  }
0xd9: {  	[tilespmem:s31+$0xFFFFFF20] =	vst v2;
	v2 =	vmul.f32 v10, v5;
	v9 =	vld [tilespmem:s31+$0xFFFFFF90]  }
0xda: {  	[tilespmem:s31+$0xFFFFFF30] =	vst v4;
	v3 =	vmul.f32 v3, v5;
	v4 =	vld [tilespmem:s31+$0xFFFFFFA0]  }
0xdb: {  	[tilespmem:s31+$0xFFFFFF40] =	vst v2;
	v2 =	vmul.f32 v11, v5;
	v10 =	vld [tilespmem:s31+$0xFFFFFFB0]  }
0xdc: {  	[tilespmem:s31+$0xFFFFFF50] =	vst v3;
	v3 =	vmul.f32 v6, v5;
	v5 =	vld [tilespmem:s31+$0xFFFFFFC0]  }
0xdd: {  	[tilespmem:s31+$0xFFFFFF60] =	vst v2;
	v2 =	vmul.f32 v7, v8;
	v6 =	vld [tilespmem:s31+$0xFFFFFFD0]  }
0xde: {  	[tilespmem:s31+$0xFFFFFF70] =	vst v3;
	v3 =	vmul.f32 v9, v8;
	v7 =	vld [tilespmem:s31+$0xFFFFFFE0]  }
0xdf: {  	[tilespmem:s31+$0xFFFFFF80] =	vst v2;
	v2 =	vmul.f32 v4, v8;
	v4 =	vld [tilespmem:s31+$0xFFFFFFF0]  }
0xe0: {  	[tilespmem:s31+$0xFFFFFF90] =	vst v3;
	v3 =	vmul.f32 v10, v8;
	v9 =	vld [tilespmem:s31+$0x0]  }
0xe1: {  	[tilespmem:s31+$0xFFFFFFA0] =	vst v2;
	v2 =	vmul.f32 v5, v8;
	v5 =	vld [tilespmem:s31+$0x10]  }
0xe2: {  	[tilespmem:s31+$0xFFFFFFB0] =	vst v3;
	v3 =	vmul.f32 v6, v8;
	v6 =	vld [tilespmem:s31+$0x20]  }
0xe3: {  	[tilespmem:s31+$0xFFFFFFC0] =	vst v2;
	v7 =	vmul.f32 v7, v8;
	v12 =	vld [tilespmem:s31+$0x30]  }
.Ltmp1:
0xe4: {  	s7 =	sadd.s32 $0x1, s4;
	v10 =	vmov s4;
	[tilespmem:s31+$0xFFFFFFD0] =	vst v3;
	v4 =	vmul.f32 v4, v8;
	v2 =	vld [tilespmem:s31+$0x40];
	(pc) =	sbr.rel @p0 .LBB2_5-.Ltmp1, $4  }
0xe5: {  	v8 =	vand.u32 $0x7C, v10;
	v10 =	vmov s7;
	s7 =	sadd.s32 $0x2, s4;
	[tilespmem:s31+$0xFFFFFFE0] =	vst v7;
	v7 =	vmul.f32 v9, v1;
	v3 =	vld [tilespmem:s31+$0x50]  }
0xe6: {  	v9 =	vor.u32 $0x80, v8;
	v8 =	vmov s7;
	[tilespmem:s31+$0xFFFFFFF0] =	vst v4;
	v13 =	vmul.f32 v5, v1;
	v4 =	vld [tilespmem:s31+$0x60]  }
0xe7: {  	v11 =	vand.u32 $0x7D, v10;
	v10 =	vand.u32 $0x7E, v8;
	[tilespmem:s31+$0x0] =	vst v7;
	v8 =	vmul.f32 v6, v1;
	v6 =	vld [tilespmem:s31+$0x70]  }
0xe8: {  	s7 =	sadd.s32 $0x3, s4;
	s4 =	sadd.s32 $0x4, s4;
	v5 =	vbroadcast v9, $0x0;
	v11 =	vor.u32 $0x80, v11;
	[tilespmem:s31+$0x10] =	vst v13;
	v9 =	vmul.f32 v12, v1;
	v7 =	vld [tilespmem:s31+$0x80]  }
0xe9: {  	v13 =	vld [tilespmem:s31+$0x90]  }
0xea: {  	v14 =	vld [tilespmem:s31+$0xA0]  }
0xeb: {  	v12 =	vmov s7;
	v10 =	vor.u32 $0x80, v10;
	v11 =	vbroadcast v11, $0x0;
	v15 =	vld [tilespmem:s31+$0xB0]  }
0xec: {  	v16 =	vld [tilespmem:s31+$0xC0];
	[tilespmem:s31+$0x20] =	vst v8;
	v2 =	vmul.f32 v2, v1;
	v12 =	vand.u32 $0x7F, v12;
	v10 =	vbroadcast v10, $0x0  }
0xed: {  	v8 =	vld [tilespmem:s31+$0xD0];
	[tilespmem:s31+$0x30] =	vst v9;
	v3 =	vmul.f32 v3, v1;
	v12 =	vor.u32 $0x80, v12  }
0xee: {  	v9 =	vld [tilespmem:s31+$0xE0];
	[tilespmem:s31+$0x40] =	vst v2;
	v2 =	vmul.f32 v4, v1;
	v12 =	vbroadcast v12, $0x0  }
0xef: {  	s4 =	sadd.s32 $0x200, s31;
	v4 =	vld.idx.msk [tilespmem:v5+s17+$0x0], $0xffff;
	[tilespmem:s31+$0x50] =	vst v3;
	v1 =	vmul.f32 v6, v1  }
0xf0: {  	[tilespmem:s31+$0x60] =	vst v2;
	v2 =	vmul.f32 v7, v0;
	v7 =	vld [tilespmem:s4+$0xF0]  }
0xf1: {  	[tilespmem:s31+$0x70] =	vst v1;
	v1 =	vmul.f32 v13, v0;
	v3 =	vld.idx.msk [tilespmem:v11+s17+$0x0], $0xffff  }
0xf2: {  	[tilespmem:s31+$0x80] =	vst v2;
	v2 =	vmul.f32 v14, v0;
	v5 =	vld.idx.msk [tilespmem:v10+s17+$0x0], $0xffff  }
0xf3: {  	[tilespmem:s31+$0x90] =	vst v1;
	v1 =	vmul.f32 v15, v0;
	v10 =	vld [tilespmem:s4+$0xFFFFFF00]  }
0xf4: {  	[tilespmem:s31+$0xA0] =	vst v2;
	v2 =	vmul.f32 v16, v0;
	v6 =	vld.idx.msk [tilespmem:v12+s17+$0x0], $0xffff  }
0xf5: {  	v11 =	vld [tilespmem:s4+$0xFFFFFF10];
	[tilespmem:s0+$0xB0] =	vst v1;
	v1 =	vmul.f32 v8, v0  }
0xf6: {  	v8 =	vld [tilespmem:s4+$0xFFFFFF20];
	v0 =	vmul.f32 v9, v0;
	[tilespmem:s0+$0xC0] =	vst v2  }
0xf7: {  	v2 =	vld [tilespmem:s4+$0xFFFFFF30];
	[tilespmem:s0+$0xD0] =	vst v1  }
0xf8: {  	v1 =	vld [tilespmem:s4+$0xFFFFFF40];
	[tilespmem:s0+$0xE0] =	vst v0;
	v0 =	vmul.f32 v10, v4  }
0xf9: {  	v9 =	vld [tilespmem:s4+$0xFFFFFF50];
	v7 =	vmul.f32 v7, v6  }
0xfa: {  	v10 =	vmul.f32 v11, v4;
	v11 =	vld [tilespmem:s4+$0xFFFFFF60];
	[tilespmem:s4+$0xFFFFFF00] =	vst v0  }
0xfb: {  	v0 =	vmul.f32 v8, v4;
	[tilespmem:s4+$0xF0] =	vst v7;
	v7 =	vld [tilespmem:s4+$0xFFFFFF70]  }
0xfc: {  	[tilespmem:s4+$0xFFFFFF10] =	vst v10;
	v8 =	vld [tilespmem:s4+$0xFFFFFF80];
	v2 =	vmul.f32 v2, v4  }
0xfd: {  	[tilespmem:s4+$0xFFFFFF20] =	vst v0;
	v0 =	vmul.f32 v1, v4;
	v1 =	vld [tilespmem:s4+$0xFFFFFF90]  }
0xfe: {  	[tilespmem:s4+$0xFFFFFF30] =	vst v2;
	v2 =	vmul.f32 v9, v4;
	v9 =	vld [tilespmem:s4+$0xFFFFFFA0]  }
0xff: {  	v10 =	vld [tilespmem:s4+$0xFFFFFFB0];
	[tilespmem:s4+$0xFFFFFF40] =	vst v0;
	v0 =	vmul.f32 v11, v4  }
0x100: {  	[tilespmem:s4+$0xFFFFFF50] =	vst v2;
	v2 =	vmul.f32 v7, v4;
	v4 =	vld [tilespmem:s4+$0xFFFFFFC0]  }
0x101: {  	[tilespmem:s4+$0xFFFFFF60] =	vst v0;
	v0 =	vmul.f32 v8, v3;
	v7 =	vld [tilespmem:s4+$0xFFFFFFD0]  }
0x102: {  	v1 =	vmul.f32 v1, v3;
	[tilespmem:s4+$0xFFFFFF70] =	vst v2;
	v2 =	vld [tilespmem:s4+$0xFFFFFFE0]  }
0x103: {  	v8 =	vld [tilespmem:s4+$0xFFFFFFF0];
	[tilespmem:s4+$0xFFFFFF80] =	vst v0;
	v0 =	vmul.f32 v9, v3  }
0x104: {  	v9 =	vld [tilespmem:s4+$0x0];
	[tilespmem:s4+$0xFFFFFF90] =	vst v1;
	v1 =	vmul.f32 v10, v3  }
0x105: {  	[tilespmem:s4+$0xFFFFFFA0] =	vst v0;
	v0 =	vmul.f32 v4, v3;
	v4 =	vld [tilespmem:s4+$0x10]  }
0x106: {  	[tilespmem:s4+$0xFFFFFFB0] =	vst v1;
	v1 =	vmul.f32 v7, v3;
	v7 =	vld [tilespmem:s4+$0x20]  }
0x107: {  	[tilespmem:s4+$0xFFFFFFC0] =	vst v0;
	v0 =	vmul.f32 v2, v3;
	v2 =	vld [tilespmem:s4+$0x30]  }
0x108: {  	[tilespmem:s4+$0xFFFFFFD0] =	vst v1;
	v1 =	vmul.f32 v8, v3;
	v3 =	vld [tilespmem:s4+$0x40]  }
0x109: {  	v8 =	vld [tilespmem:s4+$0x50];
	[tilespmem:s4+$0xFFFFFFE0] =	vst v0;
	v0 =	vmul.f32 v9, v5  }
0x10a: {  	[tilespmem:s4+$0xFFFFFFF0] =	vst v1;
	v1 =	vmul.f32 v4, v5;
	v4 =	vld [tilespmem:s4+$0x60]  }
0x10b: {  	[tilespmem:s4+$0x0] =	vst v0;
	v0 =	vmul.f32 v7, v5;
	v7 =	vld [tilespmem:s4+$0x70]  }
0x10c: {  	[tilespmem:s4+$0x10] =	vst v1;
	v1 =	vmul.f32 v2, v5;
	v2 =	vld [tilespmem:s4+$0x80]  }
0x10d: {  	[tilespmem:s4+$0x20] =	vst v0;
	v0 =	vmul.f32 v3, v5;
	v3 =	vld [tilespmem:s4+$0x90]  }
0x10e: {  	[tilespmem:s4+$0x30] =	vst v1;
	v1 =	vmul.f32 v8, v5;
	v8 =	vld [tilespmem:s4+$0xA0]  }
0x10f: {  	[tilespmem:s4+$0x40] =	vst v0;
	v0 =	vmul.f32 v4, v5;
	v4 =	vld [tilespmem:s4+$0xB0]  }
0x110: {  	[tilespmem:s4+$0x50] =	vst v1;
	v1 =	vmul.f32 v7, v5;
	v5 =	vld [tilespmem:s4+$0xC0]  }
0x111: {  	[tilespmem:s4+$0x60] =	vst v0;
	v0 =	vmul.f32 v2, v6;
	v2 =	vld [tilespmem:s4+$0xD0]  }
0x112: {  	[tilespmem:s4+$0x70] =	vst v1;
	v1 =	vmul.f32 v3, v6;
	v3 =	vld [tilespmem:s4+$0xE0]  }
0x113: {  	[tilespmem:s4+$0x80] =	vst v0;
	v0 =	vmul.f32 v8, v6  }
0x114: {  	[tilespmem:s4+$0x90] =	vst v1;
	v1 =	vmul.f32 v4, v6  }
0x115: {  	[tilespmem:s4+$0xA0] =	vst v0;
	v0 =	vmul.f32 v5, v6  }
0x116: {  	[tilespmem:s4+$0xB0] =	vst v1;
	v1 =	vmul.f32 v2, v6  }
0x117: {  	[tilespmem:s4+$0xC0] =	vst v0;
	v0 =	vmul.f32 v3, v6  }
0x118: {  	s0 =	simm.s32 $0x0;
	[tilespmem:s4+$0xD0] =	vst v1  }
0x119: {  	s7 =	simm.s32 $0x3;
	[tilespmem:s4+$0xE0] =	vst v0;
	v0 =	vmov s0  }
0x11a: {  	v1 =	vmov s7;
	[spmem:s2] =	stream.indirect.scatter.add.f32 [tilespmem:s19], [sflag:$0x4], $0x80, s21, s21, $0xb8;
	v0 =	vand.u32 $0x7C, v0;
	[tilespmem:$0x1C000] =	vst v63  }
0x11b: {  	v1 =	vand.u32 $0x7F, v1;
	_ =	swait.ge [sflag:s23], $0x4000;
	v0 =	vor.u32 $0x100, v0  }
0x11c: {  	v1 =	vor.u32 $0x100, v1;
	[sflag:s23] =	ssyncset.done $0x0;
	v0 =	vbroadcast v0, $0x0  }
0x11d: {  	s13 =	sadd.s32 s30, s11;
	v1 =	vbroadcast v1, $0x0;
	[sflag:s23] =	ssyncadd.s32 $0xFFFFC000  }
0x11e: {  	[tilespmem:s18], [sflag:$0x1] =	stream.linear.gather [hbm4b:s13+s0], $0x4000, $0x38;
	[tilespmem:$0x1C000] =	vst v63  }
0x11f: {  	_ =	swait.ge [sflag:s20], $0x4000  }
0x120: {  	[sflag:s20] =	ssyncset.done $0x0  }
0x121: {  	[sflag:s20] =	ssyncadd.s32 $0xFFFFC000  }
0x122: {  	s7 =	simm.s32 $0x1;
	v2 =	vld.idx.msk [tilespmem:v0+s17+$0x0], $0xffff  }
0x123: {  	s31 =	simm.s32 $0x500;
	v3 =	vmov s7;
	v0 =	vld.idx.msk [tilespmem:v1+s17+$0x0], $0xffff  }
0x124: {  	v1 =	vand.u32 $0x7D, v3;
	v3 =	vld [tilespmem:s31+$0xF0]  }
0x125: {  	v4 =	vld [tilespmem:s31+$0xFFFFFF00]  }
0x126: {  	v5 =	vld [tilespmem:s31+$0xFFFFFF10]  }
0x127: {  	v6 =	vld [tilespmem:s31+$0xFFFFFF20];
	v1 =	vor.u32 $0x100, v1  }
0x128: {  	v7 =	vld [tilespmem:s31+$0xFFFFFF30];
	v1 =	vbroadcast v1, $0x0  }
0x129: {  	v8 =	vld [tilespmem:s31+$0xFFFFFF40]  }
0x12a: {  	v9 =	vld [tilespmem:s31+$0xFFFFFF50];
	v4 =	vmul.f32 v4, v2  }
0x12b: {  	v10 =	vld [tilespmem:s31+$0xFFFFFF60];
	v3 =	vmul.f32 v3, v0  }
0x12c: {  	[tilespmem:s31+$0xFFFFFF00] =	vst v4;
	v4 =	vld [tilespmem:s31+$0xFFFFFF70]  }
0x12d: {  	s13 =	simm.s32 $0x2;
	v5 =	vmul.f32 v5, v2;
	[tilespmem:s31+$0xF0] =	vst v3;
	v3 =	vmul.f32 v6, v2;
	v6 =	vld [tilespmem:s31+$0xFFFFFF90]  }
0x12e: {  	v11 =	vmov s13;
	v62 =	vld.idx.msk [tilespmem:v1+s17+$0x0], $0xffff  }
0x12f: {  	[tilespmem:s31+$0xFFFFFF10] =	vst v5;
	v5 =	vmul.f32 v7, v2;
	v1 =	vand.u32 $0x7E, v11;
	v11 =	vld [tilespmem:s31+$0xFFFFFF80]  }
0x130: {  	v10 =	vmul.f32 v10, v2;
	v7 =	vld [tilespmem:s31+$0xFFFFFFA0];
	v1 =	vor.u32 $0x100, v1;
	[tilespmem:s31+$0xFFFFFF20] =	vst v3;
	v3 =	vmul.f32 v8, v2  }
0x131: {  	v8 =	vld [tilespmem:s31+$0xFFFFFFB0];
	[tilespmem:s31+$0xFFFFFF30] =	vst v5;
	v5 =	vmul.f32 v9, v2;
	v1 =	vbroadcast v1, $0x0  }
0x132: {  	[tilespmem:s31+$0xFFFFFF60] =	vst v10;
	v9 =	vld [tilespmem:s31+$0xFFFFFFC0]  }
0x133: {  	[tilespmem:s31+$0xFFFFFF50] =	vst v5;
	v5 =	vld [tilespmem:s31+$0xFFFFFFE0];
	v2 =	vmul.f32 v4, v2  }
0x134: {  	[tilespmem:s31+$0xFFFFFF40] =	vst v3;
	v4 =	vld [tilespmem:s31+$0xFFFFFFF0];
	v3 =	vmul.f32 v11, v62  }
0x135: {  	v11 =	vld [tilespmem:s31+$0xFFFFFFD0];
	[tilespmem:s31+$0xFFFFFF70] =	vst v2;
	v2 =	vmul.f32 v7, v62  }
0x136: {  	[tilespmem:s31+$0xFFFFFF80] =	vst v3;
	v3 =	vmul.f32 v6, v62;
	v6 =	vld [tilespmem:s31+$0x0]  }
0x137: {  	v1 =	vld.idx.msk [tilespmem:v1+s17+$0x0], $0xffff;
	[tilespmem:s31+$0xFFFFFFA0] =	vst v2;
	v2 =	vmul.f32 v9, v62  }
0x138: {  	v7 =	vld [tilespmem:s31+$0x10];
	[tilespmem:s31+$0xFFFFFF90] =	vst v3;
	v3 =	vmul.f32 v8, v62  }
0x139: {  	v5 =	vmul.f32 v5, v62;
	v8 =	vld [tilespmem:s31+$0x20];
	[tilespmem:s31+$0xFFFFFFC0] =	vst v2  }
0x13a: {  	s4 =	simm.s32 $0x4;
	v9 =	vld [tilespmem:s31+$0x30];
	[tilespmem:s31+$0xFFFFFFB0] =	vst v3;
	v3 =	vmul.f32 v11, v62  }
0x13b: {  	s7 =	simm.s32 $0x5;
	v10 =	vmov s4;
	v2 =	vld [tilespmem:s31+$0x40];
	[tilespmem:s31+$0xFFFFFFE0] =	vst v5;
	v11 =	vmul.f32 v4, v62  }
0x13c: {  	v63 =	vmov s7;
	s13 =	simm.s32 $0x6;
	v10 =	vand.u32 $0x7C, v10;
	[tilespmem:s31+$0xFFFFFFD0] =	vst v3;
	v6 =	vmul.f32 v6, v1;
	v3 =	vld [tilespmem:s31+$0x50]  }
0x13d: {  	v5 =	vor.u32 $0x100, v10;
	v10 =	vmov s13;
	v4 =	vld [tilespmem:s31+$0x60];
	v7 =	vmul.f32 v7, v1;
	[tilespmem:s31+$0xFFFFFFF0] =	vst v11  }
0x13e: {  	v10 =	vand.u32 $0x7E, v10;
	v11 =	vand.u32 $0x7D, v63;
	v8 =	vmul.f32 v8, v1;
	[tilespmem:s31+$0x0] =	vst v6;
	v6 =	vld [tilespmem:s31+$0x70]  }
0x13f: {  	s7 =	simm.s32 $0x7;
	s0 =	simm.s32 $0x500;
	s4 =	simm.s32 $0x8;
	v5 =	vbroadcast v5, $0x0;
	v9 =	vmul.f32 v9, v1;
	v11 =	vor.u32 $0x100, v11;
	[tilespmem:s31+$0x10] =	vst v7;
	v7 =	vld [tilespmem:s31+$0x80]  }
.LBB2_7:
0x140: {  	p0 =	slt.u32 s4, $0x7C;
	v10 =	vor.u32 $0x100, v10;
	v12 =	vmov s7;
	[tilespmem:s31+$0x20] =	vst v8;
	v2 =	vmul.f32 v2, v1;
	v8 =	vld [tilespmem:s31+$0x90]  }
0x141: {  	v11 =	vbroadcast v11, $0x0;
	v12 =	vand.u32 $0x7F, v12;
	[tilespmem:s31+$0x30] =	vst v9;
	v3 =	vmul.f32 v3, v1;
	v9 =	vld [tilespmem:s31+$0xA0]  }
0x142: {  	v10 =	vbroadcast v10, $0x0;
	v12 =	vor.u32 $0x100, v12;
	[tilespmem:s31+$0x40] =	vst v2;
	v2 =	vmul.f32 v4, v1;
	v4 =	vld [tilespmem:s31+$0xB0]  }
0x143: {  	v12 =	vbroadcast v12, $0x0;
	[tilespmem:s31+$0x50] =	vst v3;
	v1 =	vmul.f32 v6, v1;
	v3 =	vld [tilespmem:s31+$0xC0]  }
0x144: {  	[tilespmem:s31+$0x60] =	vst v2;
	v2 =	vmul.f32 v7, v0;
	v6 =	vld [tilespmem:s31+$0xD0]  }
0x145: {  	[tilespmem:s31+$0x70] =	vst v1;
	v1 =	vmul.f32 v8, v0;
	v7 =	vld [tilespmem:s31+$0xE0]  }
0x146: {  	v5 =	vld.idx.msk [tilespmem:v5+s17+$0x0], $0xffff;
	[tilespmem:s31+$0x80] =	vst v2;
	v2 =	vmul.f32 v9, v0  }
0x147: {  	v8 =	vld.idx.msk [tilespmem:v11+s17+$0x0], $0xffff;
	[tilespmem:s31+$0x90] =	vst v1;
	v4 =	vmul.f32 v4, v0  }
0x148: {  	v1 =	vld.idx.msk [tilespmem:v10+s17+$0x0], $0xffff;
	[tilespmem:s31+$0xA0] =	vst v2;
	v2 =	vmul.f32 v3, v0  }
0x149: {  	s31 =	sadd.s32 $0x200, s31;
	v3 =	vld.idx.msk [tilespmem:v12+s17+$0x0], $0xffff;
	[tilespmem:s0+$0xB0] =	vst v4;
	v4 =	vmul.f32 v6, v0  }
0x14a: {  	v6 =	vld [tilespmem:s31+$0xF0];
	[tilespmem:s0+$0xC0] =	vst v2;
	v0 =	vmul.f32 v7, v0  }
0x14b: {  	v2 =	vld [tilespmem:s31+$0xFFFFFF00];
	[tilespmem:s0+$0xD0] =	vst v4  }
0x14c: {  	v4 =	vld [tilespmem:s31+$0xFFFFFF10];
	[tilespmem:s0+$0xE0] =	vst v0;
	s0 =	smov.u32 s31  }
0x14d: {  	v7 =	vld [tilespmem:s31+$0xFFFFFF20]  }
0x14e: {  	v9 =	vld [tilespmem:s31+$0xFFFFFF30]  }
0x14f: {  	v0 =	vmov v3;
	v10 =	vld [tilespmem:s31+$0xFFFFFF40];
	v6 =	vmul.f32 v6, v3  }
0x150: {  	v2 =	vmul.f32 v2, v5;
	v3 =	vld [tilespmem:s31+$0xFFFFFF50]  }
0x151: {  	v4 =	vmul.f32 v4, v5;
	v11 =	vld [tilespmem:s31+$0xFFFFFF60];
	[tilespmem:s31+$0xF0] =	vst v6  }
0x152: {  	[tilespmem:s31+$0xFFFFFF00] =	vst v2;
	v2 =	vmul.f32 v7, v5;
	v6 =	vld [tilespmem:s31+$0xFFFFFF70]  }
0x153: {  	[tilespmem:s31+$0xFFFFFF10] =	vst v4;
	v4 =	vmul.f32 v9, v5;
	v7 =	vld [tilespmem:s31+$0xFFFFFF80]  }
0x154: {  	[tilespmem:s31+$0xFFFFFF20] =	vst v2;
	v2 =	vmul.f32 v10, v5;
	v9 =	vld [tilespmem:s31+$0xFFFFFF90]  }
0x155: {  	[tilespmem:s31+$0xFFFFFF30] =	vst v4;
	v3 =	vmul.f32 v3, v5;
	v4 =	vld [tilespmem:s31+$0xFFFFFFA0]  }
0x156: {  	[tilespmem:s31+$0xFFFFFF40] =	vst v2;
	v2 =	vmul.f32 v11, v5;
	v10 =	vld [tilespmem:s31+$0xFFFFFFB0]  }
0x157: {  	[tilespmem:s31+$0xFFFFFF50] =	vst v3;
	v3 =	vmul.f32 v6, v5;
	v5 =	vld [tilespmem:s31+$0xFFFFFFC0]  }
0x158: {  	[tilespmem:s31+$0xFFFFFF60] =	vst v2;
	v2 =	vmul.f32 v7, v8;
	v6 =	vld [tilespmem:s31+$0xFFFFFFD0]  }
0x159: {  	[tilespmem:s31+$0xFFFFFF70] =	vst v3;
	v3 =	vmul.f32 v9, v8;
	v7 =	vld [tilespmem:s31+$0xFFFFFFE0]  }
0x15a: {  	[tilespmem:s31+$0xFFFFFF80] =	vst v2;
	v2 =	vmul.f32 v4, v8;
	v4 =	vld [tilespmem:s31+$0xFFFFFFF0]  }
0x15b: {  	[tilespmem:s31+$0xFFFFFF90] =	vst v3;
	v3 =	vmul.f32 v10, v8;
	v9 =	vld [tilespmem:s31+$0x0]  }
0x15c: {  	[tilespmem:s31+$0xFFFFFFA0] =	vst v2;
	v2 =	vmul.f32 v5, v8;
	v5 =	vld [tilespmem:s31+$0x10]  }
0x15d: {  	[tilespmem:s31+$0xFFFFFFB0] =	vst v3;
	v3 =	vmul.f32 v6, v8;
	v6 =	vld [tilespmem:s31+$0x20]  }
0x15e: {  	[tilespmem:s31+$0xFFFFFFC0] =	vst v2;
	v7 =	vmul.f32 v7, v8;
	v12 =	vld [tilespmem:s31+$0x30]  }
.Ltmp2:
0x15f: {  	s7 =	sadd.s32 $0x1, s4;
	v10 =	vmov s4;
	[tilespmem:s31+$0xFFFFFFD0] =	vst v3;
	v4 =	vmul.f32 v4, v8;
	v2 =	vld [tilespmem:s31+$0x40];
	(pc) =	sbr.rel @p0 .LBB2_7-.Ltmp2, $4  }
0x160: {  	v8 =	vand.u32 $0x7C, v10;
	v10 =	vmov s7;
	s7 =	sadd.s32 $0x2, s4;
	[tilespmem:s31+$0xFFFFFFE0] =	vst v7;
	v7 =	vmul.f32 v9, v1;
	v3 =	vld [tilespmem:s31+$0x50]  }
0x161: {  	v9 =	vor.u32 $0x100, v8;
	v8 =	vmov s7;
	[tilespmem:s31+$0xFFFFFFF0] =	vst v4;
	v13 =	vmul.f32 v5, v1;
	v4 =	vld [tilespmem:s31+$0x60]  }
0x162: {  	v11 =	vand.u32 $0x7D, v10;
	v10 =	vand.u32 $0x7E, v8;
	[tilespmem:s31+$0x0] =	vst v7;
	v8 =	vmul.f32 v6, v1;
	v6 =	vld [tilespmem:s31+$0x70]  }
0x163: {  	s7 =	sadd.s32 $0x3, s4;
	s4 =	sadd.s32 $0x4, s4;
	v5 =	vbroadcast v9, $0x0;
	v11 =	vor.u32 $0x100, v11;
	[tilespmem:s31+$0x10] =	vst v13;
	v9 =	vmul.f32 v12, v1;
	v7 =	vld [tilespmem:s31+$0x80]  }
0x164: {  	v13 =	vld [tilespmem:s31+$0x90]  }
0x165: {  	v14 =	vld [tilespmem:s31+$0xA0]  }
0x166: {  	v12 =	vmov s7;
	v10 =	vor.u32 $0x100, v10;
	v11 =	vbroadcast v11, $0x0;
	v15 =	vld [tilespmem:s31+$0xB0]  }
0x167: {  	v16 =	vld [tilespmem:s31+$0xC0];
	[tilespmem:s31+$0x20] =	vst v8;
	v2 =	vmul.f32 v2, v1;
	v12 =	vand.u32 $0x7F, v12;
	v10 =	vbroadcast v10, $0x0  }
0x168: {  	v8 =	vld [tilespmem:s31+$0xD0];
	[tilespmem:s31+$0x30] =	vst v9;
	v3 =	vmul.f32 v3, v1;
	v12 =	vor.u32 $0x100, v12  }
0x169: {  	v9 =	vld [tilespmem:s31+$0xE0];
	[tilespmem:s31+$0x40] =	vst v2;
	v2 =	vmul.f32 v4, v1;
	v12 =	vbroadcast v12, $0x0  }
0x16a: {  	s4 =	sadd.s32 $0x200, s31;
	v4 =	vld.idx.msk [tilespmem:v5+s17+$0x0], $0xffff;
	[tilespmem:s31+$0x50] =	vst v3;
	v1 =	vmul.f32 v6, v1  }
0x16b: {  	[tilespmem:s31+$0x60] =	vst v2;
	v2 =	vmul.f32 v7, v0;
	v7 =	vld [tilespmem:s4+$0xF0]  }
0x16c: {  	[tilespmem:s31+$0x70] =	vst v1;
	v1 =	vmul.f32 v13, v0;
	v3 =	vld.idx.msk [tilespmem:v11+s17+$0x0], $0xffff  }
0x16d: {  	[tilespmem:s31+$0x80] =	vst v2;
	v2 =	vmul.f32 v14, v0;
	v5 =	vld.idx.msk [tilespmem:v10+s17+$0x0], $0xffff  }
0x16e: {  	[tilespmem:s31+$0x90] =	vst v1;
	v1 =	vmul.f32 v15, v0;
	v10 =	vld [tilespmem:s4+$0xFFFFFF00]  }
0x16f: {  	[tilespmem:s31+$0xA0] =	vst v2;
	v2 =	vmul.f32 v16, v0;
	v6 =	vld.idx.msk [tilespmem:v12+s17+$0x0], $0xffff  }
0x170: {  	v11 =	vld [tilespmem:s4+$0xFFFFFF10];
	[tilespmem:s0+$0xB0] =	vst v1;
	v1 =	vmul.f32 v8, v0  }
0x171: {  	v8 =	vld [tilespmem:s4+$0xFFFFFF20];
	v0 =	vmul.f32 v9, v0;
	[tilespmem:s0+$0xC0] =	vst v2  }
0x172: {  	v2 =	vld [tilespmem:s4+$0xFFFFFF30];
	[tilespmem:s0+$0xD0] =	vst v1  }
0x173: {  	v1 =	vld [tilespmem:s4+$0xFFFFFF40];
	[tilespmem:s0+$0xE0] =	vst v0;
	v0 =	vmul.f32 v10, v4  }
0x174: {  	v9 =	vld [tilespmem:s4+$0xFFFFFF50];
	v7 =	vmul.f32 v7, v6  }
0x175: {  	v10 =	vmul.f32 v11, v4;
	v11 =	vld [tilespmem:s4+$0xFFFFFF60];
	[tilespmem:s4+$0xFFFFFF00] =	vst v0  }
0x176: {  	v0 =	vmul.f32 v8, v4;
	[tilespmem:s4+$0xF0] =	vst v7;
	v7 =	vld [tilespmem:s4+$0xFFFFFF70]  }
0x177: {  	[tilespmem:s4+$0xFFFFFF10] =	vst v10;
	v8 =	vld [tilespmem:s4+$0xFFFFFF80];
	v2 =	vmul.f32 v2, v4  }
0x178: {  	[tilespmem:s4+$0xFFFFFF20] =	vst v0;
	v0 =	vmul.f32 v1, v4;
	v1 =	vld [tilespmem:s4+$0xFFFFFF90]  }
0x179: {  	[tilespmem:s4+$0xFFFFFF30] =	vst v2;
	v2 =	vmul.f32 v9, v4;
	v9 =	vld [tilespmem:s4+$0xFFFFFFA0]  }
0x17a: {  	v10 =	vld [tilespmem:s4+$0xFFFFFFB0];
	[tilespmem:s4+$0xFFFFFF40] =	vst v0;
	v0 =	vmul.f32 v11, v4  }
0x17b: {  	[tilespmem:s4+$0xFFFFFF50] =	vst v2;
	v2 =	vmul.f32 v7, v4;
	v4 =	vld [tilespmem:s4+$0xFFFFFFC0]  }
0x17c: {  	[tilespmem:s4+$0xFFFFFF60] =	vst v0;
	v0 =	vmul.f32 v8, v3;
	v7 =	vld [tilespmem:s4+$0xFFFFFFD0]  }
0x17d: {  	v1 =	vmul.f32 v1, v3;
	[tilespmem:s4+$0xFFFFFF70] =	vst v2;
	v2 =	vld [tilespmem:s4+$0xFFFFFFE0]  }
0x17e: {  	v8 =	vld [tilespmem:s4+$0xFFFFFFF0];
	[tilespmem:s4+$0xFFFFFF80] =	vst v0;
	v0 =	vmul.f32 v9, v3  }
0x17f: {  	v9 =	vld [tilespmem:s4+$0x0];
	[tilespmem:s4+$0xFFFFFF90] =	vst v1;
	v1 =	vmul.f32 v10, v3  }
0x180: {  	[tilespmem:s4+$0xFFFFFFA0] =	vst v0;
	v0 =	vmul.f32 v4, v3;
	v4 =	vld [tilespmem:s4+$0x10]  }
0x181: {  	[tilespmem:s4+$0xFFFFFFB0] =	vst v1;
	v1 =	vmul.f32 v7, v3;
	v7 =	vld [tilespmem:s4+$0x20]  }
0x182: {  	[tilespmem:s4+$0xFFFFFFC0] =	vst v0;
	v0 =	vmul.f32 v2, v3;
	v2 =	vld [tilespmem:s4+$0x30]  }
0x183: {  	[tilespmem:s4+$0xFFFFFFD0] =	vst v1;
	v1 =	vmul.f32 v8, v3;
	v3 =	vld [tilespmem:s4+$0x40]  }
0x184: {  	v8 =	vld [tilespmem:s4+$0x50];
	[tilespmem:s4+$0xFFFFFFE0] =	vst v0;
	v0 =	vmul.f32 v9, v5  }
0x185: {  	[tilespmem:s4+$0xFFFFFFF0] =	vst v1;
	v1 =	vmul.f32 v4, v5;
	v4 =	vld [tilespmem:s4+$0x60]  }
0x186: {  	[tilespmem:s4+$0x0] =	vst v0;
	v0 =	vmul.f32 v7, v5;
	v7 =	vld [tilespmem:s4+$0x70]  }
0x187: {  	[tilespmem:s4+$0x10] =	vst v1;
	v1 =	vmul.f32 v2, v5;
	v2 =	vld [tilespmem:s4+$0x80]  }
0x188: {  	[tilespmem:s4+$0x20] =	vst v0;
	v0 =	vmul.f32 v3, v5;
	v3 =	vld [tilespmem:s4+$0x90]  }
0x189: {  	[tilespmem:s4+$0x30] =	vst v1;
	v1 =	vmul.f32 v8, v5;
	v8 =	vld [tilespmem:s4+$0xA0]  }
0x18a: {  	[tilespmem:s4+$0x40] =	vst v0;
	v0 =	vmul.f32 v4, v5;
	v4 =	vld [tilespmem:s4+$0xB0]  }
0x18b: {  	[tilespmem:s4+$0x50] =	vst v1;
	v1 =	vmul.f32 v7, v5;
	v5 =	vld [tilespmem:s4+$0xC0]  }
0x18c: {  	[tilespmem:s4+$0x60] =	vst v0;
	v0 =	vmul.f32 v2, v6;
	v2 =	vld [tilespmem:s4+$0xD0]  }
0x18d: {  	[tilespmem:s4+$0x70] =	vst v1;
	v1 =	vmul.f32 v3, v6;
	v3 =	vld [tilespmem:s4+$0xE0]  }
0x18e: {  	[tilespmem:s4+$0x80] =	vst v0;
	v0 =	vmul.f32 v8, v6  }
0x18f: {  	[tilespmem:s4+$0x90] =	vst v1;
	v1 =	vmul.f32 v4, v6  }
0x190: {  	[tilespmem:s4+$0xA0] =	vst v0;
	v0 =	vmul.f32 v5, v6  }
0x191: {  	[tilespmem:s4+$0xB0] =	vst v1;
	v1 =	vmul.f32 v2, v6  }
0x192: {  	[tilespmem:s4+$0xC0] =	vst v0;
	v0 =	vmul.f32 v3, v6  }
0x193: {  	s31 =	simm.s32 $0x0;
	[tilespmem:s4+$0xD0] =	vst v1  }
0x194: {  	s7 =	simm.s32 $0x3;
	[tilespmem:s4+$0xE0] =	vst v0;
	v0 =	vmov s31  }
0x195: {  	v1 =	vmov s7;
	[spmem:s2] =	stream.indirect.scatter.add.f32 [tilespmem:s18], [sflag:$0x3], $0x80, s24, s21, $0xb8;
	v0 =	vand.u32 $0x7C, v0;
	[tilespmem:$0x1C000] =	vst v63  }
0x196: {  	v1 =	vand.u32 $0x7F, v1;
	_ =	swait.ge [sflag:s25], $0x4000;
	v0 =	vor.u32 $0x180, v0  }
0x197: {  	v1 =	vor.u32 $0x180, v1;
	[sflag:s25] =	ssyncset.done $0x0;
	v0 =	vbroadcast v0, $0x0  }
0x198: {  	s13 =	sadd.s32 s30, s12;
	v1 =	vbroadcast v1, $0x0;
	[sflag:s25] =	ssyncadd.s32 $0xFFFFC000  }
0x199: {  	[tilespmem:s19], [sflag:$0x2] =	stream.linear.gather [hbm4b:s13+s31], $0x4000, $0x38;
	[tilespmem:$0x1C000] =	vst v63  }
0x19a: {  	_ =	swait.ge [sflag:s22], $0x4000  }
0x19b: {  	[sflag:s22] =	ssyncset.done $0x0  }
0x19c: {  	[sflag:s22] =	ssyncadd.s32 $0xFFFFC000  }
0x19d: {  	s31 =	simm.s32 $0x1;
	v2 =	vld.idx.msk [tilespmem:v0+s17+$0x0], $0xffff  }
0x19e: {  	s30 =	simm.s32 $0x4500;
	v3 =	vmov s31;
	v0 =	vld.idx.msk [tilespmem:v1+s17+$0x0], $0xffff  }
0x19f: {  	v1 =	vand.u32 $0x7D, v3;
	v3 =	vld [tilespmem:s30+$0xF0]  }
0x1a0: {  	v4 =	vld [tilespmem:s30+$0xFFFFFF00]  }
0x1a1: {  	v5 =	vld [tilespmem:s30+$0xFFFFFF10]  }
0x1a2: {  	v6 =	vld [tilespmem:s30+$0xFFFFFF20];
	v1 =	vor.u32 $0x180, v1  }
0x1a3: {  	v7 =	vld [tilespmem:s30+$0xFFFFFF30];
	v1 =	vbroadcast v1, $0x0  }
0x1a4: {  	v8 =	vld [tilespmem:s30+$0xFFFFFF40]  }
0x1a5: {  	v9 =	vld [tilespmem:s30+$0xFFFFFF50];
	v4 =	vmul.f32 v4, v2  }
0x1a6: {  	v10 =	vld [tilespmem:s30+$0xFFFFFF60];
	v3 =	vmul.f32 v3, v0  }
0x1a7: {  	[tilespmem:s30+$0xFFFFFF00] =	vst v4;
	v4 =	vld [tilespmem:s30+$0xFFFFFF70]  }
0x1a8: {  	s4 =	simm.s32 $0x2;
	v5 =	vmul.f32 v5, v2;
	[tilespmem:s30+$0xF0] =	vst v3;
	v3 =	vmul.f32 v6, v2;
	v6 =	vld [tilespmem:s30+$0xFFFFFF90]  }
0x1a9: {  	v11 =	vmov s4;
	v62 =	vld.idx.msk [tilespmem:v1+s17+$0x0], $0xffff  }
0x1aa: {  	[tilespmem:s30+$0xFFFFFF10] =	vst v5;
	v5 =	vmul.f32 v7, v2;
	v1 =	vand.u32 $0x7E, v11;
	v11 =	vld [tilespmem:s30+$0xFFFFFF80]  }
0x1ab: {  	v10 =	vmul.f32 v10, v2;
	v7 =	vld [tilespmem:s30+$0xFFFFFFA0];
	v1 =	vor.u32 $0x180, v1;
	[tilespmem:s30+$0xFFFFFF20] =	vst v3;
	v3 =	vmul.f32 v8, v2  }
0x1ac: {  	v8 =	vld [tilespmem:s30+$0xFFFFFFB0];
	[tilespmem:s30+$0xFFFFFF30] =	vst v5;
	v5 =	vmul.f32 v9, v2;
	v1 =	vbroadcast v1, $0x0  }
0x1ad: {  	[tilespmem:s30+$0xFFFFFF60] =	vst v10;
	v9 =	vld [tilespmem:s30+$0xFFFFFFC0]  }
0x1ae: {  	[tilespmem:s30+$0xFFFFFF50] =	vst v5;
	v5 =	vld [tilespmem:s30+$0xFFFFFFE0];
	v2 =	vmul.f32 v4, v2  }
0x1af: {  	[tilespmem:s30+$0xFFFFFF40] =	vst v3;
	v4 =	vld [tilespmem:s30+$0xFFFFFFF0];
	v3 =	vmul.f32 v11, v62  }
0x1b0: {  	v11 =	vld [tilespmem:s30+$0xFFFFFFD0];
	[tilespmem:s30+$0xFFFFFF70] =	vst v2;
	v2 =	vmul.f32 v7, v62  }
0x1b1: {  	[tilespmem:s30+$0xFFFFFF80] =	vst v3;
	v3 =	vmul.f32 v6, v62;
	v6 =	vld [tilespmem:s30+$0x0]  }
0x1b2: {  	v1 =	vld.idx.msk [tilespmem:v1+s17+$0x0], $0xffff;
	[tilespmem:s30+$0xFFFFFFA0] =	vst v2;
	v2 =	vmul.f32 v9, v62  }
0x1b3: {  	v7 =	vld [tilespmem:s30+$0x10];
	[tilespmem:s30+$0xFFFFFF90] =	vst v3;
	v3 =	vmul.f32 v8, v62  }
0x1b4: {  	v5 =	vmul.f32 v5, v62;
	v8 =	vld [tilespmem:s30+$0x20];
	[tilespmem:s30+$0xFFFFFFC0] =	vst v2  }
0x1b5: {  	s7 =	simm.s32 $0x4;
	v9 =	vld [tilespmem:s30+$0x30];
	[tilespmem:s30+$0xFFFFFFB0] =	vst v3;
	v3 =	vmul.f32 v11, v62  }
0x1b6: {  	s13 =	simm.s32 $0x5;
	v10 =	vmov s7;
	v2 =	vld [tilespmem:s30+$0x40];
	[tilespmem:s30+$0xFFFFFFE0] =	vst v5;
	v11 =	vmul.f32 v4, v62  }
0x1b7: {  	v63 =	vmov s13;
	s31 =	simm.s32 $0x6;
	v10 =	vand.u32 $0x7C, v10;
	[tilespmem:s30+$0xFFFFFFD0] =	vst v3;
	v6 =	vmul.f32 v6, v1;
	v3 =	vld [tilespmem:s30+$0x50]  }
0x1b8: {  	v5 =	vor.u32 $0x180, v10;
	v10 =	vmov s31;
	v4 =	vld [tilespmem:s30+$0x60];
	v7 =	vmul.f32 v7, v1;
	[tilespmem:s30+$0xFFFFFFF0] =	vst v11  }
0x1b9: {  	v10 =	vand.u32 $0x7E, v10;
	v11 =	vand.u32 $0x7D, v63;
	v8 =	vmul.f32 v8, v1;
	[tilespmem:s30+$0x0] =	vst v6;
	v6 =	vld [tilespmem:s30+$0x70]  }
0x1ba: {  	s0 =	simm.s32 $0x4500;
	s4 =	simm.s32 $0x8;
	s7 =	simm.s32 $0x7;
	v5 =	vbroadcast v5, $0x0;
	v9 =	vmul.f32 v9, v1;
	v11 =	vor.u32 $0x180, v11;
	[tilespmem:s30+$0x10] =	vst v7;
	v7 =	vld [tilespmem:s30+$0x80]  }
.LBB2_9:
0x1bb: {  	p0 =	slt.u32 s4, $0x7C;
	v10 =	vor.u32 $0x180, v10;
	v12 =	vmov s7;
	[tilespmem:s30+$0x20] =	vst v8;
	v2 =	vmul.f32 v2, v1;
	v8 =	vld [tilespmem:s30+$0x90]  }
0x1bc: {  	v11 =	vbroadcast v11, $0x0;
	v12 =	vand.u32 $0x7F, v12;
	[tilespmem:s30+$0x30] =	vst v9;
	v3 =	vmul.f32 v3, v1;
	v9 =	vld [tilespmem:s30+$0xA0]  }
0x1bd: {  	v10 =	vbroadcast v10, $0x0;
	v12 =	vor.u32 $0x180, v12;
	[tilespmem:s30+$0x40] =	vst v2;
	v2 =	vmul.f32 v4, v1;
	v4 =	vld [tilespmem:s30+$0xB0]  }
0x1be: {  	v12 =	vbroadcast v12, $0x0;
	[tilespmem:s30+$0x50] =	vst v3;
	v1 =	vmul.f32 v6, v1;
	v3 =	vld [tilespmem:s30+$0xC0]  }
0x1bf: {  	[tilespmem:s30+$0x60] =	vst v2;
	v2 =	vmul.f32 v7, v0;
	v6 =	vld [tilespmem:s30+$0xD0]  }
0x1c0: {  	[tilespmem:s30+$0x70] =	vst v1;
	v1 =	vmul.f32 v8, v0;
	v7 =	vld [tilespmem:s30+$0xE0]  }
0x1c1: {  	v5 =	vld.idx.msk [tilespmem:v5+s17+$0x0], $0xffff;
	[tilespmem:s30+$0x80] =	vst v2;
	v2 =	vmul.f32 v9, v0  }
0x1c2: {  	v8 =	vld.idx.msk [tilespmem:v11+s17+$0x0], $0xffff;
	[tilespmem:s30+$0x90] =	vst v1;
	v4 =	vmul.f32 v4, v0  }
0x1c3: {  	v1 =	vld.idx.msk [tilespmem:v10+s17+$0x0], $0xffff;
	[tilespmem:s30+$0xA0] =	vst v2;
	v2 =	vmul.f32 v3, v0  }
0x1c4: {  	s30 =	sadd.s32 $0x200, s30;
	v3 =	vld.idx.msk [tilespmem:v12+s17+$0x0], $0xffff;
	[tilespmem:s0+$0xB0] =	vst v4;
	v4 =	vmul.f32 v6, v0  }
0x1c5: {  	v6 =	vld [tilespmem:s30+$0xF0];
	[tilespmem:s0+$0xC0] =	vst v2;
	v0 =	vmul.f32 v7, v0  }
0x1c6: {  	v2 =	vld [tilespmem:s30+$0xFFFFFF00];
	[tilespmem:s0+$0xD0] =	vst v4  }
0x1c7: {  	v4 =	vld [tilespmem:s30+$0xFFFFFF10];
	[tilespmem:s0+$0xE0] =	vst v0;
	s0 =	smov.u32 s30  }
0x1c8: {  	v7 =	vld [tilespmem:s30+$0xFFFFFF20]  }
0x1c9: {  	v9 =	vld [tilespmem:s30+$0xFFFFFF30]  }
0x1ca: {  	v0 =	vmov v3;
	v10 =	vld [tilespmem:s30+$0xFFFFFF40];
	v6 =	vmul.f32 v6, v3  }
0x1cb: {  	v2 =	vmul.f32 v2, v5;
	v3 =	vld [tilespmem:s30+$0xFFFFFF50]  }
0x1cc: {  	v4 =	vmul.f32 v4, v5;
	v11 =	vld [tilespmem:s30+$0xFFFFFF60];
	[tilespmem:s30+$0xF0] =	vst v6  }
0x1cd: {  	[tilespmem:s30+$0xFFFFFF00] =	vst v2;
	v2 =	vmul.f32 v7, v5;
	v6 =	vld [tilespmem:s30+$0xFFFFFF70]  }
0x1ce: {  	[tilespmem:s30+$0xFFFFFF10] =	vst v4;
	v4 =	vmul.f32 v9, v5;
	v7 =	vld [tilespmem:s30+$0xFFFFFF80]  }
0x1cf: {  	[tilespmem:s30+$0xFFFFFF20] =	vst v2;
	v2 =	vmul.f32 v10, v5;
	v9 =	vld [tilespmem:s30+$0xFFFFFF90]  }
0x1d0: {  	[tilespmem:s30+$0xFFFFFF30] =	vst v4;
	v3 =	vmul.f32 v3, v5;
	v4 =	vld [tilespmem:s30+$0xFFFFFFA0]  }
0x1d1: {  	[tilespmem:s30+$0xFFFFFF40] =	vst v2;
	v2 =	vmul.f32 v11, v5;
	v10 =	vld [tilespmem:s30+$0xFFFFFFB0]  }
0x1d2: {  	[tilespmem:s30+$0xFFFFFF50] =	vst v3;
	v3 =	vmul.f32 v6, v5;
	v5 =	vld [tilespmem:s30+$0xFFFFFFC0]  }
0x1d3: {  	[tilespmem:s30+$0xFFFFFF60] =	vst v2;
	v2 =	vmul.f32 v7, v8;
	v6 =	vld [tilespmem:s30+$0xFFFFFFD0]  }
0x1d4: {  	[tilespmem:s30+$0xFFFFFF70] =	vst v3;
	v3 =	vmul.f32 v9, v8;
	v7 =	vld [tilespmem:s30+$0xFFFFFFE0]  }
0x1d5: {  	[tilespmem:s30+$0xFFFFFF80] =	vst v2;
	v2 =	vmul.f32 v4, v8;
	v4 =	vld [tilespmem:s30+$0xFFFFFFF0]  }
0x1d6: {  	[tilespmem:s30+$0xFFFFFF90] =	vst v3;
	v3 =	vmul.f32 v10, v8;
	v9 =	vld [tilespmem:s30+$0x0]  }
0x1d7: {  	[tilespmem:s30+$0xFFFFFFA0] =	vst v2;
	v2 =	vmul.f32 v5, v8;
	v5 =	vld [tilespmem:s30+$0x10]  }
0x1d8: {  	[tilespmem:s30+$0xFFFFFFB0] =	vst v3;
	v3 =	vmul.f32 v6, v8;
	v6 =	vld [tilespmem:s30+$0x20]  }
0x1d9: {  	[tilespmem:s30+$0xFFFFFFC0] =	vst v2;
	v7 =	vmul.f32 v7, v8;
	v12 =	vld [tilespmem:s30+$0x30]  }
.Ltmp3:
0x1da: {  	s7 =	sadd.s32 $0x1, s4;
	v10 =	vmov s4;
	[tilespmem:s30+$0xFFFFFFD0] =	vst v3;
	v4 =	vmul.f32 v4, v8;
	v2 =	vld [tilespmem:s30+$0x40];
	(pc) =	sbr.rel @p0 .LBB2_9-.Ltmp3, $4  }
0x1db: {  	v8 =	vand.u32 $0x7C, v10;
	v10 =	vmov s7;
	s7 =	sadd.s32 $0x2, s4;
	[tilespmem:s30+$0xFFFFFFE0] =	vst v7;
	v7 =	vmul.f32 v9, v1;
	v3 =	vld [tilespmem:s30+$0x50]  }
0x1dc: {  	v9 =	vor.u32 $0x180, v8;
	v8 =	vmov s7;
	[tilespmem:s30+$0xFFFFFFF0] =	vst v4;
	v13 =	vmul.f32 v5, v1;
	v4 =	vld [tilespmem:s30+$0x60]  }
0x1dd: {  	v11 =	vand.u32 $0x7D, v10;
	v10 =	vand.u32 $0x7E, v8;
	[tilespmem:s30+$0x0] =	vst v7;
	v8 =	vmul.f32 v6, v1;
	v6 =	vld [tilespmem:s30+$0x70]  }
0x1de: {  	s7 =	sadd.s32 $0x3, s4;
	s4 =	sadd.s32 $0x4, s4;
	v5 =	vbroadcast v9, $0x0;
	v11 =	vor.u32 $0x180, v11;
	[tilespmem:s30+$0x10] =	vst v13;
	v9 =	vmul.f32 v12, v1;
	v7 =	vld [tilespmem:s30+$0x80]  }
0x1df: {  	v13 =	vld [tilespmem:s30+$0x90]  }
0x1e0: {  	v14 =	vld [tilespmem:s30+$0xA0]  }
0x1e1: {  	v15 =	vld [tilespmem:s30+$0xB0]  }
0x1e2: {  	v16 =	vld [tilespmem:s30+$0xC0]  }
0x1e3: {  	[tilespmem:s30+$0x20] =	vst v8;
	v2 =	vmul.f32 v2, v1;
	v42 =	vld [tilespmem:s30+$0xD0]  }
0x1e4: {  	v43 =	vld [tilespmem:s30+$0xE0];
	[tilespmem:s30+$0x30] =	vst v9;
	v3 =	vmul.f32 v3, v1  }
0x1e5: {  	s4 =	sadd.s32 $0x200, s30;
	v45 =	vld.idx.msk [tilespmem:v5+s17+$0x0], $0xffff;
	[tilespmem:s30+$0x40] =	vst v2;
	v44 =	vmul.f32 v4, v1  }
0x1e6: {  	v51 =	vld [tilespmem:s4+$0xF0];
	[tilespmem:s30+$0x50] =	vst v3;
	v46 =	vmul.f32 v6, v1  }
0x1e7: {  	v53 =	vld [tilespmem:s4+$0xFFFFFF00];
	[tilespmem:s30+$0x60] =	vst v44;
	v48 =	vmul.f32 v7, v0  }
0x1e8: {  	v55 =	vld [tilespmem:s4+$0xFFFFFF10];
	[tilespmem:s30+$0x70] =	vst v46;
	v49 =	vmul.f32 v13, v0  }
0x1e9: {  	v57 =	vld [tilespmem:s4+$0xFFFFFF20];
	v50 =	vmul.f32 v14, v0;
	[tilespmem:s30+$0x80] =	vst v48  }
0x1ea: {  	v11 =	vbroadcast v11, $0x0;
	v59 =	vld [tilespmem:s4+$0xFFFFFF30];
	v52 =	vmul.f32 v15, v0;
	[tilespmem:s30+$0x90] =	vst v49  }
0x1eb: {  	v60 =	vld [tilespmem:s4+$0xFFFFFF40];
	v54 =	vmul.f32 v16, v0;
	[tilespmem:s30+$0xA0] =	vst v50  }
0x1ec: {  	v62 =	vld [tilespmem:s4+$0xFFFFFF50];
	v56 =	vmul.f32 v42, v0;
	[tilespmem:s0+$0xB0] =	vst v52  }
0x1ed: {  	v17 =	vld [tilespmem:s4+$0xFFFFFF90];
	v58 =	vmul.f32 v43, v0;
	[tilespmem:s0+$0xC0] =	vst v54  }
0x1ee: {  	v14 =	vld [tilespmem:s4+$0xFFFFFF70];
	v61 =	vmul.f32 v53, v45;
	[tilespmem:s0+$0xD0] =	vst v56  }
0x1ef: {  	v15 =	vld [tilespmem:s4+$0xFFFFFF80];
	v63 =	vmul.f32 v55, v45;
	[tilespmem:s0+$0xE0] =	vst v58  }
0x1f0: {  	v47 =	vld.idx.msk [tilespmem:v11+s17+$0x0], $0xffff;
	v13 =	vmul.f32 v57, v45;
	[tilespmem:s4+$0xFFFFFF00] =	vst v61  }
0x1f1: {  	v10 =	vor.u32 $0x180, v10;
	v19 =	vld [tilespmem:s4+$0xFFFFFFA0];
	v2 =	vmul.f32 v59, v45;
	[tilespmem:s4+$0xFFFFFF10] =	vst v63  }
0x1f2: {  	v10 =	vbroadcast v10, $0x0;
	v21 =	vld [tilespmem:s4+$0xFFFFFFB0];
	v16 =	vmul.f32 v60, v45;
	[tilespmem:s4+$0xFFFFFF20] =	vst v13  }
0x1f3: {  	v23 =	vld [tilespmem:s4+$0xFFFFFFC0];
	v18 =	vmul.f32 v62, v45;
	[tilespmem:s4+$0xFFFFFF30] =	vst v2  }
0x1f4: {  	v25 =	vld [tilespmem:s4+$0xFFFFFFD0];
	[tilespmem:s4+$0xFFFFFF40] =	vst v16;
	v22 =	vmul.f32 v14, v45  }
0x1f5: {  	v12 =	vmov s7;
	v26 =	vld [tilespmem:s4+$0xFFFFFFE0];
	[tilespmem:s4+$0xFFFFFF50] =	vst v18;
	v24 =	vmul.f32 v15, v47  }
0x1f6: {  	v12 =	vand.u32 $0x7F, v12;
	v28 =	vld [tilespmem:s4+$0xFFFFFFF0];
	v1 =	vmul.f32 v17, v47;
	[tilespmem:s4+$0xFFFFFF70] =	vst v22  }
0x1f7: {  	v30 =	vld [tilespmem:s4+$0x0];
	v12 =	vor.u32 $0x180, v12;
	v27 =	vmul.f32 v19, v47;
	[tilespmem:s4+$0xFFFFFF80] =	vst v24  }
0x1f8: {  	v12 =	vbroadcast v12, $0x0;
	v5 =	vld.idx.msk [tilespmem:v10+s17+$0x0], $0xffff;
	v29 =	vmul.f32 v21, v47;
	[tilespmem:s4+$0xFFFFFF90] =	vst v1  }
0x1f9: {  	v32 =	vld [tilespmem:s4+$0x10];
	v31 =	vmul.f32 v23, v47;
	[tilespmem:s4+$0xFFFFFFA0] =	vst v27  }
0x1fa: {  	v34 =	vld [tilespmem:s4+$0x20];
	v33 =	vmul.f32 v25, v47;
	[tilespmem:s4+$0xFFFFFFB0] =	vst v29  }
0x1fb: {  	v38 =	vld [tilespmem:s4+$0x40];
	v35 =	vmul.f32 v26, v47;
	[tilespmem:s4+$0xFFFFFFC0] =	vst v31  }
0x1fc: {  	v40 =	vld [tilespmem:s4+$0x50];
	v37 =	vmul.f32 v28, v47;
	[tilespmem:s4+$0xFFFFFFD0] =	vst v33  }
0x1fd: {  	v44 =	vld [tilespmem:s4+$0x70];
	v39 =	vmul.f32 v30, v5;
	[tilespmem:s4+$0xFFFFFFE0] =	vst v35  }
0x1fe: {  	v6 =	vld.idx.msk [tilespmem:v12+s17+$0x0], $0xffff;
	v41 =	vmul.f32 v32, v5;
	[tilespmem:s4+$0xFFFFFFF0] =	vst v37  }
0x1ff: {  	v12 =	vld [tilespmem:s4+$0xFFFFFF60];
	v43 =	vmul.f32 v34, v5;
	[tilespmem:s4+$0x0] =	vst v39  }
0x200: {  	v36 =	vld [tilespmem:s4+$0x30];
	v47 =	vmul.f32 v38, v5;
	[tilespmem:s4+$0x10] =	vst v41  }
0x201: {  	v42 =	vld [tilespmem:s4+$0x60];
	v49 =	vmul.f32 v40, v5;
	[tilespmem:s4+$0x20] =	vst v43  }
0x202: {  	v46 =	vld [tilespmem:s4+$0x80];
	v53 =	vmul.f32 v44, v5;
	[tilespmem:s4+$0x40] =	vst v47  }
0x203: {  	v48 =	vld [tilespmem:s4+$0x90];
	v7 =	vmul.f32 v51, v6;
	[tilespmem:s4+$0x50] =	vst v49  }
0x204: {  	v50 =	vld [tilespmem:s4+$0xA0];
	v20 =	vmul.f32 v12, v45;
	[tilespmem:s4+$0x70] =	vst v53  }
0x205: {  	v52 =	vld [tilespmem:s4+$0xB0];
	v45 =	vmul.f32 v36, v5;
	[tilespmem:s4+$0xF0] =	vst v7  }
0x206: {  	v54 =	vld [tilespmem:s4+$0xC0];
	v51 =	vmul.f32 v42, v5;
	[tilespmem:s4+$0xFFFFFF60] =	vst v20  }
0x207: {  	v56 =	vld [tilespmem:s4+$0xD0];
	v55 =	vmul.f32 v46, v6;
	[tilespmem:s4+$0x30] =	vst v45  }
0x208: {  	v58 =	vld [tilespmem:s4+$0xE0];
	v57 =	vmul.f32 v48, v6;
	[tilespmem:s4+$0x60] =	vst v51  }
0x209: {  	v59 =	vmul.f32 v50, v6;
	[tilespmem:s4+$0x80] =	vst v55  }
0x20a: {  	s29 =	sadd.s32 $0x1, s29;
	v60 =	vmul.f32 v52, v6;
	[tilespmem:s4+$0x90] =	vst v57  }
0x20b: {  	p0 =	sne.s32 s29, $0x14;
	v61 =	vmul.f32 v54, v6;
	[tilespmem:s4+$0xA0] =	vst v59  }
.Ltmp4:
0x20c: {  	v62 =	vmul.f32 v56, v6;
	[tilespmem:s4+$0xB0] =	vst v60;
	(pc) =	sbr.rel @p0 .LBB2_2-.Ltmp4, $4  }
0x20d: {  	v63 =	vmul.f32 v58, v6;
	[tilespmem:s4+$0xC0] =	vst v61  }
0x20e: {  	[tilespmem:s4+$0xD0] =	vst v62  }
0x20f: {  	[tilespmem:s4+$0xE0] =	vst v63  }
0x210: {  	[spmem:s2] =	stream.indirect.scatter.add.f32 [tilespmem:s19], [sflag:$0x4], $0x80, s26, s21, $0xb8;
	[tilespmem:$0x1C000] =	vst v63  }
0x211: {  	_ =	swait.ge [sflag:s23], $0x4000  }
0x212: {  	[sflag:s23] =	ssyncset.done $0x0  }
0x213: {  	[sflag:s23] =	ssyncadd.s32 $0xFFFFC000  }
0x214: {  	_ =	swait.ge [sflag:s25], $0x4000  }
0x215: {  	[sflag:s25] =	ssyncset.done $0x0  }
0x216: {  	[sflag:s25] =	ssyncadd.s32 $0xFFFFC000  }
0x217: {  	[bflag:$0x0] =	sbarrier.arrive $0xFFFF  }
0x218: {  	[hbm:s14], [sflag:s8] =	dma.local [spmem:s15], $0x2780  }
0x219: {  	_ =	swait.ge [sflag:s16], $0x2780  }
0x21a: {  	s28 =	sadd.s32 $0x1, s28;
	s0 =	rddreg [dreg:$0x5]  }
0x21b: {  	p0 =	sne.s32 s28, s0  }
.Ltmp5:
0x21c: {  	_ = 	snop;
	(pc) =	sbr.rel @p0 .LBB2_1-.Ltmp5, $3  }
0x21d: {  	_ =	sdelay $0x1  }
0x21e: {  	[sflag:s16] =	ssyncset.done $0x0  }
0x21f: {  	[sflag:s16] =	ssyncadd.s32 $0xFFFFD880  }
0x220: {  	_ =	sfence.sel $0x180000  }
0x221: {  	[bflag:$0x0] =	sbarrier.arrive $0xFFFF  }
0x222: {  	_ =	strace $0x9000004D  }
0x223: {  	s0 =	stileid.u32;
	[bflag:$0x2] =	sbarrier.arrive $0xFFFF  }
0x224: {  	p0 =	sne.s32 s0, $0x0;
	s0 =	rddreg [dreg:$0x3]  }
0x225: {  	s0 =	sadd.s32 @!p0 $0x100000, s0  }
0x226: {  	[sflag:s0] =	ssyncadd.tile.s32 @!p0 $0x1;
	_ =	shalt  }
.Lfunc_end2:
_tile_overlayer_lowered:
.L_overlay_start_2:
0x227: {  	(tag) =	ssettag $0x2  }
0x228: {  	s0 =	rddreg [dreg:$0x0];
	s2 =	stileid.u32  }
0x229: {  	s1 =	rddreg [dreg:$0x1];
	p0 =	sne.s32 s2, $0x0  }
0x22a: {  	s3 =	rddreg [dreg:$0x2];
	[bflag:$0x3] =	sbarrier.arrive $0xFFFF;
	s2 =	simm.s32 @!p0 $0x1C05  }
0x22b: {  	[timem:s3], [sflag:s2] =	dma.local @!p0 [hbm:s0], s1  }
0x22c: {  	s0 =	simm.s32 @!p0 $0x5  }
0x22d: {  	_ =	swait.ge @!p0 [sflag:s0], s1  }
0x22e: {  	s1 =	ssub.s32 @!p0 $0x0, s1;
	[sflag:s0] =	ssyncset.done @!p0 $0x0  }
0x22f: {  	[sflag:s0] =	ssyncadd.s32 @!p0 s1  }
0x230: {  	[bflag:$0x3] =	sbarrier.arrive $0xFFFF  }
0x231: {  	_ =	shalt  }

// kernel: kernel.9.cloned.1.call-start
scs
__scs_entry_jumppad:
0x0: {  	(pc) =	sbr.rel $0x88, $3  }
0x1: {  	(tag) =	ssettag $0x0;
	lr =	simm.s32 $0x1  }
0x2: {  	[smem:$0x3F99] =	sst lr;
	_ =	strace $0xD0000000  }
0x3: {  	_ = 	snop  }
0x4: {  	_ = 	snop  }
0x5: {  	_ = 	snop  }
0x6: {  	_ = 	snop  }
0x7: {  	_ = 	snop  }
__scs_overlays_trampoline_lowered:
0x8: {  	[smem:$0x3FA8] =	sst s0  }
0x9: {  	[smem:$0x3FA9] =	sst s1  }
0xa: {  	[smem:$0x3FAA] =	sst s2  }
0xb: {  	[smem:$0x3FAB] =	sst s3  }
0xc: {  	[smem:$0x3FAC] =	sst s4  }
0xd: {  	[smem:$0x3FAD] =	sst s5  }
0xe: {  	[smem:$0x3FAE] =	sst s6  }
0xf: {  	[smem:$0x3FAF] =	sst s7  }
0x10: {  	[smem:$0x3FB0] =	sst s8  }
0x11: {  	[smem:$0x3FB1] =	sst s9;
	s0 =	simm.s32 @!p0 $0x0  }
0x12: {  	s1 =	sld [smem:$0x3F97];
	s0 =	simm.s32 @p0 $0x1  }
0x13: {  	[smem:$0x3FB2] =	sst s0;
	s0 =	simm.s32 @!p1 $0x0  }
0x14: {  	s2 =	sld [smem:$0x3F96];
	s0 =	simm.s32 @p1 $0x1  }
0x15: {  	[smem:$0x3FB3] =	sst s0;
	s0 =	simm.s32 @!p2 $0x0  }
0x16: {  	s3 =	sld [smem:$0x3FDB];
	s0 =	simm.s32 @p2 $0x1  }
0x17: {  	s4 =	simm.s32 $0x1BF5;
	[smem:$0x3FB5] =	sst s0  }
0x18: {  	s0 =	sld [smem:$0x3F98];
	_ =	swait.ge [sflag:s4], $0x0  }
0x19: {  	s7 =	sld [smem:$0x3F99]  }
0x1a: {  	s8 =	sadd.s32 $0xFFFFE003, lr  }
0x1b: {  	s9 =	sadd.s32 $0xFFFFFEF7, lr;
	s5 =	simm.s32 $0xFFFFFFFF;
	p2 =	slt.u32 s8, $0xFFFFF086  }
0x1c: {  	p1 =	slt.u32 s9, $0xF7A;
	s5 =	simm.s32 @!p2 $0x0  }
0x1d: {  	s5 =	simm.s32 @p1 $0x1;
	p0 =	seq.s32 s7, s2  }
0x1e: {  	s7 =	smul.u32 @!p0 $0xF7A, s2;
	p2 =	seq.s32 @!p0 s5, $0x0  }
0x1f: {  	s9 =	smul.u32 $0xF7A, s1;
	s8 =	simm.s32 @!p0 $0x1BF5;
	p2 =	por !p2, p0  }
0x20: {  	[sflag:s8] =	ssyncset.s32 @!p0 $0xFFFFF086;
	s6 =	sadd.s32 @!p0 s3, s7;
	s7 =	simm.s32 @!p0 $0x108  }
0x21: {  	s3 =	sadd.s32 s3, s9;
	s6 =	sadd.s32 @!p0 $0x88, s6;
	s7 =	simm.s32 @p2 $0x1082  }
0x22: {  	[simem:s7], [sflag:s8] =	dma.local @!p0 [hbm:s6], $0xF7A  }
0x23: {  	s9 =	sor.u32 $0xD0000000, s2;
	s6 =	simm.s32 $0x108;
	_ =	swait.ge @!p0 [sflag:s8], $0x0  }
0x24: {  	s3 =	sadd.s32 $0x88, s3;
	s6 =	simm.s32 @!p1 $0x1082;
	[sflag:s4] =	ssyncset.s32 $0xFFFFF086  }
0x25: {  	[simem:s6], [sflag:s4] =	dma.local [hbm:s3], $0xF7A  }
0x26: {  	[smem:$0x3F99] =	sst s1;
	(tag) =	ssettag s2;
	_ =	strace s9  }
0x27: {  	s1 =	sld [smem:$0x3FA9]  }
0x28: {  	s2 =	sld [smem:$0x3FAA]  }
0x29: {  	s4 =	sld [smem:$0x3FAC]  }
0x2a: {  	p0 =	seq.s32 s5, $0x0;
	s5 =	sld [smem:$0x3FAD]  }
0x2b: {  	s6 =	sld [smem:$0x3FAE]  }
0x2c: {  	s7 =	sld [smem:$0x3FAF]  }
0x2d: {  	s3 =	simm.s32 $0x108;
	s8 =	sld [smem:$0x3FB0]  }
0x2e: {  	s3 =	simm.s32 @!p0 $0x1082;
	s9 =	sld [smem:$0x3FB1]  }
0x2f: {  	lr =	sadd.s32 s0, s3;
	s0 =	sld [smem:$0x3FA8]  }
0x30: {  	s3 =	sld [smem:$0x3FAB]  }
0x31: {  	[smem:$0x3FB4] =	sst s10  }
0x32: {  	s10 =	sld [smem:$0x3FB2];
	_ =	sdelay $0x3  }
0x33: {  	p0 =	seq.s32 s10, $0x1;
	s10 =	sld [smem:$0x3FB4];
	_ =	sdelay $0x3  }
0x34: {  	[smem:$0x3FB4] =	sst s10  }
0x35: {  	s10 =	sld [smem:$0x3FB3];
	_ =	sdelay $0x3  }
0x36: {  	p1 =	seq.s32 s10, $0x1;
	s10 =	sld [smem:$0x3FB4];
	_ =	sdelay $0x3  }
0x37: {  	[smem:$0x3FB4] =	sst s10  }
0x38: {  	s10 =	sld [smem:$0x3FB5]  }
0x39: {  	_ = 	snop;
	(pc) =	sbr.ind lr, $3  }
0x3a: {  	_ = 	snop  }
0x3b: {  	_ = 	snop  }
0x3c: {  	p2 =	seq.s32 s10, $0x1;
	s10 =	sld [smem:$0x3FB4]  }
0x3d: {  	_ =	shalt  }
0x3e: {  	_ =	shalt  }
0x3f: {  	_ =	shalt  }
0x40: {  	_ =	shalt  }
0x41: {  	_ =	shalt  }
0x42: {  	_ =	shalt  }
0x43: {  	_ =	shalt  }
0x44: {  	_ =	shalt  }
0x45: {  	_ =	shalt  }
0x46: {  	_ =	shalt  }
0x47: {  	_ =	shalt  }
0x48: {  	_ =	shalt  }
0x49: {  	_ =	shalt  }
0x4a: {  	_ =	shalt  }
0x4b: {  	_ =	shalt  }
0x4c: {  	_ =	shalt  }
0x4d: {  	_ =	shalt  }
0x4e: {  	_ =	shalt  }
0x4f: {  	_ =	shalt  }
0x50: {  	_ =	shalt  }
0x51: {  	_ =	shalt  }
0x52: {  	_ =	shalt  }
0x53: {  	_ =	shalt  }
0x54: {  	_ =	shalt  }
0x55: {  	_ =	shalt  }
0x56: {  	_ =	shalt  }
0x57: {  	_ =	shalt  }
0x58: {  	_ =	shalt  }
0x59: {  	_ =	shalt  }
0x5a: {  	_ =	shalt  }
0x5b: {  	_ =	shalt  }
0x5c: {  	_ =	shalt  }
0x5d: {  	_ =	shalt  }
0x5e: {  	_ =	shalt  }
0x5f: {  	_ =	shalt  }
0x60: {  	_ =	shalt  }
0x61: {  	_ =	shalt  }
0x62: {  	_ =	shalt  }
0x63: {  	_ =	shalt  }
0x64: {  	_ =	shalt  }
0x65: {  	_ =	shalt  }
0x66: {  	_ =	shalt  }
0x67: {  	_ =	shalt  }
0x68: {  	_ =	shalt  }
0x69: {  	_ =	shalt  }
0x6a: {  	_ =	shalt  }
0x6b: {  	_ =	shalt  }
0x6c: {  	_ =	shalt  }
0x6d: {  	_ =	shalt  }
0x6e: {  	_ =	shalt  }
0x6f: {  	_ =	shalt  }
0x70: {  	_ =	shalt  }
0x71: {  	_ =	shalt  }
0x72: {  	_ =	shalt  }
0x73: {  	_ =	shalt  }
0x74: {  	_ =	shalt  }
0x75: {  	_ =	shalt  }
0x76: {  	_ =	shalt  }
0x77: {  	_ =	shalt  }
0x78: {  	_ =	shalt  }
0x79: {  	_ =	shalt  }
0x7a: {  	_ =	shalt  }
0x7b: {  	_ =	shalt  }
0x7c: {  	_ =	shalt  }
0x7d: {  	_ =	shalt  }
0x7e: {  	_ =	shalt  }
0x7f: {  	_ =	shalt  }
0x80: {  	_ =	shalt  }
0x81: {  	_ =	shalt  }
0x82: {  	_ =	shalt  }
0x83: {  	_ =	shalt  }
0x84: {  	_ =	shalt  }
0x85: {  	_ =	shalt  }
0x86: {  	_ =	shalt  }
0x87: {  	_ =	shalt  }
.Lfunc_end0:
.L_simem_size_0:
called_computation_lowered:
.L_overlay_start_0:
0x88: {  	s2 =	sld [smem:$0x3FD9]  }
0x89: {  	s3 =	sld [smem:$0x3FFE];
	_ =	sdelay $0x1  }
0x8a: {  	s1 =	srdreg.scid  }
0x8b: {  	s0 =	sand.u32 $0x1, s1  }
0x8c: {  	s17 =	sshll.u32 s0, $0xA;
	s2 =	sadd.s32 s3, s2  }
0x8d: {  	s2 =	sadd.s32 s2, s17  }
0x8e: {  	[smem:$0x3FC0] =	sst s2  }
0x8f: {  	_ = 	snop  }
0x90: {  	s2 =	sld [smem:$0x3FD0];
	(tm) =	ssettm $0x1  }
0x91: {  	s18 =	sld [smem:$0x3FFB];
	_ =	sdelay $0x3  }
0x92: {  	_ =	strace s18  }
0x93: {  	s3 =	sld [smem:$0x3FFC];
	_ =	sdelay $0x3  }
0x94: {  	_ =	strace s3  }
0x95: {  	s3 =	sld [smem:$0x3FFD];
	_ =	sdelay $0x3  }
0x96: {  	_ =	strace s3  }
0x97: {  	_ =	strace $0x8FFFFFFF  }
0x98: {  	s19 =	sld [smem:$0x3FDB];
	_ =	sdelay $0x1  }
0x99: {  	s4 =	simm.s32 $_scs_section_size  }
0x9a: {  	s5 =	simm.s32 $_size__tile_overlayer_lowered;
	s6 =	simm.s32 $_tile_overlayer_lowered  }
0x9b: {  	s22 =	simm.s32 $0x1BFF;
	s21 =	sshll.u32 s6, $0x1;
	s3 =	sadd.s32 s4, s19  }
0x9c: {  	s7 =	simm.s32 $0x0;
	s20 =	sshll.u32 s5, $0x1;
	s5 =	sadd.s32 s21, s3  }
0x9d: {  	[timem:s7], [sflag:s22] =	dma.local [hbm:s5], s20  }
0x9e: {  	_ =	swait.ge [sflag:s22], s20  }
0x9f: {  	s4 =	ssub.s32 $0x0, s20;
	[sflag:s22] =	ssyncset.done $0x0  }
0xa0: {  	[sflag:s22] =	ssyncadd.s32 s4;
	_ =	sdelay $0x1  }
0xa1: {  	s23 =	simm.s32 $0x1B8B  }
0xa2: {  	_ =	swait.ge [sflag:s23], $0x1  }
0xa3: {  	[sflag:s23] =	ssyncset.done $0x0  }
0xa4: {  	s25 =	simm.s32 $0x1B8E;
	s24 =	sld [smem:$0x3FFE];
	[sflag:s23] =	ssyncadd.s32 $0xFFFFFFFF  }
0xa5: {  	s26 =	simm.s32 $execute0_lowered;
	[smem:$0x3FD2] =	sst s25  }
0xa6: {  	s5 =	sshll.u32 s26, $0x1;
	_ =	strace $0x80000046;
	[dreg:$0x1] =	wrdreg $0xFFFFFFFF  }
0xa7: {  	s28 =	simm.s32 $_size_execute0_lowered;
	s3 =	sadd.s32 s3, s5;
	[dreg:$0x0] =	wrdreg $0x0  }
0xa8: {  	s5 =	sshll.u32 s28, $0x1;
	[dreg:$0x2] =	wrdreg s3  }
0xa9: {  	[dreg:$0x3] =	wrdreg s5  }
0xaa: {  	[dreg:$0x4] =	wrdreg $0xC0  }
0xab: {  	_ =	task [dreg:s7], $0x5FFFF  }
0xac: {  	[dreg:$0x1] =	wrdreg $0xFFFFFFFF  }
0xad: {  	[dreg:$0x0] =	wrdreg $0x60  }
0xae: {  	[dreg:$0x2] =	wrdreg s2  }
0xaf: {  	[dreg:$0x3] =	wrdreg s24  }
0xb0: {  	[dreg:$0x4] =	wrdreg $0x84000  }
0xb1: {  	[dreg:$0x5] =	wrdreg $0x9  }
0xb2: {  	_ =	task.clear_ibuf [dreg:s7], $0x6FFFF;
	_ =	strace $0x90000046  }
0xb3: {  	s29 =	simm.s32 $0x9;
	_ =	strace $0x80000048  }
0xb4: {  	_ =	swait.ge [sflag:s29], $0x1  }
0xb5: {  	[sflag:s29] =	ssyncadd.s32 $0xFFFFFFFF  }
0xb6: {  	_ =	strace $0x90000048  }
0xb7: {  	_ =	sfence  }
0xb8: {  	s30 =	sld [smem:$0x0];
	_ =	sdelay $0x2  }
0xb9: {  	s31 =	sshll.u32 s1, $0xD;
	s1 =	sshrl.u32 s1, $0x2  }
0xba: {  	s3 =	sand.u32 $0x4000, s31;
	s1 =	sadd.s32 s1, s30  }
0xbb: {  	s0 =	sor.u32 s3, s0;
	s1 =	sshll.u32 s1, $0x11  }
0xbc: {  	s0 =	sor.u32 s1, s0  }
0xbd: {  	s0 =	sadd.s32 $0x8F2B, s0  }
0xbe: {  	[sflag:s0] =	ssyncadd.remote.s32 $0x1  }
0xbf: {  	_ =	sfence.sel $0xFFFF  }
0xc0: {  	[dreg:$0x0] =	wrdreg $0xFFFFFFFF;
	(pc) =	sbr.abs _section_cstart, $3  }
0xc1: {  	[dreg:$0x1] =	wrdreg $0xFFFFFFFF  }
0xc2: {  	_ =	task.clear_ibuf [dreg:s7], $0x2FFFF;
	_ =	strace $0x9FFFFFFF  }
0xc3: {  	(tm) =	ssettm $0x7FFFFFFF  }
tec
execute0_lowered:
.L_overlay_start_1:
0x0: {  	(tag) =	ssettag $0x1  }
0x1: {  	s1 =	rddreg [dreg:$0x0]  }
0x2: {  	s12 =	stileid.u32;
	s6 =	rddreg [dreg:$0x1]  }
0x3: {  	s0 =	srdreg.scid;
	s3 =	rddreg [dreg:$0x2]  }
0x4: {  	s4 =	simm.s32 $0x0;
	s13 =	simm.s32 $0x200;
	s14 =	simm.s32 $0x80  }
0x5: {  	s15 =	simm.s32 $0x400;
	s16 =	simm.s32 $0x4400;
	s17 =	simm.s32 $0x1  }
0x6: {  	s18 =	simm.s32 $0x2;
	s19 =	simm.s32 $0x280;
	s20 =	simm.s32 $0x3  }
0x7: {  	s21 =	simm.s32 $0x5;
	s22 =	simm.s32 $0x100;
	s23 =	simm.s32 $0x300  }
0x8: {  	s24 =	simm.s32 $0x4;
	s28 =	simm.s32 $0x380;
	s2 =	smul.u32 $0xC, s12  }
0x9: {  	s29 =	simm.s32 $0x0;
	s0 =	sand.u32 $0x1, s0;
	s5 =	smul.u32 $0x1C, s12  }
0xa: {  	[smem:$0x7FF] =	sst s4;
	s25 =	sadd.s32 $0x16C00, s6;
	s7 =	sadd.s32 $0x19400, s6  }
0xb: {  	s8 =	smul.u32 $0x4F000, s12;
	s9 =	sadd.s32 $0x40C00, s6;
	s30 =	sshll.u32 s12, $0x6  }
0xc: {  	s12 =	smul.u32 $0x2780, s12;
	p0 =	seq.s32 s0, $0x0;
	_ =	strace $0x80000047  }
0xd: {  	[dreg:$0x6] =	wrdreg s25;
	s0 =	ssub.s32 $0x2, s0;
	s25 =	simm.s32 $0x6  }
0xe: {  	s2 =	sadd.s32 $0x1C0, s2;
	s26 =	sshrl.u32 s0, $0x1;
	s8 =	sshrl.u32 s8, $0x2  }
0xf: {  	s9 =	smov.u32 @p0 s7;
	s2 =	smov.u32 @p0 s5;
	s0 =	ssub.s32 s0, s26  }
0x10: {  	s11 =	sadd.s32 s8, s3;
	s8 =	simm.s32 $0x38000;
	s26 =	simm.s32 $0x180  }
0x11: {  	s5 =	sshll.u32 s2, $0x6;
	s2 =	sshll.u32 s2, $0xD;
	s8 =	simm.s32 @!p0 $0x18000  }
0x12: {  	s7 =	smax.u32 s0, $0x1;
	s11 =	sshrl.u32 s11, $0x3;
	s10 =	sadd.s32 s5, s6  }
0x13: {  	s2 =	sadd.s32 s2, s6;
	s6 =	sor.u32 $0x1C07, s30;
	[dreg:$0x4] =	wrdreg s8  }
0x14: {  	s8 =	sadd.s32 s9, s12;
	s12 =	simm.s32 $0x7;
	s31 =	sadd.s32 $0x68400, s2  }
0x15: {  	s9 =	sadd.s32 $0xCC00, s10;
	s10 =	sadd.s32 $0x2C00, s10;
	[dreg:$0x5] =	wrdreg s31  }
.LBB2_1:
0x16: {  	s0 =	rddreg [dreg:$0x6]  }
0x17: {  	[spmem:s11], [sflag:s6] =	dma.local [hbm:s0], $0x2780  }
0x18: {  	_ =	swait.ge [sflag:s12], $0x2780  }
0x19: {  	[sflag:s12] =	ssyncset.done $0x0  }
0x1a: {  	[sflag:s12] =	ssyncadd.s32 $0xFFFFD880  }
0x1b: {  	[bflag:$0x0] =	sbarrier.arrive $0xFFFF  }
0x1c: {  	[tilespmem:s4], [sflag:$0x7] =	stream.linear.gather [hbm4b:s10+s4], $0x200, $0x38;
	[tilespmem:$0x1C000] =	vst v63  }
0x1d: {  	_ =	swait.ge [sflag:s12], $0x200  }
0x1e: {  	[sflag:s12] =	ssyncset.done $0x0  }
0x1f: {  	[sflag:s12] =	ssyncadd.s32 $0xFFFFFE00  }
0x20: {  	[tilespmem:s13], [sflag:$0x7] =	stream.linear.gather [hbm4b:s9+s4], $0x200, $0x38;
	[tilespmem:$0x1C000] =	vst v63  }
0x21: {  	_ =	swait.ge [sflag:s12], $0x200  }
0x22: {  	p0 =	por $0x1, $0x1;
	[sflag:s12] =	ssyncset.done $0x0  }
0x23: {  	s0 =	simm.s32 @!p0 $0x3;
	[sflag:s12] =	ssyncadd.s32 $0xFFFFFE00  }
0x24: {  	_ =	swait.ge @!p0 [sflag:s0], $0x4000  }
0x25: {  	[sflag:s0] =	ssyncset.done @!p0 $0x0  }
0x26: {  	[sflag:s0] =	ssyncadd.s32 @!p0 $0xFFFFC000;
	s0 =	simm.s32 @!p0 $0x5  }
0x27: {  	_ =	swait.ge @!p0 [sflag:s0], $0x4000  }
0x28: {  	[sflag:s0] =	ssyncset.done @!p0 $0x0  }
0x29: {  	[sflag:s0] =	ssyncadd.s32 @!p0 $0xFFFFC000;
	s0 =	simm.s32 @!p0 $0x4  }
0x2a: {  	_ =	swait.ge @!p0 [sflag:s0], $0x4000  }
0x2b: {  	[sflag:s0] =	ssyncset.done @!p0 $0x0  }
0x2c: {  	[sflag:s0] =	ssyncadd.s32 @!p0 $0xFFFFC000;
	s0 =	simm.s32 @!p0 $0x6  }
0x2d: {  	_ =	swait.ge @!p0 [sflag:s0], $0x4000  }
0x2e: {  	[sflag:s0] =	ssyncset.done @!p0 $0x0  }
0x2f: {  	[sflag:s0] =	ssyncadd.s32 @!p0 $0xFFFFC000  }
0x30: {  	[tilespmem:s15], [sflag:$0x1] =	stream.indirect.gather [hbm4b:s1+s14], $0x80, s4, s14, $0xb8;
	[tilespmem:$0x1C000] =	vst v63  }
0x31: {  	_ = 	snop  }
0x32: {  	[tilespmem:s16], [sflag:$0x2] =	stream.indirect.gather [hbm4b:s1+s14], $0x80, s14, s14, $0xb8;
	[tilespmem:$0x1C000] =	vst v63  }
0x33: {  	_ =	swait.ge [sflag:s17], $0x4000  }
0x34: {  	[sflag:s17] =	ssyncset.done $0x0  }
0x35: {  	s2 =	rddreg [dreg:$0x5];
	[sflag:s17] =	ssyncadd.s32 $0xFFFFC000  }
0x36: {  	[spmem:s3] =	stream.indirect.scatter.add.f32 [tilespmem:s15], [sflag:$0x3], $0x80, s13, s14, $0xb8;
	[tilespmem:$0x1C000] =	vst v63  }
0x37: {  	s0 =	sadd.s32 $0x0, s2  }
0x38: {  	[hbm4b:s0+s4] =	stream.linear.scatter [tilespmem:s15], [sflag:$0x5], $0x4000, $0x38;
	[tilespmem:$0x1C000] =	vst v63  }
0x39: {  	_ =	swait.ge [sflag:s18], $0x4000  }
0x3a: {  	[sflag:s18] =	ssyncset.done $0x0  }
0x3b: {  	[sflag:s18] =	ssyncadd.s32 $0xFFFFC000  }
0x3c: {  	[spmem:s3] =	stream.indirect.scatter.add.f32 [tilespmem:s16], [sflag:$0x4], $0x80, s19, s14, $0xb8;
	[tilespmem:$0x1C000] =	vst v63  }
0x3d: {  	s2 =	sadd.s32 $0x800, s0  }
0x3e: {  	[hbm4b:s2+s4] =	stream.linear.scatter [tilespmem:s16], [sflag:$0x6], $0x4000, $0x38;
	[tilespmem:$0x1C000] =	vst v63  }
0x3f: {  	_ =	swait.ge [sflag:s20], $0x4000  }
0x40: {  	[sflag:s20] =	ssyncset.done $0x0  }
0x41: {  	[sflag:s20] =	ssyncadd.s32 $0xFFFFC000  }
0x42: {  	_ =	swait.ge [sflag:s21], $0x4000  }
0x43: {  	[sflag:s21] =	ssyncset.done $0x0  }
0x44: {  	[sflag:s21] =	ssyncadd.s32 $0xFFFFC000  }
0x45: {  	[tilespmem:s15], [sflag:$0x1] =	stream.indirect.gather [hbm4b:s1+s14], $0x80, s22, s14, $0xb8;
	[tilespmem:$0x1C000] =	vst v63  }
0x46: {  	_ =	swait.ge [sflag:s17], $0x4000  }
0x47: {  	[sflag:s17] =	ssyncset.done $0x0  }
0x48: {  	[sflag:s17] =	ssyncadd.s32 $0xFFFFC000  }
0x49: {  	[spmem:s3] =	stream.indirect.scatter.add.f32 [tilespmem:s15], [sflag:$0x3], $0x80, s23, s14, $0xb8;
	[tilespmem:$0x1C000] =	vst v63  }
0x4a: {  	s5 =	sadd.s32 $0x1000, s0  }
0x4b: {  	[hbm4b:s5+s4] =	stream.linear.scatter [tilespmem:s15], [sflag:$0x5], $0x4000, $0x38;
	[tilespmem:$0x1C000] =	vst v63  }
0x4c: {  	_ =	swait.ge [sflag:s24], $0x4000  }
0x4d: {  	[sflag:s24] =	ssyncset.done $0x0  }
0x4e: {  	[sflag:s24] =	ssyncadd.s32 $0xFFFFC000  }
0x4f: {  	_ =	swait.ge [sflag:s25], $0x4000  }
0x50: {  	[sflag:s25] =	ssyncset.done $0x0  }
0x51: {  	[sflag:s25] =	ssyncadd.s32 $0xFFFFC000  }
0x52: {  	[tilespmem:s16], [sflag:$0x2] =	stream.indirect.gather [hbm4b:s1+s14], $0x80, s26, s14, $0xb8;
	[tilespmem:$0x1C000] =	vst v63  }
0x53: {  	_ =	swait.ge [sflag:s18], $0x4000  }
0x54: {  	s5 =	rddreg [dreg:$0x4]  }
0x55: {  	p0 =	sne.s32 s5, $0x2000  }
.Ltmp0:
0x56: {  	_ = 	snop;
	(pc) =	sbr.rel @!p0 .LBB2_3-.Ltmp0, $4  }
0x57: {  	_ = 	snop  }
0x58: {  	s30 =	simm.s32 $0x2000;
	s31 =	sadd.s32 $0x40, s10;
	[sflag:s18] =	ssyncset.done $0x0  }
0x59: {  	s0 =	sadd.s32 $0x1800, s0;
	s2 =	sadd.s32 $0x40, s9;
	[sflag:s18] =	ssyncadd.s32 $0xFFFFC000  }
0x5a: {  	[spmem:s3] =	stream.indirect.scatter.add.f32 [tilespmem:s16], [sflag:$0x4], $0x80, s28, s14, $0xb8;
	[tilespmem:$0x1C000] =	vst v63  }
.LBB2_2:
0x5b: {  	[hbm4b:s0+s4] =	stream.linear.scatter [tilespmem:s16], [sflag:$0x6], $0x4000, $0x38;
	[tilespmem:$0x1C000] =	vst v63  }
0x5c: {  	_ = 	snop  }
0x5d: {  	[tilespmem:s4], [sflag:$0x7] =	stream.linear.gather [hbm4b:s31+s4], $0x200, $0x38;
	[tilespmem:$0x1C000] =	vst v63  }
0x5e: {  	_ =	swait.ge [sflag:s12], $0x200  }
0x5f: {  	[sflag:s12] =	ssyncset.done $0x0  }
0x60: {  	[sflag:s12] =	ssyncadd.s32 $0xFFFFFE00  }
0x61: {  	[tilespmem:s13], [sflag:$0x7] =	stream.linear.gather [hbm4b:s2+s4], $0x200, $0x38;
	[tilespmem:$0x1C000] =	vst v63  }
0x62: {  	s0 =	smov.u32 s30;
	_ =	swait.ge [sflag:s12], $0x200  }
0x63: {  	p0 =	seq.s32 s0, $0x0;
	[sflag:s12] =	ssyncset.done $0x0  }
0x64: {  	s5 =	simm.s32 @!p0 $0x3;
	[sflag:s12] =	ssyncadd.s32 $0xFFFFFE00  }
0x65: {  	_ =	swait.ge @!p0 [sflag:s5], $0x4000  }
0x66: {  	[sflag:s5] =	ssyncset.done @!p0 $0x0  }
0x67: {  	[sflag:s5] =	ssyncadd.s32 @!p0 $0xFFFFC000;
	s5 =	simm.s32 @!p0 $0x5  }
0x68: {  	_ =	swait.ge @!p0 [sflag:s5], $0x4000  }
0x69: {  	[sflag:s5] =	ssyncset.done @!p0 $0x0  }
0x6a: {  	[sflag:s5] =	ssyncadd.s32 @!p0 $0xFFFFC000;
	s5 =	simm.s32 @!p0 $0x4  }
0x6b: {  	_ =	swait.ge @!p0 [sflag:s5], $0x4000  }
0x6c: {  	[sflag:s5] =	ssyncset.done @!p0 $0x0  }
0x6d: {  	[sflag:s5] =	ssyncadd.s32 @!p0 $0xFFFFC000;
	s5 =	simm.s32 @!p0 $0x6  }
0x6e: {  	_ =	swait.ge @!p0 [sflag:s5], $0x4000  }
0x6f: {  	[sflag:s5] =	ssyncset.done @!p0 $0x0  }
0x70: {  	[sflag:s5] =	ssyncadd.s32 @!p0 $0xFFFFC000  }
0x71: {  	[tilespmem:s15], [sflag:$0x1] =	stream.indirect.gather [hbm4b:s1+s14], $0x80, s4, s14, $0xb8;
	[tilespmem:$0x1C000] =	vst v63  }
0x72: {  	_ = 	snop  }
0x73: {  	[tilespmem:s16], [sflag:$0x2] =	stream.indirect.gather [hbm4b:s1+s14], $0x80, s14, s14, $0xb8;
	[tilespmem:$0x1C000] =	vst v63  }
0x74: {  	_ =	swait.ge [sflag:s17], $0x4000  }
0x75: {  	[sflag:s17] =	ssyncset.done $0x0  }
0x76: {  	s5 =	rddreg [dreg:$0x5];
	[sflag:s17] =	ssyncadd.s32 $0xFFFFC000  }
0x77: {  	[spmem:s3] =	stream.indirect.scatter.add.f32 [tilespmem:s15], [sflag:$0x3], $0x80, s13, s14, $0xb8;
	[tilespmem:$0x1C000] =	vst v63  }
0x78: {  	s0 =	sadd.s32 s0, s5  }
0x79: {  	[hbm4b:s0+s4] =	stream.linear.scatter [tilespmem:s15], [sflag:$0x5], $0x4000, $0x38;
	[tilespmem:$0x1C000] =	vst v63  }
0x7a: {  	_ =	swait.ge [sflag:s18], $0x4000  }
0x7b: {  	[sflag:s18] =	ssyncset.done $0x0  }
0x7c: {  	[sflag:s18] =	ssyncadd.s32 $0xFFFFC000  }
0x7d: {  	[spmem:s3] =	stream.indirect.scatter.add.f32 [tilespmem:s16], [sflag:$0x4], $0x80, s19, s14, $0xb8;
	[tilespmem:$0x1C000] =	vst v63  }
0x7e: {  	s5 =	sadd.s32 $0x800, s0  }
0x7f: {  	[hbm4b:s5+s4] =	stream.linear.scatter [tilespmem:s16], [sflag:$0x6], $0x4000, $0x38;
	[tilespmem:$0x1C000] =	vst v63  }
0x80: {  	_ =	swait.ge [sflag:s20], $0x4000  }
0x81: {  	[sflag:s20] =	ssyncset.done $0x0  }
0x82: {  	[sflag:s20] =	ssyncadd.s32 $0xFFFFC000  }
0x83: {  	_ =	swait.ge [sflag:s21], $0x4000  }
0x84: {  	[sflag:s21] =	ssyncset.done $0x0  }
0x85: {  	[sflag:s21] =	ssyncadd.s32 $0xFFFFC000  }
0x86: {  	[tilespmem:s15], [sflag:$0x1] =	stream.indirect.gather [hbm4b:s1+s14], $0x80, s22, s14, $0xb8;
	[tilespmem:$0x1C000] =	vst v63  }
0x87: {  	_ =	swait.ge [sflag:s17], $0x4000  }
0x88: {  	[sflag:s17] =	ssyncset.done $0x0  }
0x89: {  	[sflag:s17] =	ssyncadd.s32 $0xFFFFC000  }
0x8a: {  	[spmem:s3] =	stream.indirect.scatter.add.f32 [tilespmem:s15], [sflag:$0x3], $0x80, s23, s14, $0xb8;
	[tilespmem:$0x1C000] =	vst v63  }
0x8b: {  	s5 =	sadd.s32 $0x1000, s0  }
0x8c: {  	[hbm4b:s5+s4] =	stream.linear.scatter [tilespmem:s15], [sflag:$0x5], $0x4000, $0x38;
	[tilespmem:$0x1C000] =	vst v63  }
0x8d: {  	_ =	swait.ge [sflag:s24], $0x4000  }
0x8e: {  	[sflag:s24] =	ssyncset.done $0x0  }
0x8f: {  	[sflag:s24] =	ssyncadd.s32 $0xFFFFC000  }
0x90: {  	_ =	swait.ge [sflag:s25], $0x4000  }
0x91: {  	[sflag:s25] =	ssyncset.done $0x0  }
0x92: {  	[sflag:s25] =	ssyncadd.s32 $0xFFFFC000  }
0x93: {  	[tilespmem:s16], [sflag:$0x2] =	stream.indirect.gather [hbm4b:s1+s14], $0x80, s26, s14, $0xb8;
	[tilespmem:$0x1C000] =	vst v63  }
0x94: {  	_ =	swait.ge [sflag:s18], $0x4000  }
0x95: {  	s30 =	sadd.s32 $0x2000, s30;
	s5 =	rddreg [dreg:$0x4]  }
0x96: {  	p0 =	sne.s32 s5, s30  }
.Ltmp1:
0x97: {  	_ = 	snop;
	(pc) =	sbr.rel @p0 .LBB2_2-.Ltmp1, $4  }
0x98: {  	_ = 	snop  }
0x99: {  	s31 =	sadd.s32 $0x40, s31;
	[sflag:s18] =	ssyncset.done $0x0  }
0x9a: {  	s2 =	sadd.s32 $0x40, s2;
	s0 =	sadd.s32 $0x1800, s0;
	[sflag:s18] =	ssyncadd.s32 $0xFFFFC000  }
0x9b: {  	[spmem:s3] =	stream.indirect.scatter.add.f32 [tilespmem:s16], [sflag:$0x4], $0x80, s28, s14, $0xb8;
	[tilespmem:$0x1C000] =	vst v63  }
.LBB2_3:
0x9c: {  	[hbm4b:s0+s4] =	stream.linear.scatter [tilespmem:s16], [sflag:$0x6], $0x4000, $0x38;
	[tilespmem:$0x1C000] =	vst v63  }
0x9d: {  	_ =	swait.ge [sflag:s20], $0x4000  }
0x9e: {  	[sflag:s20] =	ssyncset.done $0x0  }
0x9f: {  	[sflag:s20] =	ssyncadd.s32 $0xFFFFC000  }
0xa0: {  	_ =	swait.ge [sflag:s21], $0x4000  }
0xa1: {  	[sflag:s21] =	ssyncset.done $0x0  }
0xa2: {  	[sflag:s21] =	ssyncadd.s32 $0xFFFFC000  }
0xa3: {  	_ =	swait.ge [sflag:s24], $0x4000  }
0xa4: {  	[sflag:s24] =	ssyncset.done $0x0  }
0xa5: {  	[sflag:s24] =	ssyncadd.s32 $0xFFFFC000  }
0xa6: {  	_ =	swait.ge [sflag:s25], $0x4000  }
0xa7: {  	s29 =	sadd.s32 $0x1, s29;
	[sflag:s25] =	ssyncset.done $0x0  }
0xa8: {  	p0 =	sne.s32 s29, s7;
	[sflag:s25] =	ssyncadd.s32 $0xFFFFC000  }
.Ltmp2:
0xa9: {  	[bflag:$0x0] =	sbarrier.arrive $0xFFFF;
	(pc) =	sbr.rel @p0 .LBB2_1-.Ltmp2, $4  }
0xaa: {  	[hbm:s8], [sflag:s6] =	dma.local [spmem:s11], $0x2780  }
0xab: {  	_ =	swait.ge [sflag:s12], $0x2780  }
0xac: {  	[sflag:s12] =	ssyncset.done $0x0  }
0xad: {  	[sflag:s12] =	ssyncadd.s32 $0xFFFFD880  }
0xae: {  	_ =	sfence.sel $0x180000  }
0xaf: {  	[bflag:$0x0] =	sbarrier.arrive $0xFFFF  }
0xb0: {  	_ =	strace $0x90000047  }
0xb1: {  	s0 =	stileid.u32;
	[bflag:$0x2] =	sbarrier.arrive $0xFFFF  }
0xb2: {  	p0 =	sne.s32 s0, $0x0;
	s0 =	rddreg [dreg:$0x3]  }
0xb3: {  	s0 =	sadd.s32 @!p0 $0x100000, s0  }
0xb4: {  	[sflag:s0] =	ssyncadd.tile.s32 @!p0 $0x1;
	_ =	shalt  }
.Lfunc_end2:
_tile_overlayer_lowered:
.L_overlay_start_2:
0xb5: {  	(tag) =	ssettag $0x2  }
0xb6: {  	s0 =	rddreg [dreg:$0x0];
	s2 =	stileid.u32  }
0xb7: {  	s1 =	rddreg [dreg:$0x1];
	p0 =	sne.s32 s2, $0x0  }
0xb8: {  	s3 =	rddreg [dreg:$0x2];
	[bflag:$0x3] =	sbarrier.arrive $0xFFFF;
	s2 =	simm.s32 @!p0 $0x1C07  }
0xb9: {  	[timem:s3], [sflag:s2] =	dma.local @!p0 [hbm:s0], s1  }
0xba: {  	s0 =	simm.s32 @!p0 $0x7  }
0xbb: {  	_ =	swait.ge @!p0 [sflag:s0], s1  }
0xbc: {  	s1 =	ssub.s32 @!p0 $0x0, s1;
	[sflag:s0] =	ssyncset.done @!p0 $0x0  }
0xbd: {  	[sflag:s0] =	ssyncadd.s32 @!p0 s1  }
0xbe: {  	[bflag:$0x3] =	sbarrier.arrive $0xFFFF  }
0xbf: {  	_ =	shalt  }

</sc_bundles>
